<compile_context>
chip_gen: v7x
topology: tpu7x:2x2x1
jax: 0.10.2.dev20260603
libtpu: 0.0.44.dev20260713+nightly
codegen_flags: <defaults>
</compile_context>

<pallas_src>
import jax
import jax.numpy as jnp
from jax import lax
from jax.experimental import pallas as pl
from jax.experimental.pallas import tpu as pltpu
from jax.experimental.pallas import tpu_sc as plsc

N_NODES = 1000000
CACHE_DIM = 128
BATCH = 16384

NC = 2
NS = 16
L = 16
CHUNK = BATCH // NS
NJ = CHUNK // 128
DUMMY = N_NODES
FLAG0 = N_NODES + 8
TBL = N_NODES + 40
MAX_ROUNDS = 12


def _sc_body(idx_hbm, val_hbm, out_hbm, idx, eff, pbuf, g, aux, vbuf0, vbuf1,
             table, sem, sga, sgb, swa, swb):
    c = lax.axis_index("c")
    s = lax.axis_index("s")
    base = s * CHUNK
    iota = lax.iota(jnp.int32, L)
    dummy = jnp.full((L,), DUMMY, jnp.int32)
    zeros = jnp.zeros((L,), jnp.int32)

    dstage = pltpu.async_copy(idx_hbm.at[pl.ds(base, CHUNK)], idx, sem)
    for j in range(NJ):
        for l in range(8):
            sl = pl.ds(l * L, L)
            pbuf[j, sl] = iota + (base + 128 * j + l * L)
    for l in range(8):
        sl = pl.ds(l * L, L)
        aux[0, sl] = dummy
        aux[1, sl] = dummy
        aux[2, sl] = zeros
        aux[3, sl] = zeros
        aux[4, sl] = zeros
    aux[1, pl.ds(0, L)] = iota + FLAG0
    dzero = pltpu.async_copy(aux.at[3], table.at[aux.at[1]], sem)
    dstage.wait()
    dzero.wait()
    for j in range(NJ):
        for l in range(8):
            sl = pl.ds(l * L, L)
            eff[j, sl] = idx[pl.ds(j * 128 + l * L, L)]

    def body_fn(r, active):
        slot = FLAG0 + r

        @pl.when(active)
        def _round():
            ds_ = [pltpu.async_copy(pbuf.at[j], table.at[eff.at[j]], sem)
                   for j in range(NJ)]
            for d in ds_:
                d.wait()
            plsc.subcore_barrier()
            ds_ = [pltpu.async_copy(table.at[idx.at[pl.ds(128 * j, 128)]],
                                    g.at[j], sem)
                   for j in range(NJ)]
            for d in ds_:
                d.wait()
            anyw = zeros
            for j in range(NJ):
                for l in range(8):
                    sl = pl.ds(l * L, L)
                    m = pbuf[j, sl] > g[j, sl]
                    eff[j, sl] = jnp.where(m, idx[pl.ds(j * 128 + l * L, L)],
                                           dummy)
                    anyw = anyw | jnp.where(m, 1, 0)
            aux[0, pl.ds(0, L)] = zeros + slot
            aux[2, pl.ds(0, L)] = anyw
            pltpu.async_copy(aux.at[2], table.at[aux.at[0]], sem,
                             add=True).wait()
            plsc.subcore_barrier()
            pltpu.async_copy(table.at[aux.at[0]], aux.at[4], sem).wait()

        rb = aux[4, pl.ds(0, L)]
        return jnp.logical_and(active, rb[0] != 0)

    lax.fori_loop(0, MAX_ROUNDS, body_fn, True)

    j0 = c * (NJ // NC)
    obase = base + c * (CHUNK // NC)

    def orow(j):
        return out_hbm.at[pl.ds(obase + 128 * j, 128)]

    dg0 = pltpu.async_copy(val_hbm.at[g.at[j0]], vbuf0, sga)
    dg1 = pltpu.async_copy(val_hbm.at[g.at[j0 + 1]], vbuf1, sgb)
    dg0.wait()
    dw0 = pltpu.async_copy(vbuf0, orow(0), swa)
    dg1.wait()
    dw1 = pltpu.async_copy(vbuf1, orow(1), swb)
    dw0.wait()
    dg2 = pltpu.async_copy(val_hbm.at[g.at[j0 + 2]], vbuf0, sga)
    dg2.wait()
    dw2 = pltpu.async_copy(vbuf0, orow(2), swa)
    dw1.wait()
    dg3 = pltpu.async_copy(val_hbm.at[g.at[j0 + 3]], vbuf1, sgb)
    dg3.wait()
    dw3 = pltpu.async_copy(vbuf1, orow(3), swb)
    dw2.wait()
    dw3.wait()


def kernel(cache, node_idxs, values):
    del cache
    fn = pl.kernel(
        _sc_body,
        out_type=jax.ShapeDtypeStruct((BATCH, CACHE_DIM), jnp.float32),
        mesh=plsc.VectorSubcoreMesh(core_axis_name="c", subcore_axis_name="s"),
        scratch_types=[
            pltpu.VMEM((CHUNK,), jnp.int32),
            pltpu.VMEM((NJ, 128), jnp.int32),
            pltpu.VMEM((NJ, 128), jnp.int32),
            pltpu.VMEM((NJ, 128), jnp.int32),
            pltpu.VMEM((5, 128), jnp.int32),
            pltpu.VMEM((128, CACHE_DIM), jnp.float32),
            pltpu.VMEM((128, CACHE_DIM), jnp.float32),
            pltpu.VMEM_SHARED((TBL,), jnp.int32),
            pltpu.SemaphoreType.DMA,
            pltpu.SemaphoreType.DMA,
            pltpu.SemaphoreType.DMA,
            pltpu.SemaphoreType.DMA,
            pltpu.SemaphoreType.DMA,
        ],
    )
    return fn(node_idxs, values)

# --- scband reference (transcript-rebuilt; emitter-appended) ---
"""Pipeline reference for scband-cache-57638461112558 (READ-ONLY COPY).

The authoritative reference and input builder live on the scoring server;
editing this copy changes nothing except your own understanding.
"""

import jax, jax.numpy as jnp
import numpy as np

N_NODES = 1000000
CACHE_DIM = 128
BATCH = 16384


def setup_inputs(seed: int = 0) -> dict:
    key = jax.random.key(seed)
    k1, k2 = jax.random.split(key)
    # Learned/state parameter: the cache table, initialized to zeros per __init_cache__
    cache = jnp.zeros((N_NODES, CACHE_DIM), dtype=jnp.float32)
    # Node indices to update/read (randint fill, values < n_nodes)
    node_idxs = jax.random.randint(k1, (BATCH,), 0, N_NODES, dtype=jnp.int32)
    # New cache values to scatter-write
    values = jax.random.normal(k2, (BATCH, CACHE_DIM), dtype=jnp.float32)
    return {"cache": cache, "node_idxs": node_idxs, "values": values}


def reference(cache, node_idxs, values):
    # set_cache: scatter-overwrite rows of the cache at node_idxs
    new_cache = cache.at[node_idxs].set(values)
    # get_cache: gather the (updated) rows back
    out = jnp.take(new_cache, node_idxs, axis=0)
    return out

if __name__ == "__main__":
    import jax
    _d = setup_inputs()
    print(jax.jit(kernel)(*tuple(_d.values())))

</pallas_src>

<mosaic_0001>
#map = affine_map<(d0, d1) -> (0)>
#map1 = affine_map<(d0, d1) -> (0, 0)>
module attributes {stable_mosaic.version = 14 : i64} {
  func.func @_sc_body(%arg0: i32, %arg1: i32, %arg2: memref<16384xi32, #tpu.memory_space<hbm>>, %arg3: memref<16384x128xf32, #tpu.memory_space<hbm>>, %arg4: memref<16384x128xf32, #tpu.memory_space<hbm>>, %arg5: memref<1024xi32, #tpu.memory_space<vmem>>, %arg6: memref<8x128xi32, #tpu.memory_space<vmem>>, %arg7: memref<8x128xi32, #tpu.memory_space<vmem>>, %arg8: memref<8x128xi32, #tpu.memory_space<vmem>>, %arg9: memref<5x128xi32, #tpu.memory_space<vmem>>, %arg10: memref<128x128xf32, #tpu.memory_space<vmem>>, %arg11: memref<128x128xf32, #tpu.memory_space<vmem>>, %arg12: memref<1000040xi32, #tpu.memory_space<vmem_shared>>, %arg13: memref<!tpu.dma_semaphore, #tpu.memory_space<semaphore_mem>>, %arg14: memref<!tpu.dma_semaphore, #tpu.memory_space<semaphore_mem>>, %arg15: memref<!tpu.dma_semaphore, #tpu.memory_space<semaphore_mem>>, %arg16: memref<!tpu.dma_semaphore, #tpu.memory_space<semaphore_mem>>, %arg17: memref<!tpu.dma_semaphore, #tpu.memory_space<semaphore_mem>>) attributes {dimension_semantics = [#tpu.dimension_semantics<core_parallel>, #tpu.dimension_semantics<subcore_parallel>], iteration_bounds = array<i64: 2, 16>, scalar_prefetch = 0 : i64, scratch_operands = 13 : i64, tpu.core_type = #tpu.core_type<sc_vector_subcore>, window_params = [{transform_indices = #map}, {transform_indices = #map1}, {transform_indices = #map1}]} {
    %mul3A = arith.constant 1024 : i32
    %mul3A_0 = arith.muli %arg1, %mul3A : i32
    %iota3A = tpu.iota {dimensions = array<i32: 0>} : vector<16xi32>
    %broadcast_in_dim3A = arith.constant 1000000 : i32
    %broadcast_in_dim3A_1 = vector.broadcast %broadcast_in_dim3A : i32 to vector<16xi32>
    %broadcast_in_dim3A_2 = arith.constant 0 : i32
    %broadcast_in_dim3A_3 = vector.broadcast %broadcast_in_dim3A_2 : i32 to vector<16xi32>
    %dma_start3A = tpu.memref_slice %arg2[%mul3A_0] : memref<16384xi32, #tpu.memory_space<hbm>> -> memref<1024xi32, #tpu.memory_space<hbm>>
    %dma_start3A_4 = tpu.memref_slice %arg2[%mul3A_0] : memref<16384xi32, #tpu.memory_space<hbm>> -> memref<1024xi32, #tpu.memory_space<hbm>>
    tpu.enqueue_dma source(%dma_start3A_4 : memref<1024xi32, #tpu.memory_space<hbm>>) target(%arg5 : memref<1024xi32, #tpu.memory_space<vmem>>) target_semaphore(%arg13 : memref<!tpu.dma_semaphore, #tpu.memory_space<semaphore_mem>>)
    %add3A = arith.constant 0 : i32
    %add3A_5 = arith.addi %mul3A_0, %add3A : i32
    %add3A_6 = arith.constant 0 : i32
    %add3A_7 = arith.addi %add3A_5, %add3A_6 : i32
    %add3A_8 = vector.broadcast %add3A_7 : i32 to vector<16xi32>
    %add3A_9 = arith.addi %iota3A, %add3A_8 : vector<16xi32>
    %swap3A = arith.constant 0 : i32
    %swap3A_10 = arith.index_cast %swap3A : i32 to index
    %swap3A_11 = arith.constant 0 : index
    %swap3A_12 = tpu.vector_load %arg7[%swap3A_10, %swap3A_11] {strides = array<i32>} : memref<8x128xi32, #tpu.memory_space<vmem>>, vector<1x16xi32>,
    %swap3A_13 = vector.shape_cast %swap3A_12 : vector<1x16xi32> to vector<16xi32>
    %swap3A_14 = vector.shape_cast %add3A_9 : vector<16xi32> to vector<1x16xi32>
    tpu.vector_store %arg7[%swap3A_10, %swap3A_11], %swap3A_14 {strides = array<i32>} : memref<8x128xi32, #tpu.memory_space<vmem>>, vector<1x16xi32>,
    %add3A_15 = arith.constant 0 : i32
    %add3A_16 = arith.addi %mul3A_0, %add3A_15 : i32
    %add3A_17 = arith.constant 16 : i32
    %add3A_18 = arith.addi %add3A_16, %add3A_17 : i32
    %add3A_19 = vector.broadcast %add3A_18 : i32 to vector<16xi32>
    %add3A_20 = arith.addi %iota3A, %add3A_19 : vector<16xi32>
    %swap3A_21 = arith.constant 0 : i32
    %swap3A_22 = arith.index_cast %swap3A_21 : i32 to index
    %swap3A_23 = arith.constant 16 : index
    %swap3A_24 = tpu.vector_load %arg7[%swap3A_22, %swap3A_23] {strides = array<i32>} : memref<8x128xi32, #tpu.memory_space<vmem>>, vector<1x16xi32>,
    %swap3A_25 = vector.shape_cast %swap3A_24 : vector<1x16xi32> to vector<16xi32>
    %swap3A_26 = vector.shape_cast %add3A_20 : vector<16xi32> to vector<1x16xi32>
    tpu.vector_store %arg7[%swap3A_22, %swap3A_23], %swap3A_26 {strides = array<i32>} : memref<8x128xi32, #tpu.memory_space<vmem>>, vector<1x16xi32>,
    %add3A_27 = arith.constant 0 : i32
    %add3A_28 = arith.addi %mul3A_0, %add3A_27 : i32
    %add3A_29 = arith.constant 32 : i32
    %add3A_30 = arith.addi %add3A_28, %add3A_29 : i32
    %add3A_31 = vector.broadcast %add3A_30 : i32 to vector<16xi32>
    %add3A_32 = arith.addi %iota3A, %add3A_31 : vector<16xi32>
    %swap3A_33 = arith.constant 0 : i32
    %swap3A_34 = arith.index_cast %swap3A_33 : i32 to index
    %swap3A_35 = arith.constant 32 : index
    %swap3A_36 = tpu.vector_load %arg7[%swap3A_34, %swap3A_35] {strides = array<i32>} : memref<8x128xi32, #tpu.memory_space<vmem>>, vector<1x16xi32>,
    %swap3A_37 = vector.shape_cast %swap3A_36 : vector<1x16xi32> to vector<16xi32>
    %swap3A_38 = vector.shape_cast %add3A_32 : vector<16xi32> to vector<1x16xi32>
    tpu.vector_store %arg7[%swap3A_34, %swap3A_35], %swap3A_38 {strides = array<i32>} : memref<8x128xi32, #tpu.memory_space<vmem>>, vector<1x16xi32>,
    %add3A_39 = arith.constant 0 : i32
    %add3A_40 = arith.addi %mul3A_0, %add3A_39 : i32
    %add3A_41 = arith.constant 48 : i32
    %add3A_42 = arith.addi %add3A_40, %add3A_41 : i32
    %add3A_43 = vector.broadcast %add3A_42 : i32 to vector<16xi32>
    %add3A_44 = arith.addi %iota3A, %add3A_43 : vector<16xi32>
    %swap3A_45 = arith.constant 0 : i32
    %swap3A_46 = arith.index_cast %swap3A_45 : i32 to index
    %swap3A_47 = arith.constant 48 : index
    %swap3A_48 = tpu.vector_load %arg7[%swap3A_46, %swap3A_47] {strides = array<i32>} : memref<8x128xi32, #tpu.memory_space<vmem>>, vector<1x16xi32>,
    %swap3A_49 = vector.shape_cast %swap3A_48 : vector<1x16xi32> to vector<16xi32>
    %swap3A_50 = vector.shape_cast %add3A_44 : vector<16xi32> to vector<1x16xi32>
    tpu.vector_store %arg7[%swap3A_46, %swap3A_47], %swap3A_50 {strides = array<i32>} : memref<8x128xi32, #tpu.memory_space<vmem>>, vector<1x16xi32>,
    %add3A_51 = arith.constant 0 : i32
    %add3A_52 = arith.addi %mul3A_0, %add3A_51 : i32
    %add3A_53 = arith.constant 64 : i32
    %add3A_54 = arith.addi %add3A_52, %add3A_53 : i32
    %add3A_55 = vector.broadcast %add3A_54 : i32 to vector<16xi32>
    %add3A_56 = arith.addi %iota3A, %add3A_55 : vector<16xi32>
    %swap3A_57 = arith.constant 0 : i32
    %swap3A_58 = arith.index_cast %swap3A_57 : i32 to index
    %swap3A_59 = arith.constant 64 : index
    %swap3A_60 = tpu.vector_load %arg7[%swap3A_58, %swap3A_59] {strides = array<i32>} : memref<8x128xi32, #tpu.memory_space<vmem>>, vector<1x16xi32>,
    %swap3A_61 = vector.shape_cast %swap3A_60 : vector<1x16xi32> to vector<16xi32>
    %swap3A_62 = vector.shape_cast %add3A_56 : vector<16xi32> to vector<1x16xi32>
    tpu.vector_store %arg7[%swap3A_58, %swap3A_59], %swap3A_62 {strides = array<i32>} : memref<8x128xi32, #tpu.memory_space<vmem>>, vector<1x16xi32>,
    %add3A_63 = arith.constant 0 : i32
    %add3A_64 = arith.addi %mul3A_0, %add3A_63 : i32
    %add3A_65 = arith.constant 80 : i32
    %add3A_66 = arith.addi %add3A_64, %add3A_65 : i32
    %add3A_67 = vector.broadcast %add3A_66 : i32 to vector<16xi32>
    %add3A_68 = arith.addi %iota3A, %add3A_67 : vector<16xi32>
    %swap3A_69 = arith.constant 0 : i32
    %swap3A_70 = arith.index_cast %swap3A_69 : i32 to index
    %swap3A_71 = arith.constant 80 : index
    %swap3A_72 = tpu.vector_load %arg7[%swap3A_70, %swap3A_71] {strides = array<i32>} : memref<8x128xi32, #tpu.memory_space<vmem>>, vector<1x16xi32>,
    %swap3A_73 = vector.shape_cast %swap3A_72 : vector<1x16xi32> to vector<16xi32>
    %swap3A_74 = vector.shape_cast %add3A_68 : vector<16xi32> to vector<1x16xi32>
    tpu.vector_store %arg7[%swap3A_70, %swap3A_71], %swap3A_74 {strides = array<i32>} : memref<8x128xi32, #tpu.memory_space<vmem>>, vector<1x16xi32>,
    %add3A_75 = arith.constant 0 : i32
    %add3A_76 = arith.addi %mul3A_0, %add3A_75 : i32
    %add3A_77 = arith.constant 96 : i32
    %add3A_78 = arith.addi %add3A_76, %add3A_77 : i32
    %add3A_79 = vector.broadcast %add3A_78 : i32 to vector<16xi32>
    %add3A_80 = arith.addi %iota3A, %add3A_79 : vector<16xi32>
    %swap3A_81 = arith.constant 0 : i32
    %swap3A_82 = arith.index_cast %swap3A_81 : i32 to index
    %swap3A_83 = arith.constant 96 : index
    %swap3A_84 = tpu.vector_load %arg7[%swap3A_82, %swap3A_83] {strides = array<i32>} : memref<8x128xi32, #tpu.memory_space<vmem>>, vector<1x16xi32>,
    %swap3A_85 = vector.shape_cast %swap3A_84 : vector<1x16xi32> to vector<16xi32>
    %swap3A_86 = vector.shape_cast %add3A_80 : vector<16xi32> to vector<1x16xi32>
    tpu.vector_store %arg7[%swap3A_82, %swap3A_83], %swap3A_86 {strides = array<i32>} : memref<8x128xi32, #tpu.memory_space<vmem>>, vector<1x16xi32>,
    %add3A_87 = arith.constant 0 : i32
    %add3A_88 = arith.addi %mul3A_0, %add3A_87 : i32
    %add3A_89 = arith.constant 112 : i32
    %add3A_90 = arith.addi %add3A_88, %add3A_89 : i32
    %add3A_91 = vector.broadcast %add3A_90 : i32 to vector<16xi32>
    %add3A_92 = arith.addi %iota3A, %add3A_91 : vector<16xi32>
    %swap3A_93 = arith.constant 0 : i32
    %swap3A_94 = arith.index_cast %swap3A_93 : i32 to index
    %swap3A_95 = arith.constant 112 : index
    %swap3A_96 = tpu.vector_load %arg7[%swap3A_94, %swap3A_95] {strides = array<i32>} : memref<8x128xi32, #tpu.memory_space<vmem>>, vector<1x16xi32>,
    %swap3A_97 = vector.shape_cast %swap3A_96 : vector<1x16xi32> to vector<16xi32>
    %swap3A_98 = vector.shape_cast %add3A_92 : vector<16xi32> to vector<1x16xi32>
    tpu.vector_store %arg7[%swap3A_94, %swap3A_95], %swap3A_98 {strides = array<i32>} : memref<8x128xi32, #tpu.memory_space<vmem>>, vector<1x16xi32>,
    %add3A_99 = arith.constant 128 : i32
    %add3A_100 = arith.addi %mul3A_0, %add3A_99 : i32
    %add3A_101 = arith.constant 0 : i32
    %add3A_102 = arith.addi %add3A_100, %add3A_101 : i32
    %add3A_103 = vector.broadcast %add3A_102 : i32 to vector<16xi32>
    %add3A_104 = arith.addi %iota3A, %add3A_103 : vector<16xi32>
    %swap3A_105 = arith.constant 1 : i32
    %swap3A_106 = arith.index_cast %swap3A_105 : i32 to index
    %swap3A_107 = arith.constant 0 : index
    %swap3A_108 = tpu.vector_load %arg7[%swap3A_106, %swap3A_107] {strides = array<i32>} : memref<8x128xi32, #tpu.memory_space<vmem>>, vector<1x16xi32>,
    %swap3A_109 = vector.shape_cast %swap3A_108 : vector<1x16xi32> to vector<16xi32>
    %swap3A_110 = vector.shape_cast %add3A_104 : vector<16xi32> to vector<1x16xi32>
    tpu.vector_store %arg7[%swap3A_106, %swap3A_107], %swap3A_110 {strides = array<i32>} : memref<8x128xi32, #tpu.memory_space<vmem>>, vector<1x16xi32>,
    %add3A_111 = arith.constant 128 : i32
    %add3A_112 = arith.addi %mul3A_0, %add3A_111 : i32
    %add3A_113 = arith.constant 16 : i32
    %add3A_114 = arith.addi %add3A_112, %add3A_113 : i32
    %add3A_115 = vector.broadcast %add3A_114 : i32 to vector<16xi32>
    %add3A_116 = arith.addi %iota3A, %add3A_115 : vector<16xi32>
    %swap3A_117 = arith.constant 1 : i32
    %swap3A_118 = arith.index_cast %swap3A_117 : i32 to index
    %swap3A_119 = arith.constant 16 : index
    %swap3A_120 = tpu.vector_load %arg7[%swap3A_118, %swap3A_119] {strides = array<i32>} : memref<8x128xi32, #tpu.memory_space<vmem>>, vector<1x16xi32>,
    %swap3A_121 = vector.shape_cast %swap3A_120 : vector<1x16xi32> to vector<16xi32>
    %swap3A_122 = vector.shape_cast %add3A_116 : vector<16xi32> to vector<1x16xi32>
    tpu.vector_store %arg7[%swap3A_118, %swap3A_119], %swap3A_122 {strides = array<i32>} : memref<8x128xi32, #tpu.memory_space<vmem>>, vector<1x16xi32>,
    %add3A_123 = arith.constant 128 : i32
    %add3A_124 = arith.addi %mul3A_0, %add3A_123 : i32
    %add3A_125 = arith.constant 32 : i32
    %add3A_126 = arith.addi %add3A_124, %add3A_125 : i32
    %add3A_127 = vector.broadcast %add3A_126 : i32 to vector<16xi32>
    %add3A_128 = arith.addi %iota3A, %add3A_127 : vector<16xi32>
    %swap3A_129 = arith.constant 1 : i32
    %swap3A_130 = arith.index_cast %swap3A_129 : i32 to index
    %swap3A_131 = arith.constant 32 : index
    %swap3A_132 = tpu.vector_load %arg7[%swap3A_130, %swap3A_131] {strides = array<i32>} : memref<8x128xi32, #tpu.memory_space<vmem>>, vector<1x16xi32>,
    %swap3A_133 = vector.shape_cast %swap3A_132 : vector<1x16xi32> to vector<16xi32>
    %swap3A_134 = vector.shape_cast %add3A_128 : vector<16xi32> to vector<1x16xi32>
    tpu.vector_store %arg7[%swap3A_130, %swap3A_131], %swap3A_134 {strides = array<i32>} : memref<8x128xi32, #tpu.memory_space<vmem>>, vector<1x16xi32>,
    %add3A_135 = arith.constant 128 : i32
    %add3A_136 = arith.addi %mul3A_0, %add3A_135 : i32
    %add3A_137 = arith.constant 48 : i32
    %add3A_138 = arith.addi %add3A_136, %add3A_137 : i32
    %add3A_139 = vector.broadcast %add3A_138 : i32 to vector<16xi32>
    %add3A_140 = arith.addi %iota3A, %add3A_139 : vector<16xi32>
    %swap3A_141 = arith.constant 1 : i32
    %swap3A_142 = arith.index_cast %swap3A_141 : i32 to index
    %swap3A_143 = arith.constant 48 : index
    %swap3A_144 = tpu.vector_load %arg7[%swap3A_142, %swap3A_143] {strides = array<i32>} : memref<8x128xi32, #tpu.memory_space<vmem>>, vector<1x16xi32>,
    %swap3A_145 = vector.shape_cast %swap3A_144 : vector<1x16xi32> to vector<16xi32>
    %swap3A_146 = vector.shape_cast %add3A_140 : vector<16xi32> to vector<1x16xi32>
    tpu.vector_store %arg7[%swap3A_142, %swap3A_143], %swap3A_146 {strides = array<i32>} : memref<8x128xi32, #tpu.memory_space<vmem>>, vector<1x16xi32>,
    %add3A_147 = arith.constant 128 : i32
    %add3A_148 = arith.addi %mul3A_0, %add3A_147 : i32
    %add3A_149 = arith.constant 64 : i32
    %add3A_150 = arith.addi %add3A_148, %add3A_149 : i32
    %add3A_151 = vector.broadcast %add3A_150 : i32 to vector<16xi32>
    %add3A_152 = arith.addi %iota3A, %add3A_151 : vector<16xi32>
    %swap3A_153 = arith.constant 1 : i32
    %swap3A_154 = arith.index_cast %swap3A_153 : i32 to index
    %swap3A_155 = arith.constant 64 : index
    %swap3A_156 = tpu.vector_load %arg7[%swap3A_154, %swap3A_155] {strides = array<i32>} : memref<8x128xi32, #tpu.memory_space<vmem>>, vector<1x16xi32>,
    %swap3A_157 = vector.shape_cast %swap3A_156 : vector<1x16xi32> to vector<16xi32>
    %swap3A_158 = vector.shape_cast %add3A_152 : vector<16xi32> to vector<1x16xi32>
    tpu.vector_store %arg7[%swap3A_154, %swap3A_155], %swap3A_158 {strides = array<i32>} : memref<8x128xi32, #tpu.memory_space<vmem>>, vector<1x16xi32>,
    %add3A_159 = arith.constant 128 : i32
    %add3A_160 = arith.addi %mul3A_0, %add3A_159 : i32
    %add3A_161 = arith.constant 80 : i32
    %add3A_162 = arith.addi %add3A_160, %add3A_161 : i32
    %add3A_163 = vector.broadcast %add3A_162 : i32 to vector<16xi32>
    %add3A_164 = arith.addi %iota3A, %add3A_163 : vector<16xi32>
    %swap3A_165 = arith.constant 1 : i32
    %swap3A_166 = arith.index_cast %swap3A_165 : i32 to index
    %swap3A_167 = arith.constant 80 : index
    %swap3A_168 = tpu.vector_load %arg7[%swap3A_166, %swap3A_167] {strides = array<i32>} : memref<8x128xi32, #tpu.memory_space<vmem>>, vector<1x16xi32>,
    %swap3A_169 = vector.shape_cast %swap3A_168 : vector<1x16xi32> to vector<16xi32>
    %swap3A_170 = vector.shape_cast %add3A_164 : vector<16xi32> to vector<1x16xi32>
    tpu.vector_store %arg7[%swap3A_166, %swap3A_167], %swap3A_170 {strides = array<i32>} : memref<8x128xi32, #tpu.memory_space<vmem>>, vector<1x16xi32>,
    %add3A_171 = arith.constant 128 : i32
    %add3A_172 = arith.addi %mul3A_0, %add3A_171 : i32
    %add3A_173 = arith.constant 96 : i32
    %add3A_174 = arith.addi %add3A_172, %add3A_173 : i32
    %add3A_175 = vector.broadcast %add3A_174 : i32 to vector<16xi32>
    %add3A_176 = arith.addi %iota3A, %add3A_175 : vector<16xi32>
    %swap3A_177 = arith.constant 1 : i32
    %swap3A_178 = arith.index_cast %swap3A_177 : i32 to index
    %swap3A_179 = arith.constant 96 : index
    %swap3A_180 = tpu.vector_load %arg7[%swap3A_178, %swap3A_179] {strides = array<i32>} : memref<8x128xi32, #tpu.memory_space<vmem>>, vector<1x16xi32>,
    %swap3A_181 = vector.shape_cast %swap3A_180 : vector<1x16xi32> to vector<16xi32>
    %swap3A_182 = vector.shape_cast %add3A_176 : vector<16xi32> to vector<1x16xi32>
    tpu.vector_store %arg7[%swap3A_178, %swap3A_179], %swap3A_182 {strides = array<i32>} : memref<8x128xi32, #tpu.memory_space<vmem>>, vector<1x16xi32>,
    %add3A_183 = arith.constant 128 : i32
    %add3A_184 = arith.addi %mul3A_0, %add3A_183 : i32
    %add3A_185 = arith.constant 112 : i32
    %add3A_186 = arith.addi %add3A_184, %add3A_185 : i32
    %add3A_187 = vector.broadcast %add3A_186 : i32 to vector<16xi32>
    %add3A_188 = arith.addi %iota3A, %add3A_187 : vector<16xi32>
    %swap3A_189 = arith.constant 1 : i32
    %swap3A_190 = arith.index_cast %swap3A_189 : i32 to index
    %swap3A_191 = arith.constant 112 : index
    %swap3A_192 = tpu.vector_load %arg7[%swap3A_190, %swap3A_191] {strides = array<i32>} : memref<8x128xi32, #tpu.memory_space<vmem>>, vector<1x16xi32>,
    %swap3A_193 = vector.shape_cast %swap3A_192 : vector<1x16xi32> to vector<16xi32>
    %swap3A_194 = vector.shape_cast %add3A_188 : vector<16xi32> to vector<1x16xi32>
    tpu.vector_store %arg7[%swap3A_190, %swap3A_191], %swap3A_194 {strides = array<i32>} : memref<8x128xi32, #tpu.memory_space<vmem>>, vector<1x16xi32>,
    %add3A_195 = arith.constant 256 : i32
    %add3A_196 = arith.addi %mul3A_0, %add3A_195 : i32
    %add3A_197 = arith.constant 0 : i32
    %add3A_198 = arith.addi %add3A_196, %add3A_197 : i32
    %add3A_199 = vector.broadcast %add3A_198 : i32 to vector<16xi32>
    %add3A_200 = arith.addi %iota3A, %add3A_199 : vector<16xi32>
    %swap3A_201 = arith.constant 2 : i32
    %swap3A_202 = arith.index_cast %swap3A_201 : i32 to index
    %swap3A_203 = arith.constant 0 : index
    %swap3A_204 = tpu.vector_load %arg7[%swap3A_202, %swap3A_203] {strides = array<i32>} : memref<8x128xi32, #tpu.memory_space<vmem>>, vector<1x16xi32>,
    %swap3A_205 = vector.shape_cast %swap3A_204 : vector<1x16xi32> to vector<16xi32>
    %swap3A_206 = vector.shape_cast %add3A_200 : vector<16xi32> to vector<1x16xi32>
    tpu.vector_store %arg7[%swap3A_202, %swap3A_203], %swap3A_206 {strides = array<i32>} : memref<8x128xi32, #tpu.memory_space<vmem>>, vector<1x16xi32>,
    %add3A_207 = arith.constant 256 : i32
    %add3A_208 = arith.addi %mul3A_0, %add3A_207 : i32
    %add3A_209 = arith.constant 16 : i32
    %add3A_210 = arith.addi %add3A_208, %add3A_209 : i32
    %add3A_211 = vector.broadcast %add3A_210 : i32 to vector<16xi32>
    %add3A_212 = arith.addi %iota3A, %add3A_211 : vector<16xi32>
    %swap3A_213 = arith.constant 2 : i32
    %swap3A_214 = arith.index_cast %swap3A_213 : i32 to index
    %swap3A_215 = arith.constant 16 : index
    %swap3A_216 = tpu.vector_load %arg7[%swap3A_214, %swap3A_215] {strides = array<i32>} : memref<8x128xi32, #tpu.memory_space<vmem>>, vector<1x16xi32>,
    %swap3A_217 = vector.shape_cast %swap3A_216 : vector<1x16xi32> to vector<16xi32>
    %swap3A_218 = vector.shape_cast %add3A_212 : vector<16xi32> to vector<1x16xi32>
    tpu.vector_store %arg7[%swap3A_214, %swap3A_215], %swap3A_218 {strides = array<i32>} : memref<8x128xi32, #tpu.memory_space<vmem>>, vector<1x16xi32>,
    %add3A_219 = arith.constant 256 : i32
    %add3A_220 = arith.addi %mul3A_0, %add3A_219 : i32
    %add3A_221 = arith.constant 32 : i32
    %add3A_222 = arith.addi %add3A_220, %add3A_221 : i32
    %add3A_223 = vector.broadcast %add3A_222 : i32 to vector<16xi32>
    %add3A_224 = arith.addi %iota3A, %add3A_223 : vector<16xi32>
    %swap3A_225 = arith.constant 2 : i32
    %swap3A_226 = arith.index_cast %swap3A_225 : i32 to index
    %swap3A_227 = arith.constant 32 : index
    %swap3A_228 = tpu.vector_load %arg7[%swap3A_226, %swap3A_227] {strides = array<i32>} : memref<8x128xi32, #tpu.memory_space<vmem>>, vector<1x16xi32>,
    %swap3A_229 = vector.shape_cast %swap3A_228 : vector<1x16xi32> to vector<16xi32>
    %swap3A_230 = vector.shape_cast %add3A_224 : vector<16xi32> to vector<1x16xi32>
    tpu.vector_store %arg7[%swap3A_226, %swap3A_227], %swap3A_230 {strides = array<i32>} : memref<8x128xi32, #tpu.memory_space<vmem>>, vector<1x16xi32>,
    %add3A_231 = arith.constant 256 : i32
    %add3A_232 = arith.addi %mul3A_0, %add3A_231 : i32
    %add3A_233 = arith.constant 48 : i32
    %add3A_234 = arith.addi %add3A_232, %add3A_233 : i32
    %add3A_235 = vector.broadcast %add3A_234 : i32 to vector<16xi32>
    %add3A_236 = arith.addi %iota3A, %add3A_235 : vector<16xi32>
    %swap3A_237 = arith.constant 2 : i32
    %swap3A_238 = arith.index_cast %swap3A_237 : i32 to index
    %swap3A_239 = arith.constant 48 : index
    %swap3A_240 = tpu.vector_load %arg7[%swap3A_238, %swap3A_239] {strides = array<i32>} : memref<8x128xi32, #tpu.memory_space<vmem>>, vector<1x16xi32>,
    %swap3A_241 = vector.shape_cast %swap3A_240 : vector<1x16xi32> to vector<16xi32>
    %swap3A_242 = vector.shape_cast %add3A_236 : vector<16xi32> to vector<1x16xi32>
    tpu.vector_store %arg7[%swap3A_238, %swap3A_239], %swap3A_242 {strides = array<i32>} : memref<8x128xi32, #tpu.memory_space<vmem>>, vector<1x16xi32>,
    %add3A_243 = arith.constant 256 : i32
    %add3A_244 = arith.addi %mul3A_0, %add3A_243 : i32
    %add3A_245 = arith.constant 64 : i32
    %add3A_246 = arith.addi %add3A_244, %add3A_245 : i32
    %add3A_247 = vector.broadcast %add3A_246 : i32 to vector<16xi32>
    %add3A_248 = arith.addi %iota3A, %add3A_247 : vector<16xi32>
    %swap3A_249 = arith.constant 2 : i32
    %swap3A_250 = arith.index_cast %swap3A_249 : i32 to index
    %swap3A_251 = arith.constant 64 : index
    %swap3A_252 = tpu.vector_load %arg7[%swap3A_250, %swap3A_251] {strides = array<i32>} : memref<8x128xi32, #tpu.memory_space<vmem>>, vector<1x16xi32>,
    %swap3A_253 = vector.shape_cast %swap3A_252 : vector<1x16xi32> to vector<16xi32>
    %swap3A_254 = vector.shape_cast %add3A_248 : vector<16xi32> to vector<1x16xi32>
    tpu.vector_store %arg7[%swap3A_250, %swap3A_251], %swap3A_254 {strides = array<i32>} : memref<8x128xi32, #tpu.memory_space<vmem>>, vector<1x16xi32>,
    %add3A_255 = arith.constant 256 : i32
    %add3A_256 = arith.addi %mul3A_0, %add3A_255 : i32
    %add3A_257 = arith.constant 80 : i32
    %add3A_258 = arith.addi %add3A_256, %add3A_257 : i32
    %add3A_259 = vector.broadcast %add3A_258 : i32 to vector<16xi32>
    %add3A_260 = arith.addi %iota3A, %add3A_259 : vector<16xi32>
    %swap3A_261 = arith.constant 2 : i32
    %swap3A_262 = arith.index_cast %swap3A_261 : i32 to index
    %swap3A_263 = arith.constant 80 : index
    %swap3A_264 = tpu.vector_load %arg7[%swap3A_262, %swap3A_263] {strides = array<i32>} : memref<8x128xi32, #tpu.memory_space<vmem>>, vector<1x16xi32>,
    %swap3A_265 = vector.shape_cast %swap3A_264 : vector<1x16xi32> to vector<16xi32>
    %swap3A_266 = vector.shape_cast %add3A_260 : vector<16xi32> to vector<1x16xi32>
    tpu.vector_store %arg7[%swap3A_262, %swap3A_263], %swap3A_266 {strides = array<i32>} : memref<8x128xi32, #tpu.memory_space<vmem>>, vector<1x16xi32>,
    %add3A_267 = arith.constant 256 : i32
    %add3A_268 = arith.addi %mul3A_0, %add3A_267 : i32
    %add3A_269 = arith.constant 96 : i32
    %add3A_270 = arith.addi %add3A_268, %add3A_269 : i32
    %add3A_271 = vector.broadcast %add3A_270 : i32 to vector<16xi32>
    %add3A_272 = arith.addi %iota3A, %add3A_271 : vector<16xi32>
    %swap3A_273 = arith.constant 2 : i32
    %swap3A_274 = arith.index_cast %swap3A_273 : i32 to index
    %swap3A_275 = arith.constant 96 : index
    %swap3A_276 = tpu.vector_load %arg7[%swap3A_274, %swap3A_275] {strides = array<i32>} : memref<8x128xi32, #tpu.memory_space<vmem>>, vector<1x16xi32>,
    %swap3A_277 = vector.shape_cast %swap3A_276 : vector<1x16xi32> to vector<16xi32>
    %swap3A_278 = vector.shape_cast %add3A_272 : vector<16xi32> to vector<1x16xi32>
    tpu.vector_store %arg7[%swap3A_274, %swap3A_275], %swap3A_278 {strides = array<i32>} : memref<8x128xi32, #tpu.memory_space<vmem>>, vector<1x16xi32>,
    %add3A_279 = arith.constant 256 : i32
    %add3A_280 = arith.addi %mul3A_0, %add3A_279 : i32
    %add3A_281 = arith.constant 112 : i32
    %add3A_282 = arith.addi %add3A_280, %add3A_281 : i32
    %add3A_283 = vector.broadcast %add3A_282 : i32 to vector<16xi32>
    %add3A_284 = arith.addi %iota3A, %add3A_283 : vector<16xi32>
    %swap3A_285 = arith.constant 2 : i32
    %swap3A_286 = arith.index_cast %swap3A_285 : i32 to index
    %swap3A_287 = arith.constant 112 : index
    %swap3A_288 = tpu.vector_load %arg7[%swap3A_286, %swap3A_287] {strides = array<i32>} : memref<8x128xi32, #tpu.memory_space<vmem>>, vector<1x16xi32>,
    %swap3A_289 = vector.shape_cast %swap3A_288 : vector<1x16xi32> to vector<16xi32>
    %swap3A_290 = vector.shape_cast %add3A_284 : vector<16xi32> to vector<1x16xi32>
    tpu.vector_store %arg7[%swap3A_286, %swap3A_287], %swap3A_290 {strides = array<i32>} : memref<8x128xi32, #tpu.memory_space<vmem>>, vector<1x16xi32>,
    %add3A_291 = arith.constant 384 : i32
    %add3A_292 = arith.addi %mul3A_0, %add3A_291 : i32
    %add3A_293 = arith.constant 0 : i32
    %add3A_294 = arith.addi %add3A_292, %add3A_293 : i32
    %add3A_295 = vector.broadcast %add3A_294 : i32 to vector<16xi32>
    %add3A_296 = arith.addi %iota3A, %add3A_295 : vector<16xi32>
    %swap3A_297 = arith.constant 3 : i32
    %swap3A_298 = arith.index_cast %swap3A_297 : i32 to index
    %swap3A_299 = arith.constant 0 : index
    %swap3A_300 = tpu.vector_load %arg7[%swap3A_298, %swap3A_299] {strides = array<i32>} : memref<8x128xi32, #tpu.memory_space<vmem>>, vector<1x16xi32>,
    %swap3A_301 = vector.shape_cast %swap3A_300 : vector<1x16xi32> to vector<16xi32>
    %swap3A_302 = vector.shape_cast %add3A_296 : vector<16xi32> to vector<1x16xi32>
    tpu.vector_store %arg7[%swap3A_298, %swap3A_299], %swap3A_302 {strides = array<i32>} : memref<8x128xi32, #tpu.memory_space<vmem>>, vector<1x16xi32>,
    %add3A_303 = arith.constant 384 : i32
    %add3A_304 = arith.addi %mul3A_0, %add3A_303 : i32
    %add3A_305 = arith.constant 16 : i32
    %add3A_306 = arith.addi %add3A_304, %add3A_305 : i32
    %add3A_307 = vector.broadcast %add3A_306 : i32 to vector<16xi32>
    %add3A_308 = arith.addi %iota3A, %add3A_307 : vector<16xi32>
    %swap3A_309 = arith.constant 3 : i32
    %swap3A_310 = arith.index_cast %swap3A_309 : i32 to index
    %swap3A_311 = arith.constant 16 : index
    %swap3A_312 = tpu.vector_load %arg7[%swap3A_310, %swap3A_311] {strides = array<i32>} : memref<8x128xi32, #tpu.memory_space<vmem>>, vector<1x16xi32>,
    %swap3A_313 = vector.shape_cast %swap3A_312 : vector<1x16xi32> to vector<16xi32>
    %swap3A_314 = vector.shape_cast %add3A_308 : vector<16xi32> to vector<1x16xi32>
    tpu.vector_store %arg7[%swap3A_310, %swap3A_311], %swap3A_314 {strides = array<i32>} : memref<8x128xi32, #tpu.memory_space<vmem>>, vector<1x16xi32>,
    %add3A_315 = arith.constant 384 : i32
    %add3A_316 = arith.addi %mul3A_0, %add3A_315 : i32
    %add3A_317 = arith.constant 32 : i32
    %add3A_318 = arith.addi %add3A_316, %add3A_317 : i32
    %add3A_319 = vector.broadcast %add3A_318 : i32 to vector<16xi32>
    %add3A_320 = arith.addi %iota3A, %add3A_319 : vector<16xi32>
    %swap3A_321 = arith.constant 3 : i32
    %swap3A_322 = arith.index_cast %swap3A_321 : i32 to index
    %swap3A_323 = arith.constant 32 : index
    %swap3A_324 = tpu.vector_load %arg7[%swap3A_322, %swap3A_323] {strides = array<i32>} : memref<8x128xi32, #tpu.memory_space<vmem>>, vector<1x16xi32>,
    %swap3A_325 = vector.shape_cast %swap3A_324 : vector<1x16xi32> to vector<16xi32>
    %swap3A_326 = vector.shape_cast %add3A_320 : vector<16xi32> to vector<1x16xi32>
    tpu.vector_store %arg7[%swap3A_322, %swap3A_323], %swap3A_326 {strides = array<i32>} : memref<8x128xi32, #tpu.memory_space<vmem>>, vector<1x16xi32>,
    %add3A_327 = arith.constant 384 : i32
    %add3A_328 = arith.addi %mul3A_0, %add3A_327 : i32
    %add3A_329 = arith.constant 48 : i32
    %add3A_330 = arith.addi %add3A_328, %add3A_329 : i32
    %add3A_331 = vector.broadcast %add3A_330 : i32 to vector<16xi32>
    %add3A_332 = arith.addi %iota3A, %add3A_331 : vector<16xi32>
    %swap3A_333 = arith.constant 3 : i32
    %swap3A_334 = arith.index_cast %swap3A_333 : i32 to index
    %swap3A_335 = arith.constant 48 : index
    %swap3A_336 = tpu.vector_load %arg7[%swap3A_334, %swap3A_335] {strides = array<i32>} : memref<8x128xi32, #tpu.memory_space<vmem>>, vector<1x16xi32>,
    %swap3A_337 = vector.shape_cast %swap3A_336 : vector<1x16xi32> to vector<16xi32>
    %swap3A_338 = vector.shape_cast %add3A_332 : vector<16xi32> to vector<1x16xi32>
    tpu.vector_store %arg7[%swap3A_334, %swap3A_335], %swap3A_338 {strides = array<i32>} : memref<8x128xi32, #tpu.memory_space<vmem>>, vector<1x16xi32>,
    %add3A_339 = arith.constant 384 : i32
    %add3A_340 = arith.addi %mul3A_0, %add3A_339 : i32
    %add3A_341 = arith.constant 64 : i32
    %add3A_342 = arith.addi %add3A_340, %add3A_341 : i32
    %add3A_343 = vector.broadcast %add3A_342 : i32 to vector<16xi32>
    %add3A_344 = arith.addi %iota3A, %add3A_343 : vector<16xi32>
    %swap3A_345 = arith.constant 3 : i32
    %swap3A_346 = arith.index_cast %swap3A_345 : i32 to index
    %swap3A_347 = arith.constant 64 : index
    %swap3A_348 = tpu.vector_load %arg7[%swap3A_346, %swap3A_347] {strides = array<i32>} : memref<8x128xi32, #tpu.memory_space<vmem>>, vector<1x16xi32>,
    %swap3A_349 = vector.shape_cast %swap3A_348 : vector<1x16xi32> to vector<16xi32>
    %swap3A_350 = vector.shape_cast %add3A_344 : vector<16xi32> to vector<1x16xi32>
    tpu.vector_store %arg7[%swap3A_346, %swap3A_347], %swap3A_350 {strides = array<i32>} : memref<8x128xi32, #tpu.memory_space<vmem>>, vector<1x16xi32>,
    %add3A_351 = arith.constant 384 : i32
    %add3A_352 = arith.addi %mul3A_0, %add3A_351 : i32
    %add3A_353 = arith.constant 80 : i32
    %add3A_354 = arith.addi %add3A_352, %add3A_353 : i32
    %add3A_355 = vector.broadcast %add3A_354 : i32 to vector<16xi32>
    %add3A_356 = arith.addi %iota3A, %add3A_355 : vector<16xi32>
    %swap3A_357 = arith.constant 3 : i32
    %swap3A_358 = arith.index_cast %swap3A_357 : i32 to index
    %swap3A_359 = arith.constant 80 : index
    %swap3A_360 = tpu.vector_load %arg7[%swap3A_358, %swap3A_359] {strides = array<i32>} : memref<8x128xi32, #tpu.memory_space<vmem>>, vector<1x16xi32>,
    %swap3A_361 = vector.shape_cast %swap3A_360 : vector<1x16xi32> to vector<16xi32>
    %swap3A_362 = vector.shape_cast %add3A_356 : vector<16xi32> to vector<1x16xi32>
    tpu.vector_store %arg7[%swap3A_358, %swap3A_359], %swap3A_362 {strides = array<i32>} : memref<8x128xi32, #tpu.memory_space<vmem>>, vector<1x16xi32>,
    %add3A_363 = arith.constant 384 : i32
    %add3A_364 = arith.addi %mul3A_0, %add3A_363 : i32
    %add3A_365 = arith.constant 96 : i32
    %add3A_366 = arith.addi %add3A_364, %add3A_365 : i32
    %add3A_367 = vector.broadcast %add3A_366 : i32 to vector<16xi32>
    %add3A_368 = arith.addi %iota3A, %add3A_367 : vector<16xi32>
    %swap3A_369 = arith.constant 3 : i32
    %swap3A_370 = arith.index_cast %swap3A_369 : i32 to index
    %swap3A_371 = arith.constant 96 : index
    %swap3A_372 = tpu.vector_load %arg7[%swap3A_370, %swap3A_371] {strides = array<i32>} : memref<8x128xi32, #tpu.memory_space<vmem>>, vector<1x16xi32>,
    %swap3A_373 = vector.shape_cast %swap3A_372 : vector<1x16xi32> to vector<16xi32>
    %swap3A_374 = vector.shape_cast %add3A_368 : vector<16xi32> to vector<1x16xi32>
    tpu.vector_store %arg7[%swap3A_370, %swap3A_371], %swap3A_374 {strides = array<i32>} : memref<8x128xi32, #tpu.memory_space<vmem>>, vector<1x16xi32>,
    %add3A_375 = arith.constant 384 : i32
    %add3A_376 = arith.addi %mul3A_0, %add3A_375 : i32
    %add3A_377 = arith.constant 112 : i32
    %add3A_378 = arith.addi %add3A_376, %add3A_377 : i32
    %add3A_379 = vector.broadcast %add3A_378 : i32 to vector<16xi32>
    %add3A_380 = arith.addi %iota3A, %add3A_379 : vector<16xi32>
    %swap3A_381 = arith.constant 3 : i32
    %swap3A_382 = arith.index_cast %swap3A_381 : i32 to index
    %swap3A_383 = arith.constant 112 : index
    %swap3A_384 = tpu.vector_load %arg7[%swap3A_382, %swap3A_383] {strides = array<i32>} : memref<8x128xi32, #tpu.memory_space<vmem>>, vector<1x16xi32>,
    %swap3A_385 = vector.shape_cast %swap3A_384 : vector<1x16xi32> to vector<16xi32>
    %swap3A_386 = vector.shape_cast %add3A_380 : vector<16xi32> to vector<1x16xi32>
    tpu.vector_store %arg7[%swap3A_382, %swap3A_383], %swap3A_386 {strides = array<i32>} : memref<8x128xi32, #tpu.memory_space<vmem>>, vector<1x16xi32>,
    %add3A_387 = arith.constant 512 : i32
    %add3A_388 = arith.addi %mul3A_0, %add3A_387 : i32
    %add3A_389 = arith.constant 0 : i32
    %add3A_390 = arith.addi %add3A_388, %add3A_389 : i32
    %add3A_391 = vector.broadcast %add3A_390 : i32 to vector<16xi32>
    %add3A_392 = arith.addi %iota3A, %add3A_391 : vector<16xi32>
    %swap3A_393 = arith.constant 4 : i32
    %swap3A_394 = arith.index_cast %swap3A_393 : i32 to index
    %swap3A_395 = arith.constant 0 : index
    %swap3A_396 = tpu.vector_load %arg7[%swap3A_394, %swap3A_395] {strides = array<i32>} : memref<8x128xi32, #tpu.memory_space<vmem>>, vector<1x16xi32>,
    %swap3A_397 = vector.shape_cast %swap3A_396 : vector<1x16xi32> to vector<16xi32>
    %swap3A_398 = vector.shape_cast %add3A_392 : vector<16xi32> to vector<1x16xi32>
    tpu.vector_store %arg7[%swap3A_394, %swap3A_395], %swap3A_398 {strides = array<i32>} : memref<8x128xi32, #tpu.memory_space<vmem>>, vector<1x16xi32>,
    %add3A_399 = arith.constant 512 : i32
    %add3A_400 = arith.addi %mul3A_0, %add3A_399 : i32
    %add3A_401 = arith.constant 16 : i32
    %add3A_402 = arith.addi %add3A_400, %add3A_401 : i32
    %add3A_403 = vector.broadcast %add3A_402 : i32 to vector<16xi32>
    %add3A_404 = arith.addi %iota3A, %add3A_403 : vector<16xi32>
    %swap3A_405 = arith.constant 4 : i32
    %swap3A_406 = arith.index_cast %swap3A_405 : i32 to index
    %swap3A_407 = arith.constant 16 : index
    %swap3A_408 = tpu.vector_load %arg7[%swap3A_406, %swap3A_407] {strides = array<i32>} : memref<8x128xi32, #tpu.memory_space<vmem>>, vector<1x16xi32>,
    %swap3A_409 = vector.shape_cast %swap3A_408 : vector<1x16xi32> to vector<16xi32>
    %swap3A_410 = vector.shape_cast %add3A_404 : vector<16xi32> to vector<1x16xi32>
    tpu.vector_store %arg7[%swap3A_406, %swap3A_407], %swap3A_410 {strides = array<i32>} : memref<8x128xi32, #tpu.memory_space<vmem>>, vector<1x16xi32>,
    %add3A_411 = arith.constant 512 : i32
    %add3A_412 = arith.addi %mul3A_0, %add3A_411 : i32
    %add3A_413 = arith.constant 32 : i32
    %add3A_414 = arith.addi %add3A_412, %add3A_413 : i32
    %add3A_415 = vector.broadcast %add3A_414 : i32 to vector<16xi32>
    %add3A_416 = arith.addi %iota3A, %add3A_415 : vector<16xi32>
    %swap3A_417 = arith.constant 4 : i32
    %swap3A_418 = arith.index_cast %swap3A_417 : i32 to index
    %swap3A_419 = arith.constant 32 : index
    %swap3A_420 = tpu.vector_load %arg7[%swap3A_418, %swap3A_419] {strides = array<i32>} : memref<8x128xi32, #tpu.memory_space<vmem>>, vector<1x16xi32>,
    %swap3A_421 = vector.shape_cast %swap3A_420 : vector<1x16xi32> to vector<16xi32>
    %swap3A_422 = vector.shape_cast %add3A_416 : vector<16xi32> to vector<1x16xi32>
    tpu.vector_store %arg7[%swap3A_418, %swap3A_419], %swap3A_422 {strides = array<i32>} : memref<8x128xi32, #tpu.memory_space<vmem>>, vector<1x16xi32>,
    %add3A_423 = arith.constant 512 : i32
    %add3A_424 = arith.addi %mul3A_0, %add3A_423 : i32
    %add3A_425 = arith.constant 48 : i32
    %add3A_426 = arith.addi %add3A_424, %add3A_425 : i32
    %add3A_427 = vector.broadcast %add3A_426 : i32 to vector<16xi32>
    %add3A_428 = arith.addi %iota3A, %add3A_427 : vector<16xi32>
    %swap3A_429 = arith.constant 4 : i32
    %swap3A_430 = arith.index_cast %swap3A_429 : i32 to index
    %swap3A_431 = arith.constant 48 : index
    %swap3A_432 = tpu.vector_load %arg7[%swap3A_430, %swap3A_431] {strides = array<i32>} : memref<8x128xi32, #tpu.memory_space<vmem>>, vector<1x16xi32>,
    %swap3A_433 = vector.shape_cast %swap3A_432 : vector<1x16xi32> to vector<16xi32>
    %swap3A_434 = vector.shape_cast %add3A_428 : vector<16xi32> to vector<1x16xi32>
    tpu.vector_store %arg7[%swap3A_430, %swap3A_431], %swap3A_434 {strides = array<i32>} : memref<8x128xi32, #tpu.memory_space<vmem>>, vector<1x16xi32>,
    %add3A_435 = arith.constant 512 : i32
    %add3A_436 = arith.addi %mul3A_0, %add3A_435 : i32
    %add3A_437 = arith.constant 64 : i32
    %add3A_438 = arith.addi %add3A_436, %add3A_437 : i32
    %add3A_439 = vector.broadcast %add3A_438 : i32 to vector<16xi32>
    %add3A_440 = arith.addi %iota3A, %add3A_439 : vector<16xi32>
    %swap3A_441 = arith.constant 4 : i32
    %swap3A_442 = arith.index_cast %swap3A_441 : i32 to index
    %swap3A_443 = arith.constant 64 : index
    %swap3A_444 = tpu.vector_load %arg7[%swap3A_442, %swap3A_443] {strides = array<i32>} : memref<8x128xi32, #tpu.memory_space<vmem>>, vector<1x16xi32>,
    %swap3A_445 = vector.shape_cast %swap3A_444 : vector<1x16xi32> to vector<16xi32>
    %swap3A_446 = vector.shape_cast %add3A_440 : vector<16xi32> to vector<1x16xi32>
    tpu.vector_store %arg7[%swap3A_442, %swap3A_443], %swap3A_446 {strides = array<i32>} : memref<8x128xi32, #tpu.memory_space<vmem>>, vector<1x16xi32>,
    %add3A_447 = arith.constant 512 : i32
    %add3A_448 = arith.addi %mul3A_0, %add3A_447 : i32
    %add3A_449 = arith.constant 80 : i32
    %add3A_450 = arith.addi %add3A_448, %add3A_449 : i32
    %add3A_451 = vector.broadcast %add3A_450 : i32 to vector<16xi32>
    %add3A_452 = arith.addi %iota3A, %add3A_451 : vector<16xi32>
    %swap3A_453 = arith.constant 4 : i32
    %swap3A_454 = arith.index_cast %swap3A_453 : i32 to index
    %swap3A_455 = arith.constant 80 : index
    %swap3A_456 = tpu.vector_load %arg7[%swap3A_454, %swap3A_455] {strides = array<i32>} : memref<8x128xi32, #tpu.memory_space<vmem>>, vector<1x16xi32>,
    %swap3A_457 = vector.shape_cast %swap3A_456 : vector<1x16xi32> to vector<16xi32>
    %swap3A_458 = vector.shape_cast %add3A_452 : vector<16xi32> to vector<1x16xi32>
    tpu.vector_store %arg7[%swap3A_454, %swap3A_455], %swap3A_458 {strides = array<i32>} : memref<8x128xi32, #tpu.memory_space<vmem>>, vector<1x16xi32>,
    %add3A_459 = arith.constant 512 : i32
    %add3A_460 = arith.addi %mul3A_0, %add3A_459 : i32
    %add3A_461 = arith.constant 96 : i32
    %add3A_462 = arith.addi %add3A_460, %add3A_461 : i32
    %add3A_463 = vector.broadcast %add3A_462 : i32 to vector<16xi32>
    %add3A_464 = arith.addi %iota3A, %add3A_463 : vector<16xi32>
    %swap3A_465 = arith.constant 4 : i32
    %swap3A_466 = arith.index_cast %swap3A_465 : i32 to index
    %swap3A_467 = arith.constant 96 : index
    %swap3A_468 = tpu.vector_load %arg7[%swap3A_466, %swap3A_467] {strides = array<i32>} : memref<8x128xi32, #tpu.memory_space<vmem>>, vector<1x16xi32>,
    %swap3A_469 = vector.shape_cast %swap3A_468 : vector<1x16xi32> to vector<16xi32>
    %swap3A_470 = vector.shape_cast %add3A_464 : vector<16xi32> to vector<1x16xi32>
    tpu.vector_store %arg7[%swap3A_466, %swap3A_467], %swap3A_470 {strides = array<i32>} : memref<8x128xi32, #tpu.memory_space<vmem>>, vector<1x16xi32>,
    %add3A_471 = arith.constant 512 : i32
    %add3A_472 = arith.addi %mul3A_0, %add3A_471 : i32
    %add3A_473 = arith.constant 112 : i32
    %add3A_474 = arith.addi %add3A_472, %add3A_473 : i32
    %add3A_475 = vector.broadcast %add3A_474 : i32 to vector<16xi32>
    %add3A_476 = arith.addi %iota3A, %add3A_475 : vector<16xi32>
    %swap3A_477 = arith.constant 4 : i32
    %swap3A_478 = arith.index_cast %swap3A_477 : i32 to index
    %swap3A_479 = arith.constant 112 : index
    %swap3A_480 = tpu.vector_load %arg7[%swap3A_478, %swap3A_479] {strides = array<i32>} : memref<8x128xi32, #tpu.memory_space<vmem>>, vector<1x16xi32>,
    %swap3A_481 = vector.shape_cast %swap3A_480 : vector<1x16xi32> to vector<16xi32>
    %swap3A_482 = vector.shape_cast %add3A_476 : vector<16xi32> to vector<1x16xi32>
    tpu.vector_store %arg7[%swap3A_478, %swap3A_479], %swap3A_482 {strides = array<i32>} : memref<8x128xi32, #tpu.memory_space<vmem>>, vector<1x16xi32>,
    %add3A_483 = arith.constant 640 : i32
    %add3A_484 = arith.addi %mul3A_0, %add3A_483 : i32
    %add3A_485 = arith.constant 0 : i32
    %add3A_486 = arith.addi %add3A_484, %add3A_485 : i32
    %add3A_487 = vector.broadcast %add3A_486 : i32 to vector<16xi32>
    %add3A_488 = arith.addi %iota3A, %add3A_487 : vector<16xi32>
    %swap3A_489 = arith.constant 5 : i32
    %swap3A_490 = arith.index_cast %swap3A_489 : i32 to index
    %swap3A_491 = arith.constant 0 : index
    %swap3A_492 = tpu.vector_load %arg7[%swap3A_490, %swap3A_491] {strides = array<i32>} : memref<8x128xi32, #tpu.memory_space<vmem>>, vector<1x16xi32>,
    %swap3A_493 = vector.shape_cast %swap3A_492 : vector<1x16xi32> to vector<16xi32>
    %swap3A_494 = vector.shape_cast %add3A_488 : vector<16xi32> to vector<1x16xi32>
    tpu.vector_store %arg7[%swap3A_490, %swap3A_491], %swap3A_494 {strides = array<i32>} : memref<8x128xi32, #tpu.memory_space<vmem>>, vector<1x16xi32>,
    %add3A_495 = arith.constant 640 : i32
    %add3A_496 = arith.addi %mul3A_0, %add3A_495 : i32
    %add3A_497 = arith.constant 16 : i32
    %add3A_498 = arith.addi %add3A_496, %add3A_497 : i32
    %add3A_499 = vector.broadcast %add3A_498 : i32 to vector<16xi32>
    %add3A_500 = arith.addi %iota3A, %add3A_499 : vector<16xi32>
    %swap3A_501 = arith.constant 5 : i32
    %swap3A_502 = arith.index_cast %swap3A_501 : i32 to index
    %swap3A_503 = arith.constant 16 : index
    %swap3A_504 = tpu.vector_load %arg7[%swap3A_502, %swap3A_503] {strides = array<i32>} : memref<8x128xi32, #tpu.memory_space<vmem>>, vector<1x16xi32>,
    %swap3A_505 = vector.shape_cast %swap3A_504 : vector<1x16xi32> to vector<16xi32>
    %swap3A_506 = vector.shape_cast %add3A_500 : vector<16xi32> to vector<1x16xi32>
    tpu.vector_store %arg7[%swap3A_502, %swap3A_503], %swap3A_506 {strides = array<i32>} : memref<8x128xi32, #tpu.memory_space<vmem>>, vector<1x16xi32>,
    %add3A_507 = arith.constant 640 : i32
    %add3A_508 = arith.addi %mul3A_0, %add3A_507 : i32
    %add3A_509 = arith.constant 32 : i32
    %add3A_510 = arith.addi %add3A_508, %add3A_509 : i32
    %add3A_511 = vector.broadcast %add3A_510 : i32 to vector<16xi32>
    %add3A_512 = arith.addi %iota3A, %add3A_511 : vector<16xi32>
    %swap3A_513 = arith.constant 5 : i32
    %swap3A_514 = arith.index_cast %swap3A_513 : i32 to index
    %swap3A_515 = arith.constant 32 : index
    %swap3A_516 = tpu.vector_load %arg7[%swap3A_514, %swap3A_515] {strides = array<i32>} : memref<8x128xi32, #tpu.memory_space<vmem>>, vector<1x16xi32>,
    %swap3A_517 = vector.shape_cast %swap3A_516 : vector<1x16xi32> to vector<16xi32>
    %swap3A_518 = vector.shape_cast %add3A_512 : vector<16xi32> to vector<1x16xi32>
    tpu.vector_store %arg7[%swap3A_514, %swap3A_515], %swap3A_518 {strides = array<i32>} : memref<8x128xi32, #tpu.memory_space<vmem>>, vector<1x16xi32>,
    %add3A_519 = arith.constant 640 : i32
    %add3A_520 = arith.addi %mul3A_0, %add3A_519 : i32
    %add3A_521 = arith.constant 48 : i32
    %add3A_522 = arith.addi %add3A_520, %add3A_521 : i32
    %add3A_523 = vector.broadcast %add3A_522 : i32 to vector<16xi32>
    %add3A_524 = arith.addi %iota3A, %add3A_523 : vector<16xi32>
    %swap3A_525 = arith.constant 5 : i32
    %swap3A_526 = arith.index_cast %swap3A_525 : i32 to index
    %swap3A_527 = arith.constant 48 : index
    %swap3A_528 = tpu.vector_load %arg7[%swap3A_526, %swap3A_527] {strides = array<i32>} : memref<8x128xi32, #tpu.memory_space<vmem>>, vector<1x16xi32>,
    %swap3A_529 = vector.shape_cast %swap3A_528 : vector<1x16xi32> to vector<16xi32>
    %swap3A_530 = vector.shape_cast %add3A_524 : vector<16xi32> to vector<1x16xi32>
    tpu.vector_store %arg7[%swap3A_526, %swap3A_527], %swap3A_530 {strides = array<i32>} : memref<8x128xi32, #tpu.memory_space<vmem>>, vector<1x16xi32>,
    %add3A_531 = arith.constant 640 : i32
    %add3A_532 = arith.addi %mul3A_0, %add3A_531 : i32
    %add3A_533 = arith.constant 64 : i32
    %add3A_534 = arith.addi %add3A_532, %add3A_533 : i32
    %add3A_535 = vector.broadcast %add3A_534 : i32 to vector<16xi32>
    %add3A_536 = arith.addi %iota3A, %add3A_535 : vector<16xi32>
    %swap3A_537 = arith.constant 5 : i32
    %swap3A_538 = arith.index_cast %swap3A_537 : i32 to index
    %swap3A_539 = arith.constant 64 : index
    %swap3A_540 = tpu.vector_load %arg7[%swap3A_538, %swap3A_539] {strides = array<i32>} : memref<8x128xi32, #tpu.memory_space<vmem>>, vector<1x16xi32>,
    %swap3A_541 = vector.shape_cast %swap3A_540 : vector<1x16xi32> to vector<16xi32>
    %swap3A_542 = vector.shape_cast %add3A_536 : vector<16xi32> to vector<1x16xi32>
    tpu.vector_store %arg7[%swap3A_538, %swap3A_539], %swap3A_542 {strides = array<i32>} : memref<8x128xi32, #tpu.memory_space<vmem>>, vector<1x16xi32>,
    %add3A_543 = arith.constant 640 : i32
    %add3A_544 = arith.addi %mul3A_0, %add3A_543 : i32
    %add3A_545 = arith.constant 80 : i32
    %add3A_546 = arith.addi %add3A_544, %add3A_545 : i32
    %add3A_547 = vector.broadcast %add3A_546 : i32 to vector<16xi32>
    %add3A_548 = arith.addi %iota3A, %add3A_547 : vector<16xi32>
    %swap3A_549 = arith.constant 5 : i32
    %swap3A_550 = arith.index_cast %swap3A_549 : i32 to index
    %swap3A_551 = arith.constant 80 : index
    %swap3A_552 = tpu.vector_load %arg7[%swap3A_550, %swap3A_551] {strides = array<i32>} : memref<8x128xi32, #tpu.memory_space<vmem>>, vector<1x16xi32>,
    %swap3A_553 = vector.shape_cast %swap3A_552 : vector<1x16xi32> to vector<16xi32>
    %swap3A_554 = vector.shape_cast %add3A_548 : vector<16xi32> to vector<1x16xi32>
    tpu.vector_store %arg7[%swap3A_550, %swap3A_551], %swap3A_554 {strides = array<i32>} : memref<8x128xi32, #tpu.memory_space<vmem>>, vector<1x16xi32>,
    %add3A_555 = arith.constant 640 : i32
    %add3A_556 = arith.addi %mul3A_0, %add3A_555 : i32
    %add3A_557 = arith.constant 96 : i32
    %add3A_558 = arith.addi %add3A_556, %add3A_557 : i32
    %add3A_559 = vector.broadcast %add3A_558 : i32 to vector<16xi32>
    %add3A_560 = arith.addi %iota3A, %add3A_559 : vector<16xi32>
    %swap3A_561 = arith.constant 5 : i32
    %swap3A_562 = arith.index_cast %swap3A_561 : i32 to index
    %swap3A_563 = arith.constant 96 : index
    %swap3A_564 = tpu.vector_load %arg7[%swap3A_562, %swap3A_563] {strides = array<i32>} : memref<8x128xi32, #tpu.memory_space<vmem>>, vector<1x16xi32>,
    %swap3A_565 = vector.shape_cast %swap3A_564 : vector<1x16xi32> to vector<16xi32>
    %swap3A_566 = vector.shape_cast %add3A_560 : vector<16xi32> to vector<1x16xi32>
    tpu.vector_store %arg7[%swap3A_562, %swap3A_563], %swap3A_566 {strides = array<i32>} : memref<8x128xi32, #tpu.memory_space<vmem>>, vector<1x16xi32>,
    %add3A_567 = arith.constant 640 : i32
    %add3A_568 = arith.addi %mul3A_0, %add3A_567 : i32
    %add3A_569 = arith.constant 112 : i32
    %add3A_570 = arith.addi %add3A_568, %add3A_569 : i32
    %add3A_571 = vector.broadcast %add3A_570 : i32 to vector<16xi32>
    %add3A_572 = arith.addi %iota3A, %add3A_571 : vector<16xi32>
    %swap3A_573 = arith.constant 5 : i32
    %swap3A_574 = arith.index_cast %swap3A_573 : i32 to index
    %swap3A_575 = arith.constant 112 : index
    %swap3A_576 = tpu.vector_load %arg7[%swap3A_574, %swap3A_575] {strides = array<i32>} : memref<8x128xi32, #tpu.memory_space<vmem>>, vector<1x16xi32>,
    %swap3A_577 = vector.shape_cast %swap3A_576 : vector<1x16xi32> to vector<16xi32>
    %swap3A_578 = vector.shape_cast %add3A_572 : vector<16xi32> to vector<1x16xi32>
    tpu.vector_store %arg7[%swap3A_574, %swap3A_575], %swap3A_578 {strides = array<i32>} : memref<8x128xi32, #tpu.memory_space<vmem>>, vector<1x16xi32>,
    %add3A_579 = arith.constant 768 : i32
    %add3A_580 = arith.addi %mul3A_0, %add3A_579 : i32
    %add3A_581 = arith.constant 0 : i32
    %add3A_582 = arith.addi %add3A_580, %add3A_581 : i32
    %add3A_583 = vector.broadcast %add3A_582 : i32 to vector<16xi32>
    %add3A_584 = arith.addi %iota3A, %add3A_583 : vector<16xi32>
    %swap3A_585 = arith.constant 6 : i32
    %swap3A_586 = arith.index_cast %swap3A_585 : i32 to index
    %swap3A_587 = arith.constant 0 : index
    %swap3A_588 = tpu.vector_load %arg7[%swap3A_586, %swap3A_587] {strides = array<i32>} : memref<8x128xi32, #tpu.memory_space<vmem>>, vector<1x16xi32>,
    %swap3A_589 = vector.shape_cast %swap3A_588 : vector<1x16xi32> to vector<16xi32>
    %swap3A_590 = vector.shape_cast %add3A_584 : vector<16xi32> to vector<1x16xi32>
    tpu.vector_store %arg7[%swap3A_586, %swap3A_587], %swap3A_590 {strides = array<i32>} : memref<8x128xi32, #tpu.memory_space<vmem>>, vector<1x16xi32>,
    %add3A_591 = arith.constant 768 : i32
    %add3A_592 = arith.addi %mul3A_0, %add3A_591 : i32
    %add3A_593 = arith.constant 16 : i32
    %add3A_594 = arith.addi %add3A_592, %add3A_593 : i32
    %add3A_595 = vector.broadcast %add3A_594 : i32 to vector<16xi32>
    %add3A_596 = arith.addi %iota3A, %add3A_595 : vector<16xi32>
    %swap3A_597 = arith.constant 6 : i32
    %swap3A_598 = arith.index_cast %swap3A_597 : i32 to index
    %swap3A_599 = arith.constant 16 : index
    %swap3A_600 = tpu.vector_load %arg7[%swap3A_598, %swap3A_599] {strides = array<i32>} : memref<8x128xi32, #tpu.memory_space<vmem>>, vector<1x16xi32>,
    %swap3A_601 = vector.shape_cast %swap3A_600 : vector<1x16xi32> to vector<16xi32>
    %swap3A_602 = vector.shape_cast %add3A_596 : vector<16xi32> to vector<1x16xi32>
    tpu.vector_store %arg7[%swap3A_598, %swap3A_599], %swap3A_602 {strides = array<i32>} : memref<8x128xi32, #tpu.memory_space<vmem>>, vector<1x16xi32>,
    %add3A_603 = arith.constant 768 : i32
    %add3A_604 = arith.addi %mul3A_0, %add3A_603 : i32
    %add3A_605 = arith.constant 32 : i32
    %add3A_606 = arith.addi %add3A_604, %add3A_605 : i32
    %add3A_607 = vector.broadcast %add3A_606 : i32 to vector<16xi32>
    %add3A_608 = arith.addi %iota3A, %add3A_607 : vector<16xi32>
    %swap3A_609 = arith.constant 6 : i32
    %swap3A_610 = arith.index_cast %swap3A_609 : i32 to index
    %swap3A_611 = arith.constant 32 : index
    %swap3A_612 = tpu.vector_load %arg7[%swap3A_610, %swap3A_611] {strides = array<i32>} : memref<8x128xi32, #tpu.memory_space<vmem>>, vector<1x16xi32>,
    %swap3A_613 = vector.shape_cast %swap3A_612 : vector<1x16xi32> to vector<16xi32>
    %swap3A_614 = vector.shape_cast %add3A_608 : vector<16xi32> to vector<1x16xi32>
    tpu.vector_store %arg7[%swap3A_610, %swap3A_611], %swap3A_614 {strides = array<i32>} : memref<8x128xi32, #tpu.memory_space<vmem>>, vector<1x16xi32>,
    %add3A_615 = arith.constant 768 : i32
    %add3A_616 = arith.addi %mul3A_0, %add3A_615 : i32
    %add3A_617 = arith.constant 48 : i32
    %add3A_618 = arith.addi %add3A_616, %add3A_617 : i32
    %add3A_619 = vector.broadcast %add3A_618 : i32 to vector<16xi32>
    %add3A_620 = arith.addi %iota3A, %add3A_619 : vector<16xi32>
    %swap3A_621 = arith.constant 6 : i32
    %swap3A_622 = arith.index_cast %swap3A_621 : i32 to index
    %swap3A_623 = arith.constant 48 : index
    %swap3A_624 = tpu.vector_load %arg7[%swap3A_622, %swap3A_623] {strides = array<i32>} : memref<8x128xi32, #tpu.memory_space<vmem>>, vector<1x16xi32>,
    %swap3A_625 = vector.shape_cast %swap3A_624 : vector<1x16xi32> to vector<16xi32>
    %swap3A_626 = vector.shape_cast %add3A_620 : vector<16xi32> to vector<1x16xi32>
    tpu.vector_store %arg7[%swap3A_622, %swap3A_623], %swap3A_626 {strides = array<i32>} : memref<8x128xi32, #tpu.memory_space<vmem>>, vector<1x16xi32>,
    %add3A_627 = arith.constant 768 : i32
    %add3A_628 = arith.addi %mul3A_0, %add3A_627 : i32
    %add3A_629 = arith.constant 64 : i32
    %add3A_630 = arith.addi %add3A_628, %add3A_629 : i32
    %add3A_631 = vector.broadcast %add3A_630 : i32 to vector<16xi32>
    %add3A_632 = arith.addi %iota3A, %add3A_631 : vector<16xi32>
    %swap3A_633 = arith.constant 6 : i32
    %swap3A_634 = arith.index_cast %swap3A_633 : i32 to index
    %swap3A_635 = arith.constant 64 : index
    %swap3A_636 = tpu.vector_load %arg7[%swap3A_634, %swap3A_635] {strides = array<i32>} : memref<8x128xi32, #tpu.memory_space<vmem>>, vector<1x16xi32>,
    %swap3A_637 = vector.shape_cast %swap3A_636 : vector<1x16xi32> to vector<16xi32>
    %swap3A_638 = vector.shape_cast %add3A_632 : vector<16xi32> to vector<1x16xi32>
    tpu.vector_store %arg7[%swap3A_634, %swap3A_635], %swap3A_638 {strides = array<i32>} : memref<8x128xi32, #tpu.memory_space<vmem>>, vector<1x16xi32>,
    %add3A_639 = arith.constant 768 : i32
    %add3A_640 = arith.addi %mul3A_0, %add3A_639 : i32
    %add3A_641 = arith.constant 80 : i32
    %add3A_642 = arith.addi %add3A_640, %add3A_641 : i32
    %add3A_643 = vector.broadcast %add3A_642 : i32 to vector<16xi32>
    %add3A_644 = arith.addi %iota3A, %add3A_643 : vector<16xi32>
    %swap3A_645 = arith.constant 6 : i32
    %swap3A_646 = arith.index_cast %swap3A_645 : i32 to index
    %swap3A_647 = arith.constant 80 : index
    %swap3A_648 = tpu.vector_load %arg7[%swap3A_646, %swap3A_647] {strides = array<i32>} : memref<8x128xi32, #tpu.memory_space<vmem>>, vector<1x16xi32>,
    %swap3A_649 = vector.shape_cast %swap3A_648 : vector<1x16xi32> to vector<16xi32>
    %swap3A_650 = vector.shape_cast %add3A_644 : vector<16xi32> to vector<1x16xi32>
    tpu.vector_store %arg7[%swap3A_646, %swap3A_647], %swap3A_650 {strides = array<i32>} : memref<8x128xi32, #tpu.memory_space<vmem>>, vector<1x16xi32>,
    %add3A_651 = arith.constant 768 : i32
    %add3A_652 = arith.addi %mul3A_0, %add3A_651 : i32
    %add3A_653 = arith.constant 96 : i32
    %add3A_654 = arith.addi %add3A_652, %add3A_653 : i32
    %add3A_655 = vector.broadcast %add3A_654 : i32 to vector<16xi32>
    %add3A_656 = arith.addi %iota3A, %add3A_655 : vector<16xi32>
    %swap3A_657 = arith.constant 6 : i32
    %swap3A_658 = arith.index_cast %swap3A_657 : i32 to index
    %swap3A_659 = arith.constant 96 : index
    %swap3A_660 = tpu.vector_load %arg7[%swap3A_658, %swap3A_659] {strides = array<i32>} : memref<8x128xi32, #tpu.memory_space<vmem>>, vector<1x16xi32>,
    %swap3A_661 = vector.shape_cast %swap3A_660 : vector<1x16xi32> to vector<16xi32>
    %swap3A_662 = vector.shape_cast %add3A_656 : vector<16xi32> to vector<1x16xi32>
    tpu.vector_store %arg7[%swap3A_658, %swap3A_659], %swap3A_662 {strides = array<i32>} : memref<8x128xi32, #tpu.memory_space<vmem>>, vector<1x16xi32>,
    %add3A_663 = arith.constant 768 : i32
    %add3A_664 = arith.addi %mul3A_0, %add3A_663 : i32
    %add3A_665 = arith.constant 112 : i32
    %add3A_666 = arith.addi %add3A_664, %add3A_665 : i32
    %add3A_667 = vector.broadcast %add3A_666 : i32 to vector<16xi32>
    %add3A_668 = arith.addi %iota3A, %add3A_667 : vector<16xi32>
    %swap3A_669 = arith.constant 6 : i32
    %swap3A_670 = arith.index_cast %swap3A_669 : i32 to index
    %swap3A_671 = arith.constant 112 : index
    %swap3A_672 = tpu.vector_load %arg7[%swap3A_670, %swap3A_671] {strides = array<i32>} : memref<8x128xi32, #tpu.memory_space<vmem>>, vector<1x16xi32>,
    %swap3A_673 = vector.shape_cast %swap3A_672 : vector<1x16xi32> to vector<16xi32>
    %swap3A_674 = vector.shape_cast %add3A_668 : vector<16xi32> to vector<1x16xi32>
    tpu.vector_store %arg7[%swap3A_670, %swap3A_671], %swap3A_674 {strides = array<i32>} : memref<8x128xi32, #tpu.memory_space<vmem>>, vector<1x16xi32>,
    %add3A_675 = arith.constant 896 : i32
    %add3A_676 = arith.addi %mul3A_0, %add3A_675 : i32
    %add3A_677 = arith.constant 0 : i32
    %add3A_678 = arith.addi %add3A_676, %add3A_677 : i32
    %add3A_679 = vector.broadcast %add3A_678 : i32 to vector<16xi32>
    %add3A_680 = arith.addi %iota3A, %add3A_679 : vector<16xi32>
    %swap3A_681 = arith.constant 7 : i32
    %swap3A_682 = arith.index_cast %swap3A_681 : i32 to index
    %swap3A_683 = arith.constant 0 : index
    %swap3A_684 = tpu.vector_load %arg7[%swap3A_682, %swap3A_683] {strides = array<i32>} : memref<8x128xi32, #tpu.memory_space<vmem>>, vector<1x16xi32>,
    %swap3A_685 = vector.shape_cast %swap3A_684 : vector<1x16xi32> to vector<16xi32>
    %swap3A_686 = vector.shape_cast %add3A_680 : vector<16xi32> to vector<1x16xi32>
    tpu.vector_store %arg7[%swap3A_682, %swap3A_683], %swap3A_686 {strides = array<i32>} : memref<8x128xi32, #tpu.memory_space<vmem>>, vector<1x16xi32>,
    %add3A_687 = arith.constant 896 : i32
    %add3A_688 = arith.addi %mul3A_0, %add3A_687 : i32
    %add3A_689 = arith.constant 16 : i32
    %add3A_690 = arith.addi %add3A_688, %add3A_689 : i32
    %add3A_691 = vector.broadcast %add3A_690 : i32 to vector<16xi32>
    %add3A_692 = arith.addi %iota3A, %add3A_691 : vector<16xi32>
    %swap3A_693 = arith.constant 7 : i32
    %swap3A_694 = arith.index_cast %swap3A_693 : i32 to index
    %swap3A_695 = arith.constant 16 : index
    %swap3A_696 = tpu.vector_load %arg7[%swap3A_694, %swap3A_695] {strides = array<i32>} : memref<8x128xi32, #tpu.memory_space<vmem>>, vector<1x16xi32>,
    %swap3A_697 = vector.shape_cast %swap3A_696 : vector<1x16xi32> to vector<16xi32>
    %swap3A_698 = vector.shape_cast %add3A_692 : vector<16xi32> to vector<1x16xi32>
    tpu.vector_store %arg7[%swap3A_694, %swap3A_695], %swap3A_698 {strides = array<i32>} : memref<8x128xi32, #tpu.memory_space<vmem>>, vector<1x16xi32>,
    %add3A_699 = arith.constant 896 : i32
    %add3A_700 = arith.addi %mul3A_0, %add3A_699 : i32
    %add3A_701 = arith.constant 32 : i32
    %add3A_702 = arith.addi %add3A_700, %add3A_701 : i32
    %add3A_703 = vector.broadcast %add3A_702 : i32 to vector<16xi32>
    %add3A_704 = arith.addi %iota3A, %add3A_703 : vector<16xi32>
    %swap3A_705 = arith.constant 7 : i32
    %swap3A_706 = arith.index_cast %swap3A_705 : i32 to index
    %swap3A_707 = arith.constant 32 : index
    %swap3A_708 = tpu.vector_load %arg7[%swap3A_706, %swap3A_707] {strides = array<i32>} : memref<8x128xi32, #tpu.memory_space<vmem>>, vector<1x16xi32>,
    %swap3A_709 = vector.shape_cast %swap3A_708 : vector<1x16xi32> to vector<16xi32>
    %swap3A_710 = vector.shape_cast %add3A_704 : vector<16xi32> to vector<1x16xi32>
    tpu.vector_store %arg7[%swap3A_706, %swap3A_707], %swap3A_710 {strides = array<i32>} : memref<8x128xi32, #tpu.memory_space<vmem>>, vector<1x16xi32>,
    %add3A_711 = arith.constant 896 : i32
    %add3A_712 = arith.addi %mul3A_0, %add3A_711 : i32
    %add3A_713 = arith.constant 48 : i32
    %add3A_714 = arith.addi %add3A_712, %add3A_713 : i32
    %add3A_715 = vector.broadcast %add3A_714 : i32 to vector<16xi32>
    %add3A_716 = arith.addi %iota3A, %add3A_715 : vector<16xi32>
    %swap3A_717 = arith.constant 7 : i32
    %swap3A_718 = arith.index_cast %swap3A_717 : i32 to index
    %swap3A_719 = arith.constant 48 : index
    %swap3A_720 = tpu.vector_load %arg7[%swap3A_718, %swap3A_719] {strides = array<i32>} : memref<8x128xi32, #tpu.memory_space<vmem>>, vector<1x16xi32>,
    %swap3A_721 = vector.shape_cast %swap3A_720 : vector<1x16xi32> to vector<16xi32>
    %swap3A_722 = vector.shape_cast %add3A_716 : vector<16xi32> to vector<1x16xi32>
    tpu.vector_store %arg7[%swap3A_718, %swap3A_719], %swap3A_722 {strides = array<i32>} : memref<8x128xi32, #tpu.memory_space<vmem>>, vector<1x16xi32>,
    %add3A_723 = arith.constant 896 : i32
    %add3A_724 = arith.addi %mul3A_0, %add3A_723 : i32
    %add3A_725 = arith.constant 64 : i32
    %add3A_726 = arith.addi %add3A_724, %add3A_725 : i32
    %add3A_727 = vector.broadcast %add3A_726 : i32 to vector<16xi32>
    %add3A_728 = arith.addi %iota3A, %add3A_727 : vector<16xi32>
    %swap3A_729 = arith.constant 7 : i32
    %swap3A_730 = arith.index_cast %swap3A_729 : i32 to index
    %swap3A_731 = arith.constant 64 : index
    %swap3A_732 = tpu.vector_load %arg7[%swap3A_730, %swap3A_731] {strides = array<i32>} : memref<8x128xi32, #tpu.memory_space<vmem>>, vector<1x16xi32>,
    %swap3A_733 = vector.shape_cast %swap3A_732 : vector<1x16xi32> to vector<16xi32>
    %swap3A_734 = vector.shape_cast %add3A_728 : vector<16xi32> to vector<1x16xi32>
    tpu.vector_store %arg7[%swap3A_730, %swap3A_731], %swap3A_734 {strides = array<i32>} : memref<8x128xi32, #tpu.memory_space<vmem>>, vector<1x16xi32>,
    %add3A_735 = arith.constant 896 : i32
    %add3A_736 = arith.addi %mul3A_0, %add3A_735 : i32
    %add3A_737 = arith.constant 80 : i32
    %add3A_738 = arith.addi %add3A_736, %add3A_737 : i32
    %add3A_739 = vector.broadcast %add3A_738 : i32 to vector<16xi32>
    %add3A_740 = arith.addi %iota3A, %add3A_739 : vector<16xi32>
    %swap3A_741 = arith.constant 7 : i32
    %swap3A_742 = arith.index_cast %swap3A_741 : i32 to index
    %swap3A_743 = arith.constant 80 : index
    %swap3A_744 = tpu.vector_load %arg7[%swap3A_742, %swap3A_743] {strides = array<i32>} : memref<8x128xi32, #tpu.memory_space<vmem>>, vector<1x16xi32>,
    %swap3A_745 = vector.shape_cast %swap3A_744 : vector<1x16xi32> to vector<16xi32>
    %swap3A_746 = vector.shape_cast %add3A_740 : vector<16xi32> to vector<1x16xi32>
    tpu.vector_store %arg7[%swap3A_742, %swap3A_743], %swap3A_746 {strides = array<i32>} : memref<8x128xi32, #tpu.memory_space<vmem>>, vector<1x16xi32>,
    %add3A_747 = arith.constant 896 : i32
    %add3A_748 = arith.addi %mul3A_0, %add3A_747 : i32
    %add3A_749 = arith.constant 96 : i32
    %add3A_750 = arith.addi %add3A_748, %add3A_749 : i32
    %add3A_751 = vector.broadcast %add3A_750 : i32 to vector<16xi32>
    %add3A_752 = arith.addi %iota3A, %add3A_751 : vector<16xi32>
    %swap3A_753 = arith.constant 7 : i32
    %swap3A_754 = arith.index_cast %swap3A_753 : i32 to index
    %swap3A_755 = arith.constant 96 : index
    %swap3A_756 = tpu.vector_load %arg7[%swap3A_754, %swap3A_755] {strides = array<i32>} : memref<8x128xi32, #tpu.memory_space<vmem>>, vector<1x16xi32>,
    %swap3A_757 = vector.shape_cast %swap3A_756 : vector<1x16xi32> to vector<16xi32>
    %swap3A_758 = vector.shape_cast %add3A_752 : vector<16xi32> to vector<1x16xi32>
    tpu.vector_store %arg7[%swap3A_754, %swap3A_755], %swap3A_758 {strides = array<i32>} : memref<8x128xi32, #tpu.memory_space<vmem>>, vector<1x16xi32>,
    %add3A_759 = arith.constant 896 : i32
    %add3A_760 = arith.addi %mul3A_0, %add3A_759 : i32
    %add3A_761 = arith.constant 112 : i32
    %add3A_762 = arith.addi %add3A_760, %add3A_761 : i32
    %add3A_763 = vector.broadcast %add3A_762 : i32 to vector<16xi32>
    %add3A_764 = arith.addi %iota3A, %add3A_763 : vector<16xi32>
    %swap3A_765 = arith.constant 7 : i32
    %swap3A_766 = arith.index_cast %swap3A_765 : i32 to index
    %swap3A_767 = arith.constant 112 : index
    %swap3A_768 = tpu.vector_load %arg7[%swap3A_766, %swap3A_767] {strides = array<i32>} : memref<8x128xi32, #tpu.memory_space<vmem>>, vector<1x16xi32>,
    %swap3A_769 = vector.shape_cast %swap3A_768 : vector<1x16xi32> to vector<16xi32>
    %swap3A_770 = vector.shape_cast %add3A_764 : vector<16xi32> to vector<1x16xi32>
    tpu.vector_store %arg7[%swap3A_766, %swap3A_767], %swap3A_770 {strides = array<i32>} : memref<8x128xi32, #tpu.memory_space<vmem>>, vector<1x16xi32>,
    %swap3A_771 = arith.constant 0 : i32
    %swap3A_772 = arith.index_cast %swap3A_771 : i32 to index
    %swap3A_773 = arith.constant 0 : index
    %swap3A_774 = tpu.vector_load %arg9[%swap3A_772, %swap3A_773] {strides = array<i32>} : memref<5x128xi32, #tpu.memory_space<vmem>>, vector<1x16xi32>,
    %swap3A_775 = vector.shape_cast %swap3A_774 : vector<1x16xi32> to vector<16xi32>
    %swap3A_776 = vector.shape_cast %broadcast_in_dim3A_1 : vector<16xi32> to vector<1x16xi32>
    tpu.vector_store %arg9[%swap3A_772, %swap3A_773], %swap3A_776 {strides = array<i32>} : memref<5x128xi32, #tpu.memory_space<vmem>>, vector<1x16xi32>,
    %swap3A_777 = arith.constant 1 : i32
    %swap3A_778 = arith.index_cast %swap3A_777 : i32 to index
    %swap3A_779 = arith.constant 0 : index
    %swap3A_780 = tpu.vector_load %arg9[%swap3A_778, %swap3A_779] {strides = array<i32>} : memref<5x128xi32, #tpu.memory_space<vmem>>, vector<1x16xi32>,
    %swap3A_781 = vector.shape_cast %swap3A_780 : vector<1x16xi32> to vector<16xi32>
    %swap3A_782 = vector.shape_cast %broadcast_in_dim3A_1 : vector<16xi32> to vector<1x16xi32>
    tpu.vector_store %arg9[%swap3A_778, %swap3A_779], %swap3A_782 {strides = array<i32>} : memref<5x128xi32, #tpu.memory_space<vmem>>, vector<1x16xi32>,
    %swap3A_783 = arith.constant 2 : i32
    %swap3A_784 = arith.index_cast %swap3A_783 : i32 to index
    %swap3A_785 = arith.constant 0 : index
    %swap3A_786 = tpu.vector_load %arg9[%swap3A_784, %swap3A_785] {strides = array<i32>} : memref<5x128xi32, #tpu.memory_space<vmem>>, vector<1x16xi32>,
    %swap3A_787 = vector.shape_cast %swap3A_786 : vector<1x16xi32> to vector<16xi32>
    %swap3A_788 = vector.shape_cast %broadcast_in_dim3A_3 : vector<16xi32> to vector<1x16xi32>
    tpu.vector_store %arg9[%swap3A_784, %swap3A_785], %swap3A_788 {strides = array<i32>} : memref<5x128xi32, #tpu.memory_space<vmem>>, vector<1x16xi32>,
    %swap3A_789 = arith.constant 3 : i32
    %swap3A_790 = arith.index_cast %swap3A_789 : i32 to index
    %swap3A_791 = arith.constant 0 : index
    %swap3A_792 = tpu.vector_load %arg9[%swap3A_790, %swap3A_791] {strides = array<i32>} : memref<5x128xi32, #tpu.memory_space<vmem>>, vector<1x16xi32>,
    %swap3A_793 = vector.shape_cast %swap3A_792 : vector<1x16xi32> to vector<16xi32>
    %swap3A_794 = vector.shape_cast %broadcast_in_dim3A_3 : vector<16xi32> to vector<1x16xi32>
    tpu.vector_store %arg9[%swap3A_790, %swap3A_791], %swap3A_794 {strides = array<i32>} : memref<5x128xi32, #tpu.memory_space<vmem>>, vector<1x16xi32>,
    %swap3A_795 = arith.constant 4 : i32
    %swap3A_796 = arith.index_cast %swap3A_795 : i32 to index
    %swap3A_797 = arith.constant 0 : index
    %swap3A_798 = tpu.vector_load %arg9[%swap3A_796, %swap3A_797] {strides = array<i32>} : memref<5x128xi32, #tpu.memory_space<vmem>>, vector<1x16xi32>,
    %swap3A_799 = vector.shape_cast %swap3A_798 : vector<1x16xi32> to vector<16xi32>
    %swap3A_800 = vector.shape_cast %broadcast_in_dim3A_3 : vector<16xi32> to vector<1x16xi32>
    tpu.vector_store %arg9[%swap3A_796, %swap3A_797], %swap3A_800 {strides = array<i32>} : memref<5x128xi32, #tpu.memory_space<vmem>>, vector<1x16xi32>,
    %swap3A_801 = arith.constant 0 : i32
    %swap3A_802 = arith.index_cast %swap3A_801 : i32 to index
    %swap3A_803 = arith.constant 16 : index
    %swap3A_804 = tpu.vector_load %arg9[%swap3A_802, %swap3A_803] {strides = array<i32>} : memref<5x128xi32, #tpu.memory_space<vmem>>, vector<1x16xi32>,
    %swap3A_805 = vector.shape_cast %swap3A_804 : vector<1x16xi32> to vector<16xi32>
    %swap3A_806 = vector.shape_cast %broadcast_in_dim3A_1 : vector<16xi32> to vector<1x16xi32>
    tpu.vector_store %arg9[%swap3A_802, %swap3A_803], %swap3A_806 {strides = array<i32>} : memref<5x128xi32, #tpu.memory_space<vmem>>, vector<1x16xi32>,
    %swap3A_807 = arith.constant 1 : i32
    %swap3A_808 = arith.index_cast %swap3A_807 : i32 to index
    %swap3A_809 = arith.constant 16 : index
    %swap3A_810 = tpu.vector_load %arg9[%swap3A_808, %swap3A_809] {strides = array<i32>} : memref<5x128xi32, #tpu.memory_space<vmem>>, vector<1x16xi32>,
    %swap3A_811 = vector.shape_cast %swap3A_810 : vector<1x16xi32> to vector<16xi32>
    %swap3A_812 = vector.shape_cast %broadcast_in_dim3A_1 : vector<16xi32> to vector<1x16xi32>
    tpu.vector_store %arg9[%swap3A_808, %swap3A_809], %swap3A_812 {strides = array<i32>} : memref<5x128xi32, #tpu.memory_space<vmem>>, vector<1x16xi32>,
    %swap3A_813 = arith.constant 2 : i32
    %swap3A_814 = arith.index_cast %swap3A_813 : i32 to index
    %swap3A_815 = arith.constant 16 : index
    %swap3A_816 = tpu.vector_load %arg9[%swap3A_814, %swap3A_815] {strides = array<i32>} : memref<5x128xi32, #tpu.memory_space<vmem>>, vector<1x16xi32>,
    %swap3A_817 = vector.shape_cast %swap3A_816 : vector<1x16xi32> to vector<16xi32>
    %swap3A_818 = vector.shape_cast %broadcast_in_dim3A_3 : vector<16xi32> to vector<1x16xi32>
    tpu.vector_store %arg9[%swap3A_814, %swap3A_815], %swap3A_818 {strides = array<i32>} : memref<5x128xi32, #tpu.memory_space<vmem>>, vector<1x16xi32>,
    %swap3A_819 = arith.constant 3 : i32
    %swap3A_820 = arith.index_cast %swap3A_819 : i32 to index
    %swap3A_821 = arith.constant 16 : index
    %swap3A_822 = tpu.vector_load %arg9[%swap3A_820, %swap3A_821] {strides = array<i32>} : memref<5x128xi32, #tpu.memory_space<vmem>>, vector<1x16xi32>,
    %swap3A_823 = vector.shape_cast %swap3A_822 : vector<1x16xi32> to vector<16xi32>
    %swap3A_824 = vector.shape_cast %broadcast_in_dim3A_3 : vector<16xi32> to vector<1x16xi32>
    tpu.vector_store %arg9[%swap3A_820, %swap3A_821], %swap3A_824 {strides = array<i32>} : memref<5x128xi32, #tpu.memory_space<vmem>>, vector<1x16xi32>,
    %swap3A_825 = arith.constant 4 : i32
    %swap3A_826 = arith.index_cast %swap3A_825 : i32 to index
    %swap3A_827 = arith.constant 16 : index
    %swap3A_828 = tpu.vector_load %arg9[%swap3A_826, %swap3A_827] {strides = array<i32>} : memref<5x128xi32, #tpu.memory_space<vmem>>, vector<1x16xi32>,
    %swap3A_829 = vector.shape_cast %swap3A_828 : vector<1x16xi32> to vector<16xi32>
    %swap3A_830 = vector.shape_cast %broadcast_in_dim3A_3 : vector<16xi32> to vector<1x16xi32>
    tpu.vector_store %arg9[%swap3A_826, %swap3A_827], %swap3A_830 {strides = array<i32>} : memref<5x128xi32, #tpu.memory_space<vmem>>, vector<1x16xi32>,
    %swap3A_831 = arith.constant 0 : i32
    %swap3A_832 = arith.index_cast %swap3A_831 : i32 to index
    %swap3A_833 = arith.constant 32 : index
    %swap3A_834 = tpu.vector_load %arg9[%swap3A_832, %swap3A_833] {strides = array<i32>} : memref<5x128xi32, #tpu.memory_space<vmem>>, vector<1x16xi32>,
    %swap3A_835 = vector.shape_cast %swap3A_834 : vector<1x16xi32> to vector<16xi32>
    %swap3A_836 = vector.shape_cast %broadcast_in_dim3A_1 : vector<16xi32> to vector<1x16xi32>
    tpu.vector_store %arg9[%swap3A_832, %swap3A_833], %swap3A_836 {strides = array<i32>} : memref<5x128xi32, #tpu.memory_space<vmem>>, vector<1x16xi32>,
    %swap3A_837 = arith.constant 1 : i32
    %swap3A_838 = arith.index_cast %swap3A_837 : i32 to index
    %swap3A_839 = arith.constant 32 : index
    %swap3A_840 = tpu.vector_load %arg9[%swap3A_838, %swap3A_839] {strides = array<i32>} : memref<5x128xi32, #tpu.memory_space<vmem>>, vector<1x16xi32>,
    %swap3A_841 = vector.shape_cast %swap3A_840 : vector<1x16xi32> to vector<16xi32>
    %swap3A_842 = vector.shape_cast %broadcast_in_dim3A_1 : vector<16xi32> to vector<1x16xi32>
    tpu.vector_store %arg9[%swap3A_838, %swap3A_839], %swap3A_842 {strides = array<i32>} : memref<5x128xi32, #tpu.memory_space<vmem>>, vector<1x16xi32>,
    %swap3A_843 = arith.constant 2 : i32
    %swap3A_844 = arith.index_cast %swap3A_843 : i32 to index
    %swap3A_845 = arith.constant 32 : index
    %swap3A_846 = tpu.vector_load %arg9[%swap3A_844, %swap3A_845] {strides = array<i32>} : memref<5x128xi32, #tpu.memory_space<vmem>>, vector<1x16xi32>,
    %swap3A_847 = vector.shape_cast %swap3A_846 : vector<1x16xi32> to vector<16xi32>
    %swap3A_848 = vector.shape_cast %broadcast_in_dim3A_3 : vector<16xi32> to vector<1x16xi32>
    tpu.vector_store %arg9[%swap3A_844, %swap3A_845], %swap3A_848 {strides = array<i32>} : memref<5x128xi32, #tpu.memory_space<vmem>>, vector<1x16xi32>,
    %swap3A_849 = arith.constant 3 : i32
    %swap3A_850 = arith.index_cast %swap3A_849 : i32 to index
    %swap3A_851 = arith.constant 32 : index
    %swap3A_852 = tpu.vector_load %arg9[%swap3A_850, %swap3A_851] {strides = array<i32>} : memref<5x128xi32, #tpu.memory_space<vmem>>, vector<1x16xi32>,
    %swap3A_853 = vector.shape_cast %swap3A_852 : vector<1x16xi32> to vector<16xi32>
    %swap3A_854 = vector.shape_cast %broadcast_in_dim3A_3 : vector<16xi32> to vector<1x16xi32>
    tpu.vector_store %arg9[%swap3A_850, %swap3A_851], %swap3A_854 {strides = array<i32>} : memref<5x128xi32, #tpu.memory_space<vmem>>, vector<1x16xi32>,
    %swap3A_855 = arith.constant 4 : i32
    %swap3A_856 = arith.index_cast %swap3A_855 : i32 to index
    %swap3A_857 = arith.constant 32 : index
    %swap3A_858 = tpu.vector_load %arg9[%swap3A_856, %swap3A_857] {strides = array<i32>} : memref<5x128xi32, #tpu.memory_space<vmem>>, vector<1x16xi32>,
    %swap3A_859 = vector.shape_cast %swap3A_858 : vector<1x16xi32> to vector<16xi32>
    %swap3A_860 = vector.shape_cast %broadcast_in_dim3A_3 : vector<16xi32> to vector<1x16xi32>
    tpu.vector_store %arg9[%swap3A_856, %swap3A_857], %swap3A_860 {strides = array<i32>} : memref<5x128xi32, #tpu.memory_space<vmem>>, vector<1x16xi32>,
    %swap3A_861 = arith.constant 0 : i32
    %swap3A_862 = arith.index_cast %swap3A_861 : i32 to index
    %swap3A_863 = arith.constant 48 : index
    %swap3A_864 = tpu.vector_load %arg9[%swap3A_862, %swap3A_863] {strides = array<i32>} : memref<5x128xi32, #tpu.memory_space<vmem>>, vector<1x16xi32>,
    %swap3A_865 = vector.shape_cast %swap3A_864 : vector<1x16xi32> to vector<16xi32>
    %swap3A_866 = vector.shape_cast %broadcast_in_dim3A_1 : vector<16xi32> to vector<1x16xi32>
    tpu.vector_store %arg9[%swap3A_862, %swap3A_863], %swap3A_866 {strides = array<i32>} : memref<5x128xi32, #tpu.memory_space<vmem>>, vector<1x16xi32>,
    %swap3A_867 = arith.constant 1 : i32
    %swap3A_868 = arith.index_cast %swap3A_867 : i32 to index
    %swap3A_869 = arith.constant 48 : index
    %swap3A_870 = tpu.vector_load %arg9[%swap3A_868, %swap3A_869] {strides = array<i32>} : memref<5x128xi32, #tpu.memory_space<vmem>>, vector<1x16xi32>,
    %swap3A_871 = vector.shape_cast %swap3A_870 : vector<1x16xi32> to vector<16xi32>
    %swap3A_872 = vector.shape_cast %broadcast_in_dim3A_1 : vector<16xi32> to vector<1x16xi32>
    tpu.vector_store %arg9[%swap3A_868, %swap3A_869], %swap3A_872 {strides = array<i32>} : memref<5x128xi32, #tpu.memory_space<vmem>>, vector<1x16xi32>,
    %swap3A_873 = arith.constant 2 : i32
    %swap3A_874 = arith.index_cast %swap3A_873 : i32 to index
    %swap3A_875 = arith.constant 48 : index
    %swap3A_876 = tpu.vector_load %arg9[%swap3A_874, %swap3A_875] {strides = array<i32>} : memref<5x128xi32, #tpu.memory_space<vmem>>, vector<1x16xi32>,
    %swap3A_877 = vector.shape_cast %swap3A_876 : vector<1x16xi32> to vector<16xi32>
    %swap3A_878 = vector.shape_cast %broadcast_in_dim3A_3 : vector<16xi32> to vector<1x16xi32>
    tpu.vector_store %arg9[%swap3A_874, %swap3A_875], %swap3A_878 {strides = array<i32>} : memref<5x128xi32, #tpu.memory_space<vmem>>, vector<1x16xi32>,
    %swap3A_879 = arith.constant 3 : i32
    %swap3A_880 = arith.index_cast %swap3A_879 : i32 to index
    %swap3A_881 = arith.constant 48 : index
    %swap3A_882 = tpu.vector_load %arg9[%swap3A_880, %swap3A_881] {strides = array<i32>} : memref<5x128xi32, #tpu.memory_space<vmem>>, vector<1x16xi32>,
    %swap3A_883 = vector.shape_cast %swap3A_882 : vector<1x16xi32> to vector<16xi32>
    %swap3A_884 = vector.shape_cast %broadcast_in_dim3A_3 : vector<16xi32> to vector<1x16xi32>
    tpu.vector_store %arg9[%swap3A_880, %swap3A_881], %swap3A_884 {strides = array<i32>} : memref<5x128xi32, #tpu.memory_space<vmem>>, vector<1x16xi32>,
    %swap3A_885 = arith.constant 4 : i32
    %swap3A_886 = arith.index_cast %swap3A_885 : i32 to index
    %swap3A_887 = arith.constant 48 : index
    %swap3A_888 = tpu.vector_load %arg9[%swap3A_886, %swap3A_887] {strides = array<i32>} : memref<5x128xi32, #tpu.memory_space<vmem>>, vector<1x16xi32>,
    %swap3A_889 = vector.shape_cast %swap3A_888 : vector<1x16xi32> to vector<16xi32>
    %swap3A_890 = vector.shape_cast %broadcast_in_dim3A_3 : vector<16xi32> to vector<1x16xi32>
    tpu.vector_store %arg9[%swap3A_886, %swap3A_887], %swap3A_890 {strides = array<i32>} : memref<5x128xi32, #tpu.memory_space<vmem>>, vector<1x16xi32>,
    %swap3A_891 = arith.constant 0 : i32
    %swap3A_892 = arith.index_cast %swap3A_891 : i32 to index
    %swap3A_893 = arith.constant 64 : index
    %swap3A_894 = tpu.vector_load %arg9[%swap3A_892, %swap3A_893] {strides = array<i32>} : memref<5x128xi32, #tpu.memory_space<vmem>>, vector<1x16xi32>,
    %swap3A_895 = vector.shape_cast %swap3A_894 : vector<1x16xi32> to vector<16xi32>
    %swap3A_896 = vector.shape_cast %broadcast_in_dim3A_1 : vector<16xi32> to vector<1x16xi32>
    tpu.vector_store %arg9[%swap3A_892, %swap3A_893], %swap3A_896 {strides = array<i32>} : memref<5x128xi32, #tpu.memory_space<vmem>>, vector<1x16xi32>,
    %swap3A_897 = arith.constant 1 : i32
    %swap3A_898 = arith.index_cast %swap3A_897 : i32 to index
    %swap3A_899 = arith.constant 64 : index
    %swap3A_900 = tpu.vector_load %arg9[%swap3A_898, %swap3A_899] {strides = array<i32>} : memref<5x128xi32, #tpu.memory_space<vmem>>, vector<1x16xi32>,
    %swap3A_901 = vector.shape_cast %swap3A_900 : vector<1x16xi32> to vector<16xi32>
    %swap3A_902 = vector.shape_cast %broadcast_in_dim3A_1 : vector<16xi32> to vector<1x16xi32>
    tpu.vector_store %arg9[%swap3A_898, %swap3A_899], %swap3A_902 {strides = array<i32>} : memref<5x128xi32, #tpu.memory_space<vmem>>, vector<1x16xi32>,
    %swap3A_903 = arith.constant 2 : i32
    %swap3A_904 = arith.index_cast %swap3A_903 : i32 to index
    %swap3A_905 = arith.constant 64 : index
    %swap3A_906 = tpu.vector_load %arg9[%swap3A_904, %swap3A_905] {strides = array<i32>} : memref<5x128xi32, #tpu.memory_space<vmem>>, vector<1x16xi32>,
    %swap3A_907 = vector.shape_cast %swap3A_906 : vector<1x16xi32> to vector<16xi32>
    %swap3A_908 = vector.shape_cast %broadcast_in_dim3A_3 : vector<16xi32> to vector<1x16xi32>
    tpu.vector_store %arg9[%swap3A_904, %swap3A_905], %swap3A_908 {strides = array<i32>} : memref<5x128xi32, #tpu.memory_space<vmem>>, vector<1x16xi32>,
    %swap3A_909 = arith.constant 3 : i32
    %swap3A_910 = arith.index_cast %swap3A_909 : i32 to index
    %swap3A_911 = arith.constant 64 : index
    %swap3A_912 = tpu.vector_load %arg9[%swap3A_910, %swap3A_911] {strides = array<i32>} : memref<5x128xi32, #tpu.memory_space<vmem>>, vector<1x16xi32>,
    %swap3A_913 = vector.shape_cast %swap3A_912 : vector<1x16xi32> to vector<16xi32>
    %swap3A_914 = vector.shape_cast %broadcast_in_dim3A_3 : vector<16xi32> to vector<1x16xi32>
    tpu.vector_store %arg9[%swap3A_910, %swap3A_911], %swap3A_914 {strides = array<i32>} : memref<5x128xi32, #tpu.memory_space<vmem>>, vector<1x16xi32>,
    %swap3A_915 = arith.constant 4 : i32
    %swap3A_916 = arith.index_cast %swap3A_915 : i32 to index
    %swap3A_917 = arith.constant 64 : index
    %swap3A_918 = tpu.vector_load %arg9[%swap3A_916, %swap3A_917] {strides = array<i32>} : memref<5x128xi32, #tpu.memory_space<vmem>>, vector<1x16xi32>,
    %swap3A_919 = vector.shape_cast %swap3A_918 : vector<1x16xi32> to vector<16xi32>
    %swap3A_920 = vector.shape_cast %broadcast_in_dim3A_3 : vector<16xi32> to vector<1x16xi32>
    tpu.vector_store %arg9[%swap3A_916, %swap3A_917], %swap3A_920 {strides = array<i32>} : memref<5x128xi32, #tpu.memory_space<vmem>>, vector<1x16xi32>,
    %swap3A_921 = arith.constant 0 : i32
    %swap3A_922 = arith.index_cast %swap3A_921 : i32 to index
    %swap3A_923 = arith.constant 80 : index
    %swap3A_924 = tpu.vector_load %arg9[%swap3A_922, %swap3A_923] {strides = array<i32>} : memref<5x128xi32, #tpu.memory_space<vmem>>, vector<1x16xi32>,
    %swap3A_925 = vector.shape_cast %swap3A_924 : vector<1x16xi32> to vector<16xi32>
    %swap3A_926 = vector.shape_cast %broadcast_in_dim3A_1 : vector<16xi32> to vector<1x16xi32>
    tpu.vector_store %arg9[%swap3A_922, %swap3A_923], %swap3A_926 {strides = array<i32>} : memref<5x128xi32, #tpu.memory_space<vmem>>, vector<1x16xi32>,
    %swap3A_927 = arith.constant 1 : i32
    %swap3A_928 = arith.index_cast %swap3A_927 : i32 to index
    %swap3A_929 = arith.constant 80 : index
    %swap3A_930 = tpu.vector_load %arg9[%swap3A_928, %swap3A_929] {strides = array<i32>} : memref<5x128xi32, #tpu.memory_space<vmem>>, vector<1x16xi32>,
    %swap3A_931 = vector.shape_cast %swap3A_930 : vector<1x16xi32> to vector<16xi32>
    %swap3A_932 = vector.shape_cast %broadcast_in_dim3A_1 : vector<16xi32> to vector<1x16xi32>
    tpu.vector_store %arg9[%swap3A_928, %swap3A_929], %swap3A_932 {strides = array<i32>} : memref<5x128xi32, #tpu.memory_space<vmem>>, vector<1x16xi32>,
    %swap3A_933 = arith.constant 2 : i32
    %swap3A_934 = arith.index_cast %swap3A_933 : i32 to index
    %swap3A_935 = arith.constant 80 : index
    %swap3A_936 = tpu.vector_load %arg9[%swap3A_934, %swap3A_935] {strides = array<i32>} : memref<5x128xi32, #tpu.memory_space<vmem>>, vector<1x16xi32>,
    %swap3A_937 = vector.shape_cast %swap3A_936 : vector<1x16xi32> to vector<16xi32>
    %swap3A_938 = vector.shape_cast %broadcast_in_dim3A_3 : vector<16xi32> to vector<1x16xi32>
    tpu.vector_store %arg9[%swap3A_934, %swap3A_935], %swap3A_938 {strides = array<i32>} : memref<5x128xi32, #tpu.memory_space<vmem>>, vector<1x16xi32>,
    %swap3A_939 = arith.constant 3 : i32
    %swap3A_940 = arith.index_cast %swap3A_939 : i32 to index
    %swap3A_941 = arith.constant 80 : index
    %swap3A_942 = tpu.vector_load %arg9[%swap3A_940, %swap3A_941] {strides = array<i32>} : memref<5x128xi32, #tpu.memory_space<vmem>>, vector<1x16xi32>,
    %swap3A_943 = vector.shape_cast %swap3A_942 : vector<1x16xi32> to vector<16xi32>
    %swap3A_944 = vector.shape_cast %broadcast_in_dim3A_3 : vector<16xi32> to vector<1x16xi32>
    tpu.vector_store %arg9[%swap3A_940, %swap3A_941], %swap3A_944 {strides = array<i32>} : memref<5x128xi32, #tpu.memory_space<vmem>>, vector<1x16xi32>,
    %swap3A_945 = arith.constant 4 : i32
    %swap3A_946 = arith.index_cast %swap3A_945 : i32 to index
    %swap3A_947 = arith.constant 80 : index
    %swap3A_948 = tpu.vector_load %arg9[%swap3A_946, %swap3A_947] {strides = array<i32>} : memref<5x128xi32, #tpu.memory_space<vmem>>, vector<1x16xi32>,
    %swap3A_949 = vector.shape_cast %swap3A_948 : vector<1x16xi32> to vector<16xi32>
    %swap3A_950 = vector.shape_cast %broadcast_in_dim3A_3 : vector<16xi32> to vector<1x16xi32>
    tpu.vector_store %arg9[%swap3A_946, %swap3A_947], %swap3A_950 {strides = array<i32>} : memref<5x128xi32, #tpu.memory_space<vmem>>, vector<1x16xi32>,
    %swap3A_951 = arith.constant 0 : i32
    %swap3A_952 = arith.index_cast %swap3A_951 : i32 to index
    %swap3A_953 = arith.constant 96 : index
    %swap3A_954 = tpu.vector_load %arg9[%swap3A_952, %swap3A_953] {strides = array<i32>} : memref<5x128xi32, #tpu.memory_space<vmem>>, vector<1x16xi32>,
    %swap3A_955 = vector.shape_cast %swap3A_954 : vector<1x16xi32> to vector<16xi32>
    %swap3A_956 = vector.shape_cast %broadcast_in_dim3A_1 : vector<16xi32> to vector<1x16xi32>
    tpu.vector_store %arg9[%swap3A_952, %swap3A_953], %swap3A_956 {strides = array<i32>} : memref<5x128xi32, #tpu.memory_space<vmem>>, vector<1x16xi32>,
    %swap3A_957 = arith.constant 1 : i32
    %swap3A_958 = arith.index_cast %swap3A_957 : i32 to index
    %swap3A_959 = arith.constant 96 : index
    %swap3A_960 = tpu.vector_load %arg9[%swap3A_958, %swap3A_959] {strides = array<i32>} : memref<5x128xi32, #tpu.memory_space<vmem>>, vector<1x16xi32>,
    %swap3A_961 = vector.shape_cast %swap3A_960 : vector<1x16xi32> to vector<16xi32>
    %swap3A_962 = vector.shape_cast %broadcast_in_dim3A_1 : vector<16xi32> to vector<1x16xi32>
    tpu.vector_store %arg9[%swap3A_958, %swap3A_959], %swap3A_962 {strides = array<i32>} : memref<5x128xi32, #tpu.memory_space<vmem>>, vector<1x16xi32>,
    %swap3A_963 = arith.constant 2 : i32
    %swap3A_964 = arith.index_cast %swap3A_963 : i32 to index
    %swap3A_965 = arith.constant 96 : index
    %swap3A_966 = tpu.vector_load %arg9[%swap3A_964, %swap3A_965] {strides = array<i32>} : memref<5x128xi32, #tpu.memory_space<vmem>>, vector<1x16xi32>,
    %swap3A_967 = vector.shape_cast %swap3A_966 : vector<1x16xi32> to vector<16xi32>
    %swap3A_968 = vector.shape_cast %broadcast_in_dim3A_3 : vector<16xi32> to vector<1x16xi32>
    tpu.vector_store %arg9[%swap3A_964, %swap3A_965], %swap3A_968 {strides = array<i32>} : memref<5x128xi32, #tpu.memory_space<vmem>>, vector<1x16xi32>,
    %swap3A_969 = arith.constant 3 : i32
    %swap3A_970 = arith.index_cast %swap3A_969 : i32 to index
    %swap3A_971 = arith.constant 96 : index
    %swap3A_972 = tpu.vector_load %arg9[%swap3A_970, %swap3A_971] {strides = array<i32>} : memref<5x128xi32, #tpu.memory_space<vmem>>, vector<1x16xi32>,
    %swap3A_973 = vector.shape_cast %swap3A_972 : vector<1x16xi32> to vector<16xi32>
    %swap3A_974 = vector.shape_cast %broadcast_in_dim3A_3 : vector<16xi32> to vector<1x16xi32>
    tpu.vector_store %arg9[%swap3A_970, %swap3A_971], %swap3A_974 {strides = array<i32>} : memref<5x128xi32, #tpu.memory_space<vmem>>, vector<1x16xi32>,
    %swap3A_975 = arith.constant 4 : i32
    %swap3A_976 = arith.index_cast %swap3A_975 : i32 to index
    %swap3A_977 = arith.constant 96 : index
    %swap3A_978 = tpu.vector_load %arg9[%swap3A_976, %swap3A_977] {strides = array<i32>} : memref<5x128xi32, #tpu.memory_space<vmem>>, vector<1x16xi32>,
    %swap3A_979 = vector.shape_cast %swap3A_978 : vector<1x16xi32> to vector<16xi32>
    %swap3A_980 = vector.shape_cast %broadcast_in_dim3A_3 : vector<16xi32> to vector<1x16xi32>
    tpu.vector_store %arg9[%swap3A_976, %swap3A_977], %swap3A_980 {strides = array<i32>} : memref<5x128xi32, #tpu.memory_space<vmem>>, vector<1x16xi32>,
    %swap3A_981 = arith.constant 0 : i32
    %swap3A_982 = arith.index_cast %swap3A_981 : i32 to index
    %swap3A_983 = arith.constant 112 : index
    %swap3A_984 = tpu.vector_load %arg9[%swap3A_982, %swap3A_983] {strides = array<i32>} : memref<5x128xi32, #tpu.memory_space<vmem>>, vector<1x16xi32>,
    %swap3A_985 = vector.shape_cast %swap3A_984 : vector<1x16xi32> to vector<16xi32>
    %swap3A_986 = vector.shape_cast %broadcast_in_dim3A_1 : vector<16xi32> to vector<1x16xi32>
    tpu.vector_store %arg9[%swap3A_982, %swap3A_983], %swap3A_986 {strides = array<i32>} : memref<5x128xi32, #tpu.memory_space<vmem>>, vector<1x16xi32>,
    %swap3A_987 = arith.constant 1 : i32
    %swap3A_988 = arith.index_cast %swap3A_987 : i32 to index
    %swap3A_989 = arith.constant 112 : index
    %swap3A_990 = tpu.vector_load %arg9[%swap3A_988, %swap3A_989] {strides = array<i32>} : memref<5x128xi32, #tpu.memory_space<vmem>>, vector<1x16xi32>,
    %swap3A_991 = vector.shape_cast %swap3A_990 : vector<1x16xi32> to vector<16xi32>
    %swap3A_992 = vector.shape_cast %broadcast_in_dim3A_1 : vector<16xi32> to vector<1x16xi32>
    tpu.vector_store %arg9[%swap3A_988, %swap3A_989], %swap3A_992 {strides = array<i32>} : memref<5x128xi32, #tpu.memory_space<vmem>>, vector<1x16xi32>,
    %swap3A_993 = arith.constant 2 : i32
    %swap3A_994 = arith.index_cast %swap3A_993 : i32 to index
    %swap3A_995 = arith.constant 112 : index
    %swap3A_996 = tpu.vector_load %arg9[%swap3A_994, %swap3A_995] {strides = array<i32>} : memref<5x128xi32, #tpu.memory_space<vmem>>, vector<1x16xi32>,
    %swap3A_997 = vector.shape_cast %swap3A_996 : vector<1x16xi32> to vector<16xi32>
    %swap3A_998 = vector.shape_cast %broadcast_in_dim3A_3 : vector<16xi32> to vector<1x16xi32>
    tpu.vector_store %arg9[%swap3A_994, %swap3A_995], %swap3A_998 {strides = array<i32>} : memref<5x128xi32, #tpu.memory_space<vmem>>, vector<1x16xi32>,
    %swap3A_999 = arith.constant 3 : i32
    %swap3A_1000 = arith.index_cast %swap3A_999 : i32 to index
    %swap3A_1001 = arith.constant 112 : index
    %swap3A_1002 = tpu.vector_load %arg9[%swap3A_1000, %swap3A_1001] {strides = array<i32>} : memref<5x128xi32, #tpu.memory_space<vmem>>, vector<1x16xi32>,
    %swap3A_1003 = vector.shape_cast %swap3A_1002 : vector<1x16xi32> to vector<16xi32>
    %swap3A_1004 = vector.shape_cast %broadcast_in_dim3A_3 : vector<16xi32> to vector<1x16xi32>
    tpu.vector_store %arg9[%swap3A_1000, %swap3A_1001], %swap3A_1004 {strides = array<i32>} : memref<5x128xi32, #tpu.memory_space<vmem>>, vector<1x16xi32>,
    %swap3A_1005 = arith.constant 4 : i32
    %swap3A_1006 = arith.index_cast %swap3A_1005 : i32 to index
    %swap3A_1007 = arith.constant 112 : index
    %swap3A_1008 = tpu.vector_load %arg9[%swap3A_1006, %swap3A_1007] {strides = array<i32>} : memref<5x128xi32, #tpu.memory_space<vmem>>, vector<1x16xi32>,
    %swap3A_1009 = vector.shape_cast %swap3A_1008 : vector<1x16xi32> to vector<16xi32>
    %swap3A_1010 = vector.shape_cast %broadcast_in_dim3A_3 : vector<16xi32> to vector<1x16xi32>
    tpu.vector_store %arg9[%swap3A_1006, %swap3A_1007], %swap3A_1010 {strides = array<i32>} : memref<5x128xi32, #tpu.memory_space<vmem>>, vector<1x16xi32>,
    %add3A_1011 = arith.constant 1000008 : i32
    %add3A_1012 = vector.broadcast %add3A_1011 : i32 to vector<16xi32>
    %add3A_1013 = arith.addi %iota3A, %add3A_1012 : vector<16xi32>
    %swap3A_1014 = arith.constant 1 : i32
    %swap3A_1015 = arith.index_cast %swap3A_1014 : i32 to index
    %swap3A_1016 = arith.constant 0 : index
    %swap3A_1017 = tpu.vector_load %arg9[%swap3A_1015, %swap3A_1016] {strides = array<i32>} : memref<5x128xi32, #tpu.memory_space<vmem>>, vector<1x16xi32>,
    %swap3A_1018 = vector.shape_cast %swap3A_1017 : vector<1x16xi32> to vector<16xi32>
    %swap3A_1019 = vector.shape_cast %add3A_1013 : vector<16xi32> to vector<1x16xi32>
    tpu.vector_store %arg9[%swap3A_1015, %swap3A_1016], %swap3A_1019 {strides = array<i32>} : memref<5x128xi32, #tpu.memory_space<vmem>>, vector<1x16xi32>,
    %dma_start3A_1020 = arith.constant 3 : i32
    %dma_start3A_1021 = arith.constant 1 : i32
    %dma_start3A_1022 = arith.constant 0 : i32
    %dma_start3A_1023 = tpu.memref_slice %arg9[%dma_start3A_1020, %dma_start3A_1022] : memref<5x128xi32, #tpu.memory_space<vmem>> -> memref<1x128xi32, #tpu.memory_space<vmem>>
    %dma_start3A_1024 = tpu.memref_squeeze %dma_start3A_1023 : memref<1x128xi32, #tpu.memory_space<vmem>> -> memref<128xi32, #tpu.memory_space<vmem>>
    %dma_start3A_1025 = arith.constant 0 : i32
    %dma_start3A_1026 = tpu.memref_slice %arg9[%dma_start3A_1021, %dma_start3A_1025] : memref<5x128xi32, #tpu.memory_space<vmem>> -> memref<1x128xi32, #tpu.memory_space<vmem>>
    %dma_start3A_1027 = tpu.memref_squeeze %dma_start3A_1026 : memref<1x128xi32, #tpu.memory_space<vmem>> -> memref<128xi32, #tpu.memory_space<vmem>>
    %dma_start3A_1028 = arith.constant 0 : i32
    %dma_start3A_1029 = tpu.memref_slice %arg12[%dma_start3A_1028] : memref<1000040xi32, #tpu.memory_space<vmem_shared>> -> memref<1000040xi32, #tpu.memory_space<vmem_shared>>
    tpu.enqueue_indirect_dma source(%dma_start3A_1024 : memref<128xi32, #tpu.memory_space<vmem>>) target(%dma_start3A_1029 : memref<1000040xi32, #tpu.memory_space<vmem_shared>>) offsets(%dma_start3A_1027 : memref<128xi32, #tpu.memory_space<vmem>>) semaphore(%arg13 : memref<!tpu.dma_semaphore, #tpu.memory_space<semaphore_mem>>)
    %dma_wait3A = tpu.memref_slice %arg2[%mul3A_0] : memref<16384xi32, #tpu.memory_space<hbm>> -> memref<1024xi32, #tpu.memory_space<hbm>>
    %dma_wait3A_1030 = tpu.memref_slice %arg2[%mul3A_0] : memref<16384xi32, #tpu.memory_space<hbm>> -> memref<1024xi32, #tpu.memory_space<hbm>>
    tpu.wait_dma2 semaphore(%arg13 : memref<!tpu.dma_semaphore, #tpu.memory_space<semaphore_mem>>) src(%dma_wait3A_1030 : memref<1024xi32, #tpu.memory_space<hbm>>) dst(%arg5 : memref<1024xi32, #tpu.memory_space<vmem>>)
    %dma_wait3A_1031 = arith.constant 3 : i32
    %dma_wait3A_1032 = arith.constant 1 : i32
    %dma_wait3A_1033 = arith.constant 0 : i32
    %dma_wait3A_1034 = tpu.memref_slice %arg9[%dma_wait3A_1031, %dma_wait3A_1033] : memref<5x128xi32, #tpu.memory_space<vmem>> -> memref<1x128xi32, #tpu.memory_space<vmem>>
    %dma_wait3A_1035 = tpu.memref_squeeze %dma_wait3A_1034 : memref<1x128xi32, #tpu.memory_space<vmem>> -> memref<128xi32, #tpu.memory_space<vmem>>
    %dma_wait3A_1036 = arith.constant 0 : i32
    %dma_wait3A_1037 = tpu.memref_slice %arg9[%dma_wait3A_1032, %dma_wait3A_1036] : memref<5x128xi32, #tpu.memory_space<vmem>> -> memref<1x128xi32, #tpu.memory_space<vmem>>
    %dma_wait3A_1038 = tpu.memref_squeeze %dma_wait3A_1037 : memref<1x128xi32, #tpu.memory_space<vmem>> -> memref<128xi32, #tpu.memory_space<vmem>>
    %dma_wait3A_1039 = arith.constant 0 : i32
    %dma_wait3A_1040 = tpu.memref_slice %arg12[%dma_wait3A_1039] : memref<1000040xi32, #tpu.memory_space<vmem_shared>> -> memref<1000040xi32, #tpu.memory_space<vmem_shared>>
    tpu.wait_indirect_dma semaphore(%arg13 : memref<!tpu.dma_semaphore, #tpu.memory_space<semaphore_mem>>) src(%dma_wait3A_1035 : memref<128xi32, #tpu.memory_space<vmem>>) dst(%dma_wait3A_1040 : memref<1000040xi32, #tpu.memory_space<vmem_shared>>)
    %get3A = arith.constant 0 : index
    %get3A_1041 = tpu.vector_load %arg5[%get3A] {strides = array<i32>} : memref<1024xi32, #tpu.memory_space<vmem>>, vector<16xi32>,
    %get3A_1042 = vector.shape_cast %get3A_1041 : vector<16xi32> to vector<16xi32>
    %swap3A_1043 = arith.constant 0 : i32
    %swap3A_1044 = arith.index_cast %swap3A_1043 : i32 to index
    %swap3A_1045 = arith.constant 0 : index
    %swap3A_1046 = tpu.vector_load %arg6[%swap3A_1044, %swap3A_1045] {strides = array<i32>} : memref<8x128xi32, #tpu.memory_space<vmem>>, vector<1x16xi32>,
    %swap3A_1047 = vector.shape_cast %swap3A_1046 : vector<1x16xi32> to vector<16xi32>
    %swap3A_1048 = vector.shape_cast %get3A_1042 : vector<16xi32> to vector<1x16xi32>
    tpu.vector_store %arg6[%swap3A_1044, %swap3A_1045], %swap3A_1048 {strides = array<i32>} : memref<8x128xi32, #tpu.memory_space<vmem>>, vector<1x16xi32>,
    %get3A_1049 = arith.constant 16 : index
    %get3A_1050 = tpu.vector_load %arg5[%get3A_1049] {strides = array<i32>} : memref<1024xi32, #tpu.memory_space<vmem>>, vector<16xi32>,
    %get3A_1051 = vector.shape_cast %get3A_1050 : vector<16xi32> to vector<16xi32>
    %swap3A_1052 = arith.constant 0 : i32
    %swap3A_1053 = arith.index_cast %swap3A_1052 : i32 to index
    %swap3A_1054 = arith.constant 16 : index
    %swap3A_1055 = tpu.vector_load %arg6[%swap3A_1053, %swap3A_1054] {strides = array<i32>} : memref<8x128xi32, #tpu.memory_space<vmem>>, vector<1x16xi32>,
    %swap3A_1056 = vector.shape_cast %swap3A_1055 : vector<1x16xi32> to vector<16xi32>
    %swap3A_1057 = vector.shape_cast %get3A_1051 : vector<16xi32> to vector<1x16xi32>
    tpu.vector_store %arg6[%swap3A_1053, %swap3A_1054], %swap3A_1057 {strides = array<i32>} : memref<8x128xi32, #tpu.memory_space<vmem>>, vector<1x16xi32>,
    %get3A_1058 = arith.constant 32 : index
    %get3A_1059 = tpu.vector_load %arg5[%get3A_1058] {strides = array<i32>} : memref<1024xi32, #tpu.memory_space<vmem>>, vector<16xi32>,
    %get3A_1060 = vector.shape_cast %get3A_1059 : vector<16xi32> to vector<16xi32>
    %swap3A_1061 = arith.constant 0 : i32
    %swap3A_1062 = arith.index_cast %swap3A_1061 : i32 to index
    %swap3A_1063 = arith.constant 32 : index
    %swap3A_1064 = tpu.vector_load %arg6[%swap3A_1062, %swap3A_1063] {strides = array<i32>} : memref<8x128xi32, #tpu.memory_space<vmem>>, vector<1x16xi32>,
    %swap3A_1065 = vector.shape_cast %swap3A_1064 : vector<1x16xi32> to vector<16xi32>
    %swap3A_1066 = vector.shape_cast %get3A_1060 : vector<16xi32> to vector<1x16xi32>
    tpu.vector_store %arg6[%swap3A_1062, %swap3A_1063], %swap3A_1066 {strides = array<i32>} : memref<8x128xi32, #tpu.memory_space<vmem>>, vector<1x16xi32>,
    %get3A_1067 = arith.constant 48 : index
    %get3A_1068 = tpu.vector_load %arg5[%get3A_1067] {strides = array<i32>} : memref<1024xi32, #tpu.memory_space<vmem>>, vector<16xi32>,
    %get3A_1069 = vector.shape_cast %get3A_1068 : vector<16xi32> to vector<16xi32>
    %swap3A_1070 = arith.constant 0 : i32
    %swap3A_1071 = arith.index_cast %swap3A_1070 : i32 to index
    %swap3A_1072 = arith.constant 48 : index
    %swap3A_1073 = tpu.vector_load %arg6[%swap3A_1071, %swap3A_1072] {strides = array<i32>} : memref<8x128xi32, #tpu.memory_space<vmem>>, vector<1x16xi32>,
    %swap3A_1074 = vector.shape_cast %swap3A_1073 : vector<1x16xi32> to vector<16xi32>
    %swap3A_1075 = vector.shape_cast %get3A_1069 : vector<16xi32> to vector<1x16xi32>
    tpu.vector_store %arg6[%swap3A_1071, %swap3A_1072], %swap3A_1075 {strides = array<i32>} : memref<8x128xi32, #tpu.memory_space<vmem>>, vector<1x16xi32>,
    %get3A_1076 = arith.constant 64 : index
    %get3A_1077 = tpu.vector_load %arg5[%get3A_1076] {strides = array<i32>} : memref<1024xi32, #tpu.memory_space<vmem>>, vector<16xi32>,
    %get3A_1078 = vector.shape_cast %get3A_1077 : vector<16xi32> to vector<16xi32>
    %swap3A_1079 = arith.constant 0 : i32
    %swap3A_1080 = arith.index_cast %swap3A_1079 : i32 to index
    %swap3A_1081 = arith.constant 64 : index
    %swap3A_1082 = tpu.vector_load %arg6[%swap3A_1080, %swap3A_1081] {strides = array<i32>} : memref<8x128xi32, #tpu.memory_space<vmem>>, vector<1x16xi32>,
    %swap3A_1083 = vector.shape_cast %swap3A_1082 : vector<1x16xi32> to vector<16xi32>
    %swap3A_1084 = vector.shape_cast %get3A_1078 : vector<16xi32> to vector<1x16xi32>
    tpu.vector_store %arg6[%swap3A_1080, %swap3A_1081], %swap3A_1084 {strides = array<i32>} : memref<8x128xi32, #tpu.memory_space<vmem>>, vector<1x16xi32>,
    %get3A_1085 = arith.constant 80 : index
    %get3A_1086 = tpu.vector_load %arg5[%get3A_1085] {strides = array<i32>} : memref<1024xi32, #tpu.memory_space<vmem>>, vector<16xi32>,
    %get3A_1087 = vector.shape_cast %get3A_1086 : vector<16xi32> to vector<16xi32>
    %swap3A_1088 = arith.constant 0 : i32
    %swap3A_1089 = arith.index_cast %swap3A_1088 : i32 to index
    %swap3A_1090 = arith.constant 80 : index
    %swap3A_1091 = tpu.vector_load %arg6[%swap3A_1089, %swap3A_1090] {strides = array<i32>} : memref<8x128xi32, #tpu.memory_space<vmem>>, vector<1x16xi32>,
    %swap3A_1092 = vector.shape_cast %swap3A_1091 : vector<1x16xi32> to vector<16xi32>
    %swap3A_1093 = vector.shape_cast %get3A_1087 : vector<16xi32> to vector<1x16xi32>
    tpu.vector_store %arg6[%swap3A_1089, %swap3A_1090], %swap3A_1093 {strides = array<i32>} : memref<8x128xi32, #tpu.memory_space<vmem>>, vector<1x16xi32>,
    %get3A_1094 = arith.constant 96 : index
    %get3A_1095 = tpu.vector_load %arg5[%get3A_1094] {strides = array<i32>} : memref<1024xi32, #tpu.memory_space<vmem>>, vector<16xi32>,
    %get3A_1096 = vector.shape_cast %get3A_1095 : vector<16xi32> to vector<16xi32>
    %swap3A_1097 = arith.constant 0 : i32
    %swap3A_1098 = arith.index_cast %swap3A_1097 : i32 to index
    %swap3A_1099 = arith.constant 96 : index
    %swap3A_1100 = tpu.vector_load %arg6[%swap3A_1098, %swap3A_1099] {strides = array<i32>} : memref<8x128xi32, #tpu.memory_space<vmem>>, vector<1x16xi32>,
    %swap3A_1101 = vector.shape_cast %swap3A_1100 : vector<1x16xi32> to vector<16xi32>
    %swap3A_1102 = vector.shape_cast %get3A_1096 : vector<16xi32> to vector<1x16xi32>
    tpu.vector_store %arg6[%swap3A_1098, %swap3A_1099], %swap3A_1102 {strides = array<i32>} : memref<8x128xi32, #tpu.memory_space<vmem>>, vector<1x16xi32>,
    %get3A_1103 = arith.constant 112 : index
    %get3A_1104 = tpu.vector_load %arg5[%get3A_1103] {strides = array<i32>} : memref<1024xi32, #tpu.memory_space<vmem>>, vector<16xi32>,
    %get3A_1105 = vector.shape_cast %get3A_1104 : vector<16xi32> to vector<16xi32>
    %swap3A_1106 = arith.constant 0 : i32
    %swap3A_1107 = arith.index_cast %swap3A_1106 : i32 to index
    %swap3A_1108 = arith.constant 112 : index
    %swap3A_1109 = tpu.vector_load %arg6[%swap3A_1107, %swap3A_1108] {strides = array<i32>} : memref<8x128xi32, #tpu.memory_space<vmem>>, vector<1x16xi32>,
    %swap3A_1110 = vector.shape_cast %swap3A_1109 : vector<1x16xi32> to vector<16xi32>
    %swap3A_1111 = vector.shape_cast %get3A_1105 : vector<16xi32> to vector<1x16xi32>
    tpu.vector_store %arg6[%swap3A_1107, %swap3A_1108], %swap3A_1111 {strides = array<i32>} : memref<8x128xi32, #tpu.memory_space<vmem>>, vector<1x16xi32>,
    %get3A_1112 = arith.constant 128 : index
    %get3A_1113 = tpu.vector_load %arg5[%get3A_1112] {strides = array<i32>} : memref<1024xi32, #tpu.memory_space<vmem>>, vector<16xi32>,
    %get3A_1114 = vector.shape_cast %get3A_1113 : vector<16xi32> to vector<16xi32>
    %swap3A_1115 = arith.constant 1 : i32
    %swap3A_1116 = arith.index_cast %swap3A_1115 : i32 to index
    %swap3A_1117 = arith.constant 0 : index
    %swap3A_1118 = tpu.vector_load %arg6[%swap3A_1116, %swap3A_1117] {strides = array<i32>} : memref<8x128xi32, #tpu.memory_space<vmem>>, vector<1x16xi32>,
    %swap3A_1119 = vector.shape_cast %swap3A_1118 : vector<1x16xi32> to vector<16xi32>
    %swap3A_1120 = vector.shape_cast %get3A_1114 : vector<16xi32> to vector<1x16xi32>
    tpu.vector_store %arg6[%swap3A_1116, %swap3A_1117], %swap3A_1120 {strides = array<i32>} : memref<8x128xi32, #tpu.memory_space<vmem>>, vector<1x16xi32>,
    %get3A_1121 = arith.constant 144 : index
    %get3A_1122 = tpu.vector_load %arg5[%get3A_1121] {strides = array<i32>} : memref<1024xi32, #tpu.memory_space<vmem>>, vector<16xi32>,
    %get3A_1123 = vector.shape_cast %get3A_1122 : vector<16xi32> to vector<16xi32>
    %swap3A_1124 = arith.constant 1 : i32
    %swap3A_1125 = arith.index_cast %swap3A_1124 : i32 to index
    %swap3A_1126 = arith.constant 16 : index
    %swap3A_1127 = tpu.vector_load %arg6[%swap3A_1125, %swap3A_1126] {strides = array<i32>} : memref<8x128xi32, #tpu.memory_space<vmem>>, vector<1x16xi32>,
    %swap3A_1128 = vector.shape_cast %swap3A_1127 : vector<1x16xi32> to vector<16xi32>
    %swap3A_1129 = vector.shape_cast %get3A_1123 : vector<16xi32> to vector<1x16xi32>
    tpu.vector_store %arg6[%swap3A_1125, %swap3A_1126], %swap3A_1129 {strides = array<i32>} : memref<8x128xi32, #tpu.memory_space<vmem>>, vector<1x16xi32>,
    %get3A_1130 = arith.constant 160 : index
    %get3A_1131 = tpu.vector_load %arg5[%get3A_1130] {strides = array<i32>} : memref<1024xi32, #tpu.memory_space<vmem>>, vector<16xi32>,
    %get3A_1132 = vector.shape_cast %get3A_1131 : vector<16xi32> to vector<16xi32>
    %swap3A_1133 = arith.constant 1 : i32
    %swap3A_1134 = arith.index_cast %swap3A_1133 : i32 to index
    %swap3A_1135 = arith.constant 32 : index
    %swap3A_1136 = tpu.vector_load %arg6[%swap3A_1134, %swap3A_1135] {strides = array<i32>} : memref<8x128xi32, #tpu.memory_space<vmem>>, vector<1x16xi32>,
    %swap3A_1137 = vector.shape_cast %swap3A_1136 : vector<1x16xi32> to vector<16xi32>
    %swap3A_1138 = vector.shape_cast %get3A_1132 : vector<16xi32> to vector<1x16xi32>
    tpu.vector_store %arg6[%swap3A_1134, %swap3A_1135], %swap3A_1138 {strides = array<i32>} : memref<8x128xi32, #tpu.memory_space<vmem>>, vector<1x16xi32>,
    %get3A_1139 = arith.constant 176 : index
    %get3A_1140 = tpu.vector_load %arg5[%get3A_1139] {strides = array<i32>} : memref<1024xi32, #tpu.memory_space<vmem>>, vector<16xi32>,
    %get3A_1141 = vector.shape_cast %get3A_1140 : vector<16xi32> to vector<16xi32>
    %swap3A_1142 = arith.constant 1 : i32
    %swap3A_1143 = arith.index_cast %swap3A_1142 : i32 to index
    %swap3A_1144 = arith.constant 48 : index
    %swap3A_1145 = tpu.vector_load %arg6[%swap3A_1143, %swap3A_1144] {strides = array<i32>} : memref<8x128xi32, #tpu.memory_space<vmem>>, vector<1x16xi32>,
    %swap3A_1146 = vector.shape_cast %swap3A_1145 : vector<1x16xi32> to vector<16xi32>
    %swap3A_1147 = vector.shape_cast %get3A_1141 : vector<16xi32> to vector<1x16xi32>
    tpu.vector_store %arg6[%swap3A_1143, %swap3A_1144], %swap3A_1147 {strides = array<i32>} : memref<8x128xi32, #tpu.memory_space<vmem>>, vector<1x16xi32>,
    %get3A_1148 = arith.constant 192 : index
    %get3A_1149 = tpu.vector_load %arg5[%get3A_1148] {strides = array<i32>} : memref<1024xi32, #tpu.memory_space<vmem>>, vector<16xi32>,
    %get3A_1150 = vector.shape_cast %get3A_1149 : vector<16xi32> to vector<16xi32>
    %swap3A_1151 = arith.constant 1 : i32
    %swap3A_1152 = arith.index_cast %swap3A_1151 : i32 to index
    %swap3A_1153 = arith.constant 64 : index
    %swap3A_1154 = tpu.vector_load %arg6[%swap3A_1152, %swap3A_1153] {strides = array<i32>} : memref<8x128xi32, #tpu.memory_space<vmem>>, vector<1x16xi32>,
    %swap3A_1155 = vector.shape_cast %swap3A_1154 : vector<1x16xi32> to vector<16xi32>
    %swap3A_1156 = vector.shape_cast %get3A_1150 : vector<16xi32> to vector<1x16xi32>
    tpu.vector_store %arg6[%swap3A_1152, %swap3A_1153], %swap3A_1156 {strides = array<i32>} : memref<8x128xi32, #tpu.memory_space<vmem>>, vector<1x16xi32>,
    %get3A_1157 = arith.constant 208 : index
    %get3A_1158 = tpu.vector_load %arg5[%get3A_1157] {strides = array<i32>} : memref<1024xi32, #tpu.memory_space<vmem>>, vector<16xi32>,
    %get3A_1159 = vector.shape_cast %get3A_1158 : vector<16xi32> to vector<16xi32>
    %swap3A_1160 = arith.constant 1 : i32
    %swap3A_1161 = arith.index_cast %swap3A_1160 : i32 to index
    %swap3A_1162 = arith.constant 80 : index
    %swap3A_1163 = tpu.vector_load %arg6[%swap3A_1161, %swap3A_1162] {strides = array<i32>} : memref<8x128xi32, #tpu.memory_space<vmem>>, vector<1x16xi32>,
    %swap3A_1164 = vector.shape_cast %swap3A_1163 : vector<1x16xi32> to vector<16xi32>
    %swap3A_1165 = vector.shape_cast %get3A_1159 : vector<16xi32> to vector<1x16xi32>
    tpu.vector_store %arg6[%swap3A_1161, %swap3A_1162], %swap3A_1165 {strides = array<i32>} : memref<8x128xi32, #tpu.memory_space<vmem>>, vector<1x16xi32>,
    %get3A_1166 = arith.constant 224 : index
    %get3A_1167 = tpu.vector_load %arg5[%get3A_1166] {strides = array<i32>} : memref<1024xi32, #tpu.memory_space<vmem>>, vector<16xi32>,
    %get3A_1168 = vector.shape_cast %get3A_1167 : vector<16xi32> to vector<16xi32>
    %swap3A_1169 = arith.constant 1 : i32
    %swap3A_1170 = arith.index_cast %swap3A_1169 : i32 to index
    %swap3A_1171 = arith.constant 96 : index
    %swap3A_1172 = tpu.vector_load %arg6[%swap3A_1170, %swap3A_1171] {strides = array<i32>} : memref<8x128xi32, #tpu.memory_space<vmem>>, vector<1x16xi32>,
    %swap3A_1173 = vector.shape_cast %swap3A_1172 : vector<1x16xi32> to vector<16xi32>
    %swap3A_1174 = vector.shape_cast %get3A_1168 : vector<16xi32> to vector<1x16xi32>
    tpu.vector_store %arg6[%swap3A_1170, %swap3A_1171], %swap3A_1174 {strides = array<i32>} : memref<8x128xi32, #tpu.memory_space<vmem>>, vector<1x16xi32>,
    %get3A_1175 = arith.constant 240 : index
    %get3A_1176 = tpu.vector_load %arg5[%get3A_1175] {strides = array<i32>} : memref<1024xi32, #tpu.memory_space<vmem>>, vector<16xi32>,
    %get3A_1177 = vector.shape_cast %get3A_1176 : vector<16xi32> to vector<16xi32>
    %swap3A_1178 = arith.constant 1 : i32
    %swap3A_1179 = arith.index_cast %swap3A_1178 : i32 to index
    %swap3A_1180 = arith.constant 112 : index
    %swap3A_1181 = tpu.vector_load %arg6[%swap3A_1179, %swap3A_1180] {strides = array<i32>} : memref<8x128xi32, #tpu.memory_space<vmem>>, vector<1x16xi32>,
    %swap3A_1182 = vector.shape_cast %swap3A_1181 : vector<1x16xi32> to vector<16xi32>
    %swap3A_1183 = vector.shape_cast %get3A_1177 : vector<16xi32> to vector<1x16xi32>
    tpu.vector_store %arg6[%swap3A_1179, %swap3A_1180], %swap3A_1183 {strides = array<i32>} : memref<8x128xi32, #tpu.memory_space<vmem>>, vector<1x16xi32>,
    %get3A_1184 = arith.constant 256 : index
    %get3A_1185 = tpu.vector_load %arg5[%get3A_1184] {strides = array<i32>} : memref<1024xi32, #tpu.memory_space<vmem>>, vector<16xi32>,
    %get3A_1186 = vector.shape_cast %get3A_1185 : vector<16xi32> to vector<16xi32>
    %swap3A_1187 = arith.constant 2 : i32
    %swap3A_1188 = arith.index_cast %swap3A_1187 : i32 to index
    %swap3A_1189 = arith.constant 0 : index
    %swap3A_1190 = tpu.vector_load %arg6[%swap3A_1188, %swap3A_1189] {strides = array<i32>} : memref<8x128xi32, #tpu.memory_space<vmem>>, vector<1x16xi32>,
    %swap3A_1191 = vector.shape_cast %swap3A_1190 : vector<1x16xi32> to vector<16xi32>
    %swap3A_1192 = vector.shape_cast %get3A_1186 : vector<16xi32> to vector<1x16xi32>
    tpu.vector_store %arg6[%swap3A_1188, %swap3A_1189], %swap3A_1192 {strides = array<i32>} : memref<8x128xi32, #tpu.memory_space<vmem>>, vector<1x16xi32>,
    %get3A_1193 = arith.constant 272 : index
    %get3A_1194 = tpu.vector_load %arg5[%get3A_1193] {strides = array<i32>} : memref<1024xi32, #tpu.memory_space<vmem>>, vector<16xi32>,
    %get3A_1195 = vector.shape_cast %get3A_1194 : vector<16xi32> to vector<16xi32>
    %swap3A_1196 = arith.constant 2 : i32
    %swap3A_1197 = arith.index_cast %swap3A_1196 : i32 to index
    %swap3A_1198 = arith.constant 16 : index
    %swap3A_1199 = tpu.vector_load %arg6[%swap3A_1197, %swap3A_1198] {strides = array<i32>} : memref<8x128xi32, #tpu.memory_space<vmem>>, vector<1x16xi32>,
    %swap3A_1200 = vector.shape_cast %swap3A_1199 : vector<1x16xi32> to vector<16xi32>
    %swap3A_1201 = vector.shape_cast %get3A_1195 : vector<16xi32> to vector<1x16xi32>
    tpu.vector_store %arg6[%swap3A_1197, %swap3A_1198], %swap3A_1201 {strides = array<i32>} : memref<8x128xi32, #tpu.memory_space<vmem>>, vector<1x16xi32>,
    %get3A_1202 = arith.constant 288 : index
    %get3A_1203 = tpu.vector_load %arg5[%get3A_1202] {strides = array<i32>} : memref<1024xi32, #tpu.memory_space<vmem>>, vector<16xi32>,
    %get3A_1204 = vector.shape_cast %get3A_1203 : vector<16xi32> to vector<16xi32>
    %swap3A_1205 = arith.constant 2 : i32
    %swap3A_1206 = arith.index_cast %swap3A_1205 : i32 to index
    %swap3A_1207 = arith.constant 32 : index
    %swap3A_1208 = tpu.vector_load %arg6[%swap3A_1206, %swap3A_1207] {strides = array<i32>} : memref<8x128xi32, #tpu.memory_space<vmem>>, vector<1x16xi32>,
    %swap3A_1209 = vector.shape_cast %swap3A_1208 : vector<1x16xi32> to vector<16xi32>
    %swap3A_1210 = vector.shape_cast %get3A_1204 : vector<16xi32> to vector<1x16xi32>
    tpu.vector_store %arg6[%swap3A_1206, %swap3A_1207], %swap3A_1210 {strides = array<i32>} : memref<8x128xi32, #tpu.memory_space<vmem>>, vector<1x16xi32>,
    %get3A_1211 = arith.constant 304 : index
    %get3A_1212 = tpu.vector_load %arg5[%get3A_1211] {strides = array<i32>} : memref<1024xi32, #tpu.memory_space<vmem>>, vector<16xi32>,
    %get3A_1213 = vector.shape_cast %get3A_1212 : vector<16xi32> to vector<16xi32>
    %swap3A_1214 = arith.constant 2 : i32
    %swap3A_1215 = arith.index_cast %swap3A_1214 : i32 to index
    %swap3A_1216 = arith.constant 48 : index
    %swap3A_1217 = tpu.vector_load %arg6[%swap3A_1215, %swap3A_1216] {strides = array<i32>} : memref<8x128xi32, #tpu.memory_space<vmem>>, vector<1x16xi32>,
    %swap3A_1218 = vector.shape_cast %swap3A_1217 : vector<1x16xi32> to vector<16xi32>
    %swap3A_1219 = vector.shape_cast %get3A_1213 : vector<16xi32> to vector<1x16xi32>
    tpu.vector_store %arg6[%swap3A_1215, %swap3A_1216], %swap3A_1219 {strides = array<i32>} : memref<8x128xi32, #tpu.memory_space<vmem>>, vector<1x16xi32>,
    %get3A_1220 = arith.constant 320 : index
    %get3A_1221 = tpu.vector_load %arg5[%get3A_1220] {strides = array<i32>} : memref<1024xi32, #tpu.memory_space<vmem>>, vector<16xi32>,
    %get3A_1222 = vector.shape_cast %get3A_1221 : vector<16xi32> to vector<16xi32>
    %swap3A_1223 = arith.constant 2 : i32
    %swap3A_1224 = arith.index_cast %swap3A_1223 : i32 to index
    %swap3A_1225 = arith.constant 64 : index
    %swap3A_1226 = tpu.vector_load %arg6[%swap3A_1224, %swap3A_1225] {strides = array<i32>} : memref<8x128xi32, #tpu.memory_space<vmem>>, vector<1x16xi32>,
    %swap3A_1227 = vector.shape_cast %swap3A_1226 : vector<1x16xi32> to vector<16xi32>
    %swap3A_1228 = vector.shape_cast %get3A_1222 : vector<16xi32> to vector<1x16xi32>
    tpu.vector_store %arg6[%swap3A_1224, %swap3A_1225], %swap3A_1228 {strides = array<i32>} : memref<8x128xi32, #tpu.memory_space<vmem>>, vector<1x16xi32>,
    %get3A_1229 = arith.constant 336 : index
    %get3A_1230 = tpu.vector_load %arg5[%get3A_1229] {strides = array<i32>} : memref<1024xi32, #tpu.memory_space<vmem>>, vector<16xi32>,
    %get3A_1231 = vector.shape_cast %get3A_1230 : vector<16xi32> to vector<16xi32>
    %swap3A_1232 = arith.constant 2 : i32
    %swap3A_1233 = arith.index_cast %swap3A_1232 : i32 to index
    %swap3A_1234 = arith.constant 80 : index
    %swap3A_1235 = tpu.vector_load %arg6[%swap3A_1233, %swap3A_1234] {strides = array<i32>} : memref<8x128xi32, #tpu.memory_space<vmem>>, vector<1x16xi32>,
    %swap3A_1236 = vector.shape_cast %swap3A_1235 : vector<1x16xi32> to vector<16xi32>
    %swap3A_1237 = vector.shape_cast %get3A_1231 : vector<16xi32> to vector<1x16xi32>
    tpu.vector_store %arg6[%swap3A_1233, %swap3A_1234], %swap3A_1237 {strides = array<i32>} : memref<8x128xi32, #tpu.memory_space<vmem>>, vector<1x16xi32>,
    %get3A_1238 = arith.constant 352 : index
    %get3A_1239 = tpu.vector_load %arg5[%get3A_1238] {strides = array<i32>} : memref<1024xi32, #tpu.memory_space<vmem>>, vector<16xi32>,
    %get3A_1240 = vector.shape_cast %get3A_1239 : vector<16xi32> to vector<16xi32>
    %swap3A_1241 = arith.constant 2 : i32
    %swap3A_1242 = arith.index_cast %swap3A_1241 : i32 to index
    %swap3A_1243 = arith.constant 96 : index
    %swap3A_1244 = tpu.vector_load %arg6[%swap3A_1242, %swap3A_1243] {strides = array<i32>} : memref<8x128xi32, #tpu.memory_space<vmem>>, vector<1x16xi32>,
    %swap3A_1245 = vector.shape_cast %swap3A_1244 : vector<1x16xi32> to vector<16xi32>
    %swap3A_1246 = vector.shape_cast %get3A_1240 : vector<16xi32> to vector<1x16xi32>
    tpu.vector_store %arg6[%swap3A_1242, %swap3A_1243], %swap3A_1246 {strides = array<i32>} : memref<8x128xi32, #tpu.memory_space<vmem>>, vector<1x16xi32>,
    %get3A_1247 = arith.constant 368 : index
    %get3A_1248 = tpu.vector_load %arg5[%get3A_1247] {strides = array<i32>} : memref<1024xi32, #tpu.memory_space<vmem>>, vector<16xi32>,
    %get3A_1249 = vector.shape_cast %get3A_1248 : vector<16xi32> to vector<16xi32>
    %swap3A_1250 = arith.constant 2 : i32
    %swap3A_1251 = arith.index_cast %swap3A_1250 : i32 to index
    %swap3A_1252 = arith.constant 112 : index
    %swap3A_1253 = tpu.vector_load %arg6[%swap3A_1251, %swap3A_1252] {strides = array<i32>} : memref<8x128xi32, #tpu.memory_space<vmem>>, vector<1x16xi32>,
    %swap3A_1254 = vector.shape_cast %swap3A_1253 : vector<1x16xi32> to vector<16xi32>
    %swap3A_1255 = vector.shape_cast %get3A_1249 : vector<16xi32> to vector<1x16xi32>
    tpu.vector_store %arg6[%swap3A_1251, %swap3A_1252], %swap3A_1255 {strides = array<i32>} : memref<8x128xi32, #tpu.memory_space<vmem>>, vector<1x16xi32>,
    %get3A_1256 = arith.constant 384 : index
    %get3A_1257 = tpu.vector_load %arg5[%get3A_1256] {strides = array<i32>} : memref<1024xi32, #tpu.memory_space<vmem>>, vector<16xi32>,
    %get3A_1258 = vector.shape_cast %get3A_1257 : vector<16xi32> to vector<16xi32>
    %swap3A_1259 = arith.constant 3 : i32
    %swap3A_1260 = arith.index_cast %swap3A_1259 : i32 to index
    %swap3A_1261 = arith.constant 0 : index
    %swap3A_1262 = tpu.vector_load %arg6[%swap3A_1260, %swap3A_1261] {strides = array<i32>} : memref<8x128xi32, #tpu.memory_space<vmem>>, vector<1x16xi32>,
    %swap3A_1263 = vector.shape_cast %swap3A_1262 : vector<1x16xi32> to vector<16xi32>
    %swap3A_1264 = vector.shape_cast %get3A_1258 : vector<16xi32> to vector<1x16xi32>
    tpu.vector_store %arg6[%swap3A_1260, %swap3A_1261], %swap3A_1264 {strides = array<i32>} : memref<8x128xi32, #tpu.memory_space<vmem>>, vector<1x16xi32>,
    %get3A_1265 = arith.constant 400 : index
    %get3A_1266 = tpu.vector_load %arg5[%get3A_1265] {strides = array<i32>} : memref<1024xi32, #tpu.memory_space<vmem>>, vector<16xi32>,
    %get3A_1267 = vector.shape_cast %get3A_1266 : vector<16xi32> to vector<16xi32>
    %swap3A_1268 = arith.constant 3 : i32
    %swap3A_1269 = arith.index_cast %swap3A_1268 : i32 to index
    %swap3A_1270 = arith.constant 16 : index
    %swap3A_1271 = tpu.vector_load %arg6[%swap3A_1269, %swap3A_1270] {strides = array<i32>} : memref<8x128xi32, #tpu.memory_space<vmem>>, vector<1x16xi32>,
    %swap3A_1272 = vector.shape_cast %swap3A_1271 : vector<1x16xi32> to vector<16xi32>
    %swap3A_1273 = vector.shape_cast %get3A_1267 : vector<16xi32> to vector<1x16xi32>
    tpu.vector_store %arg6[%swap3A_1269, %swap3A_1270], %swap3A_1273 {strides = array<i32>} : memref<8x128xi32, #tpu.memory_space<vmem>>, vector<1x16xi32>,
    %get3A_1274 = arith.constant 416 : index
    %get3A_1275 = tpu.vector_load %arg5[%get3A_1274] {strides = array<i32>} : memref<1024xi32, #tpu.memory_space<vmem>>, vector<16xi32>,
    %get3A_1276 = vector.shape_cast %get3A_1275 : vector<16xi32> to vector<16xi32>
    %swap3A_1277 = arith.constant 3 : i32
    %swap3A_1278 = arith.index_cast %swap3A_1277 : i32 to index
    %swap3A_1279 = arith.constant 32 : index
    %swap3A_1280 = tpu.vector_load %arg6[%swap3A_1278, %swap3A_1279] {strides = array<i32>} : memref<8x128xi32, #tpu.memory_space<vmem>>, vector<1x16xi32>,
    %swap3A_1281 = vector.shape_cast %swap3A_1280 : vector<1x16xi32> to vector<16xi32>
    %swap3A_1282 = vector.shape_cast %get3A_1276 : vector<16xi32> to vector<1x16xi32>
    tpu.vector_store %arg6[%swap3A_1278, %swap3A_1279], %swap3A_1282 {strides = array<i32>} : memref<8x128xi32, #tpu.memory_space<vmem>>, vector<1x16xi32>,
    %get3A_1283 = arith.constant 432 : index
    %get3A_1284 = tpu.vector_load %arg5[%get3A_1283] {strides = array<i32>} : memref<1024xi32, #tpu.memory_space<vmem>>, vector<16xi32>,
    %get3A_1285 = vector.shape_cast %get3A_1284 : vector<16xi32> to vector<16xi32>
    %swap3A_1286 = arith.constant 3 : i32
    %swap3A_1287 = arith.index_cast %swap3A_1286 : i32 to index
    %swap3A_1288 = arith.constant 48 : index
    %swap3A_1289 = tpu.vector_load %arg6[%swap3A_1287, %swap3A_1288] {strides = array<i32>} : memref<8x128xi32, #tpu.memory_space<vmem>>, vector<1x16xi32>,
    %swap3A_1290 = vector.shape_cast %swap3A_1289 : vector<1x16xi32> to vector<16xi32>
    %swap3A_1291 = vector.shape_cast %get3A_1285 : vector<16xi32> to vector<1x16xi32>
    tpu.vector_store %arg6[%swap3A_1287, %swap3A_1288], %swap3A_1291 {strides = array<i32>} : memref<8x128xi32, #tpu.memory_space<vmem>>, vector<1x16xi32>,
    %get3A_1292 = arith.constant 448 : index
    %get3A_1293 = tpu.vector_load %arg5[%get3A_1292] {strides = array<i32>} : memref<1024xi32, #tpu.memory_space<vmem>>, vector<16xi32>,
    %get3A_1294 = vector.shape_cast %get3A_1293 : vector<16xi32> to vector<16xi32>
    %swap3A_1295 = arith.constant 3 : i32
    %swap3A_1296 = arith.index_cast %swap3A_1295 : i32 to index
    %swap3A_1297 = arith.constant 64 : index
    %swap3A_1298 = tpu.vector_load %arg6[%swap3A_1296, %swap3A_1297] {strides = array<i32>} : memref<8x128xi32, #tpu.memory_space<vmem>>, vector<1x16xi32>,
    %swap3A_1299 = vector.shape_cast %swap3A_1298 : vector<1x16xi32> to vector<16xi32>
    %swap3A_1300 = vector.shape_cast %get3A_1294 : vector<16xi32> to vector<1x16xi32>
    tpu.vector_store %arg6[%swap3A_1296, %swap3A_1297], %swap3A_1300 {strides = array<i32>} : memref<8x128xi32, #tpu.memory_space<vmem>>, vector<1x16xi32>,
    %get3A_1301 = arith.constant 464 : index
    %get3A_1302 = tpu.vector_load %arg5[%get3A_1301] {strides = array<i32>} : memref<1024xi32, #tpu.memory_space<vmem>>, vector<16xi32>,
    %get3A_1303 = vector.shape_cast %get3A_1302 : vector<16xi32> to vector<16xi32>
    %swap3A_1304 = arith.constant 3 : i32
    %swap3A_1305 = arith.index_cast %swap3A_1304 : i32 to index
    %swap3A_1306 = arith.constant 80 : index
    %swap3A_1307 = tpu.vector_load %arg6[%swap3A_1305, %swap3A_1306] {strides = array<i32>} : memref<8x128xi32, #tpu.memory_space<vmem>>, vector<1x16xi32>,
    %swap3A_1308 = vector.shape_cast %swap3A_1307 : vector<1x16xi32> to vector<16xi32>
    %swap3A_1309 = vector.shape_cast %get3A_1303 : vector<16xi32> to vector<1x16xi32>
    tpu.vector_store %arg6[%swap3A_1305, %swap3A_1306], %swap3A_1309 {strides = array<i32>} : memref<8x128xi32, #tpu.memory_space<vmem>>, vector<1x16xi32>,
    %get3A_1310 = arith.constant 480 : index
    %get3A_1311 = tpu.vector_load %arg5[%get3A_1310] {strides = array<i32>} : memref<1024xi32, #tpu.memory_space<vmem>>, vector<16xi32>,
    %get3A_1312 = vector.shape_cast %get3A_1311 : vector<16xi32> to vector<16xi32>
    %swap3A_1313 = arith.constant 3 : i32
    %swap3A_1314 = arith.index_cast %swap3A_1313 : i32 to index
    %swap3A_1315 = arith.constant 96 : index
    %swap3A_1316 = tpu.vector_load %arg6[%swap3A_1314, %swap3A_1315] {strides = array<i32>} : memref<8x128xi32, #tpu.memory_space<vmem>>, vector<1x16xi32>,
    %swap3A_1317 = vector.shape_cast %swap3A_1316 : vector<1x16xi32> to vector<16xi32>
    %swap3A_1318 = vector.shape_cast %get3A_1312 : vector<16xi32> to vector<1x16xi32>
    tpu.vector_store %arg6[%swap3A_1314, %swap3A_1315], %swap3A_1318 {strides = array<i32>} : memref<8x128xi32, #tpu.memory_space<vmem>>, vector<1x16xi32>,
    %get3A_1319 = arith.constant 496 : index
    %get3A_1320 = tpu.vector_load %arg5[%get3A_1319] {strides = array<i32>} : memref<1024xi32, #tpu.memory_space<vmem>>, vector<16xi32>,
    %get3A_1321 = vector.shape_cast %get3A_1320 : vector<16xi32> to vector<16xi32>
    %swap3A_1322 = arith.constant 3 : i32
    %swap3A_1323 = arith.index_cast %swap3A_1322 : i32 to index
    %swap3A_1324 = arith.constant 112 : index
    %swap3A_1325 = tpu.vector_load %arg6[%swap3A_1323, %swap3A_1324] {strides = array<i32>} : memref<8x128xi32, #tpu.memory_space<vmem>>, vector<1x16xi32>,
    %swap3A_1326 = vector.shape_cast %swap3A_1325 : vector<1x16xi32> to vector<16xi32>
    %swap3A_1327 = vector.shape_cast %get3A_1321 : vector<16xi32> to vector<1x16xi32>
    tpu.vector_store %arg6[%swap3A_1323, %swap3A_1324], %swap3A_1327 {strides = array<i32>} : memref<8x128xi32, #tpu.memory_space<vmem>>, vector<1x16xi32>,
    %get3A_1328 = arith.constant 512 : index
    %get3A_1329 = tpu.vector_load %arg5[%get3A_1328] {strides = array<i32>} : memref<1024xi32, #tpu.memory_space<vmem>>, vector<16xi32>,
    %get3A_1330 = vector.shape_cast %get3A_1329 : vector<16xi32> to vector<16xi32>
    %swap3A_1331 = arith.constant 4 : i32
    %swap3A_1332 = arith.index_cast %swap3A_1331 : i32 to index
    %swap3A_1333 = arith.constant 0 : index
    %swap3A_1334 = tpu.vector_load %arg6[%swap3A_1332, %swap3A_1333] {strides = array<i32>} : memref<8x128xi32, #tpu.memory_space<vmem>>, vector<1x16xi32>,
    %swap3A_1335 = vector.shape_cast %swap3A_1334 : vector<1x16xi32> to vector<16xi32>
    %swap3A_1336 = vector.shape_cast %get3A_1330 : vector<16xi32> to vector<1x16xi32>
    tpu.vector_store %arg6[%swap3A_1332, %swap3A_1333], %swap3A_1336 {strides = array<i32>} : memref<8x128xi32, #tpu.memory_space<vmem>>, vector<1x16xi32>,
    %get3A_1337 = arith.constant 528 : index
    %get3A_1338 = tpu.vector_load %arg5[%get3A_1337] {strides = array<i32>} : memref<1024xi32, #tpu.memory_space<vmem>>, vector<16xi32>,
    %get3A_1339 = vector.shape_cast %get3A_1338 : vector<16xi32> to vector<16xi32>
    %swap3A_1340 = arith.constant 4 : i32
    %swap3A_1341 = arith.index_cast %swap3A_1340 : i32 to index
    %swap3A_1342 = arith.constant 16 : index
    %swap3A_1343 = tpu.vector_load %arg6[%swap3A_1341, %swap3A_1342] {strides = array<i32>} : memref<8x128xi32, #tpu.memory_space<vmem>>, vector<1x16xi32>,
    %swap3A_1344 = vector.shape_cast %swap3A_1343 : vector<1x16xi32> to vector<16xi32>
    %swap3A_1345 = vector.shape_cast %get3A_1339 : vector<16xi32> to vector<1x16xi32>
    tpu.vector_store %arg6[%swap3A_1341, %swap3A_1342], %swap3A_1345 {strides = array<i32>} : memref<8x128xi32, #tpu.memory_space<vmem>>, vector<1x16xi32>,
    %get3A_1346 = arith.constant 544 : index
    %get3A_1347 = tpu.vector_load %arg5[%get3A_1346] {strides = array<i32>} : memref<1024xi32, #tpu.memory_space<vmem>>, vector<16xi32>,
    %get3A_1348 = vector.shape_cast %get3A_1347 : vector<16xi32> to vector<16xi32>
    %swap3A_1349 = arith.constant 4 : i32
    %swap3A_1350 = arith.index_cast %swap3A_1349 : i32 to index
    %swap3A_1351 = arith.constant 32 : index
    %swap3A_1352 = tpu.vector_load %arg6[%swap3A_1350, %swap3A_1351] {strides = array<i32>} : memref<8x128xi32, #tpu.memory_space<vmem>>, vector<1x16xi32>,
    %swap3A_1353 = vector.shape_cast %swap3A_1352 : vector<1x16xi32> to vector<16xi32>
    %swap3A_1354 = vector.shape_cast %get3A_1348 : vector<16xi32> to vector<1x16xi32>
    tpu.vector_store %arg6[%swap3A_1350, %swap3A_1351], %swap3A_1354 {strides = array<i32>} : memref<8x128xi32, #tpu.memory_space<vmem>>, vector<1x16xi32>,
    %get3A_1355 = arith.constant 560 : index
    %get3A_1356 = tpu.vector_load %arg5[%get3A_1355] {strides = array<i32>} : memref<1024xi32, #tpu.memory_space<vmem>>, vector<16xi32>,
    %get3A_1357 = vector.shape_cast %get3A_1356 : vector<16xi32> to vector<16xi32>
    %swap3A_1358 = arith.constant 4 : i32
    %swap3A_1359 = arith.index_cast %swap3A_1358 : i32 to index
    %swap3A_1360 = arith.constant 48 : index
    %swap3A_1361 = tpu.vector_load %arg6[%swap3A_1359, %swap3A_1360] {strides = array<i32>} : memref<8x128xi32, #tpu.memory_space<vmem>>, vector<1x16xi32>,
    %swap3A_1362 = vector.shape_cast %swap3A_1361 : vector<1x16xi32> to vector<16xi32>
    %swap3A_1363 = vector.shape_cast %get3A_1357 : vector<16xi32> to vector<1x16xi32>
    tpu.vector_store %arg6[%swap3A_1359, %swap3A_1360], %swap3A_1363 {strides = array<i32>} : memref<8x128xi32, #tpu.memory_space<vmem>>, vector<1x16xi32>,
    %get3A_1364 = arith.constant 576 : index
    %get3A_1365 = tpu.vector_load %arg5[%get3A_1364] {strides = array<i32>} : memref<1024xi32, #tpu.memory_space<vmem>>, vector<16xi32>,
    %get3A_1366 = vector.shape_cast %get3A_1365 : vector<16xi32> to vector<16xi32>
    %swap3A_1367 = arith.constant 4 : i32
    %swap3A_1368 = arith.index_cast %swap3A_1367 : i32 to index
    %swap3A_1369 = arith.constant 64 : index
    %swap3A_1370 = tpu.vector_load %arg6[%swap3A_1368, %swap3A_1369] {strides = array<i32>} : memref<8x128xi32, #tpu.memory_space<vmem>>, vector<1x16xi32>,
    %swap3A_1371 = vector.shape_cast %swap3A_1370 : vector<1x16xi32> to vector<16xi32>
    %swap3A_1372 = vector.shape_cast %get3A_1366 : vector<16xi32> to vector<1x16xi32>
    tpu.vector_store %arg6[%swap3A_1368, %swap3A_1369], %swap3A_1372 {strides = array<i32>} : memref<8x128xi32, #tpu.memory_space<vmem>>, vector<1x16xi32>,
    %get3A_1373 = arith.constant 592 : index
    %get3A_1374 = tpu.vector_load %arg5[%get3A_1373] {strides = array<i32>} : memref<1024xi32, #tpu.memory_space<vmem>>, vector<16xi32>,
    %get3A_1375 = vector.shape_cast %get3A_1374 : vector<16xi32> to vector<16xi32>
    %swap3A_1376 = arith.constant 4 : i32
    %swap3A_1377 = arith.index_cast %swap3A_1376 : i32 to index
    %swap3A_1378 = arith.constant 80 : index
    %swap3A_1379 = tpu.vector_load %arg6[%swap3A_1377, %swap3A_1378] {strides = array<i32>} : memref<8x128xi32, #tpu.memory_space<vmem>>, vector<1x16xi32>,
    %swap3A_1380 = vector.shape_cast %swap3A_1379 : vector<1x16xi32> to vector<16xi32>
    %swap3A_1381 = vector.shape_cast %get3A_1375 : vector<16xi32> to vector<1x16xi32>
    tpu.vector_store %arg6[%swap3A_1377, %swap3A_1378], %swap3A_1381 {strides = array<i32>} : memref<8x128xi32, #tpu.memory_space<vmem>>, vector<1x16xi32>,
    %get3A_1382 = arith.constant 608 : index
    %get3A_1383 = tpu.vector_load %arg5[%get3A_1382] {strides = array<i32>} : memref<1024xi32, #tpu.memory_space<vmem>>, vector<16xi32>,
    %get3A_1384 = vector.shape_cast %get3A_1383 : vector<16xi32> to vector<16xi32>
    %swap3A_1385 = arith.constant 4 : i32
    %swap3A_1386 = arith.index_cast %swap3A_1385 : i32 to index
    %swap3A_1387 = arith.constant 96 : index
    %swap3A_1388 = tpu.vector_load %arg6[%swap3A_1386, %swap3A_1387] {strides = array<i32>} : memref<8x128xi32, #tpu.memory_space<vmem>>, vector<1x16xi32>,
    %swap3A_1389 = vector.shape_cast %swap3A_1388 : vector<1x16xi32> to vector<16xi32>
    %swap3A_1390 = vector.shape_cast %get3A_1384 : vector<16xi32> to vector<1x16xi32>
    tpu.vector_store %arg6[%swap3A_1386, %swap3A_1387], %swap3A_1390 {strides = array<i32>} : memref<8x128xi32, #tpu.memory_space<vmem>>, vector<1x16xi32>,
    %get3A_1391 = arith.constant 624 : index
    %get3A_1392 = tpu.vector_load %arg5[%get3A_1391] {strides = array<i32>} : memref<1024xi32, #tpu.memory_space<vmem>>, vector<16xi32>,
    %get3A_1393 = vector.shape_cast %get3A_1392 : vector<16xi32> to vector<16xi32>
    %swap3A_1394 = arith.constant 4 : i32
    %swap3A_1395 = arith.index_cast %swap3A_1394 : i32 to index
    %swap3A_1396 = arith.constant 112 : index
    %swap3A_1397 = tpu.vector_load %arg6[%swap3A_1395, %swap3A_1396] {strides = array<i32>} : memref<8x128xi32, #tpu.memory_space<vmem>>, vector<1x16xi32>,
    %swap3A_1398 = vector.shape_cast %swap3A_1397 : vector<1x16xi32> to vector<16xi32>
    %swap3A_1399 = vector.shape_cast %get3A_1393 : vector<16xi32> to vector<1x16xi32>
    tpu.vector_store %arg6[%swap3A_1395, %swap3A_1396], %swap3A_1399 {strides = array<i32>} : memref<8x128xi32, #tpu.memory_space<vmem>>, vector<1x16xi32>,
    %get3A_1400 = arith.constant 640 : index
    %get3A_1401 = tpu.vector_load %arg5[%get3A_1400] {strides = array<i32>} : memref<1024xi32, #tpu.memory_space<vmem>>, vector<16xi32>,
    %get3A_1402 = vector.shape_cast %get3A_1401 : vector<16xi32> to vector<16xi32>
    %swap3A_1403 = arith.constant 5 : i32
    %swap3A_1404 = arith.index_cast %swap3A_1403 : i32 to index
    %swap3A_1405 = arith.constant 0 : index
    %swap3A_1406 = tpu.vector_load %arg6[%swap3A_1404, %swap3A_1405] {strides = array<i32>} : memref<8x128xi32, #tpu.memory_space<vmem>>, vector<1x16xi32>,
    %swap3A_1407 = vector.shape_cast %swap3A_1406 : vector<1x16xi32> to vector<16xi32>
    %swap3A_1408 = vector.shape_cast %get3A_1402 : vector<16xi32> to vector<1x16xi32>
    tpu.vector_store %arg6[%swap3A_1404, %swap3A_1405], %swap3A_1408 {strides = array<i32>} : memref<8x128xi32, #tpu.memory_space<vmem>>, vector<1x16xi32>,
    %get3A_1409 = arith.constant 656 : index
    %get3A_1410 = tpu.vector_load %arg5[%get3A_1409] {strides = array<i32>} : memref<1024xi32, #tpu.memory_space<vmem>>, vector<16xi32>,
    %get3A_1411 = vector.shape_cast %get3A_1410 : vector<16xi32> to vector<16xi32>
    %swap3A_1412 = arith.constant 5 : i32
    %swap3A_1413 = arith.index_cast %swap3A_1412 : i32 to index
    %swap3A_1414 = arith.constant 16 : index
    %swap3A_1415 = tpu.vector_load %arg6[%swap3A_1413, %swap3A_1414] {strides = array<i32>} : memref<8x128xi32, #tpu.memory_space<vmem>>, vector<1x16xi32>,
    %swap3A_1416 = vector.shape_cast %swap3A_1415 : vector<1x16xi32> to vector<16xi32>
    %swap3A_1417 = vector.shape_cast %get3A_1411 : vector<16xi32> to vector<1x16xi32>
    tpu.vector_store %arg6[%swap3A_1413, %swap3A_1414], %swap3A_1417 {strides = array<i32>} : memref<8x128xi32, #tpu.memory_space<vmem>>, vector<1x16xi32>,
    %get3A_1418 = arith.constant 672 : index
    %get3A_1419 = tpu.vector_load %arg5[%get3A_1418] {strides = array<i32>} : memref<1024xi32, #tpu.memory_space<vmem>>, vector<16xi32>,
    %get3A_1420 = vector.shape_cast %get3A_1419 : vector<16xi32> to vector<16xi32>
    %swap3A_1421 = arith.constant 5 : i32
    %swap3A_1422 = arith.index_cast %swap3A_1421 : i32 to index
    %swap3A_1423 = arith.constant 32 : index
    %swap3A_1424 = tpu.vector_load %arg6[%swap3A_1422, %swap3A_1423] {strides = array<i32>} : memref<8x128xi32, #tpu.memory_space<vmem>>, vector<1x16xi32>,
    %swap3A_1425 = vector.shape_cast %swap3A_1424 : vector<1x16xi32> to vector<16xi32>
    %swap3A_1426 = vector.shape_cast %get3A_1420 : vector<16xi32> to vector<1x16xi32>
    tpu.vector_store %arg6[%swap3A_1422, %swap3A_1423], %swap3A_1426 {strides = array<i32>} : memref<8x128xi32, #tpu.memory_space<vmem>>, vector<1x16xi32>,
    %get3A_1427 = arith.constant 688 : index
    %get3A_1428 = tpu.vector_load %arg5[%get3A_1427] {strides = array<i32>} : memref<1024xi32, #tpu.memory_space<vmem>>, vector<16xi32>,
    %get3A_1429 = vector.shape_cast %get3A_1428 : vector<16xi32> to vector<16xi32>
    %swap3A_1430 = arith.constant 5 : i32
    %swap3A_1431 = arith.index_cast %swap3A_1430 : i32 to index
    %swap3A_1432 = arith.constant 48 : index
    %swap3A_1433 = tpu.vector_load %arg6[%swap3A_1431, %swap3A_1432] {strides = array<i32>} : memref<8x128xi32, #tpu.memory_space<vmem>>, vector<1x16xi32>,
    %swap3A_1434 = vector.shape_cast %swap3A_1433 : vector<1x16xi32> to vector<16xi32>
    %swap3A_1435 = vector.shape_cast %get3A_1429 : vector<16xi32> to vector<1x16xi32>
    tpu.vector_store %arg6[%swap3A_1431, %swap3A_1432], %swap3A_1435 {strides = array<i32>} : memref<8x128xi32, #tpu.memory_space<vmem>>, vector<1x16xi32>,
    %get3A_1436 = arith.constant 704 : index
    %get3A_1437 = tpu.vector_load %arg5[%get3A_1436] {strides = array<i32>} : memref<1024xi32, #tpu.memory_space<vmem>>, vector<16xi32>,
    %get3A_1438 = vector.shape_cast %get3A_1437 : vector<16xi32> to vector<16xi32>
    %swap3A_1439 = arith.constant 5 : i32
    %swap3A_1440 = arith.index_cast %swap3A_1439 : i32 to index
    %swap3A_1441 = arith.constant 64 : index
    %swap3A_1442 = tpu.vector_load %arg6[%swap3A_1440, %swap3A_1441] {strides = array<i32>} : memref<8x128xi32, #tpu.memory_space<vmem>>, vector<1x16xi32>,
    %swap3A_1443 = vector.shape_cast %swap3A_1442 : vector<1x16xi32> to vector<16xi32>
    %swap3A_1444 = vector.shape_cast %get3A_1438 : vector<16xi32> to vector<1x16xi32>
    tpu.vector_store %arg6[%swap3A_1440, %swap3A_1441], %swap3A_1444 {strides = array<i32>} : memref<8x128xi32, #tpu.memory_space<vmem>>, vector<1x16xi32>,
    %get3A_1445 = arith.constant 720 : index
    %get3A_1446 = tpu.vector_load %arg5[%get3A_1445] {strides = array<i32>} : memref<1024xi32, #tpu.memory_space<vmem>>, vector<16xi32>,
    %get3A_1447 = vector.shape_cast %get3A_1446 : vector<16xi32> to vector<16xi32>
    %swap3A_1448 = arith.constant 5 : i32
    %swap3A_1449 = arith.index_cast %swap3A_1448 : i32 to index
    %swap3A_1450 = arith.constant 80 : index
    %swap3A_1451 = tpu.vector_load %arg6[%swap3A_1449, %swap3A_1450] {strides = array<i32>} : memref<8x128xi32, #tpu.memory_space<vmem>>, vector<1x16xi32>,
    %swap3A_1452 = vector.shape_cast %swap3A_1451 : vector<1x16xi32> to vector<16xi32>
    %swap3A_1453 = vector.shape_cast %get3A_1447 : vector<16xi32> to vector<1x16xi32>
    tpu.vector_store %arg6[%swap3A_1449, %swap3A_1450], %swap3A_1453 {strides = array<i32>} : memref<8x128xi32, #tpu.memory_space<vmem>>, vector<1x16xi32>,
    %get3A_1454 = arith.constant 736 : index
    %get3A_1455 = tpu.vector_load %arg5[%get3A_1454] {strides = array<i32>} : memref<1024xi32, #tpu.memory_space<vmem>>, vector<16xi32>,
    %get3A_1456 = vector.shape_cast %get3A_1455 : vector<16xi32> to vector<16xi32>
    %swap3A_1457 = arith.constant 5 : i32
    %swap3A_1458 = arith.index_cast %swap3A_1457 : i32 to index
    %swap3A_1459 = arith.constant 96 : index
    %swap3A_1460 = tpu.vector_load %arg6[%swap3A_1458, %swap3A_1459] {strides = array<i32>} : memref<8x128xi32, #tpu.memory_space<vmem>>, vector<1x16xi32>,
    %swap3A_1461 = vector.shape_cast %swap3A_1460 : vector<1x16xi32> to vector<16xi32>
    %swap3A_1462 = vector.shape_cast %get3A_1456 : vector<16xi32> to vector<1x16xi32>
    tpu.vector_store %arg6[%swap3A_1458, %swap3A_1459], %swap3A_1462 {strides = array<i32>} : memref<8x128xi32, #tpu.memory_space<vmem>>, vector<1x16xi32>,
    %get3A_1463 = arith.constant 752 : index
    %get3A_1464 = tpu.vector_load %arg5[%get3A_1463] {strides = array<i32>} : memref<1024xi32, #tpu.memory_space<vmem>>, vector<16xi32>,
    %get3A_1465 = vector.shape_cast %get3A_1464 : vector<16xi32> to vector<16xi32>
    %swap3A_1466 = arith.constant 5 : i32
    %swap3A_1467 = arith.index_cast %swap3A_1466 : i32 to index
    %swap3A_1468 = arith.constant 112 : index
    %swap3A_1469 = tpu.vector_load %arg6[%swap3A_1467, %swap3A_1468] {strides = array<i32>} : memref<8x128xi32, #tpu.memory_space<vmem>>, vector<1x16xi32>,
    %swap3A_1470 = vector.shape_cast %swap3A_1469 : vector<1x16xi32> to vector<16xi32>
    %swap3A_1471 = vector.shape_cast %get3A_1465 : vector<16xi32> to vector<1x16xi32>
    tpu.vector_store %arg6[%swap3A_1467, %swap3A_1468], %swap3A_1471 {strides = array<i32>} : memref<8x128xi32, #tpu.memory_space<vmem>>, vector<1x16xi32>,
    %get3A_1472 = arith.constant 768 : index
    %get3A_1473 = tpu.vector_load %arg5[%get3A_1472] {strides = array<i32>} : memref<1024xi32, #tpu.memory_space<vmem>>, vector<16xi32>,
    %get3A_1474 = vector.shape_cast %get3A_1473 : vector<16xi32> to vector<16xi32>
    %swap3A_1475 = arith.constant 6 : i32
    %swap3A_1476 = arith.index_cast %swap3A_1475 : i32 to index
    %swap3A_1477 = arith.constant 0 : index
    %swap3A_1478 = tpu.vector_load %arg6[%swap3A_1476, %swap3A_1477] {strides = array<i32>} : memref<8x128xi32, #tpu.memory_space<vmem>>, vector<1x16xi32>,
    %swap3A_1479 = vector.shape_cast %swap3A_1478 : vector<1x16xi32> to vector<16xi32>
    %swap3A_1480 = vector.shape_cast %get3A_1474 : vector<16xi32> to vector<1x16xi32>
    tpu.vector_store %arg6[%swap3A_1476, %swap3A_1477], %swap3A_1480 {strides = array<i32>} : memref<8x128xi32, #tpu.memory_space<vmem>>, vector<1x16xi32>,
    %get3A_1481 = arith.constant 784 : index
    %get3A_1482 = tpu.vector_load %arg5[%get3A_1481] {strides = array<i32>} : memref<1024xi32, #tpu.memory_space<vmem>>, vector<16xi32>,
    %get3A_1483 = vector.shape_cast %get3A_1482 : vector<16xi32> to vector<16xi32>
    %swap3A_1484 = arith.constant 6 : i32
    %swap3A_1485 = arith.index_cast %swap3A_1484 : i32 to index
    %swap3A_1486 = arith.constant 16 : index
    %swap3A_1487 = tpu.vector_load %arg6[%swap3A_1485, %swap3A_1486] {strides = array<i32>} : memref<8x128xi32, #tpu.memory_space<vmem>>, vector<1x16xi32>,
    %swap3A_1488 = vector.shape_cast %swap3A_1487 : vector<1x16xi32> to vector<16xi32>
    %swap3A_1489 = vector.shape_cast %get3A_1483 : vector<16xi32> to vector<1x16xi32>
    tpu.vector_store %arg6[%swap3A_1485, %swap3A_1486], %swap3A_1489 {strides = array<i32>} : memref<8x128xi32, #tpu.memory_space<vmem>>, vector<1x16xi32>,
    %get3A_1490 = arith.constant 800 : index
    %get3A_1491 = tpu.vector_load %arg5[%get3A_1490] {strides = array<i32>} : memref<1024xi32, #tpu.memory_space<vmem>>, vector<16xi32>,
    %get3A_1492 = vector.shape_cast %get3A_1491 : vector<16xi32> to vector<16xi32>
    %swap3A_1493 = arith.constant 6 : i32
    %swap3A_1494 = arith.index_cast %swap3A_1493 : i32 to index
    %swap3A_1495 = arith.constant 32 : index
    %swap3A_1496 = tpu.vector_load %arg6[%swap3A_1494, %swap3A_1495] {strides = array<i32>} : memref<8x128xi32, #tpu.memory_space<vmem>>, vector<1x16xi32>,
    %swap3A_1497 = vector.shape_cast %swap3A_1496 : vector<1x16xi32> to vector<16xi32>
    %swap3A_1498 = vector.shape_cast %get3A_1492 : vector<16xi32> to vector<1x16xi32>
    tpu.vector_store %arg6[%swap3A_1494, %swap3A_1495], %swap3A_1498 {strides = array<i32>} : memref<8x128xi32, #tpu.memory_space<vmem>>, vector<1x16xi32>,
    %get3A_1499 = arith.constant 816 : index
    %get3A_1500 = tpu.vector_load %arg5[%get3A_1499] {strides = array<i32>} : memref<1024xi32, #tpu.memory_space<vmem>>, vector<16xi32>,
    %get3A_1501 = vector.shape_cast %get3A_1500 : vector<16xi32> to vector<16xi32>
    %swap3A_1502 = arith.constant 6 : i32
    %swap3A_1503 = arith.index_cast %swap3A_1502 : i32 to index
    %swap3A_1504 = arith.constant 48 : index
    %swap3A_1505 = tpu.vector_load %arg6[%swap3A_1503, %swap3A_1504] {strides = array<i32>} : memref<8x128xi32, #tpu.memory_space<vmem>>, vector<1x16xi32>,
    %swap3A_1506 = vector.shape_cast %swap3A_1505 : vector<1x16xi32> to vector<16xi32>
    %swap3A_1507 = vector.shape_cast %get3A_1501 : vector<16xi32> to vector<1x16xi32>
    tpu.vector_store %arg6[%swap3A_1503, %swap3A_1504], %swap3A_1507 {strides = array<i32>} : memref<8x128xi32, #tpu.memory_space<vmem>>, vector<1x16xi32>,
    %get3A_1508 = arith.constant 832 : index
    %get3A_1509 = tpu.vector_load %arg5[%get3A_1508] {strides = array<i32>} : memref<1024xi32, #tpu.memory_space<vmem>>, vector<16xi32>,
    %get3A_1510 = vector.shape_cast %get3A_1509 : vector<16xi32> to vector<16xi32>
    %swap3A_1511 = arith.constant 6 : i32
    %swap3A_1512 = arith.index_cast %swap3A_1511 : i32 to index
    %swap3A_1513 = arith.constant 64 : index
    %swap3A_1514 = tpu.vector_load %arg6[%swap3A_1512, %swap3A_1513] {strides = array<i32>} : memref<8x128xi32, #tpu.memory_space<vmem>>, vector<1x16xi32>,
    %swap3A_1515 = vector.shape_cast %swap3A_1514 : vector<1x16xi32> to vector<16xi32>
    %swap3A_1516 = vector.shape_cast %get3A_1510 : vector<16xi32> to vector<1x16xi32>
    tpu.vector_store %arg6[%swap3A_1512, %swap3A_1513], %swap3A_1516 {strides = array<i32>} : memref<8x128xi32, #tpu.memory_space<vmem>>, vector<1x16xi32>,
    %get3A_1517 = arith.constant 848 : index
    %get3A_1518 = tpu.vector_load %arg5[%get3A_1517] {strides = array<i32>} : memref<1024xi32, #tpu.memory_space<vmem>>, vector<16xi32>,
    %get3A_1519 = vector.shape_cast %get3A_1518 : vector<16xi32> to vector<16xi32>
    %swap3A_1520 = arith.constant 6 : i32
    %swap3A_1521 = arith.index_cast %swap3A_1520 : i32 to index
    %swap3A_1522 = arith.constant 80 : index
    %swap3A_1523 = tpu.vector_load %arg6[%swap3A_1521, %swap3A_1522] {strides = array<i32>} : memref<8x128xi32, #tpu.memory_space<vmem>>, vector<1x16xi32>,
    %swap3A_1524 = vector.shape_cast %swap3A_1523 : vector<1x16xi32> to vector<16xi32>
    %swap3A_1525 = vector.shape_cast %get3A_1519 : vector<16xi32> to vector<1x16xi32>
    tpu.vector_store %arg6[%swap3A_1521, %swap3A_1522], %swap3A_1525 {strides = array<i32>} : memref<8x128xi32, #tpu.memory_space<vmem>>, vector<1x16xi32>,
    %get3A_1526 = arith.constant 864 : index
    %get3A_1527 = tpu.vector_load %arg5[%get3A_1526] {strides = array<i32>} : memref<1024xi32, #tpu.memory_space<vmem>>, vector<16xi32>,
    %get3A_1528 = vector.shape_cast %get3A_1527 : vector<16xi32> to vector<16xi32>
    %swap3A_1529 = arith.constant 6 : i32
    %swap3A_1530 = arith.index_cast %swap3A_1529 : i32 to index
    %swap3A_1531 = arith.constant 96 : index
    %swap3A_1532 = tpu.vector_load %arg6[%swap3A_1530, %swap3A_1531] {strides = array<i32>} : memref<8x128xi32, #tpu.memory_space<vmem>>, vector<1x16xi32>,
    %swap3A_1533 = vector.shape_cast %swap3A_1532 : vector<1x16xi32> to vector<16xi32>
    %swap3A_1534 = vector.shape_cast %get3A_1528 : vector<16xi32> to vector<1x16xi32>
    tpu.vector_store %arg6[%swap3A_1530, %swap3A_1531], %swap3A_1534 {strides = array<i32>} : memref<8x128xi32, #tpu.memory_space<vmem>>, vector<1x16xi32>,
    %get3A_1535 = arith.constant 880 : index
    %get3A_1536 = tpu.vector_load %arg5[%get3A_1535] {strides = array<i32>} : memref<1024xi32, #tpu.memory_space<vmem>>, vector<16xi32>,
    %get3A_1537 = vector.shape_cast %get3A_1536 : vector<16xi32> to vector<16xi32>
    %swap3A_1538 = arith.constant 6 : i32
    %swap3A_1539 = arith.index_cast %swap3A_1538 : i32 to index
    %swap3A_1540 = arith.constant 112 : index
    %swap3A_1541 = tpu.vector_load %arg6[%swap3A_1539, %swap3A_1540] {strides = array<i32>} : memref<8x128xi32, #tpu.memory_space<vmem>>, vector<1x16xi32>,
    %swap3A_1542 = vector.shape_cast %swap3A_1541 : vector<1x16xi32> to vector<16xi32>
    %swap3A_1543 = vector.shape_cast %get3A_1537 : vector<16xi32> to vector<1x16xi32>
    tpu.vector_store %arg6[%swap3A_1539, %swap3A_1540], %swap3A_1543 {strides = array<i32>} : memref<8x128xi32, #tpu.memory_space<vmem>>, vector<1x16xi32>,
    %get3A_1544 = arith.constant 896 : index
    %get3A_1545 = tpu.vector_load %arg5[%get3A_1544] {strides = array<i32>} : memref<1024xi32, #tpu.memory_space<vmem>>, vector<16xi32>,
    %get3A_1546 = vector.shape_cast %get3A_1545 : vector<16xi32> to vector<16xi32>
    %swap3A_1547 = arith.constant 7 : i32
    %swap3A_1548 = arith.index_cast %swap3A_1547 : i32 to index
    %swap3A_1549 = arith.constant 0 : index
    %swap3A_1550 = tpu.vector_load %arg6[%swap3A_1548, %swap3A_1549] {strides = array<i32>} : memref<8x128xi32, #tpu.memory_space<vmem>>, vector<1x16xi32>,
    %swap3A_1551 = vector.shape_cast %swap3A_1550 : vector<1x16xi32> to vector<16xi32>
    %swap3A_1552 = vector.shape_cast %get3A_1546 : vector<16xi32> to vector<1x16xi32>
    tpu.vector_store %arg6[%swap3A_1548, %swap3A_1549], %swap3A_1552 {strides = array<i32>} : memref<8x128xi32, #tpu.memory_space<vmem>>, vector<1x16xi32>,
    %get3A_1553 = arith.constant 912 : index
    %get3A_1554 = tpu.vector_load %arg5[%get3A_1553] {strides = array<i32>} : memref<1024xi32, #tpu.memory_space<vmem>>, vector<16xi32>,
    %get3A_1555 = vector.shape_cast %get3A_1554 : vector<16xi32> to vector<16xi32>
    %swap3A_1556 = arith.constant 7 : i32
    %swap3A_1557 = arith.index_cast %swap3A_1556 : i32 to index
    %swap3A_1558 = arith.constant 16 : index
    %swap3A_1559 = tpu.vector_load %arg6[%swap3A_1557, %swap3A_1558] {strides = array<i32>} : memref<8x128xi32, #tpu.memory_space<vmem>>, vector<1x16xi32>,
    %swap3A_1560 = vector.shape_cast %swap3A_1559 : vector<1x16xi32> to vector<16xi32>
    %swap3A_1561 = vector.shape_cast %get3A_1555 : vector<16xi32> to vector<1x16xi32>
    tpu.vector_store %arg6[%swap3A_1557, %swap3A_1558], %swap3A_1561 {strides = array<i32>} : memref<8x128xi32, #tpu.memory_space<vmem>>, vector<1x16xi32>,
    %get3A_1562 = arith.constant 928 : index
    %get3A_1563 = tpu.vector_load %arg5[%get3A_1562] {strides = array<i32>} : memref<1024xi32, #tpu.memory_space<vmem>>, vector<16xi32>,
    %get3A_1564 = vector.shape_cast %get3A_1563 : vector<16xi32> to vector<16xi32>
    %swap3A_1565 = arith.constant 7 : i32
    %swap3A_1566 = arith.index_cast %swap3A_1565 : i32 to index
    %swap3A_1567 = arith.constant 32 : index
    %swap3A_1568 = tpu.vector_load %arg6[%swap3A_1566, %swap3A_1567] {strides = array<i32>} : memref<8x128xi32, #tpu.memory_space<vmem>>, vector<1x16xi32>,
    %swap3A_1569 = vector.shape_cast %swap3A_1568 : vector<1x16xi32> to vector<16xi32>
    %swap3A_1570 = vector.shape_cast %get3A_1564 : vector<16xi32> to vector<1x16xi32>
    tpu.vector_store %arg6[%swap3A_1566, %swap3A_1567], %swap3A_1570 {strides = array<i32>} : memref<8x128xi32, #tpu.memory_space<vmem>>, vector<1x16xi32>,
    %get3A_1571 = arith.constant 944 : index
    %get3A_1572 = tpu.vector_load %arg5[%get3A_1571] {strides = array<i32>} : memref<1024xi32, #tpu.memory_space<vmem>>, vector<16xi32>,
    %get3A_1573 = vector.shape_cast %get3A_1572 : vector<16xi32> to vector<16xi32>
    %swap3A_1574 = arith.constant 7 : i32
    %swap3A_1575 = arith.index_cast %swap3A_1574 : i32 to index
    %swap3A_1576 = arith.constant 48 : index
    %swap3A_1577 = tpu.vector_load %arg6[%swap3A_1575, %swap3A_1576] {strides = array<i32>} : memref<8x128xi32, #tpu.memory_space<vmem>>, vector<1x16xi32>,
    %swap3A_1578 = vector.shape_cast %swap3A_1577 : vector<1x16xi32> to vector<16xi32>
    %swap3A_1579 = vector.shape_cast %get3A_1573 : vector<16xi32> to vector<1x16xi32>
    tpu.vector_store %arg6[%swap3A_1575, %swap3A_1576], %swap3A_1579 {strides = array<i32>} : memref<8x128xi32, #tpu.memory_space<vmem>>, vector<1x16xi32>,
    %get3A_1580 = arith.constant 960 : index
    %get3A_1581 = tpu.vector_load %arg5[%get3A_1580] {strides = array<i32>} : memref<1024xi32, #tpu.memory_space<vmem>>, vector<16xi32>,
    %get3A_1582 = vector.shape_cast %get3A_1581 : vector<16xi32> to vector<16xi32>
    %swap3A_1583 = arith.constant 7 : i32
    %swap3A_1584 = arith.index_cast %swap3A_1583 : i32 to index
    %swap3A_1585 = arith.constant 64 : index
    %swap3A_1586 = tpu.vector_load %arg6[%swap3A_1584, %swap3A_1585] {strides = array<i32>} : memref<8x128xi32, #tpu.memory_space<vmem>>, vector<1x16xi32>,
    %swap3A_1587 = vector.shape_cast %swap3A_1586 : vector<1x16xi32> to vector<16xi32>
    %swap3A_1588 = vector.shape_cast %get3A_1582 : vector<16xi32> to vector<1x16xi32>
    tpu.vector_store %arg6[%swap3A_1584, %swap3A_1585], %swap3A_1588 {strides = array<i32>} : memref<8x128xi32, #tpu.memory_space<vmem>>, vector<1x16xi32>,
    %get3A_1589 = arith.constant 976 : index
    %get3A_1590 = tpu.vector_load %arg5[%get3A_1589] {strides = array<i32>} : memref<1024xi32, #tpu.memory_space<vmem>>, vector<16xi32>,
    %get3A_1591 = vector.shape_cast %get3A_1590 : vector<16xi32> to vector<16xi32>
    %swap3A_1592 = arith.constant 7 : i32
    %swap3A_1593 = arith.index_cast %swap3A_1592 : i32 to index
    %swap3A_1594 = arith.constant 80 : index
    %swap3A_1595 = tpu.vector_load %arg6[%swap3A_1593, %swap3A_1594] {strides = array<i32>} : memref<8x128xi32, #tpu.memory_space<vmem>>, vector<1x16xi32>,
    %swap3A_1596 = vector.shape_cast %swap3A_1595 : vector<1x16xi32> to vector<16xi32>
    %swap3A_1597 = vector.shape_cast %get3A_1591 : vector<16xi32> to vector<1x16xi32>
    tpu.vector_store %arg6[%swap3A_1593, %swap3A_1594], %swap3A_1597 {strides = array<i32>} : memref<8x128xi32, #tpu.memory_space<vmem>>, vector<1x16xi32>,
    %get3A_1598 = arith.constant 992 : index
    %get3A_1599 = tpu.vector_load %arg5[%get3A_1598] {strides = array<i32>} : memref<1024xi32, #tpu.memory_space<vmem>>, vector<16xi32>,
    %get3A_1600 = vector.shape_cast %get3A_1599 : vector<16xi32> to vector<16xi32>
    %swap3A_1601 = arith.constant 7 : i32
    %swap3A_1602 = arith.index_cast %swap3A_1601 : i32 to index
    %swap3A_1603 = arith.constant 96 : index
    %swap3A_1604 = tpu.vector_load %arg6[%swap3A_1602, %swap3A_1603] {strides = array<i32>} : memref<8x128xi32, #tpu.memory_space<vmem>>, vector<1x16xi32>,
    %swap3A_1605 = vector.shape_cast %swap3A_1604 : vector<1x16xi32> to vector<16xi32>
    %swap3A_1606 = vector.shape_cast %get3A_1600 : vector<16xi32> to vector<1x16xi32>
    tpu.vector_store %arg6[%swap3A_1602, %swap3A_1603], %swap3A_1606 {strides = array<i32>} : memref<8x128xi32, #tpu.memory_space<vmem>>, vector<1x16xi32>,
    %get3A_1607 = arith.constant 1008 : index
    %get3A_1608 = tpu.vector_load %arg5[%get3A_1607] {strides = array<i32>} : memref<1024xi32, #tpu.memory_space<vmem>>, vector<16xi32>,
    %get3A_1609 = vector.shape_cast %get3A_1608 : vector<16xi32> to vector<16xi32>
    %swap3A_1610 = arith.constant 7 : i32
    %swap3A_1611 = arith.index_cast %swap3A_1610 : i32 to index
    %swap3A_1612 = arith.constant 112 : index
    %swap3A_1613 = tpu.vector_load %arg6[%swap3A_1611, %swap3A_1612] {strides = array<i32>} : memref<8x128xi32, #tpu.memory_space<vmem>>, vector<1x16xi32>,
    %swap3A_1614 = vector.shape_cast %swap3A_1613 : vector<1x16xi32> to vector<16xi32>
    %swap3A_1615 = vector.shape_cast %get3A_1609 : vector<16xi32> to vector<1x16xi32>
    tpu.vector_store %arg6[%swap3A_1611, %swap3A_1612], %swap3A_1615 {strides = array<i32>} : memref<8x128xi32, #tpu.memory_space<vmem>>, vector<1x16xi32>,
    %scan3A = arith.constant true
    %scan3A_1616 = arith.constant 0 : i32
    %scan3A_1617 = arith.constant 12 : i32
    %scan3A_1618 = arith.addi %scan3A_1616, %scan3A_1617 : i32
    %scan3A_1619 = arith.constant 1 : i32
    %scan3A_1620 = scf.for %scan3A_1721 = %scan3A_1616 to %scan3A_1618 step %scan3A_1619 iter_args(%scan3A_1722 = %scan3A) -> (i1)  : i32 {
      %add3A_1723 = arith.constant 1000008 : i32
      %add3A_1724 = arith.addi %add3A_1723, %scan3A_1721 : i32
      %convert_element_type3A = arith.extui %scan3A_1722 : i1 to i32
      %cond3A = arith.constant 0 : i32
      %cond3A_1725 = arith.cmpi ne, %convert_element_type3A, %cond3A : i32
      scf.if %cond3A_1725 {
        %dma_start3A_1732 = arith.constant 0 : i32
        %dma_start3A_1733 = arith.constant 0 : i32
        %dma_start3A_1734 = arith.constant 0 : i32
        %dma_start3A_1735 = tpu.memref_slice %arg7[%dma_start3A_1732, %dma_start3A_1734] : memref<8x128xi32, #tpu.memory_space<vmem>> -> memref<1x128xi32, #tpu.memory_space<vmem>>
        %dma_start3A_1736 = tpu.memref_squeeze %dma_start3A_1735 : memref<1x128xi32, #tpu.memory_space<vmem>> -> memref<128xi32, #tpu.memory_space<vmem>>
        %dma_start3A_1737 = arith.constant 0 : i32
        %dma_start3A_1738 = tpu.memref_slice %arg6[%dma_start3A_1733, %dma_start3A_1737] : memref<8x128xi32, #tpu.memory_space<vmem>> -> memref<1x128xi32, #tpu.memory_space<vmem>>
        %dma_start3A_1739 = tpu.memref_squeeze %dma_start3A_1738 : memref<1x128xi32, #tpu.memory_space<vmem>> -> memref<128xi32, #tpu.memory_space<vmem>>
        %dma_start3A_1740 = arith.constant 0 : i32
        %dma_start3A_1741 = tpu.memref_slice %arg12[%dma_start3A_1740] : memref<1000040xi32, #tpu.memory_space<vmem_shared>> -> memref<1000040xi32, #tpu.memory_space<vmem_shared>>
        tpu.enqueue_indirect_dma source(%dma_start3A_1736 : memref<128xi32, #tpu.memory_space<vmem>>) target(%dma_start3A_1741 : memref<1000040xi32, #tpu.memory_space<vmem_shared>>) offsets(%dma_start3A_1739 : memref<128xi32, #tpu.memory_space<vmem>>) semaphore(%arg13 : memref<!tpu.dma_semaphore, #tpu.memory_space<semaphore_mem>>)
        %dma_start3A_1742 = arith.constant 1 : i32
        %dma_start3A_1743 = arith.constant 1 : i32
        %dma_start3A_1744 = arith.constant 0 : i32
        %dma_start3A_1745 = tpu.memref_slice %arg7[%dma_start3A_1742, %dma_start3A_1744] : memref<8x128xi32, #tpu.memory_space<vmem>> -> memref<1x128xi32, #tpu.memory_space<vmem>>
        %dma_start3A_1746 = tpu.memref_squeeze %dma_start3A_1745 : memref<1x128xi32, #tpu.memory_space<vmem>> -> memref<128xi32, #tpu.memory_space<vmem>>
        %dma_start3A_1747 = arith.constant 0 : i32
        %dma_start3A_1748 = tpu.memref_slice %arg6[%dma_start3A_1743, %dma_start3A_1747] : memref<8x128xi32, #tpu.memory_space<vmem>> -> memref<1x128xi32, #tpu.memory_space<vmem>>
        %dma_start3A_1749 = tpu.memref_squeeze %dma_start3A_1748 : memref<1x128xi32, #tpu.memory_space<vmem>> -> memref<128xi32, #tpu.memory_space<vmem>>
        %dma_start3A_1750 = arith.constant 0 : i32
        %dma_start3A_1751 = tpu.memref_slice %arg12[%dma_start3A_1750] : memref<1000040xi32, #tpu.memory_space<vmem_shared>> -> memref<1000040xi32, #tpu.memory_space<vmem_shared>>
        tpu.enqueue_indirect_dma source(%dma_start3A_1746 : memref<128xi32, #tpu.memory_space<vmem>>) target(%dma_start3A_1751 : memref<1000040xi32, #tpu.memory_space<vmem_shared>>) offsets(%dma_start3A_1749 : memref<128xi32, #tpu.memory_space<vmem>>) semaphore(%arg13 : memref<!tpu.dma_semaphore, #tpu.memory_space<semaphore_mem>>)
        %dma_start3A_1752 = arith.constant 2 : i32
        %dma_start3A_1753 = arith.constant 2 : i32
        %dma_start3A_1754 = arith.constant 0 : i32
        %dma_start3A_1755 = tpu.memref_slice %arg7[%dma_start3A_1752, %dma_start3A_1754] : memref<8x128xi32, #tpu.memory_space<vmem>> -> memref<1x128xi32, #tpu.memory_space<vmem>>
        %dma_start3A_1756 = tpu.memref_squeeze %dma_start3A_1755 : memref<1x128xi32, #tpu.memory_space<vmem>> -> memref<128xi32, #tpu.memory_space<vmem>>
        %dma_start3A_1757 = arith.constant 0 : i32
        %dma_start3A_1758 = tpu.memref_slice %arg6[%dma_start3A_1753, %dma_start3A_1757] : memref<8x128xi32, #tpu.memory_space<vmem>> -> memref<1x128xi32, #tpu.memory_space<vmem>>
        %dma_start3A_1759 = tpu.memref_squeeze %dma_start3A_1758 : memref<1x128xi32, #tpu.memory_space<vmem>> -> memref<128xi32, #tpu.memory_space<vmem>>
        %dma_start3A_1760 = arith.constant 0 : i32
        %dma_start3A_1761 = tpu.memref_slice %arg12[%dma_start3A_1760] : memref<1000040xi32, #tpu.memory_space<vmem_shared>> -> memref<1000040xi32, #tpu.memory_space<vmem_shared>>
        tpu.enqueue_indirect_dma source(%dma_start3A_1756 : memref<128xi32, #tpu.memory_space<vmem>>) target(%dma_start3A_1761 : memref<1000040xi32, #tpu.memory_space<vmem_shared>>) offsets(%dma_start3A_1759 : memref<128xi32, #tpu.memory_space<vmem>>) semaphore(%arg13 : memref<!tpu.dma_semaphore, #tpu.memory_space<semaphore_mem>>)
        %dma_start3A_1762 = arith.constant 3 : i32
        %dma_start3A_1763 = arith.constant 3 : i32
        %dma_start3A_1764 = arith.constant 0 : i32
        %dma_start3A_1765 = tpu.memref_slice %arg7[%dma_start3A_1762, %dma_start3A_1764] : memref<8x128xi32, #tpu.memory_space<vmem>> -> memref<1x128xi32, #tpu.memory_space<vmem>>
        %dma_start3A_1766 = tpu.memref_squeeze %dma_start3A_1765 : memref<1x128xi32, #tpu.memory_space<vmem>> -> memref<128xi32, #tpu.memory_space<vmem>>
        %dma_start3A_1767 = arith.constant 0 : i32
        %dma_start3A_1768 = tpu.memref_slice %arg6[%dma_start3A_1763, %dma_start3A_1767] : memref<8x128xi32, #tpu.memory_space<vmem>> -> memref<1x128xi32, #tpu.memory_space<vmem>>
        %dma_start3A_1769 = tpu.memref_squeeze %dma_start3A_1768 : memref<1x128xi32, #tpu.memory_space<vmem>> -> memref<128xi32, #tpu.memory_space<vmem>>
        %dma_start3A_1770 = arith.constant 0 : i32
        %dma_start3A_1771 = tpu.memref_slice %arg12[%dma_start3A_1770] : memref<1000040xi32, #tpu.memory_space<vmem_shared>> -> memref<1000040xi32, #tpu.memory_space<vmem_shared>>
        tpu.enqueue_indirect_dma source(%dma_start3A_1766 : memref<128xi32, #tpu.memory_space<vmem>>) target(%dma_start3A_1771 : memref<1000040xi32, #tpu.memory_space<vmem_shared>>) offsets(%dma_start3A_1769 : memref<128xi32, #tpu.memory_space<vmem>>) semaphore(%arg13 : memref<!tpu.dma_semaphore, #tpu.memory_space<semaphore_mem>>)
        %dma_start3A_1772 = arith.constant 4 : i32
        %dma_start3A_1773 = arith.constant 4 : i32
        %dma_start3A_1774 = arith.constant 0 : i32
        %dma_start3A_1775 = tpu.memref_slice %arg7[%dma_start3A_1772, %dma_start3A_1774] : memref<8x128xi32, #tpu.memory_space<vmem>> -> memref<1x128xi32, #tpu.memory_space<vmem>>
        %dma_start3A_1776 = tpu.memref_squeeze %dma_start3A_1775 : memref<1x128xi32, #tpu.memory_space<vmem>> -> memref<128xi32, #tpu.memory_space<vmem>>
        %dma_start3A_1777 = arith.constant 0 : i32
        %dma_start3A_1778 = tpu.memref_slice %arg6[%dma_start3A_1773, %dma_start3A_1777] : memref<8x128xi32, #tpu.memory_space<vmem>> -> memref<1x128xi32, #tpu.memory_space<vmem>>
        %dma_start3A_1779 = tpu.memref_squeeze %dma_start3A_1778 : memref<1x128xi32, #tpu.memory_space<vmem>> -> memref<128xi32, #tpu.memory_space<vmem>>
        %dma_start3A_1780 = arith.constant 0 : i32
        %dma_start3A_1781 = tpu.memref_slice %arg12[%dma_start3A_1780] : memref<1000040xi32, #tpu.memory_space<vmem_shared>> -> memref<1000040xi32, #tpu.memory_space<vmem_shared>>
        tpu.enqueue_indirect_dma source(%dma_start3A_1776 : memref<128xi32, #tpu.memory_space<vmem>>) target(%dma_start3A_1781 : memref<1000040xi32, #tpu.memory_space<vmem_shared>>) offsets(%dma_start3A_1779 : memref<128xi32, #tpu.memory_space<vmem>>) semaphore(%arg13 : memref<!tpu.dma_semaphore, #tpu.memory_space<semaphore_mem>>)
        %dma_start3A_1782 = arith.constant 5 : i32
        %dma_start3A_1783 = arith.constant 5 : i32
        %dma_start3A_1784 = arith.constant 0 : i32
        %dma_start3A_1785 = tpu.memref_slice %arg7[%dma_start3A_1782, %dma_start3A_1784] : memref<8x128xi32, #tpu.memory_space<vmem>> -> memref<1x128xi32, #tpu.memory_space<vmem>>
        %dma_start3A_1786 = tpu.memref_squeeze %dma_start3A_1785 : memref<1x128xi32, #tpu.memory_space<vmem>> -> memref<128xi32, #tpu.memory_space<vmem>>
        %dma_start3A_1787 = arith.constant 0 : i32
        %dma_start3A_1788 = tpu.memref_slice %arg6[%dma_start3A_1783, %dma_start3A_1787] : memref<8x128xi32, #tpu.memory_space<vmem>> -> memref<1x128xi32, #tpu.memory_space<vmem>>
        %dma_start3A_1789 = tpu.memref_squeeze %dma_start3A_1788 : memref<1x128xi32, #tpu.memory_space<vmem>> -> memref<128xi32, #tpu.memory_space<vmem>>
        %dma_start3A_1790 = arith.constant 0 : i32
        %dma_start3A_1791 = tpu.memref_slice %arg12[%dma_start3A_1790] : memref<1000040xi32, #tpu.memory_space<vmem_shared>> -> memref<1000040xi32, #tpu.memory_space<vmem_shared>>
        tpu.enqueue_indirect_dma source(%dma_start3A_1786 : memref<128xi32, #tpu.memory_space<vmem>>) target(%dma_start3A_1791 : memref<1000040xi32, #tpu.memory_space<vmem_shared>>) offsets(%dma_start3A_1789 : memref<128xi32, #tpu.memory_space<vmem>>) semaphore(%arg13 : memref<!tpu.dma_semaphore, #tpu.memory_space<semaphore_mem>>)
        %dma_start3A_1792 = arith.constant 6 : i32
        %dma_start3A_1793 = arith.constant 6 : i32
        %dma_start3A_1794 = arith.constant 0 : i32
        %dma_start3A_1795 = tpu.memref_slice %arg7[%dma_start3A_1792, %dma_start3A_1794] : memref<8x128xi32, #tpu.memory_space<vmem>> -> memref<1x128xi32, #tpu.memory_space<vmem>>
        %dma_start3A_1796 = tpu.memref_squeeze %dma_start3A_1795 : memref<1x128xi32, #tpu.memory_space<vmem>> -> memref<128xi32, #tpu.memory_space<vmem>>
        %dma_start3A_1797 = arith.constant 0 : i32
        %dma_start3A_1798 = tpu.memref_slice %arg6[%dma_start3A_1793, %dma_start3A_1797] : memref<8x128xi32, #tpu.memory_space<vmem>> -> memref<1x128xi32, #tpu.memory_space<vmem>>
        %dma_start3A_1799 = tpu.memref_squeeze %dma_start3A_1798 : memref<1x128xi32, #tpu.memory_space<vmem>> -> memref<128xi32, #tpu.memory_space<vmem>>
        %dma_start3A_1800 = arith.constant 0 : i32
        %dma_start3A_1801 = tpu.memref_slice %arg12[%dma_start3A_1800] : memref<1000040xi32, #tpu.memory_space<vmem_shared>> -> memref<1000040xi32, #tpu.memory_space<vmem_shared>>
        tpu.enqueue_indirect_dma source(%dma_start3A_1796 : memref<128xi32, #tpu.memory_space<vmem>>) target(%dma_start3A_1801 : memref<1000040xi32, #tpu.memory_space<vmem_shared>>) offsets(%dma_start3A_1799 : memref<128xi32, #tpu.memory_space<vmem>>) semaphore(%arg13 : memref<!tpu.dma_semaphore, #tpu.memory_space<semaphore_mem>>)
        %dma_start3A_1802 = arith.constant 7 : i32
        %dma_start3A_1803 = arith.constant 7 : i32
        %dma_start3A_1804 = arith.constant 0 : i32
        %dma_start3A_1805 = tpu.memref_slice %arg7[%dma_start3A_1802, %dma_start3A_1804] : memref<8x128xi32, #tpu.memory_space<vmem>> -> memref<1x128xi32, #tpu.memory_space<vmem>>
        %dma_start3A_1806 = tpu.memref_squeeze %dma_start3A_1805 : memref<1x128xi32, #tpu.memory_space<vmem>> -> memref<128xi32, #tpu.memory_space<vmem>>
        %dma_start3A_1807 = arith.constant 0 : i32
        %dma_start3A_1808 = tpu.memref_slice %arg6[%dma_start3A_1803, %dma_start3A_1807] : memref<8x128xi32, #tpu.memory_space<vmem>> -> memref<1x128xi32, #tpu.memory_space<vmem>>
        %dma_start3A_1809 = tpu.memref_squeeze %dma_start3A_1808 : memref<1x128xi32, #tpu.memory_space<vmem>> -> memref<128xi32, #tpu.memory_space<vmem>>
        %dma_start3A_1810 = arith.constant 0 : i32
        %dma_start3A_1811 = tpu.memref_slice %arg12[%dma_start3A_1810] : memref<1000040xi32, #tpu.memory_space<vmem_shared>> -> memref<1000040xi32, #tpu.memory_space<vmem_shared>>
        tpu.enqueue_indirect_dma source(%dma_start3A_1806 : memref<128xi32, #tpu.memory_space<vmem>>) target(%dma_start3A_1811 : memref<1000040xi32, #tpu.memory_space<vmem_shared>>) offsets(%dma_start3A_1809 : memref<128xi32, #tpu.memory_space<vmem>>) semaphore(%arg13 : memref<!tpu.dma_semaphore, #tpu.memory_space<semaphore_mem>>)
        %dma_wait3A_1812 = arith.constant 0 : i32
        %dma_wait3A_1813 = arith.constant 0 : i32
        %dma_wait3A_1814 = arith.constant 0 : i32
        %dma_wait3A_1815 = tpu.memref_slice %arg7[%dma_wait3A_1812, %dma_wait3A_1814] : memref<8x128xi32, #tpu.memory_space<vmem>> -> memref<1x128xi32, #tpu.memory_space<vmem>>
        %dma_wait3A_1816 = tpu.memref_squeeze %dma_wait3A_1815 : memref<1x128xi32, #tpu.memory_space<vmem>> -> memref<128xi32, #tpu.memory_space<vmem>>
        %dma_wait3A_1817 = arith.constant 0 : i32
        %dma_wait3A_1818 = tpu.memref_slice %arg6[%dma_wait3A_1813, %dma_wait3A_1817] : memref<8x128xi32, #tpu.memory_space<vmem>> -> memref<1x128xi32, #tpu.memory_space<vmem>>
        %dma_wait3A_1819 = tpu.memref_squeeze %dma_wait3A_1818 : memref<1x128xi32, #tpu.memory_space<vmem>> -> memref<128xi32, #tpu.memory_space<vmem>>
        %dma_wait3A_1820 = arith.constant 0 : i32
        %dma_wait3A_1821 = tpu.memref_slice %arg12[%dma_wait3A_1820] : memref<1000040xi32, #tpu.memory_space<vmem_shared>> -> memref<1000040xi32, #tpu.memory_space<vmem_shared>>
        tpu.wait_indirect_dma semaphore(%arg13 : memref<!tpu.dma_semaphore, #tpu.memory_space<semaphore_mem>>) src(%dma_wait3A_1816 : memref<128xi32, #tpu.memory_space<vmem>>) dst(%dma_wait3A_1821 : memref<1000040xi32, #tpu.memory_space<vmem_shared>>)
        %dma_wait3A_1822 = arith.constant 1 : i32
        %dma_wait3A_1823 = arith.constant 1 : i32
        %dma_wait3A_1824 = arith.constant 0 : i32
        %dma_wait3A_1825 = tpu.memref_slice %arg7[%dma_wait3A_1822, %dma_wait3A_1824] : memref<8x128xi32, #tpu.memory_space<vmem>> -> memref<1x128xi32, #tpu.memory_space<vmem>>
        %dma_wait3A_1826 = tpu.memref_squeeze %dma_wait3A_1825 : memref<1x128xi32, #tpu.memory_space<vmem>> -> memref<128xi32, #tpu.memory_space<vmem>>
        %dma_wait3A_1827 = arith.constant 0 : i32
        %dma_wait3A_1828 = tpu.memref_slice %arg6[%dma_wait3A_1823, %dma_wait3A_1827] : memref<8x128xi32, #tpu.memory_space<vmem>> -> memref<1x128xi32, #tpu.memory_space<vmem>>
        %dma_wait3A_1829 = tpu.memref_squeeze %dma_wait3A_1828 : memref<1x128xi32, #tpu.memory_space<vmem>> -> memref<128xi32, #tpu.memory_space<vmem>>
        %dma_wait3A_1830 = arith.constant 0 : i32
        %dma_wait3A_1831 = tpu.memref_slice %arg12[%dma_wait3A_1830] : memref<1000040xi32, #tpu.memory_space<vmem_shared>> -> memref<1000040xi32, #tpu.memory_space<vmem_shared>>
        tpu.wait_indirect_dma semaphore(%arg13 : memref<!tpu.dma_semaphore, #tpu.memory_space<semaphore_mem>>) src(%dma_wait3A_1826 : memref<128xi32, #tpu.memory_space<vmem>>) dst(%dma_wait3A_1831 : memref<1000040xi32, #tpu.memory_space<vmem_shared>>)
        %dma_wait3A_1832 = arith.constant 2 : i32
        %dma_wait3A_1833 = arith.constant 2 : i32
        %dma_wait3A_1834 = arith.constant 0 : i32
        %dma_wait3A_1835 = tpu.memref_slice %arg7[%dma_wait3A_1832, %dma_wait3A_1834] : memref<8x128xi32, #tpu.memory_space<vmem>> -> memref<1x128xi32, #tpu.memory_space<vmem>>
        %dma_wait3A_1836 = tpu.memref_squeeze %dma_wait3A_1835 : memref<1x128xi32, #tpu.memory_space<vmem>> -> memref<128xi32, #tpu.memory_space<vmem>>
        %dma_wait3A_1837 = arith.constant 0 : i32
        %dma_wait3A_1838 = tpu.memref_slice %arg6[%dma_wait3A_1833, %dma_wait3A_1837] : memref<8x128xi32, #tpu.memory_space<vmem>> -> memref<1x128xi32, #tpu.memory_space<vmem>>
        %dma_wait3A_1839 = tpu.memref_squeeze %dma_wait3A_1838 : memref<1x128xi32, #tpu.memory_space<vmem>> -> memref<128xi32, #tpu.memory_space<vmem>>
        %dma_wait3A_1840 = arith.constant 0 : i32
        %dma_wait3A_1841 = tpu.memref_slice %arg12[%dma_wait3A_1840] : memref<1000040xi32, #tpu.memory_space<vmem_shared>> -> memref<1000040xi32, #tpu.memory_space<vmem_shared>>
        tpu.wait_indirect_dma semaphore(%arg13 : memref<!tpu.dma_semaphore, #tpu.memory_space<semaphore_mem>>) src(%dma_wait3A_1836 : memref<128xi32, #tpu.memory_space<vmem>>) dst(%dma_wait3A_1841 : memref<1000040xi32, #tpu.memory_space<vmem_shared>>)
        %dma_wait3A_1842 = arith.constant 3 : i32
        %dma_wait3A_1843 = arith.constant 3 : i32
        %dma_wait3A_1844 = arith.constant 0 : i32
        %dma_wait3A_1845 = tpu.memref_slice %arg7[%dma_wait3A_1842, %dma_wait3A_1844] : memref<8x128xi32, #tpu.memory_space<vmem>> -> memref<1x128xi32, #tpu.memory_space<vmem>>
        %dma_wait3A_1846 = tpu.memref_squeeze %dma_wait3A_1845 : memref<1x128xi32, #tpu.memory_space<vmem>> -> memref<128xi32, #tpu.memory_space<vmem>>
        %dma_wait3A_1847 = arith.constant 0 : i32
        %dma_wait3A_1848 = tpu.memref_slice %arg6[%dma_wait3A_1843, %dma_wait3A_1847] : memref<8x128xi32, #tpu.memory_space<vmem>> -> memref<1x128xi32, #tpu.memory_space<vmem>>
        %dma_wait3A_1849 = tpu.memref_squeeze %dma_wait3A_1848 : memref<1x128xi32, #tpu.memory_space<vmem>> -> memref<128xi32, #tpu.memory_space<vmem>>
        %dma_wait3A_1850 = arith.constant 0 : i32
        %dma_wait3A_1851 = tpu.memref_slice %arg12[%dma_wait3A_1850] : memref<1000040xi32, #tpu.memory_space<vmem_shared>> -> memref<1000040xi32, #tpu.memory_space<vmem_shared>>
        tpu.wait_indirect_dma semaphore(%arg13 : memref<!tpu.dma_semaphore, #tpu.memory_space<semaphore_mem>>) src(%dma_wait3A_1846 : memref<128xi32, #tpu.memory_space<vmem>>) dst(%dma_wait3A_1851 : memref<1000040xi32, #tpu.memory_space<vmem_shared>>)
        %dma_wait3A_1852 = arith.constant 4 : i32
        %dma_wait3A_1853 = arith.constant 4 : i32
        %dma_wait3A_1854 = arith.constant 0 : i32
        %dma_wait3A_1855 = tpu.memref_slice %arg7[%dma_wait3A_1852, %dma_wait3A_1854] : memref<8x128xi32, #tpu.memory_space<vmem>> -> memref<1x128xi32, #tpu.memory_space<vmem>>
        %dma_wait3A_1856 = tpu.memref_squeeze %dma_wait3A_1855 : memref<1x128xi32, #tpu.memory_space<vmem>> -> memref<128xi32, #tpu.memory_space<vmem>>
        %dma_wait3A_1857 = arith.constant 0 : i32
        %dma_wait3A_1858 = tpu.memref_slice %arg6[%dma_wait3A_1853, %dma_wait3A_1857] : memref<8x128xi32, #tpu.memory_space<vmem>> -> memref<1x128xi32, #tpu.memory_space<vmem>>
        %dma_wait3A_1859 = tpu.memref_squeeze %dma_wait3A_1858 : memref<1x128xi32, #tpu.memory_space<vmem>> -> memref<128xi32, #tpu.memory_space<vmem>>
        %dma_wait3A_1860 = arith.constant 0 : i32
        %dma_wait3A_1861 = tpu.memref_slice %arg12[%dma_wait3A_1860] : memref<1000040xi32, #tpu.memory_space<vmem_shared>> -> memref<1000040xi32, #tpu.memory_space<vmem_shared>>
        tpu.wait_indirect_dma semaphore(%arg13 : memref<!tpu.dma_semaphore, #tpu.memory_space<semaphore_mem>>) src(%dma_wait3A_1856 : memref<128xi32, #tpu.memory_space<vmem>>) dst(%dma_wait3A_1861 : memref<1000040xi32, #tpu.memory_space<vmem_shared>>)
        %dma_wait3A_1862 = arith.constant 5 : i32
        %dma_wait3A_1863 = arith.constant 5 : i32
        %dma_wait3A_1864 = arith.constant 0 : i32
        %dma_wait3A_1865 = tpu.memref_slice %arg7[%dma_wait3A_1862, %dma_wait3A_1864] : memref<8x128xi32, #tpu.memory_space<vmem>> -> memref<1x128xi32, #tpu.memory_space<vmem>>
        %dma_wait3A_1866 = tpu.memref_squeeze %dma_wait3A_1865 : memref<1x128xi32, #tpu.memory_space<vmem>> -> memref<128xi32, #tpu.memory_space<vmem>>
        %dma_wait3A_1867 = arith.constant 0 : i32
        %dma_wait3A_1868 = tpu.memref_slice %arg6[%dma_wait3A_1863, %dma_wait3A_1867] : memref<8x128xi32, #tpu.memory_space<vmem>> -> memref<1x128xi32, #tpu.memory_space<vmem>>
        %dma_wait3A_1869 = tpu.memref_squeeze %dma_wait3A_1868 : memref<1x128xi32, #tpu.memory_space<vmem>> -> memref<128xi32, #tpu.memory_space<vmem>>
        %dma_wait3A_1870 = arith.constant 0 : i32
        %dma_wait3A_1871 = tpu.memref_slice %arg12[%dma_wait3A_1870] : memref<1000040xi32, #tpu.memory_space<vmem_shared>> -> memref<1000040xi32, #tpu.memory_space<vmem_shared>>
        tpu.wait_indirect_dma semaphore(%arg13 : memref<!tpu.dma_semaphore, #tpu.memory_space<semaphore_mem>>) src(%dma_wait3A_1866 : memref<128xi32, #tpu.memory_space<vmem>>) dst(%dma_wait3A_1871 : memref<1000040xi32, #tpu.memory_space<vmem_shared>>)
        %dma_wait3A_1872 = arith.constant 6 : i32
        %dma_wait3A_1873 = arith.constant 6 : i32
        %dma_wait3A_1874 = arith.constant 0 : i32
        %dma_wait3A_1875 = tpu.memref_slice %arg7[%dma_wait3A_1872, %dma_wait3A_1874] : memref<8x128xi32, #tpu.memory_space<vmem>> -> memref<1x128xi32, #tpu.memory_space<vmem>>
        %dma_wait3A_1876 = tpu.memref_squeeze %dma_wait3A_1875 : memref<1x128xi32, #tpu.memory_space<vmem>> -> memref<128xi32, #tpu.memory_space<vmem>>
        %dma_wait3A_1877 = arith.constant 0 : i32
        %dma_wait3A_1878 = tpu.memref_slice %arg6[%dma_wait3A_1873, %dma_wait3A_1877] : memref<8x128xi32, #tpu.memory_space<vmem>> -> memref<1x128xi32, #tpu.memory_space<vmem>>
        %dma_wait3A_1879 = tpu.memref_squeeze %dma_wait3A_1878 : memref<1x128xi32, #tpu.memory_space<vmem>> -> memref<128xi32, #tpu.memory_space<vmem>>
        %dma_wait3A_1880 = arith.constant 0 : i32
        %dma_wait3A_1881 = tpu.memref_slice %arg12[%dma_wait3A_1880] : memref<1000040xi32, #tpu.memory_space<vmem_shared>> -> memref<1000040xi32, #tpu.memory_space<vmem_shared>>
        tpu.wait_indirect_dma semaphore(%arg13 : memref<!tpu.dma_semaphore, #tpu.memory_space<semaphore_mem>>) src(%dma_wait3A_1876 : memref<128xi32, #tpu.memory_space<vmem>>) dst(%dma_wait3A_1881 : memref<1000040xi32, #tpu.memory_space<vmem_shared>>)
        %dma_wait3A_1882 = arith.constant 7 : i32
        %dma_wait3A_1883 = arith.constant 7 : i32
        %dma_wait3A_1884 = arith.constant 0 : i32
        %dma_wait3A_1885 = tpu.memref_slice %arg7[%dma_wait3A_1882, %dma_wait3A_1884] : memref<8x128xi32, #tpu.memory_space<vmem>> -> memref<1x128xi32, #tpu.memory_space<vmem>>
        %dma_wait3A_1886 = tpu.memref_squeeze %dma_wait3A_1885 : memref<1x128xi32, #tpu.memory_space<vmem>> -> memref<128xi32, #tpu.memory_space<vmem>>
        %dma_wait3A_1887 = arith.constant 0 : i32
        %dma_wait3A_1888 = tpu.memref_slice %arg6[%dma_wait3A_1883, %dma_wait3A_1887] : memref<8x128xi32, #tpu.memory_space<vmem>> -> memref<1x128xi32, #tpu.memory_space<vmem>>
        %dma_wait3A_1889 = tpu.memref_squeeze %dma_wait3A_1888 : memref<1x128xi32, #tpu.memory_space<vmem>> -> memref<128xi32, #tpu.memory_space<vmem>>
        %dma_wait3A_1890 = arith.constant 0 : i32
        %dma_wait3A_1891 = tpu.memref_slice %arg12[%dma_wait3A_1890] : memref<1000040xi32, #tpu.memory_space<vmem_shared>> -> memref<1000040xi32, #tpu.memory_space<vmem_shared>>
        tpu.wait_indirect_dma semaphore(%arg13 : memref<!tpu.dma_semaphore, #tpu.memory_space<semaphore_mem>>) src(%dma_wait3A_1886 : memref<128xi32, #tpu.memory_space<vmem>>) dst(%dma_wait3A_1891 : memref<1000040xi32, #tpu.memory_space<vmem_shared>>)
        %barrier3A = arith.constant 0 : index
        tpu.barrier barrier_id(%barrier3A)
        %dma_start3A_1892 = arith.constant 0 : i32
        %dma_start3A_1893 = arith.constant 0 : i32
        %dma_start3A_1894 = tpu.memref_slice %arg8[%dma_start3A_1892, %dma_start3A_1893] : memref<8x128xi32, #tpu.memory_space<vmem>> -> memref<1x128xi32, #tpu.memory_space<vmem>>
        %dma_start3A_1895 = tpu.memref_squeeze %dma_start3A_1894 : memref<1x128xi32, #tpu.memory_space<vmem>> -> memref<128xi32, #tpu.memory_space<vmem>>
        %dma_start3A_1896 = arith.constant 0 : i32
        %dma_start3A_1897 = tpu.memref_slice %arg5[%dma_start3A_1896] : memref<1024xi32, #tpu.memory_space<vmem>> -> memref<128xi32, #tpu.memory_space<vmem>>
        %dma_start3A_1898 = arith.constant 0 : i32
        %dma_start3A_1899 = tpu.memref_slice %arg12[%dma_start3A_1898] : memref<1000040xi32, #tpu.memory_space<vmem_shared>> -> memref<1000040xi32, #tpu.memory_space<vmem_shared>>
        tpu.enqueue_indirect_dma source(%dma_start3A_1899 : memref<1000040xi32, #tpu.memory_space<vmem_shared>>) target(%dma_start3A_1895 : memref<128xi32, #tpu.memory_space<vmem>>) offsets(%dma_start3A_1897 : memref<128xi32, #tpu.memory_space<vmem>>) semaphore(%arg13 : memref<!tpu.dma_semaphore, #tpu.memory_space<semaphore_mem>>)
        %dma_start3A_1900 = arith.constant 1 : i32
        %dma_start3A_1901 = arith.constant 0 : i32
        %dma_start3A_1902 = tpu.memref_slice %arg8[%dma_start3A_1900, %dma_start3A_1901] : memref<8x128xi32, #tpu.memory_space<vmem>> -> memref<1x128xi32, #tpu.memory_space<vmem>>
        %dma_start3A_1903 = tpu.memref_squeeze %dma_start3A_1902 : memref<1x128xi32, #tpu.memory_space<vmem>> -> memref<128xi32, #tpu.memory_space<vmem>>
        %dma_start3A_1904 = arith.constant 128 : i32
        %dma_start3A_1905 = tpu.memref_slice %arg5[%dma_start3A_1904] : memref<1024xi32, #tpu.memory_space<vmem>> -> memref<128xi32, #tpu.memory_space<vmem>>
        %dma_start3A_1906 = arith.constant 0 : i32
        %dma_start3A_1907 = tpu.memref_slice %arg12[%dma_start3A_1906] : memref<1000040xi32, #tpu.memory_space<vmem_shared>> -> memref<1000040xi32, #tpu.memory_space<vmem_shared>>
        tpu.enqueue_indirect_dma source(%dma_start3A_1907 : memref<1000040xi32, #tpu.memory_space<vmem_shared>>) target(%dma_start3A_1903 : memref<128xi32, #tpu.memory_space<vmem>>) offsets(%dma_start3A_1905 : memref<128xi32, #tpu.memory_space<vmem>>) semaphore(%arg13 : memref<!tpu.dma_semaphore, #tpu.memory_space<semaphore_mem>>)
        %dma_start3A_1908 = arith.constant 2 : i32
        %dma_start3A_1909 = arith.constant 0 : i32
        %dma_start3A_1910 = tpu.memref_slice %arg8[%dma_start3A_1908, %dma_start3A_1909] : memref<8x128xi32, #tpu.memory_space<vmem>> -> memref<1x128xi32, #tpu.memory_space<vmem>>
        %dma_start3A_1911 = tpu.memref_squeeze %dma_start3A_1910 : memref<1x128xi32, #tpu.memory_space<vmem>> -> memref<128xi32, #tpu.memory_space<vmem>>
        %dma_start3A_1912 = arith.constant 256 : i32
        %dma_start3A_1913 = tpu.memref_slice %arg5[%dma_start3A_1912] : memref<1024xi32, #tpu.memory_space<vmem>> -> memref<128xi32, #tpu.memory_space<vmem>>
        %dma_start3A_1914 = arith.constant 0 : i32
        %dma_start3A_1915 = tpu.memref_slice %arg12[%dma_start3A_1914] : memref<1000040xi32, #tpu.memory_space<vmem_shared>> -> memref<1000040xi32, #tpu.memory_space<vmem_shared>>
        tpu.enqueue_indirect_dma source(%dma_start3A_1915 : memref<1000040xi32, #tpu.memory_space<vmem_shared>>) target(%dma_start3A_1911 : memref<128xi32, #tpu.memory_space<vmem>>) offsets(%dma_start3A_1913 : memref<128xi32, #tpu.memory_space<vmem>>) semaphore(%arg13 : memref<!tpu.dma_semaphore, #tpu.memory_space<semaphore_mem>>)
        %dma_start3A_1916 = arith.constant 3 : i32
        %dma_start3A_1917 = arith.constant 0 : i32
        %dma_start3A_1918 = tpu.memref_slice %arg8[%dma_start3A_1916, %dma_start3A_1917] : memref<8x128xi32, #tpu.memory_space<vmem>> -> memref<1x128xi32, #tpu.memory_space<vmem>>
        %dma_start3A_1919 = tpu.memref_squeeze %dma_start3A_1918 : memref<1x128xi32, #tpu.memory_space<vmem>> -> memref<128xi32, #tpu.memory_space<vmem>>
        %dma_start3A_1920 = arith.constant 384 : i32
        %dma_start3A_1921 = tpu.memref_slice %arg5[%dma_start3A_1920] : memref<1024xi32, #tpu.memory_space<vmem>> -> memref<128xi32, #tpu.memory_space<vmem>>
        %dma_start3A_1922 = arith.constant 0 : i32
        %dma_start3A_1923 = tpu.memref_slice %arg12[%dma_start3A_1922] : memref<1000040xi32, #tpu.memory_space<vmem_shared>> -> memref<1000040xi32, #tpu.memory_space<vmem_shared>>
        tpu.enqueue_indirect_dma source(%dma_start3A_1923 : memref<1000040xi32, #tpu.memory_space<vmem_shared>>) target(%dma_start3A_1919 : memref<128xi32, #tpu.memory_space<vmem>>) offsets(%dma_start3A_1921 : memref<128xi32, #tpu.memory_space<vmem>>) semaphore(%arg13 : memref<!tpu.dma_semaphore, #tpu.memory_space<semaphore_mem>>)
        %dma_start3A_1924 = arith.constant 4 : i32
        %dma_start3A_1925 = arith.constant 0 : i32
        %dma_start3A_1926 = tpu.memref_slice %arg8[%dma_start3A_1924, %dma_start3A_1925] : memref<8x128xi32, #tpu.memory_space<vmem>> -> memref<1x128xi32, #tpu.memory_space<vmem>>
        %dma_start3A_1927 = tpu.memref_squeeze %dma_start3A_1926 : memref<1x128xi32, #tpu.memory_space<vmem>> -> memref<128xi32, #tpu.memory_space<vmem>>
        %dma_start3A_1928 = arith.constant 512 : i32
        %dma_start3A_1929 = tpu.memref_slice %arg5[%dma_start3A_1928] : memref<1024xi32, #tpu.memory_space<vmem>> -> memref<128xi32, #tpu.memory_space<vmem>>
        %dma_start3A_1930 = arith.constant 0 : i32
        %dma_start3A_1931 = tpu.memref_slice %arg12[%dma_start3A_1930] : memref<1000040xi32, #tpu.memory_space<vmem_shared>> -> memref<1000040xi32, #tpu.memory_space<vmem_shared>>
        tpu.enqueue_indirect_dma source(%dma_start3A_1931 : memref<1000040xi32, #tpu.memory_space<vmem_shared>>) target(%dma_start3A_1927 : memref<128xi32, #tpu.memory_space<vmem>>) offsets(%dma_start3A_1929 : memref<128xi32, #tpu.memory_space<vmem>>) semaphore(%arg13 : memref<!tpu.dma_semaphore, #tpu.memory_space<semaphore_mem>>)
        %dma_start3A_1932 = arith.constant 5 : i32
        %dma_start3A_1933 = arith.constant 0 : i32
        %dma_start3A_1934 = tpu.memref_slice %arg8[%dma_start3A_1932, %dma_start3A_1933] : memref<8x128xi32, #tpu.memory_space<vmem>> -> memref<1x128xi32, #tpu.memory_space<vmem>>
        %dma_start3A_1935 = tpu.memref_squeeze %dma_start3A_1934 : memref<1x128xi32, #tpu.memory_space<vmem>> -> memref<128xi32, #tpu.memory_space<vmem>>
        %dma_start3A_1936 = arith.constant 640 : i32
        %dma_start3A_1937 = tpu.memref_slice %arg5[%dma_start3A_1936] : memref<1024xi32, #tpu.memory_space<vmem>> -> memref<128xi32, #tpu.memory_space<vmem>>
        %dma_start3A_1938 = arith.constant 0 : i32
        %dma_start3A_1939 = tpu.memref_slice %arg12[%dma_start3A_1938] : memref<1000040xi32, #tpu.memory_space<vmem_shared>> -> memref<1000040xi32, #tpu.memory_space<vmem_shared>>
        tpu.enqueue_indirect_dma source(%dma_start3A_1939 : memref<1000040xi32, #tpu.memory_space<vmem_shared>>) target(%dma_start3A_1935 : memref<128xi32, #tpu.memory_space<vmem>>) offsets(%dma_start3A_1937 : memref<128xi32, #tpu.memory_space<vmem>>) semaphore(%arg13 : memref<!tpu.dma_semaphore, #tpu.memory_space<semaphore_mem>>)
        %dma_start3A_1940 = arith.constant 6 : i32
        %dma_start3A_1941 = arith.constant 0 : i32
        %dma_start3A_1942 = tpu.memref_slice %arg8[%dma_start3A_1940, %dma_start3A_1941] : memref<8x128xi32, #tpu.memory_space<vmem>> -> memref<1x128xi32, #tpu.memory_space<vmem>>
        %dma_start3A_1943 = tpu.memref_squeeze %dma_start3A_1942 : memref<1x128xi32, #tpu.memory_space<vmem>> -> memref<128xi32, #tpu.memory_space<vmem>>
        %dma_start3A_1944 = arith.constant 768 : i32
        %dma_start3A_1945 = tpu.memref_slice %arg5[%dma_start3A_1944] : memref<1024xi32, #tpu.memory_space<vmem>> -> memref<128xi32, #tpu.memory_space<vmem>>
        %dma_start3A_1946 = arith.constant 0 : i32
        %dma_start3A_1947 = tpu.memref_slice %arg12[%dma_start3A_1946] : memref<1000040xi32, #tpu.memory_space<vmem_shared>> -> memref<1000040xi32, #tpu.memory_space<vmem_shared>>
        tpu.enqueue_indirect_dma source(%dma_start3A_1947 : memref<1000040xi32, #tpu.memory_space<vmem_shared>>) target(%dma_start3A_1943 : memref<128xi32, #tpu.memory_space<vmem>>) offsets(%dma_start3A_1945 : memref<128xi32, #tpu.memory_space<vmem>>) semaphore(%arg13 : memref<!tpu.dma_semaphore, #tpu.memory_space<semaphore_mem>>)
        %dma_start3A_1948 = arith.constant 7 : i32
        %dma_start3A_1949 = arith.constant 0 : i32
        %dma_start3A_1950 = tpu.memref_slice %arg8[%dma_start3A_1948, %dma_start3A_1949] : memref<8x128xi32, #tpu.memory_space<vmem>> -> memref<1x128xi32, #tpu.memory_space<vmem>>
        %dma_start3A_1951 = tpu.memref_squeeze %dma_start3A_1950 : memref<1x128xi32, #tpu.memory_space<vmem>> -> memref<128xi32, #tpu.memory_space<vmem>>
        %dma_start3A_1952 = arith.constant 896 : i32
        %dma_start3A_1953 = tpu.memref_slice %arg5[%dma_start3A_1952] : memref<1024xi32, #tpu.memory_space<vmem>> -> memref<128xi32, #tpu.memory_space<vmem>>
        %dma_start3A_1954 = arith.constant 0 : i32
        %dma_start3A_1955 = tpu.memref_slice %arg12[%dma_start3A_1954] : memref<1000040xi32, #tpu.memory_space<vmem_shared>> -> memref<1000040xi32, #tpu.memory_space<vmem_shared>>
        tpu.enqueue_indirect_dma source(%dma_start3A_1955 : memref<1000040xi32, #tpu.memory_space<vmem_shared>>) target(%dma_start3A_1951 : memref<128xi32, #tpu.memory_space<vmem>>) offsets(%dma_start3A_1953 : memref<128xi32, #tpu.memory_space<vmem>>) semaphore(%arg13 : memref<!tpu.dma_semaphore, #tpu.memory_space<semaphore_mem>>)
        %dma_wait3A_1956 = arith.constant 0 : i32
        %dma_wait3A_1957 = arith.constant 0 : i32
        %dma_wait3A_1958 = tpu.memref_slice %arg8[%dma_wait3A_1956, %dma_wait3A_1957] : memref<8x128xi32, #tpu.memory_space<vmem>> -> memref<1x128xi32, #tpu.memory_space<vmem>>
        %dma_wait3A_1959 = tpu.memref_squeeze %dma_wait3A_1958 : memref<1x128xi32, #tpu.memory_space<vmem>> -> memref<128xi32, #tpu.memory_space<vmem>>
        %dma_wait3A_1960 = arith.constant 0 : i32
        %dma_wait3A_1961 = tpu.memref_slice %arg5[%dma_wait3A_1960] : memref<1024xi32, #tpu.memory_space<vmem>> -> memref<128xi32, #tpu.memory_space<vmem>>
        %dma_wait3A_1962 = arith.constant 0 : i32
        %dma_wait3A_1963 = tpu.memref_slice %arg12[%dma_wait3A_1962] : memref<1000040xi32, #tpu.memory_space<vmem_shared>> -> memref<1000040xi32, #tpu.memory_space<vmem_shared>>
        tpu.wait_indirect_dma semaphore(%arg13 : memref<!tpu.dma_semaphore, #tpu.memory_space<semaphore_mem>>) src(%dma_wait3A_1963 : memref<1000040xi32, #tpu.memory_space<vmem_shared>>) dst(%dma_wait3A_1959 : memref<128xi32, #tpu.memory_space<vmem>>)
        %dma_wait3A_1964 = arith.constant 1 : i32
        %dma_wait3A_1965 = arith.constant 0 : i32
        %dma_wait3A_1966 = tpu.memref_slice %arg8[%dma_wait3A_1964, %dma_wait3A_1965] : memref<8x128xi32, #tpu.memory_space<vmem>> -> memref<1x128xi32, #tpu.memory_space<vmem>>
        %dma_wait3A_1967 = tpu.memref_squeeze %dma_wait3A_1966 : memref<1x128xi32, #tpu.memory_space<vmem>> -> memref<128xi32, #tpu.memory_space<vmem>>
        %dma_wait3A_1968 = arith.constant 128 : i32
        %dma_wait3A_1969 = tpu.memref_slice %arg5[%dma_wait3A_1968] : memref<1024xi32, #tpu.memory_space<vmem>> -> memref<128xi32, #tpu.memory_space<vmem>>
        %dma_wait3A_1970 = arith.constant 0 : i32
        %dma_wait3A_1971 = tpu.memref_slice %arg12[%dma_wait3A_1970] : memref<1000040xi32, #tpu.memory_space<vmem_shared>> -> memref<1000040xi32, #tpu.memory_space<vmem_shared>>
        tpu.wait_indirect_dma semaphore(%arg13 : memref<!tpu.dma_semaphore, #tpu.memory_space<semaphore_mem>>) src(%dma_wait3A_1971 : memref<1000040xi32, #tpu.memory_space<vmem_shared>>) dst(%dma_wait3A_1967 : memref<128xi32, #tpu.memory_space<vmem>>)
        %dma_wait3A_1972 = arith.constant 2 : i32
        %dma_wait3A_1973 = arith.constant 0 : i32
        %dma_wait3A_1974 = tpu.memref_slice %arg8[%dma_wait3A_1972, %dma_wait3A_1973] : memref<8x128xi32, #tpu.memory_space<vmem>> -> memref<1x128xi32, #tpu.memory_space<vmem>>
        %dma_wait3A_1975 = tpu.memref_squeeze %dma_wait3A_1974 : memref<1x128xi32, #tpu.memory_space<vmem>> -> memref<128xi32, #tpu.memory_space<vmem>>
        %dma_wait3A_1976 = arith.constant 256 : i32
        %dma_wait3A_1977 = tpu.memref_slice %arg5[%dma_wait3A_1976] : memref<1024xi32, #tpu.memory_space<vmem>> -> memref<128xi32, #tpu.memory_space<vmem>>
        %dma_wait3A_1978 = arith.constant 0 : i32
        %dma_wait3A_1979 = tpu.memref_slice %arg12[%dma_wait3A_1978] : memref<1000040xi32, #tpu.memory_space<vmem_shared>> -> memref<1000040xi32, #tpu.memory_space<vmem_shared>>
        tpu.wait_indirect_dma semaphore(%arg13 : memref<!tpu.dma_semaphore, #tpu.memory_space<semaphore_mem>>) src(%dma_wait3A_1979 : memref<1000040xi32, #tpu.memory_space<vmem_shared>>) dst(%dma_wait3A_1975 : memref<128xi32, #tpu.memory_space<vmem>>)
        %dma_wait3A_1980 = arith.constant 3 : i32
        %dma_wait3A_1981 = arith.constant 0 : i32
        %dma_wait3A_1982 = tpu.memref_slice %arg8[%dma_wait3A_1980, %dma_wait3A_1981] : memref<8x128xi32, #tpu.memory_space<vmem>> -> memref<1x128xi32, #tpu.memory_space<vmem>>
        %dma_wait3A_1983 = tpu.memref_squeeze %dma_wait3A_1982 : memref<1x128xi32, #tpu.memory_space<vmem>> -> memref<128xi32, #tpu.memory_space<vmem>>
        %dma_wait3A_1984 = arith.constant 384 : i32
        %dma_wait3A_1985 = tpu.memref_slice %arg5[%dma_wait3A_1984] : memref<1024xi32, #tpu.memory_space<vmem>> -> memref<128xi32, #tpu.memory_space<vmem>>
        %dma_wait3A_1986 = arith.constant 0 : i32
        %dma_wait3A_1987 = tpu.memref_slice %arg12[%dma_wait3A_1986] : memref<1000040xi32, #tpu.memory_space<vmem_shared>> -> memref<1000040xi32, #tpu.memory_space<vmem_shared>>
        tpu.wait_indirect_dma semaphore(%arg13 : memref<!tpu.dma_semaphore, #tpu.memory_space<semaphore_mem>>) src(%dma_wait3A_1987 : memref<1000040xi32, #tpu.memory_space<vmem_shared>>) dst(%dma_wait3A_1983 : memref<128xi32, #tpu.memory_space<vmem>>)
        %dma_wait3A_1988 = arith.constant 4 : i32
        %dma_wait3A_1989 = arith.constant 0 : i32
        %dma_wait3A_1990 = tpu.memref_slice %arg8[%dma_wait3A_1988, %dma_wait3A_1989] : memref<8x128xi32, #tpu.memory_space<vmem>> -> memref<1x128xi32, #tpu.memory_space<vmem>>
        %dma_wait3A_1991 = tpu.memref_squeeze %dma_wait3A_1990 : memref<1x128xi32, #tpu.memory_space<vmem>> -> memref<128xi32, #tpu.memory_space<vmem>>
        %dma_wait3A_1992 = arith.constant 512 : i32
        %dma_wait3A_1993 = tpu.memref_slice %arg5[%dma_wait3A_1992] : memref<1024xi32, #tpu.memory_space<vmem>> -> memref<128xi32, #tpu.memory_space<vmem>>
        %dma_wait3A_1994 = arith.constant 0 : i32
        %dma_wait3A_1995 = tpu.memref_slice %arg12[%dma_wait3A_1994] : memref<1000040xi32, #tpu.memory_space<vmem_shared>> -> memref<1000040xi32, #tpu.memory_space<vmem_shared>>
        tpu.wait_indirect_dma semaphore(%arg13 : memref<!tpu.dma_semaphore, #tpu.memory_space<semaphore_mem>>) src(%dma_wait3A_1995 : memref<1000040xi32, #tpu.memory_space<vmem_shared>>) dst(%dma_wait3A_1991 : memref<128xi32, #tpu.memory_space<vmem>>)
        %dma_wait3A_1996 = arith.constant 5 : i32
        %dma_wait3A_1997 = arith.constant 0 : i32
        %dma_wait3A_1998 = tpu.memref_slice %arg8[%dma_wait3A_1996, %dma_wait3A_1997] : memref<8x128xi32, #tpu.memory_space<vmem>> -> memref<1x128xi32, #tpu.memory_space<vmem>>
        %dma_wait3A_1999 = tpu.memref_squeeze %dma_wait3A_1998 : memref<1x128xi32, #tpu.memory_space<vmem>> -> memref<128xi32, #tpu.memory_space<vmem>>
        %dma_wait3A_2000 = arith.constant 640 : i32
        %dma_wait3A_2001 = tpu.memref_slice %arg5[%dma_wait3A_2000] : memref<1024xi32, #tpu.memory_space<vmem>> -> memref<128xi32, #tpu.memory_space<vmem>>
        %dma_wait3A_2002 = arith.constant 0 : i32
        %dma_wait3A_2003 = tpu.memref_slice %arg12[%dma_wait3A_2002] : memref<1000040xi32, #tpu.memory_space<vmem_shared>> -> memref<1000040xi32, #tpu.memory_space<vmem_shared>>
        tpu.wait_indirect_dma semaphore(%arg13 : memref<!tpu.dma_semaphore, #tpu.memory_space<semaphore_mem>>) src(%dma_wait3A_2003 : memref<1000040xi32, #tpu.memory_space<vmem_shared>>) dst(%dma_wait3A_1999 : memref<128xi32, #tpu.memory_space<vmem>>)
        %dma_wait3A_2004 = arith.constant 6 : i32
        %dma_wait3A_2005 = arith.constant 0 : i32
        %dma_wait3A_2006 = tpu.memref_slice %arg8[%dma_wait3A_2004, %dma_wait3A_2005] : memref<8x128xi32, #tpu.memory_space<vmem>> -> memref<1x128xi32, #tpu.memory_space<vmem>>
        %dma_wait3A_2007 = tpu.memref_squeeze %dma_wait3A_2006 : memref<1x128xi32, #tpu.memory_space<vmem>> -> memref<128xi32, #tpu.memory_space<vmem>>
        %dma_wait3A_2008 = arith.constant 768 : i32
        %dma_wait3A_2009 = tpu.memref_slice %arg5[%dma_wait3A_2008] : memref<1024xi32, #tpu.memory_space<vmem>> -> memref<128xi32, #tpu.memory_space<vmem>>
        %dma_wait3A_2010 = arith.constant 0 : i32
        %dma_wait3A_2011 = tpu.memref_slice %arg12[%dma_wait3A_2010] : memref<1000040xi32, #tpu.memory_space<vmem_shared>> -> memref<1000040xi32, #tpu.memory_space<vmem_shared>>
        tpu.wait_indirect_dma semaphore(%arg13 : memref<!tpu.dma_semaphore, #tpu.memory_space<semaphore_mem>>) src(%dma_wait3A_2011 : memref<1000040xi32, #tpu.memory_space<vmem_shared>>) dst(%dma_wait3A_2007 : memref<128xi32, #tpu.memory_space<vmem>>)
        %dma_wait3A_2012 = arith.constant 7 : i32
        %dma_wait3A_2013 = arith.constant 0 : i32
        %dma_wait3A_2014 = tpu.memref_slice %arg8[%dma_wait3A_2012, %dma_wait3A_2013] : memref<8x128xi32, #tpu.memory_space<vmem>> -> memref<1x128xi32, #tpu.memory_space<vmem>>
        %dma_wait3A_2015 = tpu.memref_squeeze %dma_wait3A_2014 : memref<1x128xi32, #tpu.memory_space<vmem>> -> memref<128xi32, #tpu.memory_space<vmem>>
        %dma_wait3A_2016 = arith.constant 896 : i32
        %dma_wait3A_2017 = tpu.memref_slice %arg5[%dma_wait3A_2016] : memref<1024xi32, #tpu.memory_space<vmem>> -> memref<128xi32, #tpu.memory_space<vmem>>
        %dma_wait3A_2018 = arith.constant 0 : i32
        %dma_wait3A_2019 = tpu.memref_slice %arg12[%dma_wait3A_2018] : memref<1000040xi32, #tpu.memory_space<vmem_shared>> -> memref<1000040xi32, #tpu.memory_space<vmem_shared>>
        tpu.wait_indirect_dma semaphore(%arg13 : memref<!tpu.dma_semaphore, #tpu.memory_space<semaphore_mem>>) src(%dma_wait3A_2019 : memref<1000040xi32, #tpu.memory_space<vmem_shared>>) dst(%dma_wait3A_2015 : memref<128xi32, #tpu.memory_space<vmem>>)
        %get3A_2020 = arith.constant 0 : i32
        %get3A_2021 = arith.index_cast %get3A_2020 : i32 to index
        %get3A_2022 = arith.constant 0 : index
        %get3A_2023 = tpu.vector_load %arg7[%get3A_2021, %get3A_2022] {strides = array<i32>} : memref<8x128xi32, #tpu.memory_space<vmem>>, vector<1x16xi32>,
        %get3A_2024 = vector.shape_cast %get3A_2023 : vector<1x16xi32> to vector<16xi32>
        %get3A_2025 = arith.constant 0 : i32
        %get3A_2026 = arith.index_cast %get3A_2025 : i32 to index
        %get3A_2027 = arith.constant 0 : index
        %get3A_2028 = tpu.vector_load %arg8[%get3A_2026, %get3A_2027] {strides = array<i32>} : memref<8x128xi32, #tpu.memory_space<vmem>>, vector<1x16xi32>,
        %get3A_2029 = vector.shape_cast %get3A_2028 : vector<1x16xi32> to vector<16xi32>
        %gt3A = arith.cmpi sgt, %get3A_2024, %get3A_2029 : vector<16xi32>
        %get3A_2030 = arith.constant 0 : index
        %get3A_2031 = tpu.vector_load %arg5[%get3A_2030] {strides = array<i32>} : memref<1024xi32, #tpu.memory_space<vmem>>, vector<16xi32>,
        %get3A_2032 = vector.shape_cast %get3A_2031 : vector<16xi32> to vector<16xi32>
        %select_n3A = arith.select %gt3A, %get3A_2032, %broadcast_in_dim3A_1 : vector<16xi1>, vector<16xi32>
        %swap3A_2033 = arith.constant 0 : i32
        %swap3A_2034 = arith.index_cast %swap3A_2033 : i32 to index
        %swap3A_2035 = arith.constant 0 : index
        %swap3A_2036 = tpu.vector_load %arg6[%swap3A_2034, %swap3A_2035] {strides = array<i32>} : memref<8x128xi32, #tpu.memory_space<vmem>>, vector<1x16xi32>,
        %swap3A_2037 = vector.shape_cast %swap3A_2036 : vector<1x16xi32> to vector<16xi32>
        %swap3A_2038 = vector.shape_cast %select_n3A : vector<16xi32> to vector<1x16xi32>
        tpu.vector_store %arg6[%swap3A_2034, %swap3A_2035], %swap3A_2038 {strides = array<i32>} : memref<8x128xi32, #tpu.memory_space<vmem>>, vector<1x16xi32>,
        %jit3A = arith.constant 1 : i32
        %jit3A_2039 = arith.constant 0 : i32
        %broadcast_in_dim3A_2040 = vector.broadcast %jit3A : i32 to vector<16xi32>
        %broadcast_in_dim3A_2041 = vector.broadcast %jit3A_2039 : i32 to vector<16xi32>
        %select_n3A_2042 = arith.select %gt3A, %broadcast_in_dim3A_2040, %broadcast_in_dim3A_2041 : vector<16xi1>, vector<16xi32>
        %or3A = arith.ori %broadcast_in_dim3A_3, %select_n3A_2042 : vector<16xi32>
        %get3A_2043 = arith.constant 0 : i32
        %get3A_2044 = arith.index_cast %get3A_2043 : i32 to index
        %get3A_2045 = arith.constant 16 : index
        %get3A_2046 = tpu.vector_load %arg7[%get3A_2044, %get3A_2045] {strides = array<i32>} : memref<8x128xi32, #tpu.memory_space<vmem>>, vector<1x16xi32>,
        %get3A_2047 = vector.shape_cast %get3A_2046 : vector<1x16xi32> to vector<16xi32>
        %get3A_2048 = arith.constant 0 : i32
        %get3A_2049 = arith.index_cast %get3A_2048 : i32 to index
        %get3A_2050 = arith.constant 16 : index
        %get3A_2051 = tpu.vector_load %arg8[%get3A_2049, %get3A_2050] {strides = array<i32>} : memref<8x128xi32, #tpu.memory_space<vmem>>, vector<1x16xi32>,
        %get3A_2052 = vector.shape_cast %get3A_2051 : vector<1x16xi32> to vector<16xi32>
        %gt3A_2053 = arith.cmpi sgt, %get3A_2047, %get3A_2052 : vector<16xi32>
        %get3A_2054 = arith.constant 16 : index
        %get3A_2055 = tpu.vector_load %arg5[%get3A_2054] {strides = array<i32>} : memref<1024xi32, #tpu.memory_space<vmem>>, vector<16xi32>,
        %get3A_2056 = vector.shape_cast %get3A_2055 : vector<16xi32> to vector<16xi32>
        %select_n3A_2057 = arith.select %gt3A_2053, %get3A_2056, %broadcast_in_dim3A_1 : vector<16xi1>, vector<16xi32>
        %swap3A_2058 = arith.constant 0 : i32
        %swap3A_2059 = arith.index_cast %swap3A_2058 : i32 to index
        %swap3A_2060 = arith.constant 16 : index
        %swap3A_2061 = tpu.vector_load %arg6[%swap3A_2059, %swap3A_2060] {strides = array<i32>} : memref<8x128xi32, #tpu.memory_space<vmem>>, vector<1x16xi32>,
        %swap3A_2062 = vector.shape_cast %swap3A_2061 : vector<1x16xi32> to vector<16xi32>
        %swap3A_2063 = vector.shape_cast %select_n3A_2057 : vector<16xi32> to vector<1x16xi32>
        tpu.vector_store %arg6[%swap3A_2059, %swap3A_2060], %swap3A_2063 {strides = array<i32>} : memref<8x128xi32, #tpu.memory_space<vmem>>, vector<1x16xi32>,
        %jit3A_2064 = arith.constant 1 : i32
        %jit3A_2065 = arith.constant 0 : i32
        %broadcast_in_dim3A_2066 = vector.broadcast %jit3A_2064 : i32 to vector<16xi32>
        %broadcast_in_dim3A_2067 = vector.broadcast %jit3A_2065 : i32 to vector<16xi32>
        %select_n3A_2068 = arith.select %gt3A_2053, %broadcast_in_dim3A_2066, %broadcast_in_dim3A_2067 : vector<16xi1>, vector<16xi32>
        %or3A_2069 = arith.ori %or3A, %select_n3A_2068 : vector<16xi32>
        %get3A_2070 = arith.constant 0 : i32
        %get3A_2071 = arith.index_cast %get3A_2070 : i32 to index
        %get3A_2072 = arith.constant 32 : index
        %get3A_2073 = tpu.vector_load %arg7[%get3A_2071, %get3A_2072] {strides = array<i32>} : memref<8x128xi32, #tpu.memory_space<vmem>>, vector<1x16xi32>,
        %get3A_2074 = vector.shape_cast %get3A_2073 : vector<1x16xi32> to vector<16xi32>
        %get3A_2075 = arith.constant 0 : i32
        %get3A_2076 = arith.index_cast %get3A_2075 : i32 to index
        %get3A_2077 = arith.constant 32 : index
        %get3A_2078 = tpu.vector_load %arg8[%get3A_2076, %get3A_2077] {strides = array<i32>} : memref<8x128xi32, #tpu.memory_space<vmem>>, vector<1x16xi32>,
        %get3A_2079 = vector.shape_cast %get3A_2078 : vector<1x16xi32> to vector<16xi32>
        %gt3A_2080 = arith.cmpi sgt, %get3A_2074, %get3A_2079 : vector<16xi32>
        %get3A_2081 = arith.constant 32 : index
        %get3A_2082 = tpu.vector_load %arg5[%get3A_2081] {strides = array<i32>} : memref<1024xi32, #tpu.memory_space<vmem>>, vector<16xi32>,
        %get3A_2083 = vector.shape_cast %get3A_2082 : vector<16xi32> to vector<16xi32>
        %select_n3A_2084 = arith.select %gt3A_2080, %get3A_2083, %broadcast_in_dim3A_1 : vector<16xi1>, vector<16xi32>
        %swap3A_2085 = arith.constant 0 : i32
        %swap3A_2086 = arith.index_cast %swap3A_2085 : i32 to index
        %swap3A_2087 = arith.constant 32 : index
        %swap3A_2088 = tpu.vector_load %arg6[%swap3A_2086, %swap3A_2087] {strides = array<i32>} : memref<8x128xi32, #tpu.memory_space<vmem>>, vector<1x16xi32>,
        %swap3A_2089 = vector.shape_cast %swap3A_2088 : vector<1x16xi32> to vector<16xi32>
        %swap3A_2090 = vector.shape_cast %select_n3A_2084 : vector<16xi32> to vector<1x16xi32>
        tpu.vector_store %arg6[%swap3A_2086, %swap3A_2087], %swap3A_2090 {strides = array<i32>} : memref<8x128xi32, #tpu.memory_space<vmem>>, vector<1x16xi32>,
        %jit3A_2091 = arith.constant 1 : i32
        %jit3A_2092 = arith.constant 0 : i32
        %broadcast_in_dim3A_2093 = vector.broadcast %jit3A_2091 : i32 to vector<16xi32>
        %broadcast_in_dim3A_2094 = vector.broadcast %jit3A_2092 : i32 to vector<16xi32>
        %select_n3A_2095 = arith.select %gt3A_2080, %broadcast_in_dim3A_2093, %broadcast_in_dim3A_2094 : vector<16xi1>, vector<16xi32>
        %or3A_2096 = arith.ori %or3A_2069, %select_n3A_2095 : vector<16xi32>
        %get3A_2097 = arith.constant 0 : i32
        %get3A_2098 = arith.index_cast %get3A_2097 : i32 to index
        %get3A_2099 = arith.constant 48 : index
        %get3A_2100 = tpu.vector_load %arg7[%get3A_2098, %get3A_2099] {strides = array<i32>} : memref<8x128xi32, #tpu.memory_space<vmem>>, vector<1x16xi32>,
        %get3A_2101 = vector.shape_cast %get3A_2100 : vector<1x16xi32> to vector<16xi32>
        %get3A_2102 = arith.constant 0 : i32
        %get3A_2103 = arith.index_cast %get3A_2102 : i32 to index
        %get3A_2104 = arith.constant 48 : index
        %get3A_2105 = tpu.vector_load %arg8[%get3A_2103, %get3A_2104] {strides = array<i32>} : memref<8x128xi32, #tpu.memory_space<vmem>>, vector<1x16xi32>,
        %get3A_2106 = vector.shape_cast %get3A_2105 : vector<1x16xi32> to vector<16xi32>
        %gt3A_2107 = arith.cmpi sgt, %get3A_2101, %get3A_2106 : vector<16xi32>
        %get3A_2108 = arith.constant 48 : index
        %get3A_2109 = tpu.vector_load %arg5[%get3A_2108] {strides = array<i32>} : memref<1024xi32, #tpu.memory_space<vmem>>, vector<16xi32>,
        %get3A_2110 = vector.shape_cast %get3A_2109 : vector<16xi32> to vector<16xi32>
        %select_n3A_2111 = arith.select %gt3A_2107, %get3A_2110, %broadcast_in_dim3A_1 : vector<16xi1>, vector<16xi32>
        %swap3A_2112 = arith.constant 0 : i32
        %swap3A_2113 = arith.index_cast %swap3A_2112 : i32 to index
        %swap3A_2114 = arith.constant 48 : index
        %swap3A_2115 = tpu.vector_load %arg6[%swap3A_2113, %swap3A_2114] {strides = array<i32>} : memref<8x128xi32, #tpu.memory_space<vmem>>, vector<1x16xi32>,
        %swap3A_2116 = vector.shape_cast %swap3A_2115 : vector<1x16xi32> to vector<16xi32>
        %swap3A_2117 = vector.shape_cast %select_n3A_2111 : vector<16xi32> to vector<1x16xi32>
        tpu.vector_store %arg6[%swap3A_2113, %swap3A_2114], %swap3A_2117 {strides = array<i32>} : memref<8x128xi32, #tpu.memory_space<vmem>>, vector<1x16xi32>,
        %jit3A_2118 = arith.constant 1 : i32
        %jit3A_2119 = arith.constant 0 : i32
        %broadcast_in_dim3A_2120 = vector.broadcast %jit3A_2118 : i32 to vector<16xi32>
        %broadcast_in_dim3A_2121 = vector.broadcast %jit3A_2119 : i32 to vector<16xi32>
        %select_n3A_2122 = arith.select %gt3A_2107, %broadcast_in_dim3A_2120, %broadcast_in_dim3A_2121 : vector<16xi1>, vector<16xi32>
        %or3A_2123 = arith.ori %or3A_2096, %select_n3A_2122 : vector<16xi32>
        %get3A_2124 = arith.constant 0 : i32
        %get3A_2125 = arith.index_cast %get3A_2124 : i32 to index
        %get3A_2126 = arith.constant 64 : index
        %get3A_2127 = tpu.vector_load %arg7[%get3A_2125, %get3A_2126] {strides = array<i32>} : memref<8x128xi32, #tpu.memory_space<vmem>>, vector<1x16xi32>,
        %get3A_2128 = vector.shape_cast %get3A_2127 : vector<1x16xi32> to vector<16xi32>
        %get3A_2129 = arith.constant 0 : i32
        %get3A_2130 = arith.index_cast %get3A_2129 : i32 to index
        %get3A_2131 = arith.constant 64 : index
        %get3A_2132 = tpu.vector_load %arg8[%get3A_2130, %get3A_2131] {strides = array<i32>} : memref<8x128xi32, #tpu.memory_space<vmem>>, vector<1x16xi32>,
        %get3A_2133 = vector.shape_cast %get3A_2132 : vector<1x16xi32> to vector<16xi32>
        %gt3A_2134 = arith.cmpi sgt, %get3A_2128, %get3A_2133 : vector<16xi32>
        %get3A_2135 = arith.constant 64 : index
        %get3A_2136 = tpu.vector_load %arg5[%get3A_2135] {strides = array<i32>} : memref<1024xi32, #tpu.memory_space<vmem>>, vector<16xi32>,
        %get3A_2137 = vector.shape_cast %get3A_2136 : vector<16xi32> to vector<16xi32>
        %select_n3A_2138 = arith.select %gt3A_2134, %get3A_2137, %broadcast_in_dim3A_1 : vector<16xi1>, vector<16xi32>
        %swap3A_2139 = arith.constant 0 : i32
        %swap3A_2140 = arith.index_cast %swap3A_2139 : i32 to index
        %swap3A_2141 = arith.constant 64 : index
        %swap3A_2142 = tpu.vector_load %arg6[%swap3A_2140, %swap3A_2141] {strides = array<i32>} : memref<8x128xi32, #tpu.memory_space<vmem>>, vector<1x16xi32>,
        %swap3A_2143 = vector.shape_cast %swap3A_2142 : vector<1x16xi32> to vector<16xi32>
        %swap3A_2144 = vector.shape_cast %select_n3A_2138 : vector<16xi32> to vector<1x16xi32>
        tpu.vector_store %arg6[%swap3A_2140, %swap3A_2141], %swap3A_2144 {strides = array<i32>} : memref<8x128xi32, #tpu.memory_space<vmem>>, vector<1x16xi32>,
        %jit3A_2145 = arith.constant 1 : i32
        %jit3A_2146 = arith.constant 0 : i32
        %broadcast_in_dim3A_2147 = vector.broadcast %jit3A_2145 : i32 to vector<16xi32>
        %broadcast_in_dim3A_2148 = vector.broadcast %jit3A_2146 : i32 to vector<16xi32>
        %select_n3A_2149 = arith.select %gt3A_2134, %broadcast_in_dim3A_2147, %broadcast_in_dim3A_2148 : vector<16xi1>, vector<16xi32>
        %or3A_2150 = arith.ori %or3A_2123, %select_n3A_2149 : vector<16xi32>
        %get3A_2151 = arith.constant 0 : i32
        %get3A_2152 = arith.index_cast %get3A_2151 : i32 to index
        %get3A_2153 = arith.constant 80 : index
        %get3A_2154 = tpu.vector_load %arg7[%get3A_2152, %get3A_2153] {strides = array<i32>} : memref<8x128xi32, #tpu.memory_space<vmem>>, vector<1x16xi32>,
        %get3A_2155 = vector.shape_cast %get3A_2154 : vector<1x16xi32> to vector<16xi32>
        %get3A_2156 = arith.constant 0 : i32
        %get3A_2157 = arith.index_cast %get3A_2156 : i32 to index
        %get3A_2158 = arith.constant 80 : index
        %get3A_2159 = tpu.vector_load %arg8[%get3A_2157, %get3A_2158] {strides = array<i32>} : memref<8x128xi32, #tpu.memory_space<vmem>>, vector<1x16xi32>,
        %get3A_2160 = vector.shape_cast %get3A_2159 : vector<1x16xi32> to vector<16xi32>
        %gt3A_2161 = arith.cmpi sgt, %get3A_2155, %get3A_2160 : vector<16xi32>
        %get3A_2162 = arith.constant 80 : index
        %get3A_2163 = tpu.vector_load %arg5[%get3A_2162] {strides = array<i32>} : memref<1024xi32, #tpu.memory_space<vmem>>, vector<16xi32>,
        %get3A_2164 = vector.shape_cast %get3A_2163 : vector<16xi32> to vector<16xi32>
        %select_n3A_2165 = arith.select %gt3A_2161, %get3A_2164, %broadcast_in_dim3A_1 : vector<16xi1>, vector<16xi32>
        %swap3A_2166 = arith.constant 0 : i32
        %swap3A_2167 = arith.index_cast %swap3A_2166 : i32 to index
        %swap3A_2168 = arith.constant 80 : index
        %swap3A_2169 = tpu.vector_load %arg6[%swap3A_2167, %swap3A_2168] {strides = array<i32>} : memref<8x128xi32, #tpu.memory_space<vmem>>, vector<1x16xi32>,
        %swap3A_2170 = vector.shape_cast %swap3A_2169 : vector<1x16xi32> to vector<16xi32>
        %swap3A_2171 = vector.shape_cast %select_n3A_2165 : vector<16xi32> to vector<1x16xi32>
        tpu.vector_store %arg6[%swap3A_2167, %swap3A_2168], %swap3A_2171 {strides = array<i32>} : memref<8x128xi32, #tpu.memory_space<vmem>>, vector<1x16xi32>,
        %jit3A_2172 = arith.constant 1 : i32
        %jit3A_2173 = arith.constant 0 : i32
        %broadcast_in_dim3A_2174 = vector.broadcast %jit3A_2172 : i32 to vector<16xi32>
        %broadcast_in_dim3A_2175 = vector.broadcast %jit3A_2173 : i32 to vector<16xi32>
        %select_n3A_2176 = arith.select %gt3A_2161, %broadcast_in_dim3A_2174, %broadcast_in_dim3A_2175 : vector<16xi1>, vector<16xi32>
        %or3A_2177 = arith.ori %or3A_2150, %select_n3A_2176 : vector<16xi32>
        %get3A_2178 = arith.constant 0 : i32
        %get3A_2179 = arith.index_cast %get3A_2178 : i32 to index
        %get3A_2180 = arith.constant 96 : index
        %get3A_2181 = tpu.vector_load %arg7[%get3A_2179, %get3A_2180] {strides = array<i32>} : memref<8x128xi32, #tpu.memory_space<vmem>>, vector<1x16xi32>,
        %get3A_2182 = vector.shape_cast %get3A_2181 : vector<1x16xi32> to vector<16xi32>
        %get3A_2183 = arith.constant 0 : i32
        %get3A_2184 = arith.index_cast %get3A_2183 : i32 to index
        %get3A_2185 = arith.constant 96 : index
        %get3A_2186 = tpu.vector_load %arg8[%get3A_2184, %get3A_2185] {strides = array<i32>} : memref<8x128xi32, #tpu.memory_space<vmem>>, vector<1x16xi32>,
        %get3A_2187 = vector.shape_cast %get3A_2186 : vector<1x16xi32> to vector<16xi32>
        %gt3A_2188 = arith.cmpi sgt, %get3A_2182, %get3A_2187 : vector<16xi32>
        %get3A_2189 = arith.constant 96 : index
        %get3A_2190 = tpu.vector_load %arg5[%get3A_2189] {strides = array<i32>} : memref<1024xi32, #tpu.memory_space<vmem>>, vector<16xi32>,
        %get3A_2191 = vector.shape_cast %get3A_2190 : vector<16xi32> to vector<16xi32>
        %select_n3A_2192 = arith.select %gt3A_2188, %get3A_2191, %broadcast_in_dim3A_1 : vector<16xi1>, vector<16xi32>
        %swap3A_2193 = arith.constant 0 : i32
        %swap3A_2194 = arith.index_cast %swap3A_2193 : i32 to index
        %swap3A_2195 = arith.constant 96 : index
        %swap3A_2196 = tpu.vector_load %arg6[%swap3A_2194, %swap3A_2195] {strides = array<i32>} : memref<8x128xi32, #tpu.memory_space<vmem>>, vector<1x16xi32>,
        %swap3A_2197 = vector.shape_cast %swap3A_2196 : vector<1x16xi32> to vector<16xi32>
        %swap3A_2198 = vector.shape_cast %select_n3A_2192 : vector<16xi32> to vector<1x16xi32>
        tpu.vector_store %arg6[%swap3A_2194, %swap3A_2195], %swap3A_2198 {strides = array<i32>} : memref<8x128xi32, #tpu.memory_space<vmem>>, vector<1x16xi32>,
        %jit3A_2199 = arith.constant 1 : i32
        %jit3A_2200 = arith.constant 0 : i32
        %broadcast_in_dim3A_2201 = vector.broadcast %jit3A_2199 : i32 to vector<16xi32>
        %broadcast_in_dim3A_2202 = vector.broadcast %jit3A_2200 : i32 to vector<16xi32>
        %select_n3A_2203 = arith.select %gt3A_2188, %broadcast_in_dim3A_2201, %broadcast_in_dim3A_2202 : vector<16xi1>, vector<16xi32>
        %or3A_2204 = arith.ori %or3A_2177, %select_n3A_2203 : vector<16xi32>
        %get3A_2205 = arith.constant 0 : i32
        %get3A_2206 = arith.index_cast %get3A_2205 : i32 to index
        %get3A_2207 = arith.constant 112 : index
        %get3A_2208 = tpu.vector_load %arg7[%get3A_2206, %get3A_2207] {strides = array<i32>} : memref<8x128xi32, #tpu.memory_space<vmem>>, vector<1x16xi32>,
        %get3A_2209 = vector.shape_cast %get3A_2208 : vector<1x16xi32> to vector<16xi32>
        %get3A_2210 = arith.constant 0 : i32
        %get3A_2211 = arith.index_cast %get3A_2210 : i32 to index
        %get3A_2212 = arith.constant 112 : index
        %get3A_2213 = tpu.vector_load %arg8[%get3A_2211, %get3A_2212] {strides = array<i32>} : memref<8x128xi32, #tpu.memory_space<vmem>>, vector<1x16xi32>,
        %get3A_2214 = vector.shape_cast %get3A_2213 : vector<1x16xi32> to vector<16xi32>
        %gt3A_2215 = arith.cmpi sgt, %get3A_2209, %get3A_2214 : vector<16xi32>
        %get3A_2216 = arith.constant 112 : index
        %get3A_2217 = tpu.vector_load %arg5[%get3A_2216] {strides = array<i32>} : memref<1024xi32, #tpu.memory_space<vmem>>, vector<16xi32>,
        %get3A_2218 = vector.shape_cast %get3A_2217 : vector<16xi32> to vector<16xi32>
        %select_n3A_2219 = arith.select %gt3A_2215, %get3A_2218, %broadcast_in_dim3A_1 : vector<16xi1>, vector<16xi32>
        %swap3A_2220 = arith.constant 0 : i32
        %swap3A_2221 = arith.index_cast %swap3A_2220 : i32 to index
        %swap3A_2222 = arith.constant 112 : index
        %swap3A_2223 = tpu.vector_load %arg6[%swap3A_2221, %swap3A_2222] {strides = array<i32>} : memref<8x128xi32, #tpu.memory_space<vmem>>, vector<1x16xi32>,
        %swap3A_2224 = vector.shape_cast %swap3A_2223 : vector<1x16xi32> to vector<16xi32>
        %swap3A_2225 = vector.shape_cast %select_n3A_2219 : vector<16xi32> to vector<1x16xi32>
        tpu.vector_store %arg6[%swap3A_2221, %swap3A_2222], %swap3A_2225 {strides = array<i32>} : memref<8x128xi32, #tpu.memory_space<vmem>>, vector<1x16xi32>,
        %jit3A_2226 = arith.constant 1 : i32
        %jit3A_2227 = arith.constant 0 : i32
        %broadcast_in_dim3A_2228 = vector.broadcast %jit3A_2226 : i32 to vector<16xi32>
        %broadcast_in_dim3A_2229 = vector.broadcast %jit3A_2227 : i32 to vector<16xi32>
        %select_n3A_2230 = arith.select %gt3A_2215, %broadcast_in_dim3A_2228, %broadcast_in_dim3A_2229 : vector<16xi1>, vector<16xi32>
        %or3A_2231 = arith.ori %or3A_2204, %select_n3A_2230 : vector<16xi32>
        %get3A_2232 = arith.constant 1 : i32
        %get3A_2233 = arith.index_cast %get3A_2232 : i32 to index
        %get3A_2234 = arith.constant 0 : index
        %get3A_2235 = tpu.vector_load %arg7[%get3A_2233, %get3A_2234] {strides = array<i32>} : memref<8x128xi32, #tpu.memory_space<vmem>>, vector<1x16xi32>,
        %get3A_2236 = vector.shape_cast %get3A_2235 : vector<1x16xi32> to vector<16xi32>
        %get3A_2237 = arith.constant 1 : i32
        %get3A_2238 = arith.index_cast %get3A_2237 : i32 to index
        %get3A_2239 = arith.constant 0 : index
        %get3A_2240 = tpu.vector_load %arg8[%get3A_2238, %get3A_2239] {strides = array<i32>} : memref<8x128xi32, #tpu.memory_space<vmem>>, vector<1x16xi32>,
        %get3A_2241 = vector.shape_cast %get3A_2240 : vector<1x16xi32> to vector<16xi32>
        %gt3A_2242 = arith.cmpi sgt, %get3A_2236, %get3A_2241 : vector<16xi32>
        %get3A_2243 = arith.constant 128 : index
        %get3A_2244 = tpu.vector_load %arg5[%get3A_2243] {strides = array<i32>} : memref<1024xi32, #tpu.memory_space<vmem>>, vector<16xi32>,
        %get3A_2245 = vector.shape_cast %get3A_2244 : vector<16xi32> to vector<16xi32>
        %select_n3A_2246 = arith.select %gt3A_2242, %get3A_2245, %broadcast_in_dim3A_1 : vector<16xi1>, vector<16xi32>
        %swap3A_2247 = arith.constant 1 : i32
        %swap3A_2248 = arith.index_cast %swap3A_2247 : i32 to index
        %swap3A_2249 = arith.constant 0 : index
        %swap3A_2250 = tpu.vector_load %arg6[%swap3A_2248, %swap3A_2249] {strides = array<i32>} : memref<8x128xi32, #tpu.memory_space<vmem>>, vector<1x16xi32>,
        %swap3A_2251 = vector.shape_cast %swap3A_2250 : vector<1x16xi32> to vector<16xi32>
        %swap3A_2252 = vector.shape_cast %select_n3A_2246 : vector<16xi32> to vector<1x16xi32>
        tpu.vector_store %arg6[%swap3A_2248, %swap3A_2249], %swap3A_2252 {strides = array<i32>} : memref<8x128xi32, #tpu.memory_space<vmem>>, vector<1x16xi32>,
        %jit3A_2253 = arith.constant 1 : i32
        %jit3A_2254 = arith.constant 0 : i32
        %broadcast_in_dim3A_2255 = vector.broadcast %jit3A_2253 : i32 to vector<16xi32>
        %broadcast_in_dim3A_2256 = vector.broadcast %jit3A_2254 : i32 to vector<16xi32>
        %select_n3A_2257 = arith.select %gt3A_2242, %broadcast_in_dim3A_2255, %broadcast_in_dim3A_2256 : vector<16xi1>, vector<16xi32>
        %or3A_2258 = arith.ori %or3A_2231, %select_n3A_2257 : vector<16xi32>
        %get3A_2259 = arith.constant 1 : i32
        %get3A_2260 = arith.index_cast %get3A_2259 : i32 to index
        %get3A_2261 = arith.constant 16 : index
        %get3A_2262 = tpu.vector_load %arg7[%get3A_2260, %get3A_2261] {strides = array<i32>} : memref<8x128xi32, #tpu.memory_space<vmem>>, vector<1x16xi32>,
        %get3A_2263 = vector.shape_cast %get3A_2262 : vector<1x16xi32> to vector<16xi32>
        %get3A_2264 = arith.constant 1 : i32
        %get3A_2265 = arith.index_cast %get3A_2264 : i32 to index
        %get3A_2266 = arith.constant 16 : index
        %get3A_2267 = tpu.vector_load %arg8[%get3A_2265, %get3A_2266] {strides = array<i32>} : memref<8x128xi32, #tpu.memory_space<vmem>>, vector<1x16xi32>,
        %get3A_2268 = vector.shape_cast %get3A_2267 : vector<1x16xi32> to vector<16xi32>
        %gt3A_2269 = arith.cmpi sgt, %get3A_2263, %get3A_2268 : vector<16xi32>
        %get3A_2270 = arith.constant 144 : index
        %get3A_2271 = tpu.vector_load %arg5[%get3A_2270] {strides = array<i32>} : memref<1024xi32, #tpu.memory_space<vmem>>, vector<16xi32>,
        %get3A_2272 = vector.shape_cast %get3A_2271 : vector<16xi32> to vector<16xi32>
        %select_n3A_2273 = arith.select %gt3A_2269, %get3A_2272, %broadcast_in_dim3A_1 : vector<16xi1>, vector<16xi32>
        %swap3A_2274 = arith.constant 1 : i32
        %swap3A_2275 = arith.index_cast %swap3A_2274 : i32 to index
        %swap3A_2276 = arith.constant 16 : index
        %swap3A_2277 = tpu.vector_load %arg6[%swap3A_2275, %swap3A_2276] {strides = array<i32>} : memref<8x128xi32, #tpu.memory_space<vmem>>, vector<1x16xi32>,
        %swap3A_2278 = vector.shape_cast %swap3A_2277 : vector<1x16xi32> to vector<16xi32>
        %swap3A_2279 = vector.shape_cast %select_n3A_2273 : vector<16xi32> to vector<1x16xi32>
        tpu.vector_store %arg6[%swap3A_2275, %swap3A_2276], %swap3A_2279 {strides = array<i32>} : memref<8x128xi32, #tpu.memory_space<vmem>>, vector<1x16xi32>,
        %jit3A_2280 = arith.constant 1 : i32
        %jit3A_2281 = arith.constant 0 : i32
        %broadcast_in_dim3A_2282 = vector.broadcast %jit3A_2280 : i32 to vector<16xi32>
        %broadcast_in_dim3A_2283 = vector.broadcast %jit3A_2281 : i32 to vector<16xi32>
        %select_n3A_2284 = arith.select %gt3A_2269, %broadcast_in_dim3A_2282, %broadcast_in_dim3A_2283 : vector<16xi1>, vector<16xi32>
        %or3A_2285 = arith.ori %or3A_2258, %select_n3A_2284 : vector<16xi32>
        %get3A_2286 = arith.constant 1 : i32
        %get3A_2287 = arith.index_cast %get3A_2286 : i32 to index
        %get3A_2288 = arith.constant 32 : index
        %get3A_2289 = tpu.vector_load %arg7[%get3A_2287, %get3A_2288] {strides = array<i32>} : memref<8x128xi32, #tpu.memory_space<vmem>>, vector<1x16xi32>,
        %get3A_2290 = vector.shape_cast %get3A_2289 : vector<1x16xi32> to vector<16xi32>
        %get3A_2291 = arith.constant 1 : i32
        %get3A_2292 = arith.index_cast %get3A_2291 : i32 to index
        %get3A_2293 = arith.constant 32 : index
        %get3A_2294 = tpu.vector_load %arg8[%get3A_2292, %get3A_2293] {strides = array<i32>} : memref<8x128xi32, #tpu.memory_space<vmem>>, vector<1x16xi32>,
        %get3A_2295 = vector.shape_cast %get3A_2294 : vector<1x16xi32> to vector<16xi32>
        %gt3A_2296 = arith.cmpi sgt, %get3A_2290, %get3A_2295 : vector<16xi32>
        %get3A_2297 = arith.constant 160 : index
        %get3A_2298 = tpu.vector_load %arg5[%get3A_2297] {strides = array<i32>} : memref<1024xi32, #tpu.memory_space<vmem>>, vector<16xi32>,
        %get3A_2299 = vector.shape_cast %get3A_2298 : vector<16xi32> to vector<16xi32>
        %select_n3A_2300 = arith.select %gt3A_2296, %get3A_2299, %broadcast_in_dim3A_1 : vector<16xi1>, vector<16xi32>
        %swap3A_2301 = arith.constant 1 : i32
        %swap3A_2302 = arith.index_cast %swap3A_2301 : i32 to index
        %swap3A_2303 = arith.constant 32 : index
        %swap3A_2304 = tpu.vector_load %arg6[%swap3A_2302, %swap3A_2303] {strides = array<i32>} : memref<8x128xi32, #tpu.memory_space<vmem>>, vector<1x16xi32>,
        %swap3A_2305 = vector.shape_cast %swap3A_2304 : vector<1x16xi32> to vector<16xi32>
        %swap3A_2306 = vector.shape_cast %select_n3A_2300 : vector<16xi32> to vector<1x16xi32>
        tpu.vector_store %arg6[%swap3A_2302, %swap3A_2303], %swap3A_2306 {strides = array<i32>} : memref<8x128xi32, #tpu.memory_space<vmem>>, vector<1x16xi32>,
        %jit3A_2307 = arith.constant 1 : i32
        %jit3A_2308 = arith.constant 0 : i32
        %broadcast_in_dim3A_2309 = vector.broadcast %jit3A_2307 : i32 to vector<16xi32>
        %broadcast_in_dim3A_2310 = vector.broadcast %jit3A_2308 : i32 to vector<16xi32>
        %select_n3A_2311 = arith.select %gt3A_2296, %broadcast_in_dim3A_2309, %broadcast_in_dim3A_2310 : vector<16xi1>, vector<16xi32>
        %or3A_2312 = arith.ori %or3A_2285, %select_n3A_2311 : vector<16xi32>
        %get3A_2313 = arith.constant 1 : i32
        %get3A_2314 = arith.index_cast %get3A_2313 : i32 to index
        %get3A_2315 = arith.constant 48 : index
        %get3A_2316 = tpu.vector_load %arg7[%get3A_2314, %get3A_2315] {strides = array<i32>} : memref<8x128xi32, #tpu.memory_space<vmem>>, vector<1x16xi32>,
        %get3A_2317 = vector.shape_cast %get3A_2316 : vector<1x16xi32> to vector<16xi32>
        %get3A_2318 = arith.constant 1 : i32
        %get3A_2319 = arith.index_cast %get3A_2318 : i32 to index
        %get3A_2320 = arith.constant 48 : index
        %get3A_2321 = tpu.vector_load %arg8[%get3A_2319, %get3A_2320] {strides = array<i32>} : memref<8x128xi32, #tpu.memory_space<vmem>>, vector<1x16xi32>,
        %get3A_2322 = vector.shape_cast %get3A_2321 : vector<1x16xi32> to vector<16xi32>
        %gt3A_2323 = arith.cmpi sgt, %get3A_2317, %get3A_2322 : vector<16xi32>
        %get3A_2324 = arith.constant 176 : index
        %get3A_2325 = tpu.vector_load %arg5[%get3A_2324] {strides = array<i32>} : memref<1024xi32, #tpu.memory_space<vmem>>, vector<16xi32>,
        %get3A_2326 = vector.shape_cast %get3A_2325 : vector<16xi32> to vector<16xi32>
        %select_n3A_2327 = arith.select %gt3A_2323, %get3A_2326, %broadcast_in_dim3A_1 : vector<16xi1>, vector<16xi32>
        %swap3A_2328 = arith.constant 1 : i32
        %swap3A_2329 = arith.index_cast %swap3A_2328 : i32 to index
        %swap3A_2330 = arith.constant 48 : index
        %swap3A_2331 = tpu.vector_load %arg6[%swap3A_2329, %swap3A_2330] {strides = array<i32>} : memref<8x128xi32, #tpu.memory_space<vmem>>, vector<1x16xi32>,
        %swap3A_2332 = vector.shape_cast %swap3A_2331 : vector<1x16xi32> to vector<16xi32>
        %swap3A_2333 = vector.shape_cast %select_n3A_2327 : vector<16xi32> to vector<1x16xi32>
        tpu.vector_store %arg6[%swap3A_2329, %swap3A_2330], %swap3A_2333 {strides = array<i32>} : memref<8x128xi32, #tpu.memory_space<vmem>>, vector<1x16xi32>,
        %jit3A_2334 = arith.constant 1 : i32
        %jit3A_2335 = arith.constant 0 : i32
        %broadcast_in_dim3A_2336 = vector.broadcast %jit3A_2334 : i32 to vector<16xi32>
        %broadcast_in_dim3A_2337 = vector.broadcast %jit3A_2335 : i32 to vector<16xi32>
        %select_n3A_2338 = arith.select %gt3A_2323, %broadcast_in_dim3A_2336, %broadcast_in_dim3A_2337 : vector<16xi1>, vector<16xi32>
        %or3A_2339 = arith.ori %or3A_2312, %select_n3A_2338 : vector<16xi32>
        %get3A_2340 = arith.constant 1 : i32
        %get3A_2341 = arith.index_cast %get3A_2340 : i32 to index
        %get3A_2342 = arith.constant 64 : index
        %get3A_2343 = tpu.vector_load %arg7[%get3A_2341, %get3A_2342] {strides = array<i32>} : memref<8x128xi32, #tpu.memory_space<vmem>>, vector<1x16xi32>,
        %get3A_2344 = vector.shape_cast %get3A_2343 : vector<1x16xi32> to vector<16xi32>
        %get3A_2345 = arith.constant 1 : i32
        %get3A_2346 = arith.index_cast %get3A_2345 : i32 to index
        %get3A_2347 = arith.constant 64 : index
        %get3A_2348 = tpu.vector_load %arg8[%get3A_2346, %get3A_2347] {strides = array<i32>} : memref<8x128xi32, #tpu.memory_space<vmem>>, vector<1x16xi32>,
        %get3A_2349 = vector.shape_cast %get3A_2348 : vector<1x16xi32> to vector<16xi32>
        %gt3A_2350 = arith.cmpi sgt, %get3A_2344, %get3A_2349 : vector<16xi32>
        %get3A_2351 = arith.constant 192 : index
        %get3A_2352 = tpu.vector_load %arg5[%get3A_2351] {strides = array<i32>} : memref<1024xi32, #tpu.memory_space<vmem>>, vector<16xi32>,
        %get3A_2353 = vector.shape_cast %get3A_2352 : vector<16xi32> to vector<16xi32>
        %select_n3A_2354 = arith.select %gt3A_2350, %get3A_2353, %broadcast_in_dim3A_1 : vector<16xi1>, vector<16xi32>
        %swap3A_2355 = arith.constant 1 : i32
        %swap3A_2356 = arith.index_cast %swap3A_2355 : i32 to index
        %swap3A_2357 = arith.constant 64 : index
        %swap3A_2358 = tpu.vector_load %arg6[%swap3A_2356, %swap3A_2357] {strides = array<i32>} : memref<8x128xi32, #tpu.memory_space<vmem>>, vector<1x16xi32>,
        %swap3A_2359 = vector.shape_cast %swap3A_2358 : vector<1x16xi32> to vector<16xi32>
        %swap3A_2360 = vector.shape_cast %select_n3A_2354 : vector<16xi32> to vector<1x16xi32>
        tpu.vector_store %arg6[%swap3A_2356, %swap3A_2357], %swap3A_2360 {strides = array<i32>} : memref<8x128xi32, #tpu.memory_space<vmem>>, vector<1x16xi32>,
        %jit3A_2361 = arith.constant 1 : i32
        %jit3A_2362 = arith.constant 0 : i32
        %broadcast_in_dim3A_2363 = vector.broadcast %jit3A_2361 : i32 to vector<16xi32>
        %broadcast_in_dim3A_2364 = vector.broadcast %jit3A_2362 : i32 to vector<16xi32>
        %select_n3A_2365 = arith.select %gt3A_2350, %broadcast_in_dim3A_2363, %broadcast_in_dim3A_2364 : vector<16xi1>, vector<16xi32>
        %or3A_2366 = arith.ori %or3A_2339, %select_n3A_2365 : vector<16xi32>
        %get3A_2367 = arith.constant 1 : i32
        %get3A_2368 = arith.index_cast %get3A_2367 : i32 to index
        %get3A_2369 = arith.constant 80 : index
        %get3A_2370 = tpu.vector_load %arg7[%get3A_2368, %get3A_2369] {strides = array<i32>} : memref<8x128xi32, #tpu.memory_space<vmem>>, vector<1x16xi32>,
        %get3A_2371 = vector.shape_cast %get3A_2370 : vector<1x16xi32> to vector<16xi32>
        %get3A_2372 = arith.constant 1 : i32
        %get3A_2373 = arith.index_cast %get3A_2372 : i32 to index
        %get3A_2374 = arith.constant 80 : index
        %get3A_2375 = tpu.vector_load %arg8[%get3A_2373, %get3A_2374] {strides = array<i32>} : memref<8x128xi32, #tpu.memory_space<vmem>>, vector<1x16xi32>,
        %get3A_2376 = vector.shape_cast %get3A_2375 : vector<1x16xi32> to vector<16xi32>
        %gt3A_2377 = arith.cmpi sgt, %get3A_2371, %get3A_2376 : vector<16xi32>
        %get3A_2378 = arith.constant 208 : index
        %get3A_2379 = tpu.vector_load %arg5[%get3A_2378] {strides = array<i32>} : memref<1024xi32, #tpu.memory_space<vmem>>, vector<16xi32>,
        %get3A_2380 = vector.shape_cast %get3A_2379 : vector<16xi32> to vector<16xi32>
        %select_n3A_2381 = arith.select %gt3A_2377, %get3A_2380, %broadcast_in_dim3A_1 : vector<16xi1>, vector<16xi32>
        %swap3A_2382 = arith.constant 1 : i32
        %swap3A_2383 = arith.index_cast %swap3A_2382 : i32 to index
        %swap3A_2384 = arith.constant 80 : index
        %swap3A_2385 = tpu.vector_load %arg6[%swap3A_2383, %swap3A_2384] {strides = array<i32>} : memref<8x128xi32, #tpu.memory_space<vmem>>, vector<1x16xi32>,
        %swap3A_2386 = vector.shape_cast %swap3A_2385 : vector<1x16xi32> to vector<16xi32>
        %swap3A_2387 = vector.shape_cast %select_n3A_2381 : vector<16xi32> to vector<1x16xi32>
        tpu.vector_store %arg6[%swap3A_2383, %swap3A_2384], %swap3A_2387 {strides = array<i32>} : memref<8x128xi32, #tpu.memory_space<vmem>>, vector<1x16xi32>,
        %jit3A_2388 = arith.constant 1 : i32
        %jit3A_2389 = arith.constant 0 : i32
        %broadcast_in_dim3A_2390 = vector.broadcast %jit3A_2388 : i32 to vector<16xi32>
        %broadcast_in_dim3A_2391 = vector.broadcast %jit3A_2389 : i32 to vector<16xi32>
        %select_n3A_2392 = arith.select %gt3A_2377, %broadcast_in_dim3A_2390, %broadcast_in_dim3A_2391 : vector<16xi1>, vector<16xi32>
        %or3A_2393 = arith.ori %or3A_2366, %select_n3A_2392 : vector<16xi32>
        %get3A_2394 = arith.constant 1 : i32
        %get3A_2395 = arith.index_cast %get3A_2394 : i32 to index
        %get3A_2396 = arith.constant 96 : index
        %get3A_2397 = tpu.vector_load %arg7[%get3A_2395, %get3A_2396] {strides = array<i32>} : memref<8x128xi32, #tpu.memory_space<vmem>>, vector<1x16xi32>,
        %get3A_2398 = vector.shape_cast %get3A_2397 : vector<1x16xi32> to vector<16xi32>
        %get3A_2399 = arith.constant 1 : i32
        %get3A_2400 = arith.index_cast %get3A_2399 : i32 to index
        %get3A_2401 = arith.constant 96 : index
        %get3A_2402 = tpu.vector_load %arg8[%get3A_2400, %get3A_2401] {strides = array<i32>} : memref<8x128xi32, #tpu.memory_space<vmem>>, vector<1x16xi32>,
        %get3A_2403 = vector.shape_cast %get3A_2402 : vector<1x16xi32> to vector<16xi32>
        %gt3A_2404 = arith.cmpi sgt, %get3A_2398, %get3A_2403 : vector<16xi32>
        %get3A_2405 = arith.constant 224 : index
        %get3A_2406 = tpu.vector_load %arg5[%get3A_2405] {strides = array<i32>} : memref<1024xi32, #tpu.memory_space<vmem>>, vector<16xi32>,
        %get3A_2407 = vector.shape_cast %get3A_2406 : vector<16xi32> to vector<16xi32>
        %select_n3A_2408 = arith.select %gt3A_2404, %get3A_2407, %broadcast_in_dim3A_1 : vector<16xi1>, vector<16xi32>
        %swap3A_2409 = arith.constant 1 : i32
        %swap3A_2410 = arith.index_cast %swap3A_2409 : i32 to index
        %swap3A_2411 = arith.constant 96 : index
        %swap3A_2412 = tpu.vector_load %arg6[%swap3A_2410, %swap3A_2411] {strides = array<i32>} : memref<8x128xi32, #tpu.memory_space<vmem>>, vector<1x16xi32>,
        %swap3A_2413 = vector.shape_cast %swap3A_2412 : vector<1x16xi32> to vector<16xi32>
        %swap3A_2414 = vector.shape_cast %select_n3A_2408 : vector<16xi32> to vector<1x16xi32>
        tpu.vector_store %arg6[%swap3A_2410, %swap3A_2411], %swap3A_2414 {strides = array<i32>} : memref<8x128xi32, #tpu.memory_space<vmem>>, vector<1x16xi32>,
        %jit3A_2415 = arith.constant 1 : i32
        %jit3A_2416 = arith.constant 0 : i32
        %broadcast_in_dim3A_2417 = vector.broadcast %jit3A_2415 : i32 to vector<16xi32>
        %broadcast_in_dim3A_2418 = vector.broadcast %jit3A_2416 : i32 to vector<16xi32>
        %select_n3A_2419 = arith.select %gt3A_2404, %broadcast_in_dim3A_2417, %broadcast_in_dim3A_2418 : vector<16xi1>, vector<16xi32>
        %or3A_2420 = arith.ori %or3A_2393, %select_n3A_2419 : vector<16xi32>
        %get3A_2421 = arith.constant 1 : i32
        %get3A_2422 = arith.index_cast %get3A_2421 : i32 to index
        %get3A_2423 = arith.constant 112 : index
        %get3A_2424 = tpu.vector_load %arg7[%get3A_2422, %get3A_2423] {strides = array<i32>} : memref<8x128xi32, #tpu.memory_space<vmem>>, vector<1x16xi32>,
        %get3A_2425 = vector.shape_cast %get3A_2424 : vector<1x16xi32> to vector<16xi32>
        %get3A_2426 = arith.constant 1 : i32
        %get3A_2427 = arith.index_cast %get3A_2426 : i32 to index
        %get3A_2428 = arith.constant 112 : index
        %get3A_2429 = tpu.vector_load %arg8[%get3A_2427, %get3A_2428] {strides = array<i32>} : memref<8x128xi32, #tpu.memory_space<vmem>>, vector<1x16xi32>,
        %get3A_2430 = vector.shape_cast %get3A_2429 : vector<1x16xi32> to vector<16xi32>
        %gt3A_2431 = arith.cmpi sgt, %get3A_2425, %get3A_2430 : vector<16xi32>
        %get3A_2432 = arith.constant 240 : index
        %get3A_2433 = tpu.vector_load %arg5[%get3A_2432] {strides = array<i32>} : memref<1024xi32, #tpu.memory_space<vmem>>, vector<16xi32>,
        %get3A_2434 = vector.shape_cast %get3A_2433 : vector<16xi32> to vector<16xi32>
        %select_n3A_2435 = arith.select %gt3A_2431, %get3A_2434, %broadcast_in_dim3A_1 : vector<16xi1>, vector<16xi32>
        %swap3A_2436 = arith.constant 1 : i32
        %swap3A_2437 = arith.index_cast %swap3A_2436 : i32 to index
        %swap3A_2438 = arith.constant 112 : index
        %swap3A_2439 = tpu.vector_load %arg6[%swap3A_2437, %swap3A_2438] {strides = array<i32>} : memref<8x128xi32, #tpu.memory_space<vmem>>, vector<1x16xi32>,
        %swap3A_2440 = vector.shape_cast %swap3A_2439 : vector<1x16xi32> to vector<16xi32>
        %swap3A_2441 = vector.shape_cast %select_n3A_2435 : vector<16xi32> to vector<1x16xi32>
        tpu.vector_store %arg6[%swap3A_2437, %swap3A_2438], %swap3A_2441 {strides = array<i32>} : memref<8x128xi32, #tpu.memory_space<vmem>>, vector<1x16xi32>,
        %jit3A_2442 = arith.constant 1 : i32
        %jit3A_2443 = arith.constant 0 : i32
        %broadcast_in_dim3A_2444 = vector.broadcast %jit3A_2442 : i32 to vector<16xi32>
        %broadcast_in_dim3A_2445 = vector.broadcast %jit3A_2443 : i32 to vector<16xi32>
        %select_n3A_2446 = arith.select %gt3A_2431, %broadcast_in_dim3A_2444, %broadcast_in_dim3A_2445 : vector<16xi1>, vector<16xi32>
        %or3A_2447 = arith.ori %or3A_2420, %select_n3A_2446 : vector<16xi32>
        %get3A_2448 = arith.constant 2 : i32
        %get3A_2449 = arith.index_cast %get3A_2448 : i32 to index
        %get3A_2450 = arith.constant 0 : index
        %get3A_2451 = tpu.vector_load %arg7[%get3A_2449, %get3A_2450] {strides = array<i32>} : memref<8x128xi32, #tpu.memory_space<vmem>>, vector<1x16xi32>,
        %get3A_2452 = vector.shape_cast %get3A_2451 : vector<1x16xi32> to vector<16xi32>
        %get3A_2453 = arith.constant 2 : i32
        %get3A_2454 = arith.index_cast %get3A_2453 : i32 to index
        %get3A_2455 = arith.constant 0 : index
        %get3A_2456 = tpu.vector_load %arg8[%get3A_2454, %get3A_2455] {strides = array<i32>} : memref<8x128xi32, #tpu.memory_space<vmem>>, vector<1x16xi32>,
        %get3A_2457 = vector.shape_cast %get3A_2456 : vector<1x16xi32> to vector<16xi32>
        %gt3A_2458 = arith.cmpi sgt, %get3A_2452, %get3A_2457 : vector<16xi32>
        %get3A_2459 = arith.constant 256 : index
        %get3A_2460 = tpu.vector_load %arg5[%get3A_2459] {strides = array<i32>} : memref<1024xi32, #tpu.memory_space<vmem>>, vector<16xi32>,
        %get3A_2461 = vector.shape_cast %get3A_2460 : vector<16xi32> to vector<16xi32>
        %select_n3A_2462 = arith.select %gt3A_2458, %get3A_2461, %broadcast_in_dim3A_1 : vector<16xi1>, vector<16xi32>
        %swap3A_2463 = arith.constant 2 : i32
        %swap3A_2464 = arith.index_cast %swap3A_2463 : i32 to index
        %swap3A_2465 = arith.constant 0 : index
        %swap3A_2466 = tpu.vector_load %arg6[%swap3A_2464, %swap3A_2465] {strides = array<i32>} : memref<8x128xi32, #tpu.memory_space<vmem>>, vector<1x16xi32>,
        %swap3A_2467 = vector.shape_cast %swap3A_2466 : vector<1x16xi32> to vector<16xi32>
        %swap3A_2468 = vector.shape_cast %select_n3A_2462 : vector<16xi32> to vector<1x16xi32>
        tpu.vector_store %arg6[%swap3A_2464, %swap3A_2465], %swap3A_2468 {strides = array<i32>} : memref<8x128xi32, #tpu.memory_space<vmem>>, vector<1x16xi32>,
        %jit3A_2469 = arith.constant 1 : i32
        %jit3A_2470 = arith.constant 0 : i32
        %broadcast_in_dim3A_2471 = vector.broadcast %jit3A_2469 : i32 to vector<16xi32>
        %broadcast_in_dim3A_2472 = vector.broadcast %jit3A_2470 : i32 to vector<16xi32>
        %select_n3A_2473 = arith.select %gt3A_2458, %broadcast_in_dim3A_2471, %broadcast_in_dim3A_2472 : vector<16xi1>, vector<16xi32>
        %or3A_2474 = arith.ori %or3A_2447, %select_n3A_2473 : vector<16xi32>
        %get3A_2475 = arith.constant 2 : i32
        %get3A_2476 = arith.index_cast %get3A_2475 : i32 to index
        %get3A_2477 = arith.constant 16 : index
        %get3A_2478 = tpu.vector_load %arg7[%get3A_2476, %get3A_2477] {strides = array<i32>} : memref<8x128xi32, #tpu.memory_space<vmem>>, vector<1x16xi32>,
        %get3A_2479 = vector.shape_cast %get3A_2478 : vector<1x16xi32> to vector<16xi32>
        %get3A_2480 = arith.constant 2 : i32
        %get3A_2481 = arith.index_cast %get3A_2480 : i32 to index
        %get3A_2482 = arith.constant 16 : index
        %get3A_2483 = tpu.vector_load %arg8[%get3A_2481, %get3A_2482] {strides = array<i32>} : memref<8x128xi32, #tpu.memory_space<vmem>>, vector<1x16xi32>,
        %get3A_2484 = vector.shape_cast %get3A_2483 : vector<1x16xi32> to vector<16xi32>
        %gt3A_2485 = arith.cmpi sgt, %get3A_2479, %get3A_2484 : vector<16xi32>
        %get3A_2486 = arith.constant 272 : index
        %get3A_2487 = tpu.vector_load %arg5[%get3A_2486] {strides = array<i32>} : memref<1024xi32, #tpu.memory_space<vmem>>, vector<16xi32>,
        %get3A_2488 = vector.shape_cast %get3A_2487 : vector<16xi32> to vector<16xi32>
        %select_n3A_2489 = arith.select %gt3A_2485, %get3A_2488, %broadcast_in_dim3A_1 : vector<16xi1>, vector<16xi32>
        %swap3A_2490 = arith.constant 2 : i32
        %swap3A_2491 = arith.index_cast %swap3A_2490 : i32 to index
        %swap3A_2492 = arith.constant 16 : index
        %swap3A_2493 = tpu.vector_load %arg6[%swap3A_2491, %swap3A_2492] {strides = array<i32>} : memref<8x128xi32, #tpu.memory_space<vmem>>, vector<1x16xi32>,
        %swap3A_2494 = vector.shape_cast %swap3A_2493 : vector<1x16xi32> to vector<16xi32>
        %swap3A_2495 = vector.shape_cast %select_n3A_2489 : vector<16xi32> to vector<1x16xi32>
        tpu.vector_store %arg6[%swap3A_2491, %swap3A_2492], %swap3A_2495 {strides = array<i32>} : memref<8x128xi32, #tpu.memory_space<vmem>>, vector<1x16xi32>,
        %jit3A_2496 = arith.constant 1 : i32
        %jit3A_2497 = arith.constant 0 : i32
        %broadcast_in_dim3A_2498 = vector.broadcast %jit3A_2496 : i32 to vector<16xi32>
        %broadcast_in_dim3A_2499 = vector.broadcast %jit3A_2497 : i32 to vector<16xi32>
        %select_n3A_2500 = arith.select %gt3A_2485, %broadcast_in_dim3A_2498, %broadcast_in_dim3A_2499 : vector<16xi1>, vector<16xi32>
        %or3A_2501 = arith.ori %or3A_2474, %select_n3A_2500 : vector<16xi32>
        %get3A_2502 = arith.constant 2 : i32
        %get3A_2503 = arith.index_cast %get3A_2502 : i32 to index
        %get3A_2504 = arith.constant 32 : index
        %get3A_2505 = tpu.vector_load %arg7[%get3A_2503, %get3A_2504] {strides = array<i32>} : memref<8x128xi32, #tpu.memory_space<vmem>>, vector<1x16xi32>,
        %get3A_2506 = vector.shape_cast %get3A_2505 : vector<1x16xi32> to vector<16xi32>
        %get3A_2507 = arith.constant 2 : i32
        %get3A_2508 = arith.index_cast %get3A_2507 : i32 to index
        %get3A_2509 = arith.constant 32 : index
        %get3A_2510 = tpu.vector_load %arg8[%get3A_2508, %get3A_2509] {strides = array<i32>} : memref<8x128xi32, #tpu.memory_space<vmem>>, vector<1x16xi32>,
        %get3A_2511 = vector.shape_cast %get3A_2510 : vector<1x16xi32> to vector<16xi32>
        %gt3A_2512 = arith.cmpi sgt, %get3A_2506, %get3A_2511 : vector<16xi32>
        %get3A_2513 = arith.constant 288 : index
        %get3A_2514 = tpu.vector_load %arg5[%get3A_2513] {strides = array<i32>} : memref<1024xi32, #tpu.memory_space<vmem>>, vector<16xi32>,
        %get3A_2515 = vector.shape_cast %get3A_2514 : vector<16xi32> to vector<16xi32>
        %select_n3A_2516 = arith.select %gt3A_2512, %get3A_2515, %broadcast_in_dim3A_1 : vector<16xi1>, vector<16xi32>
        %swap3A_2517 = arith.constant 2 : i32
        %swap3A_2518 = arith.index_cast %swap3A_2517 : i32 to index
        %swap3A_2519 = arith.constant 32 : index
        %swap3A_2520 = tpu.vector_load %arg6[%swap3A_2518, %swap3A_2519] {strides = array<i32>} : memref<8x128xi32, #tpu.memory_space<vmem>>, vector<1x16xi32>,
        %swap3A_2521 = vector.shape_cast %swap3A_2520 : vector<1x16xi32> to vector<16xi32>
        %swap3A_2522 = vector.shape_cast %select_n3A_2516 : vector<16xi32> to vector<1x16xi32>
        tpu.vector_store %arg6[%swap3A_2518, %swap3A_2519], %swap3A_2522 {strides = array<i32>} : memref<8x128xi32, #tpu.memory_space<vmem>>, vector<1x16xi32>,
        %jit3A_2523 = arith.constant 1 : i32
        %jit3A_2524 = arith.constant 0 : i32
        %broadcast_in_dim3A_2525 = vector.broadcast %jit3A_2523 : i32 to vector<16xi32>
        %broadcast_in_dim3A_2526 = vector.broadcast %jit3A_2524 : i32 to vector<16xi32>
        %select_n3A_2527 = arith.select %gt3A_2512, %broadcast_in_dim3A_2525, %broadcast_in_dim3A_2526 : vector<16xi1>, vector<16xi32>
        %or3A_2528 = arith.ori %or3A_2501, %select_n3A_2527 : vector<16xi32>
        %get3A_2529 = arith.constant 2 : i32
        %get3A_2530 = arith.index_cast %get3A_2529 : i32 to index
        %get3A_2531 = arith.constant 48 : index
        %get3A_2532 = tpu.vector_load %arg7[%get3A_2530, %get3A_2531] {strides = array<i32>} : memref<8x128xi32, #tpu.memory_space<vmem>>, vector<1x16xi32>,
        %get3A_2533 = vector.shape_cast %get3A_2532 : vector<1x16xi32> to vector<16xi32>
        %get3A_2534 = arith.constant 2 : i32
        %get3A_2535 = arith.index_cast %get3A_2534 : i32 to index
        %get3A_2536 = arith.constant 48 : index
        %get3A_2537 = tpu.vector_load %arg8[%get3A_2535, %get3A_2536] {strides = array<i32>} : memref<8x128xi32, #tpu.memory_space<vmem>>, vector<1x16xi32>,
        %get3A_2538 = vector.shape_cast %get3A_2537 : vector<1x16xi32> to vector<16xi32>
        %gt3A_2539 = arith.cmpi sgt, %get3A_2533, %get3A_2538 : vector<16xi32>
        %get3A_2540 = arith.constant 304 : index
        %get3A_2541 = tpu.vector_load %arg5[%get3A_2540] {strides = array<i32>} : memref<1024xi32, #tpu.memory_space<vmem>>, vector<16xi32>,
        %get3A_2542 = vector.shape_cast %get3A_2541 : vector<16xi32> to vector<16xi32>
        %select_n3A_2543 = arith.select %gt3A_2539, %get3A_2542, %broadcast_in_dim3A_1 : vector<16xi1>, vector<16xi32>
        %swap3A_2544 = arith.constant 2 : i32
        %swap3A_2545 = arith.index_cast %swap3A_2544 : i32 to index
        %swap3A_2546 = arith.constant 48 : index
        %swap3A_2547 = tpu.vector_load %arg6[%swap3A_2545, %swap3A_2546] {strides = array<i32>} : memref<8x128xi32, #tpu.memory_space<vmem>>, vector<1x16xi32>,
        %swap3A_2548 = vector.shape_cast %swap3A_2547 : vector<1x16xi32> to vector<16xi32>
        %swap3A_2549 = vector.shape_cast %select_n3A_2543 : vector<16xi32> to vector<1x16xi32>
        tpu.vector_store %arg6[%swap3A_2545, %swap3A_2546], %swap3A_2549 {strides = array<i32>} : memref<8x128xi32, #tpu.memory_space<vmem>>, vector<1x16xi32>,
        %jit3A_2550 = arith.constant 1 : i32
        %jit3A_2551 = arith.constant 0 : i32
        %broadcast_in_dim3A_2552 = vector.broadcast %jit3A_2550 : i32 to vector<16xi32>
        %broadcast_in_dim3A_2553 = vector.broadcast %jit3A_2551 : i32 to vector<16xi32>
        %select_n3A_2554 = arith.select %gt3A_2539, %broadcast_in_dim3A_2552, %broadcast_in_dim3A_2553 : vector<16xi1>, vector<16xi32>
        %or3A_2555 = arith.ori %or3A_2528, %select_n3A_2554 : vector<16xi32>
        %get3A_2556 = arith.constant 2 : i32
        %get3A_2557 = arith.index_cast %get3A_2556 : i32 to index
        %get3A_2558 = arith.constant 64 : index
        %get3A_2559 = tpu.vector_load %arg7[%get3A_2557, %get3A_2558] {strides = array<i32>} : memref<8x128xi32, #tpu.memory_space<vmem>>, vector<1x16xi32>,
        %get3A_2560 = vector.shape_cast %get3A_2559 : vector<1x16xi32> to vector<16xi32>
        %get3A_2561 = arith.constant 2 : i32
        %get3A_2562 = arith.index_cast %get3A_2561 : i32 to index
        %get3A_2563 = arith.constant 64 : index
        %get3A_2564 = tpu.vector_load %arg8[%get3A_2562, %get3A_2563] {strides = array<i32>} : memref<8x128xi32, #tpu.memory_space<vmem>>, vector<1x16xi32>,
        %get3A_2565 = vector.shape_cast %get3A_2564 : vector<1x16xi32> to vector<16xi32>
        %gt3A_2566 = arith.cmpi sgt, %get3A_2560, %get3A_2565 : vector<16xi32>
        %get3A_2567 = arith.constant 320 : index
        %get3A_2568 = tpu.vector_load %arg5[%get3A_2567] {strides = array<i32>} : memref<1024xi32, #tpu.memory_space<vmem>>, vector<16xi32>,
        %get3A_2569 = vector.shape_cast %get3A_2568 : vector<16xi32> to vector<16xi32>
        %select_n3A_2570 = arith.select %gt3A_2566, %get3A_2569, %broadcast_in_dim3A_1 : vector<16xi1>, vector<16xi32>
        %swap3A_2571 = arith.constant 2 : i32
        %swap3A_2572 = arith.index_cast %swap3A_2571 : i32 to index
        %swap3A_2573 = arith.constant 64 : index
        %swap3A_2574 = tpu.vector_load %arg6[%swap3A_2572, %swap3A_2573] {strides = array<i32>} : memref<8x128xi32, #tpu.memory_space<vmem>>, vector<1x16xi32>,
        %swap3A_2575 = vector.shape_cast %swap3A_2574 : vector<1x16xi32> to vector<16xi32>
        %swap3A_2576 = vector.shape_cast %select_n3A_2570 : vector<16xi32> to vector<1x16xi32>
        tpu.vector_store %arg6[%swap3A_2572, %swap3A_2573], %swap3A_2576 {strides = array<i32>} : memref<8x128xi32, #tpu.memory_space<vmem>>, vector<1x16xi32>,
        %jit3A_2577 = arith.constant 1 : i32
        %jit3A_2578 = arith.constant 0 : i32
        %broadcast_in_dim3A_2579 = vector.broadcast %jit3A_2577 : i32 to vector<16xi32>
        %broadcast_in_dim3A_2580 = vector.broadcast %jit3A_2578 : i32 to vector<16xi32>
        %select_n3A_2581 = arith.select %gt3A_2566, %broadcast_in_dim3A_2579, %broadcast_in_dim3A_2580 : vector<16xi1>, vector<16xi32>
        %or3A_2582 = arith.ori %or3A_2555, %select_n3A_2581 : vector<16xi32>
        %get3A_2583 = arith.constant 2 : i32
        %get3A_2584 = arith.index_cast %get3A_2583 : i32 to index
        %get3A_2585 = arith.constant 80 : index
        %get3A_2586 = tpu.vector_load %arg7[%get3A_2584, %get3A_2585] {strides = array<i32>} : memref<8x128xi32, #tpu.memory_space<vmem>>, vector<1x16xi32>,
        %get3A_2587 = vector.shape_cast %get3A_2586 : vector<1x16xi32> to vector<16xi32>
        %get3A_2588 = arith.constant 2 : i32
        %get3A_2589 = arith.index_cast %get3A_2588 : i32 to index
        %get3A_2590 = arith.constant 80 : index
        %get3A_2591 = tpu.vector_load %arg8[%get3A_2589, %get3A_2590] {strides = array<i32>} : memref<8x128xi32, #tpu.memory_space<vmem>>, vector<1x16xi32>,
        %get3A_2592 = vector.shape_cast %get3A_2591 : vector<1x16xi32> to vector<16xi32>
        %gt3A_2593 = arith.cmpi sgt, %get3A_2587, %get3A_2592 : vector<16xi32>
        %get3A_2594 = arith.constant 336 : index
        %get3A_2595 = tpu.vector_load %arg5[%get3A_2594] {strides = array<i32>} : memref<1024xi32, #tpu.memory_space<vmem>>, vector<16xi32>,
        %get3A_2596 = vector.shape_cast %get3A_2595 : vector<16xi32> to vector<16xi32>
        %select_n3A_2597 = arith.select %gt3A_2593, %get3A_2596, %broadcast_in_dim3A_1 : vector<16xi1>, vector<16xi32>
        %swap3A_2598 = arith.constant 2 : i32
        %swap3A_2599 = arith.index_cast %swap3A_2598 : i32 to index
        %swap3A_2600 = arith.constant 80 : index
        %swap3A_2601 = tpu.vector_load %arg6[%swap3A_2599, %swap3A_2600] {strides = array<i32>} : memref<8x128xi32, #tpu.memory_space<vmem>>, vector<1x16xi32>,
        %swap3A_2602 = vector.shape_cast %swap3A_2601 : vector<1x16xi32> to vector<16xi32>
        %swap3A_2603 = vector.shape_cast %select_n3A_2597 : vector<16xi32> to vector<1x16xi32>
        tpu.vector_store %arg6[%swap3A_2599, %swap3A_2600], %swap3A_2603 {strides = array<i32>} : memref<8x128xi32, #tpu.memory_space<vmem>>, vector<1x16xi32>,
        %jit3A_2604 = arith.constant 1 : i32
        %jit3A_2605 = arith.constant 0 : i32
        %broadcast_in_dim3A_2606 = vector.broadcast %jit3A_2604 : i32 to vector<16xi32>
        %broadcast_in_dim3A_2607 = vector.broadcast %jit3A_2605 : i32 to vector<16xi32>
        %select_n3A_2608 = arith.select %gt3A_2593, %broadcast_in_dim3A_2606, %broadcast_in_dim3A_2607 : vector<16xi1>, vector<16xi32>
        %or3A_2609 = arith.ori %or3A_2582, %select_n3A_2608 : vector<16xi32>
        %get3A_2610 = arith.constant 2 : i32
        %get3A_2611 = arith.index_cast %get3A_2610 : i32 to index
        %get3A_2612 = arith.constant 96 : index
        %get3A_2613 = tpu.vector_load %arg7[%get3A_2611, %get3A_2612] {strides = array<i32>} : memref<8x128xi32, #tpu.memory_space<vmem>>, vector<1x16xi32>,
        %get3A_2614 = vector.shape_cast %get3A_2613 : vector<1x16xi32> to vector<16xi32>
        %get3A_2615 = arith.constant 2 : i32
        %get3A_2616 = arith.index_cast %get3A_2615 : i32 to index
        %get3A_2617 = arith.constant 96 : index
        %get3A_2618 = tpu.vector_load %arg8[%get3A_2616, %get3A_2617] {strides = array<i32>} : memref<8x128xi32, #tpu.memory_space<vmem>>, vector<1x16xi32>,
        %get3A_2619 = vector.shape_cast %get3A_2618 : vector<1x16xi32> to vector<16xi32>
        %gt3A_2620 = arith.cmpi sgt, %get3A_2614, %get3A_2619 : vector<16xi32>
        %get3A_2621 = arith.constant 352 : index
        %get3A_2622 = tpu.vector_load %arg5[%get3A_2621] {strides = array<i32>} : memref<1024xi32, #tpu.memory_space<vmem>>, vector<16xi32>,
        %get3A_2623 = vector.shape_cast %get3A_2622 : vector<16xi32> to vector<16xi32>
        %select_n3A_2624 = arith.select %gt3A_2620, %get3A_2623, %broadcast_in_dim3A_1 : vector<16xi1>, vector<16xi32>
        %swap3A_2625 = arith.constant 2 : i32
        %swap3A_2626 = arith.index_cast %swap3A_2625 : i32 to index
        %swap3A_2627 = arith.constant 96 : index
        %swap3A_2628 = tpu.vector_load %arg6[%swap3A_2626, %swap3A_2627] {strides = array<i32>} : memref<8x128xi32, #tpu.memory_space<vmem>>, vector<1x16xi32>,
        %swap3A_2629 = vector.shape_cast %swap3A_2628 : vector<1x16xi32> to vector<16xi32>
        %swap3A_2630 = vector.shape_cast %select_n3A_2624 : vector<16xi32> to vector<1x16xi32>
        tpu.vector_store %arg6[%swap3A_2626, %swap3A_2627], %swap3A_2630 {strides = array<i32>} : memref<8x128xi32, #tpu.memory_space<vmem>>, vector<1x16xi32>,
        %jit3A_2631 = arith.constant 1 : i32
        %jit3A_2632 = arith.constant 0 : i32
        %broadcast_in_dim3A_2633 = vector.broadcast %jit3A_2631 : i32 to vector<16xi32>
        %broadcast_in_dim3A_2634 = vector.broadcast %jit3A_2632 : i32 to vector<16xi32>
        %select_n3A_2635 = arith.select %gt3A_2620, %broadcast_in_dim3A_2633, %broadcast_in_dim3A_2634 : vector<16xi1>, vector<16xi32>
        %or3A_2636 = arith.ori %or3A_2609, %select_n3A_2635 : vector<16xi32>
        %get3A_2637 = arith.constant 2 : i32
        %get3A_2638 = arith.index_cast %get3A_2637 : i32 to index
        %get3A_2639 = arith.constant 112 : index
        %get3A_2640 = tpu.vector_load %arg7[%get3A_2638, %get3A_2639] {strides = array<i32>} : memref<8x128xi32, #tpu.memory_space<vmem>>, vector<1x16xi32>,
        %get3A_2641 = vector.shape_cast %get3A_2640 : vector<1x16xi32> to vector<16xi32>
        %get3A_2642 = arith.constant 2 : i32
        %get3A_2643 = arith.index_cast %get3A_2642 : i32 to index
        %get3A_2644 = arith.constant 112 : index
        %get3A_2645 = tpu.vector_load %arg8[%get3A_2643, %get3A_2644] {strides = array<i32>} : memref<8x128xi32, #tpu.memory_space<vmem>>, vector<1x16xi32>,
        %get3A_2646 = vector.shape_cast %get3A_2645 : vector<1x16xi32> to vector<16xi32>
        %gt3A_2647 = arith.cmpi sgt, %get3A_2641, %get3A_2646 : vector<16xi32>
        %get3A_2648 = arith.constant 368 : index
        %get3A_2649 = tpu.vector_load %arg5[%get3A_2648] {strides = array<i32>} : memref<1024xi32, #tpu.memory_space<vmem>>, vector<16xi32>,
        %get3A_2650 = vector.shape_cast %get3A_2649 : vector<16xi32> to vector<16xi32>
        %select_n3A_2651 = arith.select %gt3A_2647, %get3A_2650, %broadcast_in_dim3A_1 : vector<16xi1>, vector<16xi32>
        %swap3A_2652 = arith.constant 2 : i32
        %swap3A_2653 = arith.index_cast %swap3A_2652 : i32 to index
        %swap3A_2654 = arith.constant 112 : index
        %swap3A_2655 = tpu.vector_load %arg6[%swap3A_2653, %swap3A_2654] {strides = array<i32>} : memref<8x128xi32, #tpu.memory_space<vmem>>, vector<1x16xi32>,
        %swap3A_2656 = vector.shape_cast %swap3A_2655 : vector<1x16xi32> to vector<16xi32>
        %swap3A_2657 = vector.shape_cast %select_n3A_2651 : vector<16xi32> to vector<1x16xi32>
        tpu.vector_store %arg6[%swap3A_2653, %swap3A_2654], %swap3A_2657 {strides = array<i32>} : memref<8x128xi32, #tpu.memory_space<vmem>>, vector<1x16xi32>,
        %jit3A_2658 = arith.constant 1 : i32
        %jit3A_2659 = arith.constant 0 : i32
        %broadcast_in_dim3A_2660 = vector.broadcast %jit3A_2658 : i32 to vector<16xi32>
        %broadcast_in_dim3A_2661 = vector.broadcast %jit3A_2659 : i32 to vector<16xi32>
        %select_n3A_2662 = arith.select %gt3A_2647, %broadcast_in_dim3A_2660, %broadcast_in_dim3A_2661 : vector<16xi1>, vector<16xi32>
        %or3A_2663 = arith.ori %or3A_2636, %select_n3A_2662 : vector<16xi32>
        %get3A_2664 = arith.constant 3 : i32
        %get3A_2665 = arith.index_cast %get3A_2664 : i32 to index
        %get3A_2666 = arith.constant 0 : index
        %get3A_2667 = tpu.vector_load %arg7[%get3A_2665, %get3A_2666] {strides = array<i32>} : memref<8x128xi32, #tpu.memory_space<vmem>>, vector<1x16xi32>,
        %get3A_2668 = vector.shape_cast %get3A_2667 : vector<1x16xi32> to vector<16xi32>
        %get3A_2669 = arith.constant 3 : i32
        %get3A_2670 = arith.index_cast %get3A_2669 : i32 to index
        %get3A_2671 = arith.constant 0 : index
        %get3A_2672 = tpu.vector_load %arg8[%get3A_2670, %get3A_2671] {strides = array<i32>} : memref<8x128xi32, #tpu.memory_space<vmem>>, vector<1x16xi32>,
        %get3A_2673 = vector.shape_cast %get3A_2672 : vector<1x16xi32> to vector<16xi32>
        %gt3A_2674 = arith.cmpi sgt, %get3A_2668, %get3A_2673 : vector<16xi32>
        %get3A_2675 = arith.constant 384 : index
        %get3A_2676 = tpu.vector_load %arg5[%get3A_2675] {strides = array<i32>} : memref<1024xi32, #tpu.memory_space<vmem>>, vector<16xi32>,
        %get3A_2677 = vector.shape_cast %get3A_2676 : vector<16xi32> to vector<16xi32>
        %select_n3A_2678 = arith.select %gt3A_2674, %get3A_2677, %broadcast_in_dim3A_1 : vector<16xi1>, vector<16xi32>
        %swap3A_2679 = arith.constant 3 : i32
        %swap3A_2680 = arith.index_cast %swap3A_2679 : i32 to index
        %swap3A_2681 = arith.constant 0 : index
        %swap3A_2682 = tpu.vector_load %arg6[%swap3A_2680, %swap3A_2681] {strides = array<i32>} : memref<8x128xi32, #tpu.memory_space<vmem>>, vector<1x16xi32>,
        %swap3A_2683 = vector.shape_cast %swap3A_2682 : vector<1x16xi32> to vector<16xi32>
        %swap3A_2684 = vector.shape_cast %select_n3A_2678 : vector<16xi32> to vector<1x16xi32>
        tpu.vector_store %arg6[%swap3A_2680, %swap3A_2681], %swap3A_2684 {strides = array<i32>} : memref<8x128xi32, #tpu.memory_space<vmem>>, vector<1x16xi32>,
        %jit3A_2685 = arith.constant 1 : i32
        %jit3A_2686 = arith.constant 0 : i32
        %broadcast_in_dim3A_2687 = vector.broadcast %jit3A_2685 : i32 to vector<16xi32>
        %broadcast_in_dim3A_2688 = vector.broadcast %jit3A_2686 : i32 to vector<16xi32>
        %select_n3A_2689 = arith.select %gt3A_2674, %broadcast_in_dim3A_2687, %broadcast_in_dim3A_2688 : vector<16xi1>, vector<16xi32>
        %or3A_2690 = arith.ori %or3A_2663, %select_n3A_2689 : vector<16xi32>
        %get3A_2691 = arith.constant 3 : i32
        %get3A_2692 = arith.index_cast %get3A_2691 : i32 to index
        %get3A_2693 = arith.constant 16 : index
        %get3A_2694 = tpu.vector_load %arg7[%get3A_2692, %get3A_2693] {strides = array<i32>} : memref<8x128xi32, #tpu.memory_space<vmem>>, vector<1x16xi32>,
        %get3A_2695 = vector.shape_cast %get3A_2694 : vector<1x16xi32> to vector<16xi32>
        %get3A_2696 = arith.constant 3 : i32
        %get3A_2697 = arith.index_cast %get3A_2696 : i32 to index
        %get3A_2698 = arith.constant 16 : index
        %get3A_2699 = tpu.vector_load %arg8[%get3A_2697, %get3A_2698] {strides = array<i32>} : memref<8x128xi32, #tpu.memory_space<vmem>>, vector<1x16xi32>,
        %get3A_2700 = vector.shape_cast %get3A_2699 : vector<1x16xi32> to vector<16xi32>
        %gt3A_2701 = arith.cmpi sgt, %get3A_2695, %get3A_2700 : vector<16xi32>
        %get3A_2702 = arith.constant 400 : index
        %get3A_2703 = tpu.vector_load %arg5[%get3A_2702] {strides = array<i32>} : memref<1024xi32, #tpu.memory_space<vmem>>, vector<16xi32>,
        %get3A_2704 = vector.shape_cast %get3A_2703 : vector<16xi32> to vector<16xi32>
        %select_n3A_2705 = arith.select %gt3A_2701, %get3A_2704, %broadcast_in_dim3A_1 : vector<16xi1>, vector<16xi32>
        %swap3A_2706 = arith.constant 3 : i32
        %swap3A_2707 = arith.index_cast %swap3A_2706 : i32 to index
        %swap3A_2708 = arith.constant 16 : index
        %swap3A_2709 = tpu.vector_load %arg6[%swap3A_2707, %swap3A_2708] {strides = array<i32>} : memref<8x128xi32, #tpu.memory_space<vmem>>, vector<1x16xi32>,
        %swap3A_2710 = vector.shape_cast %swap3A_2709 : vector<1x16xi32> to vector<16xi32>
        %swap3A_2711 = vector.shape_cast %select_n3A_2705 : vector<16xi32> to vector<1x16xi32>
        tpu.vector_store %arg6[%swap3A_2707, %swap3A_2708], %swap3A_2711 {strides = array<i32>} : memref<8x128xi32, #tpu.memory_space<vmem>>, vector<1x16xi32>,
        %jit3A_2712 = arith.constant 1 : i32
        %jit3A_2713 = arith.constant 0 : i32
        %broadcast_in_dim3A_2714 = vector.broadcast %jit3A_2712 : i32 to vector<16xi32>
        %broadcast_in_dim3A_2715 = vector.broadcast %jit3A_2713 : i32 to vector<16xi32>
        %select_n3A_2716 = arith.select %gt3A_2701, %broadcast_in_dim3A_2714, %broadcast_in_dim3A_2715 : vector<16xi1>, vector<16xi32>
        %or3A_2717 = arith.ori %or3A_2690, %select_n3A_2716 : vector<16xi32>
        %get3A_2718 = arith.constant 3 : i32
        %get3A_2719 = arith.index_cast %get3A_2718 : i32 to index
        %get3A_2720 = arith.constant 32 : index
        %get3A_2721 = tpu.vector_load %arg7[%get3A_2719, %get3A_2720] {strides = array<i32>} : memref<8x128xi32, #tpu.memory_space<vmem>>, vector<1x16xi32>,
        %get3A_2722 = vector.shape_cast %get3A_2721 : vector<1x16xi32> to vector<16xi32>
        %get3A_2723 = arith.constant 3 : i32
        %get3A_2724 = arith.index_cast %get3A_2723 : i32 to index
        %get3A_2725 = arith.constant 32 : index
        %get3A_2726 = tpu.vector_load %arg8[%get3A_2724, %get3A_2725] {strides = array<i32>} : memref<8x128xi32, #tpu.memory_space<vmem>>, vector<1x16xi32>,
        %get3A_2727 = vector.shape_cast %get3A_2726 : vector<1x16xi32> to vector<16xi32>
        %gt3A_2728 = arith.cmpi sgt, %get3A_2722, %get3A_2727 : vector<16xi32>
        %get3A_2729 = arith.constant 416 : index
        %get3A_2730 = tpu.vector_load %arg5[%get3A_2729] {strides = array<i32>} : memref<1024xi32, #tpu.memory_space<vmem>>, vector<16xi32>,
        %get3A_2731 = vector.shape_cast %get3A_2730 : vector<16xi32> to vector<16xi32>
        %select_n3A_2732 = arith.select %gt3A_2728, %get3A_2731, %broadcast_in_dim3A_1 : vector<16xi1>, vector<16xi32>
        %swap3A_2733 = arith.constant 3 : i32
        %swap3A_2734 = arith.index_cast %swap3A_2733 : i32 to index
        %swap3A_2735 = arith.constant 32 : index
        %swap3A_2736 = tpu.vector_load %arg6[%swap3A_2734, %swap3A_2735] {strides = array<i32>} : memref<8x128xi32, #tpu.memory_space<vmem>>, vector<1x16xi32>,
        %swap3A_2737 = vector.shape_cast %swap3A_2736 : vector<1x16xi32> to vector<16xi32>
        %swap3A_2738 = vector.shape_cast %select_n3A_2732 : vector<16xi32> to vector<1x16xi32>
        tpu.vector_store %arg6[%swap3A_2734, %swap3A_2735], %swap3A_2738 {strides = array<i32>} : memref<8x128xi32, #tpu.memory_space<vmem>>, vector<1x16xi32>,
        %jit3A_2739 = arith.constant 1 : i32
        %jit3A_2740 = arith.constant 0 : i32
        %broadcast_in_dim3A_2741 = vector.broadcast %jit3A_2739 : i32 to vector<16xi32>
        %broadcast_in_dim3A_2742 = vector.broadcast %jit3A_2740 : i32 to vector<16xi32>
        %select_n3A_2743 = arith.select %gt3A_2728, %broadcast_in_dim3A_2741, %broadcast_in_dim3A_2742 : vector<16xi1>, vector<16xi32>
        %or3A_2744 = arith.ori %or3A_2717, %select_n3A_2743 : vector<16xi32>
        %get3A_2745 = arith.constant 3 : i32
        %get3A_2746 = arith.index_cast %get3A_2745 : i32 to index
        %get3A_2747 = arith.constant 48 : index
        %get3A_2748 = tpu.vector_load %arg7[%get3A_2746, %get3A_2747] {strides = array<i32>} : memref<8x128xi32, #tpu.memory_space<vmem>>, vector<1x16xi32>,
        %get3A_2749 = vector.shape_cast %get3A_2748 : vector<1x16xi32> to vector<16xi32>
        %get3A_2750 = arith.constant 3 : i32
        %get3A_2751 = arith.index_cast %get3A_2750 : i32 to index
        %get3A_2752 = arith.constant 48 : index
        %get3A_2753 = tpu.vector_load %arg8[%get3A_2751, %get3A_2752] {strides = array<i32>} : memref<8x128xi32, #tpu.memory_space<vmem>>, vector<1x16xi32>,
        %get3A_2754 = vector.shape_cast %get3A_2753 : vector<1x16xi32> to vector<16xi32>
        %gt3A_2755 = arith.cmpi sgt, %get3A_2749, %get3A_2754 : vector<16xi32>
        %get3A_2756 = arith.constant 432 : index
        %get3A_2757 = tpu.vector_load %arg5[%get3A_2756] {strides = array<i32>} : memref<1024xi32, #tpu.memory_space<vmem>>, vector<16xi32>,
        %get3A_2758 = vector.shape_cast %get3A_2757 : vector<16xi32> to vector<16xi32>
        %select_n3A_2759 = arith.select %gt3A_2755, %get3A_2758, %broadcast_in_dim3A_1 : vector<16xi1>, vector<16xi32>
        %swap3A_2760 = arith.constant 3 : i32
        %swap3A_2761 = arith.index_cast %swap3A_2760 : i32 to index
        %swap3A_2762 = arith.constant 48 : index
        %swap3A_2763 = tpu.vector_load %arg6[%swap3A_2761, %swap3A_2762] {strides = array<i32>} : memref<8x128xi32, #tpu.memory_space<vmem>>, vector<1x16xi32>,
        %swap3A_2764 = vector.shape_cast %swap3A_2763 : vector<1x16xi32> to vector<16xi32>
        %swap3A_2765 = vector.shape_cast %select_n3A_2759 : vector<16xi32> to vector<1x16xi32>
        tpu.vector_store %arg6[%swap3A_2761, %swap3A_2762], %swap3A_2765 {strides = array<i32>} : memref<8x128xi32, #tpu.memory_space<vmem>>, vector<1x16xi32>,
        %jit3A_2766 = arith.constant 1 : i32
        %jit3A_2767 = arith.constant 0 : i32
        %broadcast_in_dim3A_2768 = vector.broadcast %jit3A_2766 : i32 to vector<16xi32>
        %broadcast_in_dim3A_2769 = vector.broadcast %jit3A_2767 : i32 to vector<16xi32>
        %select_n3A_2770 = arith.select %gt3A_2755, %broadcast_in_dim3A_2768, %broadcast_in_dim3A_2769 : vector<16xi1>, vector<16xi32>
        %or3A_2771 = arith.ori %or3A_2744, %select_n3A_2770 : vector<16xi32>
        %get3A_2772 = arith.constant 3 : i32
        %get3A_2773 = arith.index_cast %get3A_2772 : i32 to index
        %get3A_2774 = arith.constant 64 : index
        %get3A_2775 = tpu.vector_load %arg7[%get3A_2773, %get3A_2774] {strides = array<i32>} : memref<8x128xi32, #tpu.memory_space<vmem>>, vector<1x16xi32>,
        %get3A_2776 = vector.shape_cast %get3A_2775 : vector<1x16xi32> to vector<16xi32>
        %get3A_2777 = arith.constant 3 : i32
        %get3A_2778 = arith.index_cast %get3A_2777 : i32 to index
        %get3A_2779 = arith.constant 64 : index
        %get3A_2780 = tpu.vector_load %arg8[%get3A_2778, %get3A_2779] {strides = array<i32>} : memref<8x128xi32, #tpu.memory_space<vmem>>, vector<1x16xi32>,
        %get3A_2781 = vector.shape_cast %get3A_2780 : vector<1x16xi32> to vector<16xi32>
        %gt3A_2782 = arith.cmpi sgt, %get3A_2776, %get3A_2781 : vector<16xi32>
        %get3A_2783 = arith.constant 448 : index
        %get3A_2784 = tpu.vector_load %arg5[%get3A_2783] {strides = array<i32>} : memref<1024xi32, #tpu.memory_space<vmem>>, vector<16xi32>,
        %get3A_2785 = vector.shape_cast %get3A_2784 : vector<16xi32> to vector<16xi32>
        %select_n3A_2786 = arith.select %gt3A_2782, %get3A_2785, %broadcast_in_dim3A_1 : vector<16xi1>, vector<16xi32>
        %swap3A_2787 = arith.constant 3 : i32
        %swap3A_2788 = arith.index_cast %swap3A_2787 : i32 to index
        %swap3A_2789 = arith.constant 64 : index
        %swap3A_2790 = tpu.vector_load %arg6[%swap3A_2788, %swap3A_2789] {strides = array<i32>} : memref<8x128xi32, #tpu.memory_space<vmem>>, vector<1x16xi32>,
        %swap3A_2791 = vector.shape_cast %swap3A_2790 : vector<1x16xi32> to vector<16xi32>
        %swap3A_2792 = vector.shape_cast %select_n3A_2786 : vector<16xi32> to vector<1x16xi32>
        tpu.vector_store %arg6[%swap3A_2788, %swap3A_2789], %swap3A_2792 {strides = array<i32>} : memref<8x128xi32, #tpu.memory_space<vmem>>, vector<1x16xi32>,
        %jit3A_2793 = arith.constant 1 : i32
        %jit3A_2794 = arith.constant 0 : i32
        %broadcast_in_dim3A_2795 = vector.broadcast %jit3A_2793 : i32 to vector<16xi32>
        %broadcast_in_dim3A_2796 = vector.broadcast %jit3A_2794 : i32 to vector<16xi32>
        %select_n3A_2797 = arith.select %gt3A_2782, %broadcast_in_dim3A_2795, %broadcast_in_dim3A_2796 : vector<16xi1>, vector<16xi32>
        %or3A_2798 = arith.ori %or3A_2771, %select_n3A_2797 : vector<16xi32>
        %get3A_2799 = arith.constant 3 : i32
        %get3A_2800 = arith.index_cast %get3A_2799 : i32 to index
        %get3A_2801 = arith.constant 80 : index
        %get3A_2802 = tpu.vector_load %arg7[%get3A_2800, %get3A_2801] {strides = array<i32>} : memref<8x128xi32, #tpu.memory_space<vmem>>, vector<1x16xi32>,
        %get3A_2803 = vector.shape_cast %get3A_2802 : vector<1x16xi32> to vector<16xi32>
        %get3A_2804 = arith.constant 3 : i32
        %get3A_2805 = arith.index_cast %get3A_2804 : i32 to index
        %get3A_2806 = arith.constant 80 : index
        %get3A_2807 = tpu.vector_load %arg8[%get3A_2805, %get3A_2806] {strides = array<i32>} : memref<8x128xi32, #tpu.memory_space<vmem>>, vector<1x16xi32>,
        %get3A_2808 = vector.shape_cast %get3A_2807 : vector<1x16xi32> to vector<16xi32>
        %gt3A_2809 = arith.cmpi sgt, %get3A_2803, %get3A_2808 : vector<16xi32>
        %get3A_2810 = arith.constant 464 : index
        %get3A_2811 = tpu.vector_load %arg5[%get3A_2810] {strides = array<i32>} : memref<1024xi32, #tpu.memory_space<vmem>>, vector<16xi32>,
        %get3A_2812 = vector.shape_cast %get3A_2811 : vector<16xi32> to vector<16xi32>
        %select_n3A_2813 = arith.select %gt3A_2809, %get3A_2812, %broadcast_in_dim3A_1 : vector<16xi1>, vector<16xi32>
        %swap3A_2814 = arith.constant 3 : i32
        %swap3A_2815 = arith.index_cast %swap3A_2814 : i32 to index
        %swap3A_2816 = arith.constant 80 : index
        %swap3A_2817 = tpu.vector_load %arg6[%swap3A_2815, %swap3A_2816] {strides = array<i32>} : memref<8x128xi32, #tpu.memory_space<vmem>>, vector<1x16xi32>,
        %swap3A_2818 = vector.shape_cast %swap3A_2817 : vector<1x16xi32> to vector<16xi32>
        %swap3A_2819 = vector.shape_cast %select_n3A_2813 : vector<16xi32> to vector<1x16xi32>
        tpu.vector_store %arg6[%swap3A_2815, %swap3A_2816], %swap3A_2819 {strides = array<i32>} : memref<8x128xi32, #tpu.memory_space<vmem>>, vector<1x16xi32>,
        %jit3A_2820 = arith.constant 1 : i32
        %jit3A_2821 = arith.constant 0 : i32
        %broadcast_in_dim3A_2822 = vector.broadcast %jit3A_2820 : i32 to vector<16xi32>
        %broadcast_in_dim3A_2823 = vector.broadcast %jit3A_2821 : i32 to vector<16xi32>
        %select_n3A_2824 = arith.select %gt3A_2809, %broadcast_in_dim3A_2822, %broadcast_in_dim3A_2823 : vector<16xi1>, vector<16xi32>
        %or3A_2825 = arith.ori %or3A_2798, %select_n3A_2824 : vector<16xi32>
        %get3A_2826 = arith.constant 3 : i32
        %get3A_2827 = arith.index_cast %get3A_2826 : i32 to index
        %get3A_2828 = arith.constant 96 : index
        %get3A_2829 = tpu.vector_load %arg7[%get3A_2827, %get3A_2828] {strides = array<i32>} : memref<8x128xi32, #tpu.memory_space<vmem>>, vector<1x16xi32>,
        %get3A_2830 = vector.shape_cast %get3A_2829 : vector<1x16xi32> to vector<16xi32>
        %get3A_2831 = arith.constant 3 : i32
        %get3A_2832 = arith.index_cast %get3A_2831 : i32 to index
        %get3A_2833 = arith.constant 96 : index
        %get3A_2834 = tpu.vector_load %arg8[%get3A_2832, %get3A_2833] {strides = array<i32>} : memref<8x128xi32, #tpu.memory_space<vmem>>, vector<1x16xi32>,
        %get3A_2835 = vector.shape_cast %get3A_2834 : vector<1x16xi32> to vector<16xi32>
        %gt3A_2836 = arith.cmpi sgt, %get3A_2830, %get3A_2835 : vector<16xi32>
        %get3A_2837 = arith.constant 480 : index
        %get3A_2838 = tpu.vector_load %arg5[%get3A_2837] {strides = array<i32>} : memref<1024xi32, #tpu.memory_space<vmem>>, vector<16xi32>,
        %get3A_2839 = vector.shape_cast %get3A_2838 : vector<16xi32> to vector<16xi32>
        %select_n3A_2840 = arith.select %gt3A_2836, %get3A_2839, %broadcast_in_dim3A_1 : vector<16xi1>, vector<16xi32>
        %swap3A_2841 = arith.constant 3 : i32
        %swap3A_2842 = arith.index_cast %swap3A_2841 : i32 to index
        %swap3A_2843 = arith.constant 96 : index
        %swap3A_2844 = tpu.vector_load %arg6[%swap3A_2842, %swap3A_2843] {strides = array<i32>} : memref<8x128xi32, #tpu.memory_space<vmem>>, vector<1x16xi32>,
        %swap3A_2845 = vector.shape_cast %swap3A_2844 : vector<1x16xi32> to vector<16xi32>
        %swap3A_2846 = vector.shape_cast %select_n3A_2840 : vector<16xi32> to vector<1x16xi32>
        tpu.vector_store %arg6[%swap3A_2842, %swap3A_2843], %swap3A_2846 {strides = array<i32>} : memref<8x128xi32, #tpu.memory_space<vmem>>, vector<1x16xi32>,
        %jit3A_2847 = arith.constant 1 : i32
        %jit3A_2848 = arith.constant 0 : i32
        %broadcast_in_dim3A_2849 = vector.broadcast %jit3A_2847 : i32 to vector<16xi32>
        %broadcast_in_dim3A_2850 = vector.broadcast %jit3A_2848 : i32 to vector<16xi32>
        %select_n3A_2851 = arith.select %gt3A_2836, %broadcast_in_dim3A_2849, %broadcast_in_dim3A_2850 : vector<16xi1>, vector<16xi32>
        %or3A_2852 = arith.ori %or3A_2825, %select_n3A_2851 : vector<16xi32>
        %get3A_2853 = arith.constant 3 : i32
        %get3A_2854 = arith.index_cast %get3A_2853 : i32 to index
        %get3A_2855 = arith.constant 112 : index
        %get3A_2856 = tpu.vector_load %arg7[%get3A_2854, %get3A_2855] {strides = array<i32>} : memref<8x128xi32, #tpu.memory_space<vmem>>, vector<1x16xi32>,
        %get3A_2857 = vector.shape_cast %get3A_2856 : vector<1x16xi32> to vector<16xi32>
        %get3A_2858 = arith.constant 3 : i32
        %get3A_2859 = arith.index_cast %get3A_2858 : i32 to index
        %get3A_2860 = arith.constant 112 : index
        %get3A_2861 = tpu.vector_load %arg8[%get3A_2859, %get3A_2860] {strides = array<i32>} : memref<8x128xi32, #tpu.memory_space<vmem>>, vector<1x16xi32>,
        %get3A_2862 = vector.shape_cast %get3A_2861 : vector<1x16xi32> to vector<16xi32>
        %gt3A_2863 = arith.cmpi sgt, %get3A_2857, %get3A_2862 : vector<16xi32>
        %get3A_2864 = arith.constant 496 : index
        %get3A_2865 = tpu.vector_load %arg5[%get3A_2864] {strides = array<i32>} : memref<1024xi32, #tpu.memory_space<vmem>>, vector<16xi32>,
        %get3A_2866 = vector.shape_cast %get3A_2865 : vector<16xi32> to vector<16xi32>
        %select_n3A_2867 = arith.select %gt3A_2863, %get3A_2866, %broadcast_in_dim3A_1 : vector<16xi1>, vector<16xi32>
        %swap3A_2868 = arith.constant 3 : i32
        %swap3A_2869 = arith.index_cast %swap3A_2868 : i32 to index
        %swap3A_2870 = arith.constant 112 : index
        %swap3A_2871 = tpu.vector_load %arg6[%swap3A_2869, %swap3A_2870] {strides = array<i32>} : memref<8x128xi32, #tpu.memory_space<vmem>>, vector<1x16xi32>,
        %swap3A_2872 = vector.shape_cast %swap3A_2871 : vector<1x16xi32> to vector<16xi32>
        %swap3A_2873 = vector.shape_cast %select_n3A_2867 : vector<16xi32> to vector<1x16xi32>
        tpu.vector_store %arg6[%swap3A_2869, %swap3A_2870], %swap3A_2873 {strides = array<i32>} : memref<8x128xi32, #tpu.memory_space<vmem>>, vector<1x16xi32>,
        %jit3A_2874 = arith.constant 1 : i32
        %jit3A_2875 = arith.constant 0 : i32
        %broadcast_in_dim3A_2876 = vector.broadcast %jit3A_2874 : i32 to vector<16xi32>
        %broadcast_in_dim3A_2877 = vector.broadcast %jit3A_2875 : i32 to vector<16xi32>
        %select_n3A_2878 = arith.select %gt3A_2863, %broadcast_in_dim3A_2876, %broadcast_in_dim3A_2877 : vector<16xi1>, vector<16xi32>
        %or3A_2879 = arith.ori %or3A_2852, %select_n3A_2878 : vector<16xi32>
        %get3A_2880 = arith.constant 4 : i32
        %get3A_2881 = arith.index_cast %get3A_2880 : i32 to index
        %get3A_2882 = arith.constant 0 : index
        %get3A_2883 = tpu.vector_load %arg7[%get3A_2881, %get3A_2882] {strides = array<i32>} : memref<8x128xi32, #tpu.memory_space<vmem>>, vector<1x16xi32>,
        %get3A_2884 = vector.shape_cast %get3A_2883 : vector<1x16xi32> to vector<16xi32>
        %get3A_2885 = arith.constant 4 : i32
        %get3A_2886 = arith.index_cast %get3A_2885 : i32 to index
        %get3A_2887 = arith.constant 0 : index
        %get3A_2888 = tpu.vector_load %arg8[%get3A_2886, %get3A_2887] {strides = array<i32>} : memref<8x128xi32, #tpu.memory_space<vmem>>, vector<1x16xi32>,
        %get3A_2889 = vector.shape_cast %get3A_2888 : vector<1x16xi32> to vector<16xi32>
        %gt3A_2890 = arith.cmpi sgt, %get3A_2884, %get3A_2889 : vector<16xi32>
        %get3A_2891 = arith.constant 512 : index
        %get3A_2892 = tpu.vector_load %arg5[%get3A_2891] {strides = array<i32>} : memref<1024xi32, #tpu.memory_space<vmem>>, vector<16xi32>,
        %get3A_2893 = vector.shape_cast %get3A_2892 : vector<16xi32> to vector<16xi32>
        %select_n3A_2894 = arith.select %gt3A_2890, %get3A_2893, %broadcast_in_dim3A_1 : vector<16xi1>, vector<16xi32>
        %swap3A_2895 = arith.constant 4 : i32
        %swap3A_2896 = arith.index_cast %swap3A_2895 : i32 to index
        %swap3A_2897 = arith.constant 0 : index
        %swap3A_2898 = tpu.vector_load %arg6[%swap3A_2896, %swap3A_2897] {strides = array<i32>} : memref<8x128xi32, #tpu.memory_space<vmem>>, vector<1x16xi32>,
        %swap3A_2899 = vector.shape_cast %swap3A_2898 : vector<1x16xi32> to vector<16xi32>
        %swap3A_2900 = vector.shape_cast %select_n3A_2894 : vector<16xi32> to vector<1x16xi32>
        tpu.vector_store %arg6[%swap3A_2896, %swap3A_2897], %swap3A_2900 {strides = array<i32>} : memref<8x128xi32, #tpu.memory_space<vmem>>, vector<1x16xi32>,
        %jit3A_2901 = arith.constant 1 : i32
        %jit3A_2902 = arith.constant 0 : i32
        %broadcast_in_dim3A_2903 = vector.broadcast %jit3A_2901 : i32 to vector<16xi32>
        %broadcast_in_dim3A_2904 = vector.broadcast %jit3A_2902 : i32 to vector<16xi32>
        %select_n3A_2905 = arith.select %gt3A_2890, %broadcast_in_dim3A_2903, %broadcast_in_dim3A_2904 : vector<16xi1>, vector<16xi32>
        %or3A_2906 = arith.ori %or3A_2879, %select_n3A_2905 : vector<16xi32>
        %get3A_2907 = arith.constant 4 : i32
        %get3A_2908 = arith.index_cast %get3A_2907 : i32 to index
        %get3A_2909 = arith.constant 16 : index
        %get3A_2910 = tpu.vector_load %arg7[%get3A_2908, %get3A_2909] {strides = array<i32>} : memref<8x128xi32, #tpu.memory_space<vmem>>, vector<1x16xi32>,
        %get3A_2911 = vector.shape_cast %get3A_2910 : vector<1x16xi32> to vector<16xi32>
        %get3A_2912 = arith.constant 4 : i32
        %get3A_2913 = arith.index_cast %get3A_2912 : i32 to index
        %get3A_2914 = arith.constant 16 : index
        %get3A_2915 = tpu.vector_load %arg8[%get3A_2913, %get3A_2914] {strides = array<i32>} : memref<8x128xi32, #tpu.memory_space<vmem>>, vector<1x16xi32>,
        %get3A_2916 = vector.shape_cast %get3A_2915 : vector<1x16xi32> to vector<16xi32>
        %gt3A_2917 = arith.cmpi sgt, %get3A_2911, %get3A_2916 : vector<16xi32>
        %get3A_2918 = arith.constant 528 : index
        %get3A_2919 = tpu.vector_load %arg5[%get3A_2918] {strides = array<i32>} : memref<1024xi32, #tpu.memory_space<vmem>>, vector<16xi32>,
        %get3A_2920 = vector.shape_cast %get3A_2919 : vector<16xi32> to vector<16xi32>
        %select_n3A_2921 = arith.select %gt3A_2917, %get3A_2920, %broadcast_in_dim3A_1 : vector<16xi1>, vector<16xi32>
        %swap3A_2922 = arith.constant 4 : i32
        %swap3A_2923 = arith.index_cast %swap3A_2922 : i32 to index
        %swap3A_2924 = arith.constant 16 : index
        %swap3A_2925 = tpu.vector_load %arg6[%swap3A_2923, %swap3A_2924] {strides = array<i32>} : memref<8x128xi32, #tpu.memory_space<vmem>>, vector<1x16xi32>,
        %swap3A_2926 = vector.shape_cast %swap3A_2925 : vector<1x16xi32> to vector<16xi32>
        %swap3A_2927 = vector.shape_cast %select_n3A_2921 : vector<16xi32> to vector<1x16xi32>
        tpu.vector_store %arg6[%swap3A_2923, %swap3A_2924], %swap3A_2927 {strides = array<i32>} : memref<8x128xi32, #tpu.memory_space<vmem>>, vector<1x16xi32>,
        %jit3A_2928 = arith.constant 1 : i32
        %jit3A_2929 = arith.constant 0 : i32
        %broadcast_in_dim3A_2930 = vector.broadcast %jit3A_2928 : i32 to vector<16xi32>
        %broadcast_in_dim3A_2931 = vector.broadcast %jit3A_2929 : i32 to vector<16xi32>
        %select_n3A_2932 = arith.select %gt3A_2917, %broadcast_in_dim3A_2930, %broadcast_in_dim3A_2931 : vector<16xi1>, vector<16xi32>
        %or3A_2933 = arith.ori %or3A_2906, %select_n3A_2932 : vector<16xi32>
        %get3A_2934 = arith.constant 4 : i32
        %get3A_2935 = arith.index_cast %get3A_2934 : i32 to index
        %get3A_2936 = arith.constant 32 : index
        %get3A_2937 = tpu.vector_load %arg7[%get3A_2935, %get3A_2936] {strides = array<i32>} : memref<8x128xi32, #tpu.memory_space<vmem>>, vector<1x16xi32>,
        %get3A_2938 = vector.shape_cast %get3A_2937 : vector<1x16xi32> to vector<16xi32>
        %get3A_2939 = arith.constant 4 : i32
        %get3A_2940 = arith.index_cast %get3A_2939 : i32 to index
        %get3A_2941 = arith.constant 32 : index
        %get3A_2942 = tpu.vector_load %arg8[%get3A_2940, %get3A_2941] {strides = array<i32>} : memref<8x128xi32, #tpu.memory_space<vmem>>, vector<1x16xi32>,
        %get3A_2943 = vector.shape_cast %get3A_2942 : vector<1x16xi32> to vector<16xi32>
        %gt3A_2944 = arith.cmpi sgt, %get3A_2938, %get3A_2943 : vector<16xi32>
        %get3A_2945 = arith.constant 544 : index
        %get3A_2946 = tpu.vector_load %arg5[%get3A_2945] {strides = array<i32>} : memref<1024xi32, #tpu.memory_space<vmem>>, vector<16xi32>,
        %get3A_2947 = vector.shape_cast %get3A_2946 : vector<16xi32> to vector<16xi32>
        %select_n3A_2948 = arith.select %gt3A_2944, %get3A_2947, %broadcast_in_dim3A_1 : vector<16xi1>, vector<16xi32>
        %swap3A_2949 = arith.constant 4 : i32
        %swap3A_2950 = arith.index_cast %swap3A_2949 : i32 to index
        %swap3A_2951 = arith.constant 32 : index
        %swap3A_2952 = tpu.vector_load %arg6[%swap3A_2950, %swap3A_2951] {strides = array<i32>} : memref<8x128xi32, #tpu.memory_space<vmem>>, vector<1x16xi32>,
        %swap3A_2953 = vector.shape_cast %swap3A_2952 : vector<1x16xi32> to vector<16xi32>
        %swap3A_2954 = vector.shape_cast %select_n3A_2948 : vector<16xi32> to vector<1x16xi32>
        tpu.vector_store %arg6[%swap3A_2950, %swap3A_2951], %swap3A_2954 {strides = array<i32>} : memref<8x128xi32, #tpu.memory_space<vmem>>, vector<1x16xi32>,
        %jit3A_2955 = arith.constant 1 : i32
        %jit3A_2956 = arith.constant 0 : i32
        %broadcast_in_dim3A_2957 = vector.broadcast %jit3A_2955 : i32 to vector<16xi32>
        %broadcast_in_dim3A_2958 = vector.broadcast %jit3A_2956 : i32 to vector<16xi32>
        %select_n3A_2959 = arith.select %gt3A_2944, %broadcast_in_dim3A_2957, %broadcast_in_dim3A_2958 : vector<16xi1>, vector<16xi32>
        %or3A_2960 = arith.ori %or3A_2933, %select_n3A_2959 : vector<16xi32>
        %get3A_2961 = arith.constant 4 : i32
        %get3A_2962 = arith.index_cast %get3A_2961 : i32 to index
        %get3A_2963 = arith.constant 48 : index
        %get3A_2964 = tpu.vector_load %arg7[%get3A_2962, %get3A_2963] {strides = array<i32>} : memref<8x128xi32, #tpu.memory_space<vmem>>, vector<1x16xi32>,
        %get3A_2965 = vector.shape_cast %get3A_2964 : vector<1x16xi32> to vector<16xi32>
        %get3A_2966 = arith.constant 4 : i32
        %get3A_2967 = arith.index_cast %get3A_2966 : i32 to index
        %get3A_2968 = arith.constant 48 : index
        %get3A_2969 = tpu.vector_load %arg8[%get3A_2967, %get3A_2968] {strides = array<i32>} : memref<8x128xi32, #tpu.memory_space<vmem>>, vector<1x16xi32>,
        %get3A_2970 = vector.shape_cast %get3A_2969 : vector<1x16xi32> to vector<16xi32>
        %gt3A_2971 = arith.cmpi sgt, %get3A_2965, %get3A_2970 : vector<16xi32>
        %get3A_2972 = arith.constant 560 : index
        %get3A_2973 = tpu.vector_load %arg5[%get3A_2972] {strides = array<i32>} : memref<1024xi32, #tpu.memory_space<vmem>>, vector<16xi32>,
        %get3A_2974 = vector.shape_cast %get3A_2973 : vector<16xi32> to vector<16xi32>
        %select_n3A_2975 = arith.select %gt3A_2971, %get3A_2974, %broadcast_in_dim3A_1 : vector<16xi1>, vector<16xi32>
        %swap3A_2976 = arith.constant 4 : i32
        %swap3A_2977 = arith.index_cast %swap3A_2976 : i32 to index
        %swap3A_2978 = arith.constant 48 : index
        %swap3A_2979 = tpu.vector_load %arg6[%swap3A_2977, %swap3A_2978] {strides = array<i32>} : memref<8x128xi32, #tpu.memory_space<vmem>>, vector<1x16xi32>,
        %swap3A_2980 = vector.shape_cast %swap3A_2979 : vector<1x16xi32> to vector<16xi32>
        %swap3A_2981 = vector.shape_cast %select_n3A_2975 : vector<16xi32> to vector<1x16xi32>
        tpu.vector_store %arg6[%swap3A_2977, %swap3A_2978], %swap3A_2981 {strides = array<i32>} : memref<8x128xi32, #tpu.memory_space<vmem>>, vector<1x16xi32>,
        %jit3A_2982 = arith.constant 1 : i32
        %jit3A_2983 = arith.constant 0 : i32
        %broadcast_in_dim3A_2984 = vector.broadcast %jit3A_2982 : i32 to vector<16xi32>
        %broadcast_in_dim3A_2985 = vector.broadcast %jit3A_2983 : i32 to vector<16xi32>
        %select_n3A_2986 = arith.select %gt3A_2971, %broadcast_in_dim3A_2984, %broadcast_in_dim3A_2985 : vector<16xi1>, vector<16xi32>
        %or3A_2987 = arith.ori %or3A_2960, %select_n3A_2986 : vector<16xi32>
        %get3A_2988 = arith.constant 4 : i32
        %get3A_2989 = arith.index_cast %get3A_2988 : i32 to index
        %get3A_2990 = arith.constant 64 : index
        %get3A_2991 = tpu.vector_load %arg7[%get3A_2989, %get3A_2990] {strides = array<i32>} : memref<8x128xi32, #tpu.memory_space<vmem>>, vector<1x16xi32>,
        %get3A_2992 = vector.shape_cast %get3A_2991 : vector<1x16xi32> to vector<16xi32>
        %get3A_2993 = arith.constant 4 : i32
        %get3A_2994 = arith.index_cast %get3A_2993 : i32 to index
        %get3A_2995 = arith.constant 64 : index
        %get3A_2996 = tpu.vector_load %arg8[%get3A_2994, %get3A_2995] {strides = array<i32>} : memref<8x128xi32, #tpu.memory_space<vmem>>, vector<1x16xi32>,
        %get3A_2997 = vector.shape_cast %get3A_2996 : vector<1x16xi32> to vector<16xi32>
        %gt3A_2998 = arith.cmpi sgt, %get3A_2992, %get3A_2997 : vector<16xi32>
        %get3A_2999 = arith.constant 576 : index
        %get3A_3000 = tpu.vector_load %arg5[%get3A_2999] {strides = array<i32>} : memref<1024xi32, #tpu.memory_space<vmem>>, vector<16xi32>,
        %get3A_3001 = vector.shape_cast %get3A_3000 : vector<16xi32> to vector<16xi32>
        %select_n3A_3002 = arith.select %gt3A_2998, %get3A_3001, %broadcast_in_dim3A_1 : vector<16xi1>, vector<16xi32>
        %swap3A_3003 = arith.constant 4 : i32
        %swap3A_3004 = arith.index_cast %swap3A_3003 : i32 to index
        %swap3A_3005 = arith.constant 64 : index
        %swap3A_3006 = tpu.vector_load %arg6[%swap3A_3004, %swap3A_3005] {strides = array<i32>} : memref<8x128xi32, #tpu.memory_space<vmem>>, vector<1x16xi32>,
        %swap3A_3007 = vector.shape_cast %swap3A_3006 : vector<1x16xi32> to vector<16xi32>
        %swap3A_3008 = vector.shape_cast %select_n3A_3002 : vector<16xi32> to vector<1x16xi32>
        tpu.vector_store %arg6[%swap3A_3004, %swap3A_3005], %swap3A_3008 {strides = array<i32>} : memref<8x128xi32, #tpu.memory_space<vmem>>, vector<1x16xi32>,
        %jit3A_3009 = arith.constant 1 : i32
        %jit3A_3010 = arith.constant 0 : i32
        %broadcast_in_dim3A_3011 = vector.broadcast %jit3A_3009 : i32 to vector<16xi32>
        %broadcast_in_dim3A_3012 = vector.broadcast %jit3A_3010 : i32 to vector<16xi32>
        %select_n3A_3013 = arith.select %gt3A_2998, %broadcast_in_dim3A_3011, %broadcast_in_dim3A_3012 : vector<16xi1>, vector<16xi32>
        %or3A_3014 = arith.ori %or3A_2987, %select_n3A_3013 : vector<16xi32>
        %get3A_3015 = arith.constant 4 : i32
        %get3A_3016 = arith.index_cast %get3A_3015 : i32 to index
        %get3A_3017 = arith.constant 80 : index
        %get3A_3018 = tpu.vector_load %arg7[%get3A_3016, %get3A_3017] {strides = array<i32>} : memref<8x128xi32, #tpu.memory_space<vmem>>, vector<1x16xi32>,
        %get3A_3019 = vector.shape_cast %get3A_3018 : vector<1x16xi32> to vector<16xi32>
        %get3A_3020 = arith.constant 4 : i32
        %get3A_3021 = arith.index_cast %get3A_3020 : i32 to index
        %get3A_3022 = arith.constant 80 : index
        %get3A_3023 = tpu.vector_load %arg8[%get3A_3021, %get3A_3022] {strides = array<i32>} : memref<8x128xi32, #tpu.memory_space<vmem>>, vector<1x16xi32>,
        %get3A_3024 = vector.shape_cast %get3A_3023 : vector<1x16xi32> to vector<16xi32>
        %gt3A_3025 = arith.cmpi sgt, %get3A_3019, %get3A_3024 : vector<16xi32>
        %get3A_3026 = arith.constant 592 : index
        %get3A_3027 = tpu.vector_load %arg5[%get3A_3026] {strides = array<i32>} : memref<1024xi32, #tpu.memory_space<vmem>>, vector<16xi32>,
        %get3A_3028 = vector.shape_cast %get3A_3027 : vector<16xi32> to vector<16xi32>
        %select_n3A_3029 = arith.select %gt3A_3025, %get3A_3028, %broadcast_in_dim3A_1 : vector<16xi1>, vector<16xi32>
        %swap3A_3030 = arith.constant 4 : i32
        %swap3A_3031 = arith.index_cast %swap3A_3030 : i32 to index
        %swap3A_3032 = arith.constant 80 : index
        %swap3A_3033 = tpu.vector_load %arg6[%swap3A_3031, %swap3A_3032] {strides = array<i32>} : memref<8x128xi32, #tpu.memory_space<vmem>>, vector<1x16xi32>,
        %swap3A_3034 = vector.shape_cast %swap3A_3033 : vector<1x16xi32> to vector<16xi32>
        %swap3A_3035 = vector.shape_cast %select_n3A_3029 : vector<16xi32> to vector<1x16xi32>
        tpu.vector_store %arg6[%swap3A_3031, %swap3A_3032], %swap3A_3035 {strides = array<i32>} : memref<8x128xi32, #tpu.memory_space<vmem>>, vector<1x16xi32>,
        %jit3A_3036 = arith.constant 1 : i32
        %jit3A_3037 = arith.constant 0 : i32
        %broadcast_in_dim3A_3038 = vector.broadcast %jit3A_3036 : i32 to vector<16xi32>
        %broadcast_in_dim3A_3039 = vector.broadcast %jit3A_3037 : i32 to vector<16xi32>
        %select_n3A_3040 = arith.select %gt3A_3025, %broadcast_in_dim3A_3038, %broadcast_in_dim3A_3039 : vector<16xi1>, vector<16xi32>
        %or3A_3041 = arith.ori %or3A_3014, %select_n3A_3040 : vector<16xi32>
        %get3A_3042 = arith.constant 4 : i32
        %get3A_3043 = arith.index_cast %get3A_3042 : i32 to index
        %get3A_3044 = arith.constant 96 : index
        %get3A_3045 = tpu.vector_load %arg7[%get3A_3043, %get3A_3044] {strides = array<i32>} : memref<8x128xi32, #tpu.memory_space<vmem>>, vector<1x16xi32>,
        %get3A_3046 = vector.shape_cast %get3A_3045 : vector<1x16xi32> to vector<16xi32>
        %get3A_3047 = arith.constant 4 : i32
        %get3A_3048 = arith.index_cast %get3A_3047 : i32 to index
        %get3A_3049 = arith.constant 96 : index
        %get3A_3050 = tpu.vector_load %arg8[%get3A_3048, %get3A_3049] {strides = array<i32>} : memref<8x128xi32, #tpu.memory_space<vmem>>, vector<1x16xi32>,
        %get3A_3051 = vector.shape_cast %get3A_3050 : vector<1x16xi32> to vector<16xi32>
        %gt3A_3052 = arith.cmpi sgt, %get3A_3046, %get3A_3051 : vector<16xi32>
        %get3A_3053 = arith.constant 608 : index
        %get3A_3054 = tpu.vector_load %arg5[%get3A_3053] {strides = array<i32>} : memref<1024xi32, #tpu.memory_space<vmem>>, vector<16xi32>,
        %get3A_3055 = vector.shape_cast %get3A_3054 : vector<16xi32> to vector<16xi32>
        %select_n3A_3056 = arith.select %gt3A_3052, %get3A_3055, %broadcast_in_dim3A_1 : vector<16xi1>, vector<16xi32>
        %swap3A_3057 = arith.constant 4 : i32
        %swap3A_3058 = arith.index_cast %swap3A_3057 : i32 to index
        %swap3A_3059 = arith.constant 96 : index
        %swap3A_3060 = tpu.vector_load %arg6[%swap3A_3058, %swap3A_3059] {strides = array<i32>} : memref<8x128xi32, #tpu.memory_space<vmem>>, vector<1x16xi32>,
        %swap3A_3061 = vector.shape_cast %swap3A_3060 : vector<1x16xi32> to vector<16xi32>
        %swap3A_3062 = vector.shape_cast %select_n3A_3056 : vector<16xi32> to vector<1x16xi32>
        tpu.vector_store %arg6[%swap3A_3058, %swap3A_3059], %swap3A_3062 {strides = array<i32>} : memref<8x128xi32, #tpu.memory_space<vmem>>, vector<1x16xi32>,
        %jit3A_3063 = arith.constant 1 : i32
        %jit3A_3064 = arith.constant 0 : i32
        %broadcast_in_dim3A_3065 = vector.broadcast %jit3A_3063 : i32 to vector<16xi32>
        %broadcast_in_dim3A_3066 = vector.broadcast %jit3A_3064 : i32 to vector<16xi32>
        %select_n3A_3067 = arith.select %gt3A_3052, %broadcast_in_dim3A_3065, %broadcast_in_dim3A_3066 : vector<16xi1>, vector<16xi32>
        %or3A_3068 = arith.ori %or3A_3041, %select_n3A_3067 : vector<16xi32>
        %get3A_3069 = arith.constant 4 : i32
        %get3A_3070 = arith.index_cast %get3A_3069 : i32 to index
        %get3A_3071 = arith.constant 112 : index
        %get3A_3072 = tpu.vector_load %arg7[%get3A_3070, %get3A_3071] {strides = array<i32>} : memref<8x128xi32, #tpu.memory_space<vmem>>, vector<1x16xi32>,
        %get3A_3073 = vector.shape_cast %get3A_3072 : vector<1x16xi32> to vector<16xi32>
        %get3A_3074 = arith.constant 4 : i32
        %get3A_3075 = arith.index_cast %get3A_3074 : i32 to index
        %get3A_3076 = arith.constant 112 : index
        %get3A_3077 = tpu.vector_load %arg8[%get3A_3075, %get3A_3076] {strides = array<i32>} : memref<8x128xi32, #tpu.memory_space<vmem>>, vector<1x16xi32>,
        %get3A_3078 = vector.shape_cast %get3A_3077 : vector<1x16xi32> to vector<16xi32>
        %gt3A_3079 = arith.cmpi sgt, %get3A_3073, %get3A_3078 : vector<16xi32>
        %get3A_3080 = arith.constant 624 : index
        %get3A_3081 = tpu.vector_load %arg5[%get3A_3080] {strides = array<i32>} : memref<1024xi32, #tpu.memory_space<vmem>>, vector<16xi32>,
        %get3A_3082 = vector.shape_cast %get3A_3081 : vector<16xi32> to vector<16xi32>
        %select_n3A_3083 = arith.select %gt3A_3079, %get3A_3082, %broadcast_in_dim3A_1 : vector<16xi1>, vector<16xi32>
        %swap3A_3084 = arith.constant 4 : i32
        %swap3A_3085 = arith.index_cast %swap3A_3084 : i32 to index
        %swap3A_3086 = arith.constant 112 : index
        %swap3A_3087 = tpu.vector_load %arg6[%swap3A_3085, %swap3A_3086] {strides = array<i32>} : memref<8x128xi32, #tpu.memory_space<vmem>>, vector<1x16xi32>,
        %swap3A_3088 = vector.shape_cast %swap3A_3087 : vector<1x16xi32> to vector<16xi32>
        %swap3A_3089 = vector.shape_cast %select_n3A_3083 : vector<16xi32> to vector<1x16xi32>
        tpu.vector_store %arg6[%swap3A_3085, %swap3A_3086], %swap3A_3089 {strides = array<i32>} : memref<8x128xi32, #tpu.memory_space<vmem>>, vector<1x16xi32>,
        %jit3A_3090 = arith.constant 1 : i32
        %jit3A_3091 = arith.constant 0 : i32
        %broadcast_in_dim3A_3092 = vector.broadcast %jit3A_3090 : i32 to vector<16xi32>
        %broadcast_in_dim3A_3093 = vector.broadcast %jit3A_3091 : i32 to vector<16xi32>
        %select_n3A_3094 = arith.select %gt3A_3079, %broadcast_in_dim3A_3092, %broadcast_in_dim3A_3093 : vector<16xi1>, vector<16xi32>
        %or3A_3095 = arith.ori %or3A_3068, %select_n3A_3094 : vector<16xi32>
        %get3A_3096 = arith.constant 5 : i32
        %get3A_3097 = arith.index_cast %get3A_3096 : i32 to index
        %get3A_3098 = arith.constant 0 : index
        %get3A_3099 = tpu.vector_load %arg7[%get3A_3097, %get3A_3098] {strides = array<i32>} : memref<8x128xi32, #tpu.memory_space<vmem>>, vector<1x16xi32>,
        %get3A_3100 = vector.shape_cast %get3A_3099 : vector<1x16xi32> to vector<16xi32>
        %get3A_3101 = arith.constant 5 : i32
        %get3A_3102 = arith.index_cast %get3A_3101 : i32 to index
        %get3A_3103 = arith.constant 0 : index
        %get3A_3104 = tpu.vector_load %arg8[%get3A_3102, %get3A_3103] {strides = array<i32>} : memref<8x128xi32, #tpu.memory_space<vmem>>, vector<1x16xi32>,
        %get3A_3105 = vector.shape_cast %get3A_3104 : vector<1x16xi32> to vector<16xi32>
        %gt3A_3106 = arith.cmpi sgt, %get3A_3100, %get3A_3105 : vector<16xi32>
        %get3A_3107 = arith.constant 640 : index
        %get3A_3108 = tpu.vector_load %arg5[%get3A_3107] {strides = array<i32>} : memref<1024xi32, #tpu.memory_space<vmem>>, vector<16xi32>,
        %get3A_3109 = vector.shape_cast %get3A_3108 : vector<16xi32> to vector<16xi32>
        %select_n3A_3110 = arith.select %gt3A_3106, %get3A_3109, %broadcast_in_dim3A_1 : vector<16xi1>, vector<16xi32>
        %swap3A_3111 = arith.constant 5 : i32
        %swap3A_3112 = arith.index_cast %swap3A_3111 : i32 to index
        %swap3A_3113 = arith.constant 0 : index
        %swap3A_3114 = tpu.vector_load %arg6[%swap3A_3112, %swap3A_3113] {strides = array<i32>} : memref<8x128xi32, #tpu.memory_space<vmem>>, vector<1x16xi32>,
        %swap3A_3115 = vector.shape_cast %swap3A_3114 : vector<1x16xi32> to vector<16xi32>
        %swap3A_3116 = vector.shape_cast %select_n3A_3110 : vector<16xi32> to vector<1x16xi32>
        tpu.vector_store %arg6[%swap3A_3112, %swap3A_3113], %swap3A_3116 {strides = array<i32>} : memref<8x128xi32, #tpu.memory_space<vmem>>, vector<1x16xi32>,
        %jit3A_3117 = arith.constant 1 : i32
        %jit3A_3118 = arith.constant 0 : i32
        %broadcast_in_dim3A_3119 = vector.broadcast %jit3A_3117 : i32 to vector<16xi32>
        %broadcast_in_dim3A_3120 = vector.broadcast %jit3A_3118 : i32 to vector<16xi32>
        %select_n3A_3121 = arith.select %gt3A_3106, %broadcast_in_dim3A_3119, %broadcast_in_dim3A_3120 : vector<16xi1>, vector<16xi32>
        %or3A_3122 = arith.ori %or3A_3095, %select_n3A_3121 : vector<16xi32>
        %get3A_3123 = arith.constant 5 : i32
        %get3A_3124 = arith.index_cast %get3A_3123 : i32 to index
        %get3A_3125 = arith.constant 16 : index
        %get3A_3126 = tpu.vector_load %arg7[%get3A_3124, %get3A_3125] {strides = array<i32>} : memref<8x128xi32, #tpu.memory_space<vmem>>, vector<1x16xi32>,
        %get3A_3127 = vector.shape_cast %get3A_3126 : vector<1x16xi32> to vector<16xi32>
        %get3A_3128 = arith.constant 5 : i32
        %get3A_3129 = arith.index_cast %get3A_3128 : i32 to index
        %get3A_3130 = arith.constant 16 : index
        %get3A_3131 = tpu.vector_load %arg8[%get3A_3129, %get3A_3130] {strides = array<i32>} : memref<8x128xi32, #tpu.memory_space<vmem>>, vector<1x16xi32>,
        %get3A_3132 = vector.shape_cast %get3A_3131 : vector<1x16xi32> to vector<16xi32>
        %gt3A_3133 = arith.cmpi sgt, %get3A_3127, %get3A_3132 : vector<16xi32>
        %get3A_3134 = arith.constant 656 : index
        %get3A_3135 = tpu.vector_load %arg5[%get3A_3134] {strides = array<i32>} : memref<1024xi32, #tpu.memory_space<vmem>>, vector<16xi32>,
        %get3A_3136 = vector.shape_cast %get3A_3135 : vector<16xi32> to vector<16xi32>
        %select_n3A_3137 = arith.select %gt3A_3133, %get3A_3136, %broadcast_in_dim3A_1 : vector<16xi1>, vector<16xi32>
        %swap3A_3138 = arith.constant 5 : i32
        %swap3A_3139 = arith.index_cast %swap3A_3138 : i32 to index
        %swap3A_3140 = arith.constant 16 : index
        %swap3A_3141 = tpu.vector_load %arg6[%swap3A_3139, %swap3A_3140] {strides = array<i32>} : memref<8x128xi32, #tpu.memory_space<vmem>>, vector<1x16xi32>,
        %swap3A_3142 = vector.shape_cast %swap3A_3141 : vector<1x16xi32> to vector<16xi32>
        %swap3A_3143 = vector.shape_cast %select_n3A_3137 : vector<16xi32> to vector<1x16xi32>
        tpu.vector_store %arg6[%swap3A_3139, %swap3A_3140], %swap3A_3143 {strides = array<i32>} : memref<8x128xi32, #tpu.memory_space<vmem>>, vector<1x16xi32>,
        %jit3A_3144 = arith.constant 1 : i32
        %jit3A_3145 = arith.constant 0 : i32
        %broadcast_in_dim3A_3146 = vector.broadcast %jit3A_3144 : i32 to vector<16xi32>
        %broadcast_in_dim3A_3147 = vector.broadcast %jit3A_3145 : i32 to vector<16xi32>
        %select_n3A_3148 = arith.select %gt3A_3133, %broadcast_in_dim3A_3146, %broadcast_in_dim3A_3147 : vector<16xi1>, vector<16xi32>
        %or3A_3149 = arith.ori %or3A_3122, %select_n3A_3148 : vector<16xi32>
        %get3A_3150 = arith.constant 5 : i32
        %get3A_3151 = arith.index_cast %get3A_3150 : i32 to index
        %get3A_3152 = arith.constant 32 : index
        %get3A_3153 = tpu.vector_load %arg7[%get3A_3151, %get3A_3152] {strides = array<i32>} : memref<8x128xi32, #tpu.memory_space<vmem>>, vector<1x16xi32>,
        %get3A_3154 = vector.shape_cast %get3A_3153 : vector<1x16xi32> to vector<16xi32>
        %get3A_3155 = arith.constant 5 : i32
        %get3A_3156 = arith.index_cast %get3A_3155 : i32 to index
        %get3A_3157 = arith.constant 32 : index
        %get3A_3158 = tpu.vector_load %arg8[%get3A_3156, %get3A_3157] {strides = array<i32>} : memref<8x128xi32, #tpu.memory_space<vmem>>, vector<1x16xi32>,
        %get3A_3159 = vector.shape_cast %get3A_3158 : vector<1x16xi32> to vector<16xi32>
        %gt3A_3160 = arith.cmpi sgt, %get3A_3154, %get3A_3159 : vector<16xi32>
        %get3A_3161 = arith.constant 672 : index
        %get3A_3162 = tpu.vector_load %arg5[%get3A_3161] {strides = array<i32>} : memref<1024xi32, #tpu.memory_space<vmem>>, vector<16xi32>,
        %get3A_3163 = vector.shape_cast %get3A_3162 : vector<16xi32> to vector<16xi32>
        %select_n3A_3164 = arith.select %gt3A_3160, %get3A_3163, %broadcast_in_dim3A_1 : vector<16xi1>, vector<16xi32>
        %swap3A_3165 = arith.constant 5 : i32
        %swap3A_3166 = arith.index_cast %swap3A_3165 : i32 to index
        %swap3A_3167 = arith.constant 32 : index
        %swap3A_3168 = tpu.vector_load %arg6[%swap3A_3166, %swap3A_3167] {strides = array<i32>} : memref<8x128xi32, #tpu.memory_space<vmem>>, vector<1x16xi32>,
        %swap3A_3169 = vector.shape_cast %swap3A_3168 : vector<1x16xi32> to vector<16xi32>
        %swap3A_3170 = vector.shape_cast %select_n3A_3164 : vector<16xi32> to vector<1x16xi32>
        tpu.vector_store %arg6[%swap3A_3166, %swap3A_3167], %swap3A_3170 {strides = array<i32>} : memref<8x128xi32, #tpu.memory_space<vmem>>, vector<1x16xi32>,
        %jit3A_3171 = arith.constant 1 : i32
        %jit3A_3172 = arith.constant 0 : i32
        %broadcast_in_dim3A_3173 = vector.broadcast %jit3A_3171 : i32 to vector<16xi32>
        %broadcast_in_dim3A_3174 = vector.broadcast %jit3A_3172 : i32 to vector<16xi32>
        %select_n3A_3175 = arith.select %gt3A_3160, %broadcast_in_dim3A_3173, %broadcast_in_dim3A_3174 : vector<16xi1>, vector<16xi32>
        %or3A_3176 = arith.ori %or3A_3149, %select_n3A_3175 : vector<16xi32>
        %get3A_3177 = arith.constant 5 : i32
        %get3A_3178 = arith.index_cast %get3A_3177 : i32 to index
        %get3A_3179 = arith.constant 48 : index
        %get3A_3180 = tpu.vector_load %arg7[%get3A_3178, %get3A_3179] {strides = array<i32>} : memref<8x128xi32, #tpu.memory_space<vmem>>, vector<1x16xi32>,
        %get3A_3181 = vector.shape_cast %get3A_3180 : vector<1x16xi32> to vector<16xi32>
        %get3A_3182 = arith.constant 5 : i32
        %get3A_3183 = arith.index_cast %get3A_3182 : i32 to index
        %get3A_3184 = arith.constant 48 : index
        %get3A_3185 = tpu.vector_load %arg8[%get3A_3183, %get3A_3184] {strides = array<i32>} : memref<8x128xi32, #tpu.memory_space<vmem>>, vector<1x16xi32>,
        %get3A_3186 = vector.shape_cast %get3A_3185 : vector<1x16xi32> to vector<16xi32>
        %gt3A_3187 = arith.cmpi sgt, %get3A_3181, %get3A_3186 : vector<16xi32>
        %get3A_3188 = arith.constant 688 : index
        %get3A_3189 = tpu.vector_load %arg5[%get3A_3188] {strides = array<i32>} : memref<1024xi32, #tpu.memory_space<vmem>>, vector<16xi32>,
        %get3A_3190 = vector.shape_cast %get3A_3189 : vector<16xi32> to vector<16xi32>
        %select_n3A_3191 = arith.select %gt3A_3187, %get3A_3190, %broadcast_in_dim3A_1 : vector<16xi1>, vector<16xi32>
        %swap3A_3192 = arith.constant 5 : i32
        %swap3A_3193 = arith.index_cast %swap3A_3192 : i32 to index
        %swap3A_3194 = arith.constant 48 : index
        %swap3A_3195 = tpu.vector_load %arg6[%swap3A_3193, %swap3A_3194] {strides = array<i32>} : memref<8x128xi32, #tpu.memory_space<vmem>>, vector<1x16xi32>,
        %swap3A_3196 = vector.shape_cast %swap3A_3195 : vector<1x16xi32> to vector<16xi32>
        %swap3A_3197 = vector.shape_cast %select_n3A_3191 : vector<16xi32> to vector<1x16xi32>
        tpu.vector_store %arg6[%swap3A_3193, %swap3A_3194], %swap3A_3197 {strides = array<i32>} : memref<8x128xi32, #tpu.memory_space<vmem>>, vector<1x16xi32>,
        %jit3A_3198 = arith.constant 1 : i32
        %jit3A_3199 = arith.constant 0 : i32
        %broadcast_in_dim3A_3200 = vector.broadcast %jit3A_3198 : i32 to vector<16xi32>
        %broadcast_in_dim3A_3201 = vector.broadcast %jit3A_3199 : i32 to vector<16xi32>
        %select_n3A_3202 = arith.select %gt3A_3187, %broadcast_in_dim3A_3200, %broadcast_in_dim3A_3201 : vector<16xi1>, vector<16xi32>
        %or3A_3203 = arith.ori %or3A_3176, %select_n3A_3202 : vector<16xi32>
        %get3A_3204 = arith.constant 5 : i32
        %get3A_3205 = arith.index_cast %get3A_3204 : i32 to index
        %get3A_3206 = arith.constant 64 : index
        %get3A_3207 = tpu.vector_load %arg7[%get3A_3205, %get3A_3206] {strides = array<i32>} : memref<8x128xi32, #tpu.memory_space<vmem>>, vector<1x16xi32>,
        %get3A_3208 = vector.shape_cast %get3A_3207 : vector<1x16xi32> to vector<16xi32>
        %get3A_3209 = arith.constant 5 : i32
        %get3A_3210 = arith.index_cast %get3A_3209 : i32 to index
        %get3A_3211 = arith.constant 64 : index
        %get3A_3212 = tpu.vector_load %arg8[%get3A_3210, %get3A_3211] {strides = array<i32>} : memref<8x128xi32, #tpu.memory_space<vmem>>, vector<1x16xi32>,
        %get3A_3213 = vector.shape_cast %get3A_3212 : vector<1x16xi32> to vector<16xi32>
        %gt3A_3214 = arith.cmpi sgt, %get3A_3208, %get3A_3213 : vector<16xi32>
        %get3A_3215 = arith.constant 704 : index
        %get3A_3216 = tpu.vector_load %arg5[%get3A_3215] {strides = array<i32>} : memref<1024xi32, #tpu.memory_space<vmem>>, vector<16xi32>,
        %get3A_3217 = vector.shape_cast %get3A_3216 : vector<16xi32> to vector<16xi32>
        %select_n3A_3218 = arith.select %gt3A_3214, %get3A_3217, %broadcast_in_dim3A_1 : vector<16xi1>, vector<16xi32>
        %swap3A_3219 = arith.constant 5 : i32
        %swap3A_3220 = arith.index_cast %swap3A_3219 : i32 to index
        %swap3A_3221 = arith.constant 64 : index
        %swap3A_3222 = tpu.vector_load %arg6[%swap3A_3220, %swap3A_3221] {strides = array<i32>} : memref<8x128xi32, #tpu.memory_space<vmem>>, vector<1x16xi32>,
        %swap3A_3223 = vector.shape_cast %swap3A_3222 : vector<1x16xi32> to vector<16xi32>
        %swap3A_3224 = vector.shape_cast %select_n3A_3218 : vector<16xi32> to vector<1x16xi32>
        tpu.vector_store %arg6[%swap3A_3220, %swap3A_3221], %swap3A_3224 {strides = array<i32>} : memref<8x128xi32, #tpu.memory_space<vmem>>, vector<1x16xi32>,
        %jit3A_3225 = arith.constant 1 : i32
        %jit3A_3226 = arith.constant 0 : i32
        %broadcast_in_dim3A_3227 = vector.broadcast %jit3A_3225 : i32 to vector<16xi32>
        %broadcast_in_dim3A_3228 = vector.broadcast %jit3A_3226 : i32 to vector<16xi32>
        %select_n3A_3229 = arith.select %gt3A_3214, %broadcast_in_dim3A_3227, %broadcast_in_dim3A_3228 : vector<16xi1>, vector<16xi32>
        %or3A_3230 = arith.ori %or3A_3203, %select_n3A_3229 : vector<16xi32>
        %get3A_3231 = arith.constant 5 : i32
        %get3A_3232 = arith.index_cast %get3A_3231 : i32 to index
        %get3A_3233 = arith.constant 80 : index
        %get3A_3234 = tpu.vector_load %arg7[%get3A_3232, %get3A_3233] {strides = array<i32>} : memref<8x128xi32, #tpu.memory_space<vmem>>, vector<1x16xi32>,
        %get3A_3235 = vector.shape_cast %get3A_3234 : vector<1x16xi32> to vector<16xi32>
        %get3A_3236 = arith.constant 5 : i32
        %get3A_3237 = arith.index_cast %get3A_3236 : i32 to index
        %get3A_3238 = arith.constant 80 : index
        %get3A_3239 = tpu.vector_load %arg8[%get3A_3237, %get3A_3238] {strides = array<i32>} : memref<8x128xi32, #tpu.memory_space<vmem>>, vector<1x16xi32>,
        %get3A_3240 = vector.shape_cast %get3A_3239 : vector<1x16xi32> to vector<16xi32>
        %gt3A_3241 = arith.cmpi sgt, %get3A_3235, %get3A_3240 : vector<16xi32>
        %get3A_3242 = arith.constant 720 : index
        %get3A_3243 = tpu.vector_load %arg5[%get3A_3242] {strides = array<i32>} : memref<1024xi32, #tpu.memory_space<vmem>>, vector<16xi32>,
        %get3A_3244 = vector.shape_cast %get3A_3243 : vector<16xi32> to vector<16xi32>
        %select_n3A_3245 = arith.select %gt3A_3241, %get3A_3244, %broadcast_in_dim3A_1 : vector<16xi1>, vector<16xi32>
        %swap3A_3246 = arith.constant 5 : i32
        %swap3A_3247 = arith.index_cast %swap3A_3246 : i32 to index
        %swap3A_3248 = arith.constant 80 : index
        %swap3A_3249 = tpu.vector_load %arg6[%swap3A_3247, %swap3A_3248] {strides = array<i32>} : memref<8x128xi32, #tpu.memory_space<vmem>>, vector<1x16xi32>,
        %swap3A_3250 = vector.shape_cast %swap3A_3249 : vector<1x16xi32> to vector<16xi32>
        %swap3A_3251 = vector.shape_cast %select_n3A_3245 : vector<16xi32> to vector<1x16xi32>
        tpu.vector_store %arg6[%swap3A_3247, %swap3A_3248], %swap3A_3251 {strides = array<i32>} : memref<8x128xi32, #tpu.memory_space<vmem>>, vector<1x16xi32>,
        %jit3A_3252 = arith.constant 1 : i32
        %jit3A_3253 = arith.constant 0 : i32
        %broadcast_in_dim3A_3254 = vector.broadcast %jit3A_3252 : i32 to vector<16xi32>
        %broadcast_in_dim3A_3255 = vector.broadcast %jit3A_3253 : i32 to vector<16xi32>
        %select_n3A_3256 = arith.select %gt3A_3241, %broadcast_in_dim3A_3254, %broadcast_in_dim3A_3255 : vector<16xi1>, vector<16xi32>
        %or3A_3257 = arith.ori %or3A_3230, %select_n3A_3256 : vector<16xi32>
        %get3A_3258 = arith.constant 5 : i32
        %get3A_3259 = arith.index_cast %get3A_3258 : i32 to index
        %get3A_3260 = arith.constant 96 : index
        %get3A_3261 = tpu.vector_load %arg7[%get3A_3259, %get3A_3260] {strides = array<i32>} : memref<8x128xi32, #tpu.memory_space<vmem>>, vector<1x16xi32>,
        %get3A_3262 = vector.shape_cast %get3A_3261 : vector<1x16xi32> to vector<16xi32>
        %get3A_3263 = arith.constant 5 : i32
        %get3A_3264 = arith.index_cast %get3A_3263 : i32 to index
        %get3A_3265 = arith.constant 96 : index
        %get3A_3266 = tpu.vector_load %arg8[%get3A_3264, %get3A_3265] {strides = array<i32>} : memref<8x128xi32, #tpu.memory_space<vmem>>, vector<1x16xi32>,
        %get3A_3267 = vector.shape_cast %get3A_3266 : vector<1x16xi32> to vector<16xi32>
        %gt3A_3268 = arith.cmpi sgt, %get3A_3262, %get3A_3267 : vector<16xi32>
        %get3A_3269 = arith.constant 736 : index
        %get3A_3270 = tpu.vector_load %arg5[%get3A_3269] {strides = array<i32>} : memref<1024xi32, #tpu.memory_space<vmem>>, vector<16xi32>,
        %get3A_3271 = vector.shape_cast %get3A_3270 : vector<16xi32> to vector<16xi32>
        %select_n3A_3272 = arith.select %gt3A_3268, %get3A_3271, %broadcast_in_dim3A_1 : vector<16xi1>, vector<16xi32>
        %swap3A_3273 = arith.constant 5 : i32
        %swap3A_3274 = arith.index_cast %swap3A_3273 : i32 to index
        %swap3A_3275 = arith.constant 96 : index
        %swap3A_3276 = tpu.vector_load %arg6[%swap3A_3274, %swap3A_3275] {strides = array<i32>} : memref<8x128xi32, #tpu.memory_space<vmem>>, vector<1x16xi32>,
        %swap3A_3277 = vector.shape_cast %swap3A_3276 : vector<1x16xi32> to vector<16xi32>
        %swap3A_3278 = vector.shape_cast %select_n3A_3272 : vector<16xi32> to vector<1x16xi32>
        tpu.vector_store %arg6[%swap3A_3274, %swap3A_3275], %swap3A_3278 {strides = array<i32>} : memref<8x128xi32, #tpu.memory_space<vmem>>, vector<1x16xi32>,
        %jit3A_3279 = arith.constant 1 : i32
        %jit3A_3280 = arith.constant 0 : i32
        %broadcast_in_dim3A_3281 = vector.broadcast %jit3A_3279 : i32 to vector<16xi32>
        %broadcast_in_dim3A_3282 = vector.broadcast %jit3A_3280 : i32 to vector<16xi32>
        %select_n3A_3283 = arith.select %gt3A_3268, %broadcast_in_dim3A_3281, %broadcast_in_dim3A_3282 : vector<16xi1>, vector<16xi32>
        %or3A_3284 = arith.ori %or3A_3257, %select_n3A_3283 : vector<16xi32>
        %get3A_3285 = arith.constant 5 : i32
        %get3A_3286 = arith.index_cast %get3A_3285 : i32 to index
        %get3A_3287 = arith.constant 112 : index
        %get3A_3288 = tpu.vector_load %arg7[%get3A_3286, %get3A_3287] {strides = array<i32>} : memref<8x128xi32, #tpu.memory_space<vmem>>, vector<1x16xi32>,
        %get3A_3289 = vector.shape_cast %get3A_3288 : vector<1x16xi32> to vector<16xi32>
        %get3A_3290 = arith.constant 5 : i32
        %get3A_3291 = arith.index_cast %get3A_3290 : i32 to index
        %get3A_3292 = arith.constant 112 : index
        %get3A_3293 = tpu.vector_load %arg8[%get3A_3291, %get3A_3292] {strides = array<i32>} : memref<8x128xi32, #tpu.memory_space<vmem>>, vector<1x16xi32>,
        %get3A_3294 = vector.shape_cast %get3A_3293 : vector<1x16xi32> to vector<16xi32>
        %gt3A_3295 = arith.cmpi sgt, %get3A_3289, %get3A_3294 : vector<16xi32>
        %get3A_3296 = arith.constant 752 : index
        %get3A_3297 = tpu.vector_load %arg5[%get3A_3296] {strides = array<i32>} : memref<1024xi32, #tpu.memory_space<vmem>>, vector<16xi32>,
        %get3A_3298 = vector.shape_cast %get3A_3297 : vector<16xi32> to vector<16xi32>
        %select_n3A_3299 = arith.select %gt3A_3295, %get3A_3298, %broadcast_in_dim3A_1 : vector<16xi1>, vector<16xi32>
        %swap3A_3300 = arith.constant 5 : i32
        %swap3A_3301 = arith.index_cast %swap3A_3300 : i32 to index
        %swap3A_3302 = arith.constant 112 : index
        %swap3A_3303 = tpu.vector_load %arg6[%swap3A_3301, %swap3A_3302] {strides = array<i32>} : memref<8x128xi32, #tpu.memory_space<vmem>>, vector<1x16xi32>,
        %swap3A_3304 = vector.shape_cast %swap3A_3303 : vector<1x16xi32> to vector<16xi32>
        %swap3A_3305 = vector.shape_cast %select_n3A_3299 : vector<16xi32> to vector<1x16xi32>
        tpu.vector_store %arg6[%swap3A_3301, %swap3A_3302], %swap3A_3305 {strides = array<i32>} : memref<8x128xi32, #tpu.memory_space<vmem>>, vector<1x16xi32>,
        %jit3A_3306 = arith.constant 1 : i32
        %jit3A_3307 = arith.constant 0 : i32
        %broadcast_in_dim3A_3308 = vector.broadcast %jit3A_3306 : i32 to vector<16xi32>
        %broadcast_in_dim3A_3309 = vector.broadcast %jit3A_3307 : i32 to vector<16xi32>
        %select_n3A_3310 = arith.select %gt3A_3295, %broadcast_in_dim3A_3308, %broadcast_in_dim3A_3309 : vector<16xi1>, vector<16xi32>
        %or3A_3311 = arith.ori %or3A_3284, %select_n3A_3310 : vector<16xi32>
        %get3A_3312 = arith.constant 6 : i32
        %get3A_3313 = arith.index_cast %get3A_3312 : i32 to index
        %get3A_3314 = arith.constant 0 : index
        %get3A_3315 = tpu.vector_load %arg7[%get3A_3313, %get3A_3314] {strides = array<i32>} : memref<8x128xi32, #tpu.memory_space<vmem>>, vector<1x16xi32>,
        %get3A_3316 = vector.shape_cast %get3A_3315 : vector<1x16xi32> to vector<16xi32>
        %get3A_3317 = arith.constant 6 : i32
        %get3A_3318 = arith.index_cast %get3A_3317 : i32 to index
        %get3A_3319 = arith.constant 0 : index
        %get3A_3320 = tpu.vector_load %arg8[%get3A_3318, %get3A_3319] {strides = array<i32>} : memref<8x128xi32, #tpu.memory_space<vmem>>, vector<1x16xi32>,
        %get3A_3321 = vector.shape_cast %get3A_3320 : vector<1x16xi32> to vector<16xi32>
        %gt3A_3322 = arith.cmpi sgt, %get3A_3316, %get3A_3321 : vector<16xi32>
        %get3A_3323 = arith.constant 768 : index
        %get3A_3324 = tpu.vector_load %arg5[%get3A_3323] {strides = array<i32>} : memref<1024xi32, #tpu.memory_space<vmem>>, vector<16xi32>,
        %get3A_3325 = vector.shape_cast %get3A_3324 : vector<16xi32> to vector<16xi32>
        %select_n3A_3326 = arith.select %gt3A_3322, %get3A_3325, %broadcast_in_dim3A_1 : vector<16xi1>, vector<16xi32>
        %swap3A_3327 = arith.constant 6 : i32
        %swap3A_3328 = arith.index_cast %swap3A_3327 : i32 to index
        %swap3A_3329 = arith.constant 0 : index
        %swap3A_3330 = tpu.vector_load %arg6[%swap3A_3328, %swap3A_3329] {strides = array<i32>} : memref<8x128xi32, #tpu.memory_space<vmem>>, vector<1x16xi32>,
        %swap3A_3331 = vector.shape_cast %swap3A_3330 : vector<1x16xi32> to vector<16xi32>
        %swap3A_3332 = vector.shape_cast %select_n3A_3326 : vector<16xi32> to vector<1x16xi32>
        tpu.vector_store %arg6[%swap3A_3328, %swap3A_3329], %swap3A_3332 {strides = array<i32>} : memref<8x128xi32, #tpu.memory_space<vmem>>, vector<1x16xi32>,
        %jit3A_3333 = arith.constant 1 : i32
        %jit3A_3334 = arith.constant 0 : i32
        %broadcast_in_dim3A_3335 = vector.broadcast %jit3A_3333 : i32 to vector<16xi32>
        %broadcast_in_dim3A_3336 = vector.broadcast %jit3A_3334 : i32 to vector<16xi32>
        %select_n3A_3337 = arith.select %gt3A_3322, %broadcast_in_dim3A_3335, %broadcast_in_dim3A_3336 : vector<16xi1>, vector<16xi32>
        %or3A_3338 = arith.ori %or3A_3311, %select_n3A_3337 : vector<16xi32>
        %get3A_3339 = arith.constant 6 : i32
        %get3A_3340 = arith.index_cast %get3A_3339 : i32 to index
        %get3A_3341 = arith.constant 16 : index
        %get3A_3342 = tpu.vector_load %arg7[%get3A_3340, %get3A_3341] {strides = array<i32>} : memref<8x128xi32, #tpu.memory_space<vmem>>, vector<1x16xi32>,
        %get3A_3343 = vector.shape_cast %get3A_3342 : vector<1x16xi32> to vector<16xi32>
        %get3A_3344 = arith.constant 6 : i32
        %get3A_3345 = arith.index_cast %get3A_3344 : i32 to index
        %get3A_3346 = arith.constant 16 : index
        %get3A_3347 = tpu.vector_load %arg8[%get3A_3345, %get3A_3346] {strides = array<i32>} : memref<8x128xi32, #tpu.memory_space<vmem>>, vector<1x16xi32>,
        %get3A_3348 = vector.shape_cast %get3A_3347 : vector<1x16xi32> to vector<16xi32>
        %gt3A_3349 = arith.cmpi sgt, %get3A_3343, %get3A_3348 : vector<16xi32>
        %get3A_3350 = arith.constant 784 : index
        %get3A_3351 = tpu.vector_load %arg5[%get3A_3350] {strides = array<i32>} : memref<1024xi32, #tpu.memory_space<vmem>>, vector<16xi32>,
        %get3A_3352 = vector.shape_cast %get3A_3351 : vector<16xi32> to vector<16xi32>
        %select_n3A_3353 = arith.select %gt3A_3349, %get3A_3352, %broadcast_in_dim3A_1 : vector<16xi1>, vector<16xi32>
        %swap3A_3354 = arith.constant 6 : i32
        %swap3A_3355 = arith.index_cast %swap3A_3354 : i32 to index
        %swap3A_3356 = arith.constant 16 : index
        %swap3A_3357 = tpu.vector_load %arg6[%swap3A_3355, %swap3A_3356] {strides = array<i32>} : memref<8x128xi32, #tpu.memory_space<vmem>>, vector<1x16xi32>,
        %swap3A_3358 = vector.shape_cast %swap3A_3357 : vector<1x16xi32> to vector<16xi32>
        %swap3A_3359 = vector.shape_cast %select_n3A_3353 : vector<16xi32> to vector<1x16xi32>
        tpu.vector_store %arg6[%swap3A_3355, %swap3A_3356], %swap3A_3359 {strides = array<i32>} : memref<8x128xi32, #tpu.memory_space<vmem>>, vector<1x16xi32>,
        %jit3A_3360 = arith.constant 1 : i32
        %jit3A_3361 = arith.constant 0 : i32
        %broadcast_in_dim3A_3362 = vector.broadcast %jit3A_3360 : i32 to vector<16xi32>
        %broadcast_in_dim3A_3363 = vector.broadcast %jit3A_3361 : i32 to vector<16xi32>
        %select_n3A_3364 = arith.select %gt3A_3349, %broadcast_in_dim3A_3362, %broadcast_in_dim3A_3363 : vector<16xi1>, vector<16xi32>
        %or3A_3365 = arith.ori %or3A_3338, %select_n3A_3364 : vector<16xi32>
        %get3A_3366 = arith.constant 6 : i32
        %get3A_3367 = arith.index_cast %get3A_3366 : i32 to index
        %get3A_3368 = arith.constant 32 : index
        %get3A_3369 = tpu.vector_load %arg7[%get3A_3367, %get3A_3368] {strides = array<i32>} : memref<8x128xi32, #tpu.memory_space<vmem>>, vector<1x16xi32>,
        %get3A_3370 = vector.shape_cast %get3A_3369 : vector<1x16xi32> to vector<16xi32>
        %get3A_3371 = arith.constant 6 : i32
        %get3A_3372 = arith.index_cast %get3A_3371 : i32 to index
        %get3A_3373 = arith.constant 32 : index
        %get3A_3374 = tpu.vector_load %arg8[%get3A_3372, %get3A_3373] {strides = array<i32>} : memref<8x128xi32, #tpu.memory_space<vmem>>, vector<1x16xi32>,
        %get3A_3375 = vector.shape_cast %get3A_3374 : vector<1x16xi32> to vector<16xi32>
        %gt3A_3376 = arith.cmpi sgt, %get3A_3370, %get3A_3375 : vector<16xi32>
        %get3A_3377 = arith.constant 800 : index
        %get3A_3378 = tpu.vector_load %arg5[%get3A_3377] {strides = array<i32>} : memref<1024xi32, #tpu.memory_space<vmem>>, vector<16xi32>,
        %get3A_3379 = vector.shape_cast %get3A_3378 : vector<16xi32> to vector<16xi32>
        %select_n3A_3380 = arith.select %gt3A_3376, %get3A_3379, %broadcast_in_dim3A_1 : vector<16xi1>, vector<16xi32>
        %swap3A_3381 = arith.constant 6 : i32
        %swap3A_3382 = arith.index_cast %swap3A_3381 : i32 to index
        %swap3A_3383 = arith.constant 32 : index
        %swap3A_3384 = tpu.vector_load %arg6[%swap3A_3382, %swap3A_3383] {strides = array<i32>} : memref<8x128xi32, #tpu.memory_space<vmem>>, vector<1x16xi32>,
        %swap3A_3385 = vector.shape_cast %swap3A_3384 : vector<1x16xi32> to vector<16xi32>
        %swap3A_3386 = vector.shape_cast %select_n3A_3380 : vector<16xi32> to vector<1x16xi32>
        tpu.vector_store %arg6[%swap3A_3382, %swap3A_3383], %swap3A_3386 {strides = array<i32>} : memref<8x128xi32, #tpu.memory_space<vmem>>, vector<1x16xi32>,
        %jit3A_3387 = arith.constant 1 : i32
        %jit3A_3388 = arith.constant 0 : i32
        %broadcast_in_dim3A_3389 = vector.broadcast %jit3A_3387 : i32 to vector<16xi32>
        %broadcast_in_dim3A_3390 = vector.broadcast %jit3A_3388 : i32 to vector<16xi32>
        %select_n3A_3391 = arith.select %gt3A_3376, %broadcast_in_dim3A_3389, %broadcast_in_dim3A_3390 : vector<16xi1>, vector<16xi32>
        %or3A_3392 = arith.ori %or3A_3365, %select_n3A_3391 : vector<16xi32>
        %get3A_3393 = arith.constant 6 : i32
        %get3A_3394 = arith.index_cast %get3A_3393 : i32 to index
        %get3A_3395 = arith.constant 48 : index
        %get3A_3396 = tpu.vector_load %arg7[%get3A_3394, %get3A_3395] {strides = array<i32>} : memref<8x128xi32, #tpu.memory_space<vmem>>, vector<1x16xi32>,
        %get3A_3397 = vector.shape_cast %get3A_3396 : vector<1x16xi32> to vector<16xi32>
        %get3A_3398 = arith.constant 6 : i32
        %get3A_3399 = arith.index_cast %get3A_3398 : i32 to index
        %get3A_3400 = arith.constant 48 : index
        %get3A_3401 = tpu.vector_load %arg8[%get3A_3399, %get3A_3400] {strides = array<i32>} : memref<8x128xi32, #tpu.memory_space<vmem>>, vector<1x16xi32>,
        %get3A_3402 = vector.shape_cast %get3A_3401 : vector<1x16xi32> to vector<16xi32>
        %gt3A_3403 = arith.cmpi sgt, %get3A_3397, %get3A_3402 : vector<16xi32>
        %get3A_3404 = arith.constant 816 : index
        %get3A_3405 = tpu.vector_load %arg5[%get3A_3404] {strides = array<i32>} : memref<1024xi32, #tpu.memory_space<vmem>>, vector<16xi32>,
        %get3A_3406 = vector.shape_cast %get3A_3405 : vector<16xi32> to vector<16xi32>
        %select_n3A_3407 = arith.select %gt3A_3403, %get3A_3406, %broadcast_in_dim3A_1 : vector<16xi1>, vector<16xi32>
        %swap3A_3408 = arith.constant 6 : i32
        %swap3A_3409 = arith.index_cast %swap3A_3408 : i32 to index
        %swap3A_3410 = arith.constant 48 : index
        %swap3A_3411 = tpu.vector_load %arg6[%swap3A_3409, %swap3A_3410] {strides = array<i32>} : memref<8x128xi32, #tpu.memory_space<vmem>>, vector<1x16xi32>,
        %swap3A_3412 = vector.shape_cast %swap3A_3411 : vector<1x16xi32> to vector<16xi32>
        %swap3A_3413 = vector.shape_cast %select_n3A_3407 : vector<16xi32> to vector<1x16xi32>
        tpu.vector_store %arg6[%swap3A_3409, %swap3A_3410], %swap3A_3413 {strides = array<i32>} : memref<8x128xi32, #tpu.memory_space<vmem>>, vector<1x16xi32>,
        %jit3A_3414 = arith.constant 1 : i32
        %jit3A_3415 = arith.constant 0 : i32
        %broadcast_in_dim3A_3416 = vector.broadcast %jit3A_3414 : i32 to vector<16xi32>
        %broadcast_in_dim3A_3417 = vector.broadcast %jit3A_3415 : i32 to vector<16xi32>
        %select_n3A_3418 = arith.select %gt3A_3403, %broadcast_in_dim3A_3416, %broadcast_in_dim3A_3417 : vector<16xi1>, vector<16xi32>
        %or3A_3419 = arith.ori %or3A_3392, %select_n3A_3418 : vector<16xi32>
        %get3A_3420 = arith.constant 6 : i32
        %get3A_3421 = arith.index_cast %get3A_3420 : i32 to index
        %get3A_3422 = arith.constant 64 : index
        %get3A_3423 = tpu.vector_load %arg7[%get3A_3421, %get3A_3422] {strides = array<i32>} : memref<8x128xi32, #tpu.memory_space<vmem>>, vector<1x16xi32>,
        %get3A_3424 = vector.shape_cast %get3A_3423 : vector<1x16xi32> to vector<16xi32>
        %get3A_3425 = arith.constant 6 : i32
        %get3A_3426 = arith.index_cast %get3A_3425 : i32 to index
        %get3A_3427 = arith.constant 64 : index
        %get3A_3428 = tpu.vector_load %arg8[%get3A_3426, %get3A_3427] {strides = array<i32>} : memref<8x128xi32, #tpu.memory_space<vmem>>, vector<1x16xi32>,
        %get3A_3429 = vector.shape_cast %get3A_3428 : vector<1x16xi32> to vector<16xi32>
        %gt3A_3430 = arith.cmpi sgt, %get3A_3424, %get3A_3429 : vector<16xi32>
        %get3A_3431 = arith.constant 832 : index
        %get3A_3432 = tpu.vector_load %arg5[%get3A_3431] {strides = array<i32>} : memref<1024xi32, #tpu.memory_space<vmem>>, vector<16xi32>,
        %get3A_3433 = vector.shape_cast %get3A_3432 : vector<16xi32> to vector<16xi32>
        %select_n3A_3434 = arith.select %gt3A_3430, %get3A_3433, %broadcast_in_dim3A_1 : vector<16xi1>, vector<16xi32>
        %swap3A_3435 = arith.constant 6 : i32
        %swap3A_3436 = arith.index_cast %swap3A_3435 : i32 to index
        %swap3A_3437 = arith.constant 64 : index
        %swap3A_3438 = tpu.vector_load %arg6[%swap3A_3436, %swap3A_3437] {strides = array<i32>} : memref<8x128xi32, #tpu.memory_space<vmem>>, vector<1x16xi32>,
        %swap3A_3439 = vector.shape_cast %swap3A_3438 : vector<1x16xi32> to vector<16xi32>
        %swap3A_3440 = vector.shape_cast %select_n3A_3434 : vector<16xi32> to vector<1x16xi32>
        tpu.vector_store %arg6[%swap3A_3436, %swap3A_3437], %swap3A_3440 {strides = array<i32>} : memref<8x128xi32, #tpu.memory_space<vmem>>, vector<1x16xi32>,
        %jit3A_3441 = arith.constant 1 : i32
        %jit3A_3442 = arith.constant 0 : i32
        %broadcast_in_dim3A_3443 = vector.broadcast %jit3A_3441 : i32 to vector<16xi32>
        %broadcast_in_dim3A_3444 = vector.broadcast %jit3A_3442 : i32 to vector<16xi32>
        %select_n3A_3445 = arith.select %gt3A_3430, %broadcast_in_dim3A_3443, %broadcast_in_dim3A_3444 : vector<16xi1>, vector<16xi32>
        %or3A_3446 = arith.ori %or3A_3419, %select_n3A_3445 : vector<16xi32>
        %get3A_3447 = arith.constant 6 : i32
        %get3A_3448 = arith.index_cast %get3A_3447 : i32 to index
        %get3A_3449 = arith.constant 80 : index
        %get3A_3450 = tpu.vector_load %arg7[%get3A_3448, %get3A_3449] {strides = array<i32>} : memref<8x128xi32, #tpu.memory_space<vmem>>, vector<1x16xi32>,
        %get3A_3451 = vector.shape_cast %get3A_3450 : vector<1x16xi32> to vector<16xi32>
        %get3A_3452 = arith.constant 6 : i32
        %get3A_3453 = arith.index_cast %get3A_3452 : i32 to index
        %get3A_3454 = arith.constant 80 : index
        %get3A_3455 = tpu.vector_load %arg8[%get3A_3453, %get3A_3454] {strides = array<i32>} : memref<8x128xi32, #tpu.memory_space<vmem>>, vector<1x16xi32>,
        %get3A_3456 = vector.shape_cast %get3A_3455 : vector<1x16xi32> to vector<16xi32>
        %gt3A_3457 = arith.cmpi sgt, %get3A_3451, %get3A_3456 : vector<16xi32>
        %get3A_3458 = arith.constant 848 : index
        %get3A_3459 = tpu.vector_load %arg5[%get3A_3458] {strides = array<i32>} : memref<1024xi32, #tpu.memory_space<vmem>>, vector<16xi32>,
        %get3A_3460 = vector.shape_cast %get3A_3459 : vector<16xi32> to vector<16xi32>
        %select_n3A_3461 = arith.select %gt3A_3457, %get3A_3460, %broadcast_in_dim3A_1 : vector<16xi1>, vector<16xi32>
        %swap3A_3462 = arith.constant 6 : i32
        %swap3A_3463 = arith.index_cast %swap3A_3462 : i32 to index
        %swap3A_3464 = arith.constant 80 : index
        %swap3A_3465 = tpu.vector_load %arg6[%swap3A_3463, %swap3A_3464] {strides = array<i32>} : memref<8x128xi32, #tpu.memory_space<vmem>>, vector<1x16xi32>,
        %swap3A_3466 = vector.shape_cast %swap3A_3465 : vector<1x16xi32> to vector<16xi32>
        %swap3A_3467 = vector.shape_cast %select_n3A_3461 : vector<16xi32> to vector<1x16xi32>
        tpu.vector_store %arg6[%swap3A_3463, %swap3A_3464], %swap3A_3467 {strides = array<i32>} : memref<8x128xi32, #tpu.memory_space<vmem>>, vector<1x16xi32>,
        %jit3A_3468 = arith.constant 1 : i32
        %jit3A_3469 = arith.constant 0 : i32
        %broadcast_in_dim3A_3470 = vector.broadcast %jit3A_3468 : i32 to vector<16xi32>
        %broadcast_in_dim3A_3471 = vector.broadcast %jit3A_3469 : i32 to vector<16xi32>
        %select_n3A_3472 = arith.select %gt3A_3457, %broadcast_in_dim3A_3470, %broadcast_in_dim3A_3471 : vector<16xi1>, vector<16xi32>
        %or3A_3473 = arith.ori %or3A_3446, %select_n3A_3472 : vector<16xi32>
        %get3A_3474 = arith.constant 6 : i32
        %get3A_3475 = arith.index_cast %get3A_3474 : i32 to index
        %get3A_3476 = arith.constant 96 : index
        %get3A_3477 = tpu.vector_load %arg7[%get3A_3475, %get3A_3476] {strides = array<i32>} : memref<8x128xi32, #tpu.memory_space<vmem>>, vector<1x16xi32>,
        %get3A_3478 = vector.shape_cast %get3A_3477 : vector<1x16xi32> to vector<16xi32>
        %get3A_3479 = arith.constant 6 : i32
        %get3A_3480 = arith.index_cast %get3A_3479 : i32 to index
        %get3A_3481 = arith.constant 96 : index
        %get3A_3482 = tpu.vector_load %arg8[%get3A_3480, %get3A_3481] {strides = array<i32>} : memref<8x128xi32, #tpu.memory_space<vmem>>, vector<1x16xi32>,
        %get3A_3483 = vector.shape_cast %get3A_3482 : vector<1x16xi32> to vector<16xi32>
        %gt3A_3484 = arith.cmpi sgt, %get3A_3478, %get3A_3483 : vector<16xi32>
        %get3A_3485 = arith.constant 864 : index
        %get3A_3486 = tpu.vector_load %arg5[%get3A_3485] {strides = array<i32>} : memref<1024xi32, #tpu.memory_space<vmem>>, vector<16xi32>,
        %get3A_3487 = vector.shape_cast %get3A_3486 : vector<16xi32> to vector<16xi32>
        %select_n3A_3488 = arith.select %gt3A_3484, %get3A_3487, %broadcast_in_dim3A_1 : vector<16xi1>, vector<16xi32>
        %swap3A_3489 = arith.constant 6 : i32
        %swap3A_3490 = arith.index_cast %swap3A_3489 : i32 to index
        %swap3A_3491 = arith.constant 96 : index
        %swap3A_3492 = tpu.vector_load %arg6[%swap3A_3490, %swap3A_3491] {strides = array<i32>} : memref<8x128xi32, #tpu.memory_space<vmem>>, vector<1x16xi32>,
        %swap3A_3493 = vector.shape_cast %swap3A_3492 : vector<1x16xi32> to vector<16xi32>
        %swap3A_3494 = vector.shape_cast %select_n3A_3488 : vector<16xi32> to vector<1x16xi32>
        tpu.vector_store %arg6[%swap3A_3490, %swap3A_3491], %swap3A_3494 {strides = array<i32>} : memref<8x128xi32, #tpu.memory_space<vmem>>, vector<1x16xi32>,
        %jit3A_3495 = arith.constant 1 : i32
        %jit3A_3496 = arith.constant 0 : i32
        %broadcast_in_dim3A_3497 = vector.broadcast %jit3A_3495 : i32 to vector<16xi32>
        %broadcast_in_dim3A_3498 = vector.broadcast %jit3A_3496 : i32 to vector<16xi32>
        %select_n3A_3499 = arith.select %gt3A_3484, %broadcast_in_dim3A_3497, %broadcast_in_dim3A_3498 : vector<16xi1>, vector<16xi32>
        %or3A_3500 = arith.ori %or3A_3473, %select_n3A_3499 : vector<16xi32>
        %get3A_3501 = arith.constant 6 : i32
        %get3A_3502 = arith.index_cast %get3A_3501 : i32 to index
        %get3A_3503 = arith.constant 112 : index
        %get3A_3504 = tpu.vector_load %arg7[%get3A_3502, %get3A_3503] {strides = array<i32>} : memref<8x128xi32, #tpu.memory_space<vmem>>, vector<1x16xi32>,
        %get3A_3505 = vector.shape_cast %get3A_3504 : vector<1x16xi32> to vector<16xi32>
        %get3A_3506 = arith.constant 6 : i32
        %get3A_3507 = arith.index_cast %get3A_3506 : i32 to index
        %get3A_3508 = arith.constant 112 : index
        %get3A_3509 = tpu.vector_load %arg8[%get3A_3507, %get3A_3508] {strides = array<i32>} : memref<8x128xi32, #tpu.memory_space<vmem>>, vector<1x16xi32>,
        %get3A_3510 = vector.shape_cast %get3A_3509 : vector<1x16xi32> to vector<16xi32>
        %gt3A_3511 = arith.cmpi sgt, %get3A_3505, %get3A_3510 : vector<16xi32>
        %get3A_3512 = arith.constant 880 : index
        %get3A_3513 = tpu.vector_load %arg5[%get3A_3512] {strides = array<i32>} : memref<1024xi32, #tpu.memory_space<vmem>>, vector<16xi32>,
        %get3A_3514 = vector.shape_cast %get3A_3513 : vector<16xi32> to vector<16xi32>
        %select_n3A_3515 = arith.select %gt3A_3511, %get3A_3514, %broadcast_in_dim3A_1 : vector<16xi1>, vector<16xi32>
        %swap3A_3516 = arith.constant 6 : i32
        %swap3A_3517 = arith.index_cast %swap3A_3516 : i32 to index
        %swap3A_3518 = arith.constant 112 : index
        %swap3A_3519 = tpu.vector_load %arg6[%swap3A_3517, %swap3A_3518] {strides = array<i32>} : memref<8x128xi32, #tpu.memory_space<vmem>>, vector<1x16xi32>,
        %swap3A_3520 = vector.shape_cast %swap3A_3519 : vector<1x16xi32> to vector<16xi32>
        %swap3A_3521 = vector.shape_cast %select_n3A_3515 : vector<16xi32> to vector<1x16xi32>
        tpu.vector_store %arg6[%swap3A_3517, %swap3A_3518], %swap3A_3521 {strides = array<i32>} : memref<8x128xi32, #tpu.memory_space<vmem>>, vector<1x16xi32>,
        %jit3A_3522 = arith.constant 1 : i32
        %jit3A_3523 = arith.constant 0 : i32
        %broadcast_in_dim3A_3524 = vector.broadcast %jit3A_3522 : i32 to vector<16xi32>
        %broadcast_in_dim3A_3525 = vector.broadcast %jit3A_3523 : i32 to vector<16xi32>
        %select_n3A_3526 = arith.select %gt3A_3511, %broadcast_in_dim3A_3524, %broadcast_in_dim3A_3525 : vector<16xi1>, vector<16xi32>
        %or3A_3527 = arith.ori %or3A_3500, %select_n3A_3526 : vector<16xi32>
        %get3A_3528 = arith.constant 7 : i32
        %get3A_3529 = arith.index_cast %get3A_3528 : i32 to index
        %get3A_3530 = arith.constant 0 : index
        %get3A_3531 = tpu.vector_load %arg7[%get3A_3529, %get3A_3530] {strides = array<i32>} : memref<8x128xi32, #tpu.memory_space<vmem>>, vector<1x16xi32>,
        %get3A_3532 = vector.shape_cast %get3A_3531 : vector<1x16xi32> to vector<16xi32>
        %get3A_3533 = arith.constant 7 : i32
        %get3A_3534 = arith.index_cast %get3A_3533 : i32 to index
        %get3A_3535 = arith.constant 0 : index
        %get3A_3536 = tpu.vector_load %arg8[%get3A_3534, %get3A_3535] {strides = array<i32>} : memref<8x128xi32, #tpu.memory_space<vmem>>, vector<1x16xi32>,
        %get3A_3537 = vector.shape_cast %get3A_3536 : vector<1x16xi32> to vector<16xi32>
        %gt3A_3538 = arith.cmpi sgt, %get3A_3532, %get3A_3537 : vector<16xi32>
        %get3A_3539 = arith.constant 896 : index
        %get3A_3540 = tpu.vector_load %arg5[%get3A_3539] {strides = array<i32>} : memref<1024xi32, #tpu.memory_space<vmem>>, vector<16xi32>,
        %get3A_3541 = vector.shape_cast %get3A_3540 : vector<16xi32> to vector<16xi32>
        %select_n3A_3542 = arith.select %gt3A_3538, %get3A_3541, %broadcast_in_dim3A_1 : vector<16xi1>, vector<16xi32>
        %swap3A_3543 = arith.constant 7 : i32
        %swap3A_3544 = arith.index_cast %swap3A_3543 : i32 to index
        %swap3A_3545 = arith.constant 0 : index
        %swap3A_3546 = tpu.vector_load %arg6[%swap3A_3544, %swap3A_3545] {strides = array<i32>} : memref<8x128xi32, #tpu.memory_space<vmem>>, vector<1x16xi32>,
        %swap3A_3547 = vector.shape_cast %swap3A_3546 : vector<1x16xi32> to vector<16xi32>
        %swap3A_3548 = vector.shape_cast %select_n3A_3542 : vector<16xi32> to vector<1x16xi32>
        tpu.vector_store %arg6[%swap3A_3544, %swap3A_3545], %swap3A_3548 {strides = array<i32>} : memref<8x128xi32, #tpu.memory_space<vmem>>, vector<1x16xi32>,
        %jit3A_3549 = arith.constant 1 : i32
        %jit3A_3550 = arith.constant 0 : i32
        %broadcast_in_dim3A_3551 = vector.broadcast %jit3A_3549 : i32 to vector<16xi32>
        %broadcast_in_dim3A_3552 = vector.broadcast %jit3A_3550 : i32 to vector<16xi32>
        %select_n3A_3553 = arith.select %gt3A_3538, %broadcast_in_dim3A_3551, %broadcast_in_dim3A_3552 : vector<16xi1>, vector<16xi32>
        %or3A_3554 = arith.ori %or3A_3527, %select_n3A_3553 : vector<16xi32>
        %get3A_3555 = arith.constant 7 : i32
        %get3A_3556 = arith.index_cast %get3A_3555 : i32 to index
        %get3A_3557 = arith.constant 16 : index
        %get3A_3558 = tpu.vector_load %arg7[%get3A_3556, %get3A_3557] {strides = array<i32>} : memref<8x128xi32, #tpu.memory_space<vmem>>, vector<1x16xi32>,
        %get3A_3559 = vector.shape_cast %get3A_3558 : vector<1x16xi32> to vector<16xi32>
        %get3A_3560 = arith.constant 7 : i32
        %get3A_3561 = arith.index_cast %get3A_3560 : i32 to index
        %get3A_3562 = arith.constant 16 : index
        %get3A_3563 = tpu.vector_load %arg8[%get3A_3561, %get3A_3562] {strides = array<i32>} : memref<8x128xi32, #tpu.memory_space<vmem>>, vector<1x16xi32>,
        %get3A_3564 = vector.shape_cast %get3A_3563 : vector<1x16xi32> to vector<16xi32>
        %gt3A_3565 = arith.cmpi sgt, %get3A_3559, %get3A_3564 : vector<16xi32>
        %get3A_3566 = arith.constant 912 : index
        %get3A_3567 = tpu.vector_load %arg5[%get3A_3566] {strides = array<i32>} : memref<1024xi32, #tpu.memory_space<vmem>>, vector<16xi32>,
        %get3A_3568 = vector.shape_cast %get3A_3567 : vector<16xi32> to vector<16xi32>
        %select_n3A_3569 = arith.select %gt3A_3565, %get3A_3568, %broadcast_in_dim3A_1 : vector<16xi1>, vector<16xi32>
        %swap3A_3570 = arith.constant 7 : i32
        %swap3A_3571 = arith.index_cast %swap3A_3570 : i32 to index
        %swap3A_3572 = arith.constant 16 : index
        %swap3A_3573 = tpu.vector_load %arg6[%swap3A_3571, %swap3A_3572] {strides = array<i32>} : memref<8x128xi32, #tpu.memory_space<vmem>>, vector<1x16xi32>,
        %swap3A_3574 = vector.shape_cast %swap3A_3573 : vector<1x16xi32> to vector<16xi32>
        %swap3A_3575 = vector.shape_cast %select_n3A_3569 : vector<16xi32> to vector<1x16xi32>
        tpu.vector_store %arg6[%swap3A_3571, %swap3A_3572], %swap3A_3575 {strides = array<i32>} : memref<8x128xi32, #tpu.memory_space<vmem>>, vector<1x16xi32>,
        %jit3A_3576 = arith.constant 1 : i32
        %jit3A_3577 = arith.constant 0 : i32
        %broadcast_in_dim3A_3578 = vector.broadcast %jit3A_3576 : i32 to vector<16xi32>
        %broadcast_in_dim3A_3579 = vector.broadcast %jit3A_3577 : i32 to vector<16xi32>
        %select_n3A_3580 = arith.select %gt3A_3565, %broadcast_in_dim3A_3578, %broadcast_in_dim3A_3579 : vector<16xi1>, vector<16xi32>
        %or3A_3581 = arith.ori %or3A_3554, %select_n3A_3580 : vector<16xi32>
        %get3A_3582 = arith.constant 7 : i32
        %get3A_3583 = arith.index_cast %get3A_3582 : i32 to index
        %get3A_3584 = arith.constant 32 : index
        %get3A_3585 = tpu.vector_load %arg7[%get3A_3583, %get3A_3584] {strides = array<i32>} : memref<8x128xi32, #tpu.memory_space<vmem>>, vector<1x16xi32>,
        %get3A_3586 = vector.shape_cast %get3A_3585 : vector<1x16xi32> to vector<16xi32>
        %get3A_3587 = arith.constant 7 : i32
        %get3A_3588 = arith.index_cast %get3A_3587 : i32 to index
        %get3A_3589 = arith.constant 32 : index
        %get3A_3590 = tpu.vector_load %arg8[%get3A_3588, %get3A_3589] {strides = array<i32>} : memref<8x128xi32, #tpu.memory_space<vmem>>, vector<1x16xi32>,
        %get3A_3591 = vector.shape_cast %get3A_3590 : vector<1x16xi32> to vector<16xi32>
        %gt3A_3592 = arith.cmpi sgt, %get3A_3586, %get3A_3591 : vector<16xi32>
        %get3A_3593 = arith.constant 928 : index
        %get3A_3594 = tpu.vector_load %arg5[%get3A_3593] {strides = array<i32>} : memref<1024xi32, #tpu.memory_space<vmem>>, vector<16xi32>,
        %get3A_3595 = vector.shape_cast %get3A_3594 : vector<16xi32> to vector<16xi32>
        %select_n3A_3596 = arith.select %gt3A_3592, %get3A_3595, %broadcast_in_dim3A_1 : vector<16xi1>, vector<16xi32>
        %swap3A_3597 = arith.constant 7 : i32
        %swap3A_3598 = arith.index_cast %swap3A_3597 : i32 to index
        %swap3A_3599 = arith.constant 32 : index
        %swap3A_3600 = tpu.vector_load %arg6[%swap3A_3598, %swap3A_3599] {strides = array<i32>} : memref<8x128xi32, #tpu.memory_space<vmem>>, vector<1x16xi32>,
        %swap3A_3601 = vector.shape_cast %swap3A_3600 : vector<1x16xi32> to vector<16xi32>
        %swap3A_3602 = vector.shape_cast %select_n3A_3596 : vector<16xi32> to vector<1x16xi32>
        tpu.vector_store %arg6[%swap3A_3598, %swap3A_3599], %swap3A_3602 {strides = array<i32>} : memref<8x128xi32, #tpu.memory_space<vmem>>, vector<1x16xi32>,
        %jit3A_3603 = arith.constant 1 : i32
        %jit3A_3604 = arith.constant 0 : i32
        %broadcast_in_dim3A_3605 = vector.broadcast %jit3A_3603 : i32 to vector<16xi32>
        %broadcast_in_dim3A_3606 = vector.broadcast %jit3A_3604 : i32 to vector<16xi32>
        %select_n3A_3607 = arith.select %gt3A_3592, %broadcast_in_dim3A_3605, %broadcast_in_dim3A_3606 : vector<16xi1>, vector<16xi32>
        %or3A_3608 = arith.ori %or3A_3581, %select_n3A_3607 : vector<16xi32>
        %get3A_3609 = arith.constant 7 : i32
        %get3A_3610 = arith.index_cast %get3A_3609 : i32 to index
        %get3A_3611 = arith.constant 48 : index
        %get3A_3612 = tpu.vector_load %arg7[%get3A_3610, %get3A_3611] {strides = array<i32>} : memref<8x128xi32, #tpu.memory_space<vmem>>, vector<1x16xi32>,
        %get3A_3613 = vector.shape_cast %get3A_3612 : vector<1x16xi32> to vector<16xi32>
        %get3A_3614 = arith.constant 7 : i32
        %get3A_3615 = arith.index_cast %get3A_3614 : i32 to index
        %get3A_3616 = arith.constant 48 : index
        %get3A_3617 = tpu.vector_load %arg8[%get3A_3615, %get3A_3616] {strides = array<i32>} : memref<8x128xi32, #tpu.memory_space<vmem>>, vector<1x16xi32>,
        %get3A_3618 = vector.shape_cast %get3A_3617 : vector<1x16xi32> to vector<16xi32>
        %gt3A_3619 = arith.cmpi sgt, %get3A_3613, %get3A_3618 : vector<16xi32>
        %get3A_3620 = arith.constant 944 : index
        %get3A_3621 = tpu.vector_load %arg5[%get3A_3620] {strides = array<i32>} : memref<1024xi32, #tpu.memory_space<vmem>>, vector<16xi32>,
        %get3A_3622 = vector.shape_cast %get3A_3621 : vector<16xi32> to vector<16xi32>
        %select_n3A_3623 = arith.select %gt3A_3619, %get3A_3622, %broadcast_in_dim3A_1 : vector<16xi1>, vector<16xi32>
        %swap3A_3624 = arith.constant 7 : i32
        %swap3A_3625 = arith.index_cast %swap3A_3624 : i32 to index
        %swap3A_3626 = arith.constant 48 : index
        %swap3A_3627 = tpu.vector_load %arg6[%swap3A_3625, %swap3A_3626] {strides = array<i32>} : memref<8x128xi32, #tpu.memory_space<vmem>>, vector<1x16xi32>,
        %swap3A_3628 = vector.shape_cast %swap3A_3627 : vector<1x16xi32> to vector<16xi32>
        %swap3A_3629 = vector.shape_cast %select_n3A_3623 : vector<16xi32> to vector<1x16xi32>
        tpu.vector_store %arg6[%swap3A_3625, %swap3A_3626], %swap3A_3629 {strides = array<i32>} : memref<8x128xi32, #tpu.memory_space<vmem>>, vector<1x16xi32>,
        %jit3A_3630 = arith.constant 1 : i32
        %jit3A_3631 = arith.constant 0 : i32
        %broadcast_in_dim3A_3632 = vector.broadcast %jit3A_3630 : i32 to vector<16xi32>
        %broadcast_in_dim3A_3633 = vector.broadcast %jit3A_3631 : i32 to vector<16xi32>
        %select_n3A_3634 = arith.select %gt3A_3619, %broadcast_in_dim3A_3632, %broadcast_in_dim3A_3633 : vector<16xi1>, vector<16xi32>
        %or3A_3635 = arith.ori %or3A_3608, %select_n3A_3634 : vector<16xi32>
        %get3A_3636 = arith.constant 7 : i32
        %get3A_3637 = arith.index_cast %get3A_3636 : i32 to index
        %get3A_3638 = arith.constant 64 : index
        %get3A_3639 = tpu.vector_load %arg7[%get3A_3637, %get3A_3638] {strides = array<i32>} : memref<8x128xi32, #tpu.memory_space<vmem>>, vector<1x16xi32>,
        %get3A_3640 = vector.shape_cast %get3A_3639 : vector<1x16xi32> to vector<16xi32>
        %get3A_3641 = arith.constant 7 : i32
        %get3A_3642 = arith.index_cast %get3A_3641 : i32 to index
        %get3A_3643 = arith.constant 64 : index
        %get3A_3644 = tpu.vector_load %arg8[%get3A_3642, %get3A_3643] {strides = array<i32>} : memref<8x128xi32, #tpu.memory_space<vmem>>, vector<1x16xi32>,
        %get3A_3645 = vector.shape_cast %get3A_3644 : vector<1x16xi32> to vector<16xi32>
        %gt3A_3646 = arith.cmpi sgt, %get3A_3640, %get3A_3645 : vector<16xi32>
        %get3A_3647 = arith.constant 960 : index
        %get3A_3648 = tpu.vector_load %arg5[%get3A_3647] {strides = array<i32>} : memref<1024xi32, #tpu.memory_space<vmem>>, vector<16xi32>,
        %get3A_3649 = vector.shape_cast %get3A_3648 : vector<16xi32> to vector<16xi32>
        %select_n3A_3650 = arith.select %gt3A_3646, %get3A_3649, %broadcast_in_dim3A_1 : vector<16xi1>, vector<16xi32>
        %swap3A_3651 = arith.constant 7 : i32
        %swap3A_3652 = arith.index_cast %swap3A_3651 : i32 to index
        %swap3A_3653 = arith.constant 64 : index
        %swap3A_3654 = tpu.vector_load %arg6[%swap3A_3652, %swap3A_3653] {strides = array<i32>} : memref<8x128xi32, #tpu.memory_space<vmem>>, vector<1x16xi32>,
        %swap3A_3655 = vector.shape_cast %swap3A_3654 : vector<1x16xi32> to vector<16xi32>
        %swap3A_3656 = vector.shape_cast %select_n3A_3650 : vector<16xi32> to vector<1x16xi32>
        tpu.vector_store %arg6[%swap3A_3652, %swap3A_3653], %swap3A_3656 {strides = array<i32>} : memref<8x128xi32, #tpu.memory_space<vmem>>, vector<1x16xi32>,
        %jit3A_3657 = arith.constant 1 : i32
        %jit3A_3658 = arith.constant 0 : i32
        %broadcast_in_dim3A_3659 = vector.broadcast %jit3A_3657 : i32 to vector<16xi32>
        %broadcast_in_dim3A_3660 = vector.broadcast %jit3A_3658 : i32 to vector<16xi32>
        %select_n3A_3661 = arith.select %gt3A_3646, %broadcast_in_dim3A_3659, %broadcast_in_dim3A_3660 : vector<16xi1>, vector<16xi32>
        %or3A_3662 = arith.ori %or3A_3635, %select_n3A_3661 : vector<16xi32>
        %get3A_3663 = arith.constant 7 : i32
        %get3A_3664 = arith.index_cast %get3A_3663 : i32 to index
        %get3A_3665 = arith.constant 80 : index
        %get3A_3666 = tpu.vector_load %arg7[%get3A_3664, %get3A_3665] {strides = array<i32>} : memref<8x128xi32, #tpu.memory_space<vmem>>, vector<1x16xi32>,
        %get3A_3667 = vector.shape_cast %get3A_3666 : vector<1x16xi32> to vector<16xi32>
        %get3A_3668 = arith.constant 7 : i32
        %get3A_3669 = arith.index_cast %get3A_3668 : i32 to index
        %get3A_3670 = arith.constant 80 : index
        %get3A_3671 = tpu.vector_load %arg8[%get3A_3669, %get3A_3670] {strides = array<i32>} : memref<8x128xi32, #tpu.memory_space<vmem>>, vector<1x16xi32>,
        %get3A_3672 = vector.shape_cast %get3A_3671 : vector<1x16xi32> to vector<16xi32>
        %gt3A_3673 = arith.cmpi sgt, %get3A_3667, %get3A_3672 : vector<16xi32>
        %get3A_3674 = arith.constant 976 : index
        %get3A_3675 = tpu.vector_load %arg5[%get3A_3674] {strides = array<i32>} : memref<1024xi32, #tpu.memory_space<vmem>>, vector<16xi32>,
        %get3A_3676 = vector.shape_cast %get3A_3675 : vector<16xi32> to vector<16xi32>
        %select_n3A_3677 = arith.select %gt3A_3673, %get3A_3676, %broadcast_in_dim3A_1 : vector<16xi1>, vector<16xi32>
        %swap3A_3678 = arith.constant 7 : i32
        %swap3A_3679 = arith.index_cast %swap3A_3678 : i32 to index
        %swap3A_3680 = arith.constant 80 : index
        %swap3A_3681 = tpu.vector_load %arg6[%swap3A_3679, %swap3A_3680] {strides = array<i32>} : memref<8x128xi32, #tpu.memory_space<vmem>>, vector<1x16xi32>,
        %swap3A_3682 = vector.shape_cast %swap3A_3681 : vector<1x16xi32> to vector<16xi32>
        %swap3A_3683 = vector.shape_cast %select_n3A_3677 : vector<16xi32> to vector<1x16xi32>
        tpu.vector_store %arg6[%swap3A_3679, %swap3A_3680], %swap3A_3683 {strides = array<i32>} : memref<8x128xi32, #tpu.memory_space<vmem>>, vector<1x16xi32>,
        %jit3A_3684 = arith.constant 1 : i32
        %jit3A_3685 = arith.constant 0 : i32
        %broadcast_in_dim3A_3686 = vector.broadcast %jit3A_3684 : i32 to vector<16xi32>
        %broadcast_in_dim3A_3687 = vector.broadcast %jit3A_3685 : i32 to vector<16xi32>
        %select_n3A_3688 = arith.select %gt3A_3673, %broadcast_in_dim3A_3686, %broadcast_in_dim3A_3687 : vector<16xi1>, vector<16xi32>
        %or3A_3689 = arith.ori %or3A_3662, %select_n3A_3688 : vector<16xi32>
        %get3A_3690 = arith.constant 7 : i32
        %get3A_3691 = arith.index_cast %get3A_3690 : i32 to index
        %get3A_3692 = arith.constant 96 : index
        %get3A_3693 = tpu.vector_load %arg7[%get3A_3691, %get3A_3692] {strides = array<i32>} : memref<8x128xi32, #tpu.memory_space<vmem>>, vector<1x16xi32>,
        %get3A_3694 = vector.shape_cast %get3A_3693 : vector<1x16xi32> to vector<16xi32>
        %get3A_3695 = arith.constant 7 : i32
        %get3A_3696 = arith.index_cast %get3A_3695 : i32 to index
        %get3A_3697 = arith.constant 96 : index
        %get3A_3698 = tpu.vector_load %arg8[%get3A_3696, %get3A_3697] {strides = array<i32>} : memref<8x128xi32, #tpu.memory_space<vmem>>, vector<1x16xi32>,
        %get3A_3699 = vector.shape_cast %get3A_3698 : vector<1x16xi32> to vector<16xi32>
        %gt3A_3700 = arith.cmpi sgt, %get3A_3694, %get3A_3699 : vector<16xi32>
        %get3A_3701 = arith.constant 992 : index
        %get3A_3702 = tpu.vector_load %arg5[%get3A_3701] {strides = array<i32>} : memref<1024xi32, #tpu.memory_space<vmem>>, vector<16xi32>,
        %get3A_3703 = vector.shape_cast %get3A_3702 : vector<16xi32> to vector<16xi32>
        %select_n3A_3704 = arith.select %gt3A_3700, %get3A_3703, %broadcast_in_dim3A_1 : vector<16xi1>, vector<16xi32>
        %swap3A_3705 = arith.constant 7 : i32
        %swap3A_3706 = arith.index_cast %swap3A_3705 : i32 to index
        %swap3A_3707 = arith.constant 96 : index
        %swap3A_3708 = tpu.vector_load %arg6[%swap3A_3706, %swap3A_3707] {strides = array<i32>} : memref<8x128xi32, #tpu.memory_space<vmem>>, vector<1x16xi32>,
        %swap3A_3709 = vector.shape_cast %swap3A_3708 : vector<1x16xi32> to vector<16xi32>
        %swap3A_3710 = vector.shape_cast %select_n3A_3704 : vector<16xi32> to vector<1x16xi32>
        tpu.vector_store %arg6[%swap3A_3706, %swap3A_3707], %swap3A_3710 {strides = array<i32>} : memref<8x128xi32, #tpu.memory_space<vmem>>, vector<1x16xi32>,
        %jit3A_3711 = arith.constant 1 : i32
        %jit3A_3712 = arith.constant 0 : i32
        %broadcast_in_dim3A_3713 = vector.broadcast %jit3A_3711 : i32 to vector<16xi32>
        %broadcast_in_dim3A_3714 = vector.broadcast %jit3A_3712 : i32 to vector<16xi32>
        %select_n3A_3715 = arith.select %gt3A_3700, %broadcast_in_dim3A_3713, %broadcast_in_dim3A_3714 : vector<16xi1>, vector<16xi32>
        %or3A_3716 = arith.ori %or3A_3689, %select_n3A_3715 : vector<16xi32>
        %get3A_3717 = arith.constant 7 : i32
        %get3A_3718 = arith.index_cast %get3A_3717 : i32 to index
        %get3A_3719 = arith.constant 112 : index
        %get3A_3720 = tpu.vector_load %arg7[%get3A_3718, %get3A_3719] {strides = array<i32>} : memref<8x128xi32, #tpu.memory_space<vmem>>, vector<1x16xi32>,
        %get3A_3721 = vector.shape_cast %get3A_3720 : vector<1x16xi32> to vector<16xi32>
        %get3A_3722 = arith.constant 7 : i32
        %get3A_3723 = arith.index_cast %get3A_3722 : i32 to index
        %get3A_3724 = arith.constant 112 : index
        %get3A_3725 = tpu.vector_load %arg8[%get3A_3723, %get3A_3724] {strides = array<i32>} : memref<8x128xi32, #tpu.memory_space<vmem>>, vector<1x16xi32>,
        %get3A_3726 = vector.shape_cast %get3A_3725 : vector<1x16xi32> to vector<16xi32>
        %gt3A_3727 = arith.cmpi sgt, %get3A_3721, %get3A_3726 : vector<16xi32>
        %get3A_3728 = arith.constant 1008 : index
        %get3A_3729 = tpu.vector_load %arg5[%get3A_3728] {strides = array<i32>} : memref<1024xi32, #tpu.memory_space<vmem>>, vector<16xi32>,
        %get3A_3730 = vector.shape_cast %get3A_3729 : vector<16xi32> to vector<16xi32>
        %select_n3A_3731 = arith.select %gt3A_3727, %get3A_3730, %broadcast_in_dim3A_1 : vector<16xi1>, vector<16xi32>
        %swap3A_3732 = arith.constant 7 : i32
        %swap3A_3733 = arith.index_cast %swap3A_3732 : i32 to index
        %swap3A_3734 = arith.constant 112 : index
        %swap3A_3735 = tpu.vector_load %arg6[%swap3A_3733, %swap3A_3734] {strides = array<i32>} : memref<8x128xi32, #tpu.memory_space<vmem>>, vector<1x16xi32>,
        %swap3A_3736 = vector.shape_cast %swap3A_3735 : vector<1x16xi32> to vector<16xi32>
        %swap3A_3737 = vector.shape_cast %select_n3A_3731 : vector<16xi32> to vector<1x16xi32>
        tpu.vector_store %arg6[%swap3A_3733, %swap3A_3734], %swap3A_3737 {strides = array<i32>} : memref<8x128xi32, #tpu.memory_space<vmem>>, vector<1x16xi32>,
        %jit3A_3738 = arith.constant 1 : i32
        %jit3A_3739 = arith.constant 0 : i32
        %broadcast_in_dim3A_3740 = vector.broadcast %jit3A_3738 : i32 to vector<16xi32>
        %broadcast_in_dim3A_3741 = vector.broadcast %jit3A_3739 : i32 to vector<16xi32>
        %select_n3A_3742 = arith.select %gt3A_3727, %broadcast_in_dim3A_3740, %broadcast_in_dim3A_3741 : vector<16xi1>, vector<16xi32>
        %or3A_3743 = arith.ori %or3A_3716, %select_n3A_3742 : vector<16xi32>
        %add3A_3744 = vector.broadcast %add3A_1724 : i32 to vector<16xi32>
        %add3A_3745 = arith.addi %broadcast_in_dim3A_3, %add3A_3744 : vector<16xi32>
        %swap3A_3746 = arith.constant 0 : i32
        %swap3A_3747 = arith.index_cast %swap3A_3746 : i32 to index
        %swap3A_3748 = arith.constant 0 : index
        %swap3A_3749 = tpu.vector_load %arg9[%swap3A_3747, %swap3A_3748] {strides = array<i32>} : memref<5x128xi32, #tpu.memory_space<vmem>>, vector<1x16xi32>,
        %swap3A_3750 = vector.shape_cast %swap3A_3749 : vector<1x16xi32> to vector<16xi32>
        %swap3A_3751 = vector.shape_cast %add3A_3745 : vector<16xi32> to vector<1x16xi32>
        tpu.vector_store %arg9[%swap3A_3747, %swap3A_3748], %swap3A_3751 {strides = array<i32>} : memref<5x128xi32, #tpu.memory_space<vmem>>, vector<1x16xi32>,
        %swap3A_3752 = arith.constant 2 : i32
        %swap3A_3753 = arith.index_cast %swap3A_3752 : i32 to index
        %swap3A_3754 = arith.constant 0 : index
        %swap3A_3755 = tpu.vector_load %arg9[%swap3A_3753, %swap3A_3754] {strides = array<i32>} : memref<5x128xi32, #tpu.memory_space<vmem>>, vector<1x16xi32>,
        %swap3A_3756 = vector.shape_cast %swap3A_3755 : vector<1x16xi32> to vector<16xi32>
        %swap3A_3757 = vector.shape_cast %or3A_3743 : vector<16xi32> to vector<1x16xi32>
        tpu.vector_store %arg9[%swap3A_3753, %swap3A_3754], %swap3A_3757 {strides = array<i32>} : memref<5x128xi32, #tpu.memory_space<vmem>>, vector<1x16xi32>,
        %dma_start3A_3758 = arith.constant 2 : i32
        %dma_start3A_3759 = arith.constant 0 : i32
        %dma_start3A_3760 = arith.constant 0 : i32
        %dma_start3A_3761 = tpu.memref_slice %arg9[%dma_start3A_3758, %dma_start3A_3760] : memref<5x128xi32, #tpu.memory_space<vmem>> -> memref<1x128xi32, #tpu.memory_space<vmem>>
        %dma_start3A_3762 = tpu.memref_squeeze %dma_start3A_3761 : memref<1x128xi32, #tpu.memory_space<vmem>> -> memref<128xi32, #tpu.memory_space<vmem>>
        %dma_start3A_3763 = arith.constant 0 : i32
        %dma_start3A_3764 = tpu.memref_slice %arg9[%dma_start3A_3759, %dma_start3A_3763] : memref<5x128xi32, #tpu.memory_space<vmem>> -> memref<1x128xi32, #tpu.memory_space<vmem>>
        %dma_start3A_3765 = tpu.memref_squeeze %dma_start3A_3764 : memref<1x128xi32, #tpu.memory_space<vmem>> -> memref<128xi32, #tpu.memory_space<vmem>>
        %dma_start3A_3766 = arith.constant 0 : i32
        %dma_start3A_3767 = tpu.memref_slice %arg12[%dma_start3A_3766] : memref<1000040xi32, #tpu.memory_space<vmem_shared>> -> memref<1000040xi32, #tpu.memory_space<vmem_shared>>
        tpu.enqueue_indirect_dma source(%dma_start3A_3762 : memref<128xi32, #tpu.memory_space<vmem>>) target(%dma_start3A_3767 : memref<1000040xi32, #tpu.memory_space<vmem_shared>>) offsets(%dma_start3A_3765 : memref<128xi32, #tpu.memory_space<vmem>>) semaphore(%arg13 : memref<!tpu.dma_semaphore, #tpu.memory_space<semaphore_mem>>) {add = true}
        %dma_wait3A_3768 = arith.constant 2 : i32
        %dma_wait3A_3769 = arith.constant 0 : i32
        %dma_wait3A_3770 = arith.constant 0 : i32
        %dma_wait3A_3771 = tpu.memref_slice %arg9[%dma_wait3A_3768, %dma_wait3A_3770] : memref<5x128xi32, #tpu.memory_space<vmem>> -> memref<1x128xi32, #tpu.memory_space<vmem>>
        %dma_wait3A_3772 = tpu.memref_squeeze %dma_wait3A_3771 : memref<1x128xi32, #tpu.memory_space<vmem>> -> memref<128xi32, #tpu.memory_space<vmem>>
        %dma_wait3A_3773 = arith.constant 0 : i32
        %dma_wait3A_3774 = tpu.memref_slice %arg9[%dma_wait3A_3769, %dma_wait3A_3773] : memref<5x128xi32, #tpu.memory_space<vmem>> -> memref<1x128xi32, #tpu.memory_space<vmem>>
        %dma_wait3A_3775 = tpu.memref_squeeze %dma_wait3A_3774 : memref<1x128xi32, #tpu.memory_space<vmem>> -> memref<128xi32, #tpu.memory_space<vmem>>
        %dma_wait3A_3776 = arith.constant 0 : i32
        %dma_wait3A_3777 = tpu.memref_slice %arg12[%dma_wait3A_3776] : memref<1000040xi32, #tpu.memory_space<vmem_shared>> -> memref<1000040xi32, #tpu.memory_space<vmem_shared>>
        tpu.wait_indirect_dma semaphore(%arg13 : memref<!tpu.dma_semaphore, #tpu.memory_space<semaphore_mem>>) src(%dma_wait3A_3772 : memref<128xi32, #tpu.memory_space<vmem>>) dst(%dma_wait3A_3777 : memref<1000040xi32, #tpu.memory_space<vmem_shared>>)
        %barrier3A_3778 = arith.constant 0 : index
        tpu.barrier barrier_id(%barrier3A_3778)
        %dma_start3A_3779 = arith.constant 0 : i32
        %dma_start3A_3780 = arith.constant 4 : i32
        %dma_start3A_3781 = arith.constant 0 : i32
        %dma_start3A_3782 = tpu.memref_slice %arg9[%dma_start3A_3780, %dma_start3A_3781] : memref<5x128xi32, #tpu.memory_space<vmem>> -> memref<1x128xi32, #tpu.memory_space<vmem>>
        %dma_start3A_3783 = tpu.memref_squeeze %dma_start3A_3782 : memref<1x128xi32, #tpu.memory_space<vmem>> -> memref<128xi32, #tpu.memory_space<vmem>>
        %dma_start3A_3784 = arith.constant 0 : i32
        %dma_start3A_3785 = tpu.memref_slice %arg9[%dma_start3A_3779, %dma_start3A_3784] : memref<5x128xi32, #tpu.memory_space<vmem>> -> memref<1x128xi32, #tpu.memory_space<vmem>>
        %dma_start3A_3786 = tpu.memref_squeeze %dma_start3A_3785 : memref<1x128xi32, #tpu.memory_space<vmem>> -> memref<128xi32, #tpu.memory_space<vmem>>
        %dma_start3A_3787 = arith.constant 0 : i32
        %dma_start3A_3788 = tpu.memref_slice %arg12[%dma_start3A_3787] : memref<1000040xi32, #tpu.memory_space<vmem_shared>> -> memref<1000040xi32, #tpu.memory_space<vmem_shared>>
        tpu.enqueue_indirect_dma source(%dma_start3A_3788 : memref<1000040xi32, #tpu.memory_space<vmem_shared>>) target(%dma_start3A_3783 : memref<128xi32, #tpu.memory_space<vmem>>) offsets(%dma_start3A_3786 : memref<128xi32, #tpu.memory_space<vmem>>) semaphore(%arg13 : memref<!tpu.dma_semaphore, #tpu.memory_space<semaphore_mem>>)
        %dma_wait3A_3789 = arith.constant 0 : i32
        %dma_wait3A_3790 = arith.constant 4 : i32
        %dma_wait3A_3791 = arith.constant 0 : i32
        %dma_wait3A_3792 = tpu.memref_slice %arg9[%dma_wait3A_3790, %dma_wait3A_3791] : memref<5x128xi32, #tpu.memory_space<vmem>> -> memref<1x128xi32, #tpu.memory_space<vmem>>
        %dma_wait3A_3793 = tpu.memref_squeeze %dma_wait3A_3792 : memref<1x128xi32, #tpu.memory_space<vmem>> -> memref<128xi32, #tpu.memory_space<vmem>>
        %dma_wait3A_3794 = arith.constant 0 : i32
        %dma_wait3A_3795 = tpu.memref_slice %arg9[%dma_wait3A_3789, %dma_wait3A_3794] : memref<5x128xi32, #tpu.memory_space<vmem>> -> memref<1x128xi32, #tpu.memory_space<vmem>>
        %dma_wait3A_3796 = tpu.memref_squeeze %dma_wait3A_3795 : memref<1x128xi32, #tpu.memory_space<vmem>> -> memref<128xi32, #tpu.memory_space<vmem>>
        %dma_wait3A_3797 = arith.constant 0 : i32
        %dma_wait3A_3798 = tpu.memref_slice %arg12[%dma_wait3A_3797] : memref<1000040xi32, #tpu.memory_space<vmem_shared>> -> memref<1000040xi32, #tpu.memory_space<vmem_shared>>
        tpu.wait_indirect_dma semaphore(%arg13 : memref<!tpu.dma_semaphore, #tpu.memory_space<semaphore_mem>>) src(%dma_wait3A_3798 : memref<1000040xi32, #tpu.memory_space<vmem_shared>>) dst(%dma_wait3A_3793 : memref<128xi32, #tpu.memory_space<vmem>>)
      } else {
      }
      %get3A_1726 = arith.constant 4 : i32
      %get3A_1727 = arith.index_cast %get3A_1726 : i32 to index
      %get3A_1728 = arith.constant 0 : index
      %get3A_1729 = tpu.vector_load %arg9[%get3A_1727, %get3A_1728] {strides = array<i32>} : memref<5x128xi32, #tpu.memory_space<vmem>>, vector<1x16xi32>,
      %get3A_1730 = vector.shape_cast %get3A_1729 : vector<1x16xi32> to vector<16xi32>
      %slice3A = vector.extract_strided_slice %get3A_1730 {offsets = [0], sizes = [1], strides = [1]} : vector<16xi32> to vector<1xi32>
      %squeeze3A = vector.extract %slice3A[0] : i32 from vector<1xi32>
      %ne3A = arith.constant 0 : i32
      %ne3A_1731 = arith.cmpi ne, %squeeze3A, %ne3A : i32
      %and3A = arith.andi %scan3A_1722, %ne3A_1731 : i1
      scf.yield %and3A : i1
    }
    %scan3A_1621 = arith.constant 12 : i32
    %mul3A_1622 = arith.constant 4 : i32
    %mul3A_1623 = arith.muli %arg0, %mul3A_1622 : i32
    %mul3A_1624 = arith.constant 512 : i32
    %mul3A_1625 = arith.muli %arg0, %mul3A_1624 : i32
    %add3A_1626 = arith.addi %mul3A_0, %mul3A_1625 : i32
    %dma_start3A_1627 = arith.constant 0 : i32
    %dma_start3A_1628 = tpu.memref_slice %arg8[%mul3A_1623, %dma_start3A_1627] : memref<8x128xi32, #tpu.memory_space<vmem>> -> memref<1x128xi32, #tpu.memory_space<vmem>>
    %dma_start3A_1629 = tpu.memref_squeeze %dma_start3A_1628 : memref<1x128xi32, #tpu.memory_space<vmem>> -> memref<128xi32, #tpu.memory_space<vmem>>
    %dma_start3A_1630 = arith.constant 0 : i32
    %dma_start3A_1631 = arith.constant 0 : i32
    %dma_start3A_1632 = tpu.memref_slice %arg3[%dma_start3A_1630, %dma_start3A_1631] : memref<16384x128xf32, #tpu.memory_space<hbm>> -> memref<16384x128xf32, #tpu.memory_space<hbm>>
    tpu.enqueue_indirect_dma source(%dma_start3A_1632 : memref<16384x128xf32, #tpu.memory_space<hbm>>) target(%arg10 : memref<128x128xf32, #tpu.memory_space<vmem>>) offsets(%dma_start3A_1629 : memref<128xi32, #tpu.memory_space<vmem>>) semaphore(%arg14 : memref<!tpu.dma_semaphore, #tpu.memory_space<semaphore_mem>>)
    %add3A_1633 = arith.constant 1 : i32
    %add3A_1634 = arith.addi %mul3A_1623, %add3A_1633 : i32
    %dma_start3A_1635 = arith.constant 0 : i32
    %dma_start3A_1636 = tpu.memref_slice %arg8[%add3A_1634, %dma_start3A_1635] : memref<8x128xi32, #tpu.memory_space<vmem>> -> memref<1x128xi32, #tpu.memory_space<vmem>>
    %dma_start3A_1637 = tpu.memref_squeeze %dma_start3A_1636 : memref<1x128xi32, #tpu.memory_space<vmem>> -> memref<128xi32, #tpu.memory_space<vmem>>
    %dma_start3A_1638 = arith.constant 0 : i32
    %dma_start3A_1639 = arith.constant 0 : i32
    %dma_start3A_1640 = tpu.memref_slice %arg3[%dma_start3A_1638, %dma_start3A_1639] : memref<16384x128xf32, #tpu.memory_space<hbm>> -> memref<16384x128xf32, #tpu.memory_space<hbm>>
    tpu.enqueue_indirect_dma source(%dma_start3A_1640 : memref<16384x128xf32, #tpu.memory_space<hbm>>) target(%arg11 : memref<128x128xf32, #tpu.memory_space<vmem>>) offsets(%dma_start3A_1637 : memref<128xi32, #tpu.memory_space<vmem>>) semaphore(%arg15 : memref<!tpu.dma_semaphore, #tpu.memory_space<semaphore_mem>>)
    %dma_wait3A_1641 = arith.constant 0 : i32
    %dma_wait3A_1642 = tpu.memref_slice %arg8[%mul3A_1623, %dma_wait3A_1641] : memref<8x128xi32, #tpu.memory_space<vmem>> -> memref<1x128xi32, #tpu.memory_space<vmem>>
    %dma_wait3A_1643 = tpu.memref_squeeze %dma_wait3A_1642 : memref<1x128xi32, #tpu.memory_space<vmem>> -> memref<128xi32, #tpu.memory_space<vmem>>
    %dma_wait3A_1644 = arith.constant 0 : i32
    %dma_wait3A_1645 = arith.constant 0 : i32
    %dma_wait3A_1646 = tpu.memref_slice %arg3[%dma_wait3A_1644, %dma_wait3A_1645] : memref<16384x128xf32, #tpu.memory_space<hbm>> -> memref<16384x128xf32, #tpu.memory_space<hbm>>
    tpu.wait_indirect_dma semaphore(%arg14 : memref<!tpu.dma_semaphore, #tpu.memory_space<semaphore_mem>>) src(%dma_wait3A_1646 : memref<16384x128xf32, #tpu.memory_space<hbm>>) dst(%arg10 : memref<128x128xf32, #tpu.memory_space<vmem>>)
    %add3A_1647 = arith.constant 0 : i32
    %add3A_1648 = arith.addi %add3A_1626, %add3A_1647 : i32
    %dma_start3A_1649 = arith.constant 0 : i32
    %dma_start3A_1650 = tpu.memref_slice %arg4[%add3A_1648, %dma_start3A_1649] : memref<16384x128xf32, #tpu.memory_space<hbm>> -> memref<128x128xf32, #tpu.memory_space<hbm>>
    %dma_start3A_1651 = arith.constant 0 : i32
    %dma_start3A_1652 = tpu.memref_slice %arg4[%add3A_1648, %dma_start3A_1651] : memref<16384x128xf32, #tpu.memory_space<hbm>> -> memref<128x128xf32, #tpu.memory_space<hbm>>
    tpu.enqueue_dma source(%arg10 : memref<128x128xf32, #tpu.memory_space<vmem>>) target(%dma_start3A_1652 : memref<128x128xf32, #tpu.memory_space<hbm>>) target_semaphore(%arg16 : memref<!tpu.dma_semaphore, #tpu.memory_space<semaphore_mem>>)
    %dma_wait3A_1653 = arith.constant 0 : i32
    %dma_wait3A_1654 = tpu.memref_slice %arg8[%add3A_1634, %dma_wait3A_1653] : memref<8x128xi32, #tpu.memory_space<vmem>> -> memref<1x128xi32, #tpu.memory_space<vmem>>
    %dma_wait3A_1655 = tpu.memref_squeeze %dma_wait3A_1654 : memref<1x128xi32, #tpu.memory_space<vmem>> -> memref<128xi32, #tpu.memory_space<vmem>>
    %dma_wait3A_1656 = arith.constant 0 : i32
    %dma_wait3A_1657 = arith.constant 0 : i32
    %dma_wait3A_1658 = tpu.memref_slice %arg3[%dma_wait3A_1656, %dma_wait3A_1657] : memref<16384x128xf32, #tpu.memory_space<hbm>> -> memref<16384x128xf32, #tpu.memory_space<hbm>>
    tpu.wait_indirect_dma semaphore(%arg15 : memref<!tpu.dma_semaphore, #tpu.memory_space<semaphore_mem>>) src(%dma_wait3A_1658 : memref<16384x128xf32, #tpu.memory_space<hbm>>) dst(%arg11 : memref<128x128xf32, #tpu.memory_space<vmem>>)
    %add3A_1659 = arith.constant 128 : i32
    %add3A_1660 = arith.addi %add3A_1626, %add3A_1659 : i32
    %dma_start3A_1661 = arith.constant 0 : i32
    %dma_start3A_1662 = tpu.memref_slice %arg4[%add3A_1660, %dma_start3A_1661] : memref<16384x128xf32, #tpu.memory_space<hbm>> -> memref<128x128xf32, #tpu.memory_space<hbm>>
    %dma_start3A_1663 = arith.constant 0 : i32
    %dma_start3A_1664 = tpu.memref_slice %arg4[%add3A_1660, %dma_start3A_1663] : memref<16384x128xf32, #tpu.memory_space<hbm>> -> memref<128x128xf32, #tpu.memory_space<hbm>>
    tpu.enqueue_dma source(%arg11 : memref<128x128xf32, #tpu.memory_space<vmem>>) target(%dma_start3A_1664 : memref<128x128xf32, #tpu.memory_space<hbm>>) target_semaphore(%arg17 : memref<!tpu.dma_semaphore, #tpu.memory_space<semaphore_mem>>)
    %dma_wait3A_1665 = arith.constant 0 : i32
    %dma_wait3A_1666 = tpu.memref_slice %arg4[%add3A_1648, %dma_wait3A_1665] : memref<16384x128xf32, #tpu.memory_space<hbm>> -> memref<128x128xf32, #tpu.memory_space<hbm>>
    %dma_wait3A_1667 = arith.constant 0 : i32
    %dma_wait3A_1668 = tpu.memref_slice %arg4[%add3A_1648, %dma_wait3A_1667] : memref<16384x128xf32, #tpu.memory_space<hbm>> -> memref<128x128xf32, #tpu.memory_space<hbm>>
    tpu.wait_dma2 semaphore(%arg16 : memref<!tpu.dma_semaphore, #tpu.memory_space<semaphore_mem>>) src(%arg10 : memref<128x128xf32, #tpu.memory_space<vmem>>) dst(%dma_wait3A_1668 : memref<128x128xf32, #tpu.memory_space<hbm>>)
    %add3A_1669 = arith.constant 2 : i32
    %add3A_1670 = arith.addi %mul3A_1623, %add3A_1669 : i32
    %dma_start3A_1671 = arith.constant 0 : i32
    %dma_start3A_1672 = tpu.memref_slice %arg8[%add3A_1670, %dma_start3A_1671] : memref<8x128xi32, #tpu.memory_space<vmem>> -> memref<1x128xi32, #tpu.memory_space<vmem>>
    %dma_start3A_1673 = tpu.memref_squeeze %dma_start3A_1672 : memref<1x128xi32, #tpu.memory_space<vmem>> -> memref<128xi32, #tpu.memory_space<vmem>>
    %dma_start3A_1674 = arith.constant 0 : i32
    %dma_start3A_1675 = arith.constant 0 : i32
    %dma_start3A_1676 = tpu.memref_slice %arg3[%dma_start3A_1674, %dma_start3A_1675] : memref<16384x128xf32, #tpu.memory_space<hbm>> -> memref<16384x128xf32, #tpu.memory_space<hbm>>
    tpu.enqueue_indirect_dma source(%dma_start3A_1676 : memref<16384x128xf32, #tpu.memory_space<hbm>>) target(%arg10 : memref<128x128xf32, #tpu.memory_space<vmem>>) offsets(%dma_start3A_1673 : memref<128xi32, #tpu.memory_space<vmem>>) semaphore(%arg14 : memref<!tpu.dma_semaphore, #tpu.memory_space<semaphore_mem>>)
    %dma_wait3A_1677 = arith.constant 0 : i32
    %dma_wait3A_1678 = tpu.memref_slice %arg8[%add3A_1670, %dma_wait3A_1677] : memref<8x128xi32, #tpu.memory_space<vmem>> -> memref<1x128xi32, #tpu.memory_space<vmem>>
    %dma_wait3A_1679 = tpu.memref_squeeze %dma_wait3A_1678 : memref<1x128xi32, #tpu.memory_space<vmem>> -> memref<128xi32, #tpu.memory_space<vmem>>
    %dma_wait3A_1680 = arith.constant 0 : i32
    %dma_wait3A_1681 = arith.constant 0 : i32
    %dma_wait3A_1682 = tpu.memref_slice %arg3[%dma_wait3A_1680, %dma_wait3A_1681] : memref<16384x128xf32, #tpu.memory_space<hbm>> -> memref<16384x128xf32, #tpu.memory_space<hbm>>
    tpu.wait_indirect_dma semaphore(%arg14 : memref<!tpu.dma_semaphore, #tpu.memory_space<semaphore_mem>>) src(%dma_wait3A_1682 : memref<16384x128xf32, #tpu.memory_space<hbm>>) dst(%arg10 : memref<128x128xf32, #tpu.memory_space<vmem>>)
    %add3A_1683 = arith.constant 256 : i32
    %add3A_1684 = arith.addi %add3A_1626, %add3A_1683 : i32
    %dma_start3A_1685 = arith.constant 0 : i32
    %dma_start3A_1686 = tpu.memref_slice %arg4[%add3A_1684, %dma_start3A_1685] : memref<16384x128xf32, #tpu.memory_space<hbm>> -> memref<128x128xf32, #tpu.memory_space<hbm>>
    %dma_start3A_1687 = arith.constant 0 : i32
    %dma_start3A_1688 = tpu.memref_slice %arg4[%add3A_1684, %dma_start3A_1687] : memref<16384x128xf32, #tpu.memory_space<hbm>> -> memref<128x128xf32, #tpu.memory_space<hbm>>
    tpu.enqueue_dma source(%arg10 : memref<128x128xf32, #tpu.memory_space<vmem>>) target(%dma_start3A_1688 : memref<128x128xf32, #tpu.memory_space<hbm>>) target_semaphore(%arg16 : memref<!tpu.dma_semaphore, #tpu.memory_space<semaphore_mem>>)
    %dma_wait3A_1689 = arith.constant 0 : i32
    %dma_wait3A_1690 = tpu.memref_slice %arg4[%add3A_1660, %dma_wait3A_1689] : memref<16384x128xf32, #tpu.memory_space<hbm>> -> memref<128x128xf32, #tpu.memory_space<hbm>>
    %dma_wait3A_1691 = arith.constant 0 : i32
    %dma_wait3A_1692 = tpu.memref_slice %arg4[%add3A_1660, %dma_wait3A_1691] : memref<16384x128xf32, #tpu.memory_space<hbm>> -> memref<128x128xf32, #tpu.memory_space<hbm>>
    tpu.wait_dma2 semaphore(%arg17 : memref<!tpu.dma_semaphore, #tpu.memory_space<semaphore_mem>>) src(%arg11 : memref<128x128xf32, #tpu.memory_space<vmem>>) dst(%dma_wait3A_1692 : memref<128x128xf32, #tpu.memory_space<hbm>>)
    %add3A_1693 = arith.constant 3 : i32
    %add3A_1694 = arith.addi %mul3A_1623, %add3A_1693 : i32
    %dma_start3A_1695 = arith.constant 0 : i32
    %dma_start3A_1696 = tpu.memref_slice %arg8[%add3A_1694, %dma_start3A_1695] : memref<8x128xi32, #tpu.memory_space<vmem>> -> memref<1x128xi32, #tpu.memory_space<vmem>>
    %dma_start3A_1697 = tpu.memref_squeeze %dma_start3A_1696 : memref<1x128xi32, #tpu.memory_space<vmem>> -> memref<128xi32, #tpu.memory_space<vmem>>
    %dma_start3A_1698 = arith.constant 0 : i32
    %dma_start3A_1699 = arith.constant 0 : i32
    %dma_start3A_1700 = tpu.memref_slice %arg3[%dma_start3A_1698, %dma_start3A_1699] : memref<16384x128xf32, #tpu.memory_space<hbm>> -> memref<16384x128xf32, #tpu.memory_space<hbm>>
    tpu.enqueue_indirect_dma source(%dma_start3A_1700 : memref<16384x128xf32, #tpu.memory_space<hbm>>) target(%arg11 : memref<128x128xf32, #tpu.memory_space<vmem>>) offsets(%dma_start3A_1697 : memref<128xi32, #tpu.memory_space<vmem>>) semaphore(%arg15 : memref<!tpu.dma_semaphore, #tpu.memory_space<semaphore_mem>>)
    %dma_wait3A_1701 = arith.constant 0 : i32
    %dma_wait3A_1702 = tpu.memref_slice %arg8[%add3A_1694, %dma_wait3A_1701] : memref<8x128xi32, #tpu.memory_space<vmem>> -> memref<1x128xi32, #tpu.memory_space<vmem>>
    %dma_wait3A_1703 = tpu.memref_squeeze %dma_wait3A_1702 : memref<1x128xi32, #tpu.memory_space<vmem>> -> memref<128xi32, #tpu.memory_space<vmem>>
    %dma_wait3A_1704 = arith.constant 0 : i32
    %dma_wait3A_1705 = arith.constant 0 : i32
    %dma_wait3A_1706 = tpu.memref_slice %arg3[%dma_wait3A_1704, %dma_wait3A_1705] : memref<16384x128xf32, #tpu.memory_space<hbm>> -> memref<16384x128xf32, #tpu.memory_space<hbm>>
    tpu.wait_indirect_dma semaphore(%arg15 : memref<!tpu.dma_semaphore, #tpu.memory_space<semaphore_mem>>) src(%dma_wait3A_1706 : memref<16384x128xf32, #tpu.memory_space<hbm>>) dst(%arg11 : memref<128x128xf32, #tpu.memory_space<vmem>>)
    %add3A_1707 = arith.constant 384 : i32
    %add3A_1708 = arith.addi %add3A_1626, %add3A_1707 : i32
    %dma_start3A_1709 = arith.constant 0 : i32
    %dma_start3A_1710 = tpu.memref_slice %arg4[%add3A_1708, %dma_start3A_1709] : memref<16384x128xf32, #tpu.memory_space<hbm>> -> memref<128x128xf32, #tpu.memory_space<hbm>>
    %dma_start3A_1711 = arith.constant 0 : i32
    %dma_start3A_1712 = tpu.memref_slice %arg4[%add3A_1708, %dma_start3A_1711] : memref<16384x128xf32, #tpu.memory_space<hbm>> -> memref<128x128xf32, #tpu.memory_space<hbm>>
    tpu.enqueue_dma source(%arg11 : memref<128x128xf32, #tpu.memory_space<vmem>>) target(%dma_start3A_1712 : memref<128x128xf32, #tpu.memory_space<hbm>>) target_semaphore(%arg17 : memref<!tpu.dma_semaphore, #tpu.memory_space<semaphore_mem>>)
    %dma_wait3A_1713 = arith.constant 0 : i32
    %dma_wait3A_1714 = tpu.memref_slice %arg4[%add3A_1684, %dma_wait3A_1713] : memref<16384x128xf32, #tpu.memory_space<hbm>> -> memref<128x128xf32, #tpu.memory_space<hbm>>
    %dma_wait3A_1715 = arith.constant 0 : i32
    %dma_wait3A_1716 = tpu.memref_slice %arg4[%add3A_1684, %dma_wait3A_1715] : memref<16384x128xf32, #tpu.memory_space<hbm>> -> memref<128x128xf32, #tpu.memory_space<hbm>>
    tpu.wait_dma2 semaphore(%arg16 : memref<!tpu.dma_semaphore, #tpu.memory_space<semaphore_mem>>) src(%arg10 : memref<128x128xf32, #tpu.memory_space<vmem>>) dst(%dma_wait3A_1716 : memref<128x128xf32, #tpu.memory_space<hbm>>)
    %dma_wait3A_1717 = arith.constant 0 : i32
    %dma_wait3A_1718 = tpu.memref_slice %arg4[%add3A_1708, %dma_wait3A_1717] : memref<16384x128xf32, #tpu.memory_space<hbm>> -> memref<128x128xf32, #tpu.memory_space<hbm>>
    %dma_wait3A_1719 = arith.constant 0 : i32
    %dma_wait3A_1720 = tpu.memref_slice %arg4[%add3A_1708, %dma_wait3A_1719] : memref<16384x128xf32, #tpu.memory_space<hbm>> -> memref<128x128xf32, #tpu.memory_space<hbm>>
    tpu.wait_dma2 semaphore(%arg17 : memref<!tpu.dma_semaphore, #tpu.memory_space<semaphore_mem>>) src(%arg11 : memref<128x128xf32, #tpu.memory_space<vmem>>) dst(%dma_wait3A_1720 : memref<128x128xf32, #tpu.memory_space<hbm>>)
    return
  }
}

</mosaic_0001>

<sc_bundles>
// kernel: kernel.3.cloned.1.call-start
scs
__scs_entry_jumppad:
0x0: {  	(pc) =	sbr.rel $0x88, $3  }
0x1: {  	(tag) =	ssettag $0x0;
	lr =	simm.s32 $0x1  }
0x2: {  	[smem:$0x3F9F] =	sst lr;
	_ =	strace $0xD0000000  }
0x3: {  	_ = 	snop  }
0x4: {  	_ = 	snop  }
0x5: {  	_ = 	snop  }
0x6: {  	_ = 	snop  }
0x7: {  	_ = 	snop  }
__scs_overlays_trampoline_lowered:
0x8: {  	[smem:$0x3FAE] =	sst s0  }
0x9: {  	[smem:$0x3FAF] =	sst s1  }
0xa: {  	[smem:$0x3FB0] =	sst s2  }
0xb: {  	[smem:$0x3FB1] =	sst s3  }
0xc: {  	[smem:$0x3FB2] =	sst s4  }
0xd: {  	[smem:$0x3FB3] =	sst s5  }
0xe: {  	[smem:$0x3FB4] =	sst s6  }
0xf: {  	[smem:$0x3FB5] =	sst s7  }
0x10: {  	[smem:$0x3FB6] =	sst s8  }
0x11: {  	[smem:$0x3FB7] =	sst s9;
	s0 =	simm.s32 @!p0 $0x0  }
0x12: {  	s1 =	sld [smem:$0x3F9D];
	s0 =	simm.s32 @p0 $0x1  }
0x13: {  	[smem:$0x3FB8] =	sst s0;
	s0 =	simm.s32 @!p1 $0x0  }
0x14: {  	s2 =	sld [smem:$0x3F9C];
	s0 =	simm.s32 @p1 $0x1  }
0x15: {  	[smem:$0x3FB9] =	sst s0;
	s0 =	simm.s32 @!p2 $0x0  }
0x16: {  	s3 =	sld [smem:$0x3FDB];
	s0 =	simm.s32 @p2 $0x1  }
0x17: {  	s4 =	simm.s32 $0x1BF5;
	[smem:$0x3FBB] =	sst s0  }
0x18: {  	s0 =	sld [smem:$0x3F9E];
	_ =	swait.ge [sflag:s4], $0x0  }
0x19: {  	s7 =	sld [smem:$0x3F9F]  }
0x1a: {  	s8 =	sadd.s32 $0xFFFFE003, lr  }
0x1b: {  	s9 =	sadd.s32 $0xFFFFFEF7, lr;
	s5 =	simm.s32 $0xFFFFFFFF;
	p2 =	slt.u32 s8, $0xFFFFF086  }
0x1c: {  	p1 =	slt.u32 s9, $0xF7A;
	s5 =	simm.s32 @!p2 $0x0  }
0x1d: {  	s5 =	simm.s32 @p1 $0x1;
	p0 =	seq.s32 s7, s2  }
0x1e: {  	s7 =	smul.u32 @!p0 $0xF7A, s2;
	p2 =	seq.s32 @!p0 s5, $0x0  }
0x1f: {  	s9 =	smul.u32 $0xF7A, s1;
	s8 =	simm.s32 @!p0 $0x1BF5;
	p2 =	por !p2, p0  }
0x20: {  	[sflag:s8] =	ssyncset.s32 @!p0 $0xFFFFF086;
	s6 =	sadd.s32 @!p0 s3, s7;
	s7 =	simm.s32 @!p0 $0x108  }
0x21: {  	s3 =	sadd.s32 s3, s9;
	s6 =	sadd.s32 @!p0 $0x88, s6;
	s7 =	simm.s32 @p2 $0x1082  }
0x22: {  	[simem:s7], [sflag:s8] =	dma.local @!p0 [hbm:s6], $0xF7A  }
0x23: {  	s9 =	sor.u32 $0xD0000000, s2;
	s6 =	simm.s32 $0x108;
	_ =	swait.ge @!p0 [sflag:s8], $0x0  }
0x24: {  	s3 =	sadd.s32 $0x88, s3;
	s6 =	simm.s32 @!p1 $0x1082;
	[sflag:s4] =	ssyncset.s32 $0xFFFFF086  }
0x25: {  	[simem:s6], [sflag:s4] =	dma.local [hbm:s3], $0xF7A  }
0x26: {  	[smem:$0x3F9F] =	sst s1;
	(tag) =	ssettag s2;
	_ =	strace s9  }
0x27: {  	s1 =	sld [smem:$0x3FAF]  }
0x28: {  	s2 =	sld [smem:$0x3FB0]  }
0x29: {  	s4 =	sld [smem:$0x3FB2]  }
0x2a: {  	p0 =	seq.s32 s5, $0x0;
	s5 =	sld [smem:$0x3FB3]  }
0x2b: {  	s6 =	sld [smem:$0x3FB4]  }
0x2c: {  	s7 =	sld [smem:$0x3FB5]  }
0x2d: {  	s3 =	simm.s32 $0x108;
	s8 =	sld [smem:$0x3FB6]  }
0x2e: {  	s3 =	simm.s32 @!p0 $0x1082;
	s9 =	sld [smem:$0x3FB7]  }
0x2f: {  	lr =	sadd.s32 s0, s3;
	s0 =	sld [smem:$0x3FAE]  }
0x30: {  	s3 =	sld [smem:$0x3FB1]  }
0x31: {  	[smem:$0x3FBA] =	sst s10  }
0x32: {  	s10 =	sld [smem:$0x3FB8];
	_ =	sdelay $0x3  }
0x33: {  	p0 =	seq.s32 s10, $0x1;
	s10 =	sld [smem:$0x3FBA];
	_ =	sdelay $0x3  }
0x34: {  	[smem:$0x3FBA] =	sst s10  }
0x35: {  	s10 =	sld [smem:$0x3FB9];
	_ =	sdelay $0x3  }
0x36: {  	p1 =	seq.s32 s10, $0x1;
	s10 =	sld [smem:$0x3FBA];
	_ =	sdelay $0x3  }
0x37: {  	[smem:$0x3FBA] =	sst s10  }
0x38: {  	s10 =	sld [smem:$0x3FBB]  }
0x39: {  	_ = 	snop;
	(pc) =	sbr.ind lr, $3  }
0x3a: {  	_ = 	snop  }
0x3b: {  	_ = 	snop  }
0x3c: {  	p2 =	seq.s32 s10, $0x1;
	s10 =	sld [smem:$0x3FBA]  }
0x3d: {  	_ =	shalt  }
0x3e: {  	_ =	shalt  }
0x3f: {  	_ =	shalt  }
0x40: {  	_ =	shalt  }
0x41: {  	_ =	shalt  }
0x42: {  	_ =	shalt  }
0x43: {  	_ =	shalt  }
0x44: {  	_ =	shalt  }
0x45: {  	_ =	shalt  }
0x46: {  	_ =	shalt  }
0x47: {  	_ =	shalt  }
0x48: {  	_ =	shalt  }
0x49: {  	_ =	shalt  }
0x4a: {  	_ =	shalt  }
0x4b: {  	_ =	shalt  }
0x4c: {  	_ =	shalt  }
0x4d: {  	_ =	shalt  }
0x4e: {  	_ =	shalt  }
0x4f: {  	_ =	shalt  }
0x50: {  	_ =	shalt  }
0x51: {  	_ =	shalt  }
0x52: {  	_ =	shalt  }
0x53: {  	_ =	shalt  }
0x54: {  	_ =	shalt  }
0x55: {  	_ =	shalt  }
0x56: {  	_ =	shalt  }
0x57: {  	_ =	shalt  }
0x58: {  	_ =	shalt  }
0x59: {  	_ =	shalt  }
0x5a: {  	_ =	shalt  }
0x5b: {  	_ =	shalt  }
0x5c: {  	_ =	shalt  }
0x5d: {  	_ =	shalt  }
0x5e: {  	_ =	shalt  }
0x5f: {  	_ =	shalt  }
0x60: {  	_ =	shalt  }
0x61: {  	_ =	shalt  }
0x62: {  	_ =	shalt  }
0x63: {  	_ =	shalt  }
0x64: {  	_ =	shalt  }
0x65: {  	_ =	shalt  }
0x66: {  	_ =	shalt  }
0x67: {  	_ =	shalt  }
0x68: {  	_ =	shalt  }
0x69: {  	_ =	shalt  }
0x6a: {  	_ =	shalt  }
0x6b: {  	_ =	shalt  }
0x6c: {  	_ =	shalt  }
0x6d: {  	_ =	shalt  }
0x6e: {  	_ =	shalt  }
0x6f: {  	_ =	shalt  }
0x70: {  	_ =	shalt  }
0x71: {  	_ =	shalt  }
0x72: {  	_ =	shalt  }
0x73: {  	_ =	shalt  }
0x74: {  	_ =	shalt  }
0x75: {  	_ =	shalt  }
0x76: {  	_ =	shalt  }
0x77: {  	_ =	shalt  }
0x78: {  	_ =	shalt  }
0x79: {  	_ =	shalt  }
0x7a: {  	_ =	shalt  }
0x7b: {  	_ =	shalt  }
0x7c: {  	_ =	shalt  }
0x7d: {  	_ =	shalt  }
0x7e: {  	_ =	shalt  }
0x7f: {  	_ =	shalt  }
0x80: {  	_ =	shalt  }
0x81: {  	_ =	shalt  }
0x82: {  	_ =	shalt  }
0x83: {  	_ =	shalt  }
0x84: {  	_ =	shalt  }
0x85: {  	_ =	shalt  }
0x86: {  	_ =	shalt  }
0x87: {  	_ =	shalt  }
.Lfunc_end0:
.L_simem_size_0:
called_computation_lowered:
.L_overlay_start_0:
0x88: {  	s2 =	sld [smem:$0x3FD9]  }
0x89: {  	s3 =	sld [smem:$0x3FFE];
	_ =	sdelay $0x1  }
0x8a: {  	s1 =	srdreg.scid  }
0x8b: {  	s0 =	sand.u32 $0x1, s1  }
0x8c: {  	s18 =	sshll.u32 s0, $0xA;
	s2 =	sadd.s32 s3, s2  }
0x8d: {  	s2 =	sadd.s32 s2, s18  }
0x8e: {  	[smem:$0x3FC6] =	sst s2  }
0x8f: {  	_ = 	snop  }
0x90: {  	s2 =	sld [smem:$0x3FC9]  }
0x91: {  	s19 =	sld [smem:$0x3FC8]  }
0x92: {  	s4 =	sld [smem:$0x3FD0];
	(tm) =	ssettm $0x1  }
0x93: {  	s5 =	sld [smem:$0x3FFB];
	_ =	sdelay $0x3  }
0x94: {  	_ =	strace s5  }
0x95: {  	s5 =	sld [smem:$0x3FFC];
	_ =	sdelay $0x3  }
0x96: {  	_ =	strace s5  }
0x97: {  	s5 =	sld [smem:$0x3FFD];
	_ =	sdelay $0x3  }
0x98: {  	_ =	strace s5  }
0x99: {  	_ =	strace $0x8FFFFFFF  }
0x9a: {  	s20 =	sld [smem:$0x3FDB];
	_ =	sdelay $0x1  }
0x9b: {  	s6 =	simm.s32 $_scs_section_size  }
0x9c: {  	s7 =	simm.s32 $_size__tile_overlayer_lowered;
	s8 =	simm.s32 $_tile_overlayer_lowered  }
0x9d: {  	s23 =	simm.s32 $0x1BFF;
	s22 =	sshll.u32 s8, $0x1;
	s5 =	sadd.s32 s6, s20  }
0x9e: {  	s9 =	simm.s32 $0x0;
	s21 =	sshll.u32 s7, $0x1;
	s7 =	sadd.s32 s22, s5  }
0x9f: {  	[timem:s9], [sflag:s23] =	dma.local [hbm:s7], s21  }
0xa0: {  	_ =	swait.ge [sflag:s23], s21  }
0xa1: {  	s6 =	ssub.s32 $0x0, s21;
	[sflag:s23] =	ssyncset.done $0x0  }
0xa2: {  	[sflag:s23] =	ssyncadd.s32 s6;
	_ =	sdelay $0x1  }
0xa3: {  	s24 =	simm.s32 $0x1B8B  }
0xa4: {  	_ =	swait.ge [sflag:s24], $0x1  }
0xa5: {  	[sflag:s24] =	ssyncset.done $0x0  }
0xa6: {  	s25 =	simm.s32 $0x1B8E;
	[sflag:s24] =	ssyncadd.s32 $0xFFFFFFFF  }
0xa7: {  	s26 =	simm.s32 $execute0_lowered;
	[smem:$0x3FD2] =	sst s25  }
0xa8: {  	s6 =	sshll.u32 s26, $0x1;
	_ =	strace $0x80000046;
	[dreg:$0x1] =	wrdreg $0xFFFFFFFF  }
0xa9: {  	s28 =	simm.s32 $_size_execute0_lowered;
	s5 =	sadd.s32 s5, s6;
	[dreg:$0x0] =	wrdreg $0x0  }
0xaa: {  	s6 =	sshll.u32 s28, $0x1;
	[dreg:$0x2] =	wrdreg s5  }
0xab: {  	[dreg:$0x3] =	wrdreg s6  }
0xac: {  	[dreg:$0x4] =	wrdreg $0xC0  }
0xad: {  	_ =	task [dreg:s9], $0x5FFFF  }
0xae: {  	[dreg:$0x1] =	wrdreg $0xFFFFFFFF  }
0xaf: {  	[dreg:$0x0] =	wrdreg $0x60  }
0xb0: {  	[dreg:$0x2] =	wrdreg s2  }
0xb1: {  	[dreg:$0x3] =	wrdreg s19  }
0xb2: {  	[dreg:$0x4] =	wrdreg s4  }
0xb3: {  	[dreg:$0x5] =	wrdreg $0x94000  }
0xb4: {  	[dreg:$0x6] =	wrdreg $0x9  }
0xb5: {  	_ =	task.clear_ibuf [dreg:s9], $0x7FFFF;
	_ =	strace $0x90000046  }
0xb6: {  	s29 =	simm.s32 $0x9;
	_ =	strace $0x80000048  }
0xb7: {  	_ =	swait.ge [sflag:s29], $0x1  }
0xb8: {  	[sflag:s29] =	ssyncadd.s32 $0xFFFFFFFF  }
0xb9: {  	_ =	strace $0x90000048  }
0xba: {  	_ =	sfence  }
0xbb: {  	s30 =	sld [smem:$0x0];
	_ =	sdelay $0x2  }
0xbc: {  	s31 =	sshll.u32 s1, $0xD;
	s1 =	sshrl.u32 s1, $0x2  }
0xbd: {  	s3 =	sand.u32 $0x4000, s31;
	s1 =	sadd.s32 s1, s30  }
0xbe: {  	s0 =	sor.u32 s3, s0;
	s1 =	sshll.u32 s1, $0x11  }
0xbf: {  	s0 =	sor.u32 s1, s0  }
0xc0: {  	s0 =	sadd.s32 $0x8F2B, s0  }
0xc1: {  	[sflag:s0] =	ssyncadd.remote.s32 $0x1  }
0xc2: {  	_ =	sfence.sel $0xFFFF  }
0xc3: {  	[dreg:$0x0] =	wrdreg $0xFFFFFFFF;
	(pc) =	sbr.abs _section_cstart, $3  }
0xc4: {  	[dreg:$0x1] =	wrdreg $0xFFFFFFFF  }
0xc5: {  	_ =	task.clear_ibuf [dreg:s9], $0x2FFFF;
	_ =	strace $0x9FFFFFFF  }
0xc6: {  	(tm) =	ssettm $0x7FFFFFFF  }
0xc7: {  	_ =	shalt  }
tec
execute0_lowered:
.L_overlay_start_1:
0x0: {  	(tag) =	ssettag $0x1  }
0x1: {  	s0 =	rddreg [dreg:$0x0]  }
0x2: {  	s22 =	rddreg [dreg:$0x2]  }
0x3: {  	s2 =	rddreg [dreg:$0x3]  }
0x4: {  	s1 =	srdreg.scid;
	s17 =	stileid.u32  }
0x5: {  	s4 =	simm.s32 $0x0;
	s11 =	sand.u32 $0x1, s1;
	s5 =	sshll.u32 s17, $0x7  }
0x6: {  	[smem:$0x7FF] =	sst s4;
	s15 =	sshll.u32 s17, $0xA;
	s0 =	sadd.s32 s0, s5  }
0x7: {  	_ =	strace $0x80000047;
	s29 =	sor.u32 $0x190, s15;
	[dreg:$0x5] =	wrdreg s0  }
0x8: {  	v0 =	vlaneseq.u32;
	s6 =	sor.u32 $0x10, s15;
	[smem:$0x7E8] =	sst s29;
	s29 =	sor.u32 $0x1B0, s15  }
0x9: {  	s5 =	sor.u32 $0x30, s15;
	v1 =	vor.u32 s6, v0;
	s6 =	sor.u32 $0x320, s15;
	[smem:$0x7E9] =	sst s29  }
0xa: {  	s7 =	sor.u32 $0x50, s15;
	v63 =	vor.u32 s5, v0;
	s5 =	sor.u32 $0x340, s15;
	[dreg:$0x1e] =	wrdreg s6  }
0xb: {  	s8 =	sor.u32 $0x60, s15;
	v5 =	vor.u32 s7, v0;
	s7 =	sor.u32 $0x350, s15;
	[dreg:$0x12] =	wrdreg s5  }
0xc: {  	s9 =	sor.u32 $0x40, s15;
	v6 =	vor.u32 s8, v0;
	s8 =	sor.u32 $0x360, s15;
	[dreg:$0x1f] =	wrdreg s7  }
0xd: {  	s10 =	sor.u32 $0x80, s15;
	v4 =	vor.u32 s9, v0;
	s9 =	sor.u32 $0x370, s15;
	[dreg:$0x13] =	wrdreg s8  }
0xe: {  	s12 =	sor.u32 $0x90, s15;
	v8 =	vor.u32 s10, v0;
	s10 =	sor.u32 $0x380, s15;
	[dreg:$0x14] =	wrdreg s9  }
0xf: {  	s13 =	sor.u32 $0x70, s15;
	v9 =	vor.u32 s12, v0;
	s12 =	sor.u32 $0x390, s15;
	[smem:$0x7FB] =	sst s10  }
0x10: {  	s16 =	sor.u32 $0xC0, s15;
	v7 =	vor.u32 s13, v0;
	s13 =	sor.u32 $0x3A0, s15;
	[dreg:$0x15] =	wrdreg s12  }
0x11: {  	s18 =	sor.u32 $0xA0, s15;
	v12 =	vor.u32 s16, v0;
	s16 =	sor.u32 $0x3B0, s15;
	[dreg:$0x16] =	wrdreg s13  }
0x12: {  	s1 =	ssub.s32 $0x2, s11;
	v10 =	vor.u32 s18, v0;
	s18 =	sor.u32 $0x3C0, s15;
	[smem:$0x7FC] =	sst s16  }
0x13: {  	s3 =	sshrl.u32 s1, $0x1;
	[dreg:$0x17] =	wrdreg s18  }
0x14: {  	s1 =	ssub.s32 s1, s3;
	s16 =	sld [smem:$0x7E8]  }
0x15: {  	s29 =	sor.u32 $0x1C0, s15;
	[dreg:$0x1a] =	wrdreg s1  }
0x16: {  	s5 =	sor.u32 $0x3D0, s15;
	[smem:$0x7EA] =	sst s29  }
0x17: {  	s7 =	sor.u32 $0x3E0, s15;
	[dreg:$0x18] =	wrdreg s5  }
0x18: {  	s8 =	sor.u32 $0x3F0, s15;
	[smem:$0x7FD] =	sst s7  }
0x19: {  	s20 =	sshll.u32 s17, $0xE;
	s17 =	sor.u32 $0xE0, s15;
	[dreg:$0x19] =	wrdreg s8  }
0x1a: {  	v14 =	vor.u32 s17, v0;
	s29 =	sor.u32 $0x1D0, s15;
	s17 =	sld [smem:$0x7E9]  }
0x1b: {  	[smem:$0x7EB] =	sst s29  }
0x1c: {  	s19 =	sor.u32 $0xD0, s15;
	s12 =	rddreg [dreg:$0x1a]  }
0x1d: {  	v13 =	vor.u32 s19, v0;
	s1 =	sshll.u32 s11, $0xD;
	s29 =	sor.u32 $0x1E0, s15;
	s19 =	sld [smem:$0x7EA]  }
0x1e: {  	v15 =	vor.u32 s15, v0;
	s0 =	sor.u32 s20, s1;
	s20 =	sor.u32 $0x100, s15;
	[smem:$0x7EC] =	sst s29  }
0x1f: {  	[tilespmem:$0x1FCE0] =	vst v15;
	s29 =	sor.u32 $0x1F0, s15;
	v17 =	vor.u32 s20, v0;
	s20 =	sld [smem:$0x7EB]  }
0x20: {  	[tilespmem:$0x1FC00] =	vst v1;
	s1 =	sadd.s32 s22, s0;
	[smem:$0x7ED] =	sst s29  }
0x21: {  	s21 =	sor.u32 $0xF0, s15;
	[tilespmem:$0x1FC20] =	vst v63;
	[dreg:$0x6] =	wrdreg s1  }
0x22: {  	v16 =	vor.u32 s21, v0;
	[tilespmem:$0x1FC30] =	vst v4;
	s0 =	sshll.u32 s11, $0x9;
	s29 =	sor.u32 $0x200, s15;
	s21 =	sld [smem:$0x7EC]  }
0x23: {  	[tilespmem:$0x1FC40] =	vst v5;
	s9 =	sor.u32 $0xC00, s0;
	[smem:$0x7EE] =	sst s29  }
0x24: {  	[tilespmem:$0x1FC50] =	vst v6;
	s11 =	sor.u32 $0x110, s15;
	s10 =	sor.u32 $0xC80, s0;
	[dreg:$0x7] =	wrdreg s9  }
0x25: {  	[tilespmem:$0x1FC60] =	vst v7;
	v18 =	vor.u32 s11, v0;
	s11 =	sor.u32 $0xD00, s0;
	[dreg:$0x8] =	wrdreg s10  }
0x26: {  	[tilespmem:$0x1FC70] =	vst v8;
	s0 =	sor.u32 $0xD80, s0;
	[dreg:$0x9] =	wrdreg s11  }
0x27: {  	s14 =	sor.u32 $0xB0, s15;
	[tilespmem:$0x1FC80] =	vst v9;
	s13 =	sadd.s32 $0x800, s1;
	[dreg:$0xa] =	wrdreg s0  }
0x28: {  	v11 =	vor.u32 s14, v0;
	[tilespmem:$0x1FC90] =	vst v10;
	s14 =	sadd.s32 $0x1000, s1;
	[dreg:$0xc] =	wrdreg s13  }
0x29: {  	[tilespmem:$0x1FCA0] =	vst v11;
	s22 =	sor.u32 $0x130, s15;
	[dreg:$0xd] =	wrdreg s14  }
0x2a: {  	[tilespmem:$0x1FCB0] =	vst v12;
	v20 =	vor.u32 s22, v0;
	s29 =	sor.u32 $0x210, s15;
	s22 =	sld [smem:$0x7ED]  }
0x2b: {  	[tilespmem:$0x1FCC0] =	vst v13;
	s0 =	smax.u32 s12, $0x1;
	[smem:$0x7EF] =	sst s29  }
0x2c: {  	s23 =	sor.u32 $0x120, s15;
	[tilespmem:$0x1FCD0] =	vst v14;
	[dreg:$0xb] =	wrdreg s0  }
0x2d: {  	s24 =	sor.u32 $0x140, s15;
	v19 =	vor.u32 s23, v0;
	[tilespmem:$0x1FCF0] =	vst v16;
	s29 =	sor.u32 $0x220, s15;
	s23 =	sld [smem:$0x7EE]  }
0x2e: {  	s28 =	sor.u32 $0x150, s15;
	v21 =	vor.u32 s24, v0;
	[tilespmem:$0x1FD20] =	vst v19;
	[smem:$0x7F0] =	sst s29  }
0x2f: {  	s25 =	sor.u32 $0x160, s15;
	v22 =	vor.u32 s28, v0;
	[tilespmem:$0x1FD40] =	vst v21;
	s24 =	sld [smem:$0x7EF]  }
0x30: {  	s26 =	sor.u32 $0x170, s15;
	v23 =	vor.u32 s25, v0;
	[tilespmem:$0x1FD50] =	vst v22;
	s29 =	sor.u32 $0x230, s15;
	v31 =	vor.u32 s21, v0;
	s21 =	rddreg [dreg:$0x1e]  }
0x31: {  	s31 =	sor.u32 $0x180, s15;
	v24 =	vor.u32 s26, v0;
	[tilespmem:$0x1FD60] =	vst v23;
	[smem:$0x7F1] =	sst s29  }
0x32: {  	s30 =	sor.u32 $0x1A0, s15;
	v25 =	vor.u32 s31, v0;
	[tilespmem:$0x1FD70] =	vst v24;
	s25 =	sld [smem:$0x7F0]  }
0x33: {  	v27 =	vor.u32 s30, v0;
	s3 =	sor.u32 $0x20, s15;
	[tilespmem:$0x1FD80] =	vst v25;
	s29 =	sor.u32 $0x240, s15;
	v32 =	vor.u32 s22, v0;
	s22 =	rddreg [dreg:$0x12]  }
0x34: {  	s6 =	sor.u32 $0x330, s15;
	[tilespmem:$0x1FDA0] =	vst v27;
	v62 =	vor.u32 s3, v0;
	[smem:$0x7F2] =	sst s29  }
0x35: {  	v52 =	vor.u32 s6, v0;
	[tilespmem:$0x1FC10] =	vst v62;
	s26 =	sld [smem:$0x7F1]  }
0x36: {  	[tilespmem:$0x1FF30] =	vst v52;
	s29 =	sor.u32 $0x250, s15;
	v33 =	vor.u32 s23, v0;
	s23 =	rddreg [dreg:$0x1f]  }
0x37: {  	v26 =	vor.u32 s16, v0;
	[tilespmem:$0x1FD00] =	vst v17;
	[smem:$0x7F3] =	sst s29  }
0x38: {  	[tilespmem:$0x1FD90] =	vst v26;
	s28 =	sld [smem:$0x7F2]  }
0x39: {  	[tilespmem:$0x1FD10] =	vst v18;
	s29 =	sor.u32 $0x260, s15;
	v34 =	vor.u32 s24, v0;
	s24 =	rddreg [dreg:$0x13]  }
0x3a: {  	v28 =	vor.u32 s17, v0;
	[tilespmem:$0x1FD30] =	vst v20;
	[smem:$0x7F4] =	sst s29  }
0x3b: {  	[tilespmem:$0x1FDB0] =	vst v28;
	v29 =	vor.u32 s19, v0;
	v35 =	vor.u32 s25, v0;
	s25 =	rddreg [dreg:$0x14]  }
0x3c: {  	[tilespmem:$0x1FDC0] =	vst v29;
	v30 =	vor.u32 s20, v0;
	s29 =	sor.u32 $0x270, s15;
	v55 =	vor.u32 s24, v0;
	s24 =	rddreg [dreg:$0x16]  }
0x3d: {  	[tilespmem:$0x1FDD0] =	vst v30;
	[smem:$0x7F5] =	sst s29  }
0x3e: {  	[tilespmem:$0x1FDE0] =	vst v31;
	s3 =	sld [smem:$0x7F4]  }
0x3f: {  	v51 =	vor.u32 s21, v0;
	[tilespmem:$0x1FDF0] =	vst v32;
	v36 =	vor.u32 s26, v0;
	s26 =	sld [smem:$0x7FB]  }
0x40: {  	[tilespmem:$0x1FF20] =	vst v51;
	s29 =	sor.u32 $0x280, s15;
	v56 =	vor.u32 s25, v0;
	s25 =	sld [smem:$0x7FC]  }
0x41: {  	v53 =	vor.u32 s22, v0;
	[tilespmem:$0x1FE00] =	vst v33;
	[smem:$0x7F6] =	sst s29  }
0x42: {  	[tilespmem:$0x1FF40] =	vst v53;
	s5 =	sld [smem:$0x7F5]  }
0x43: {  	v54 =	vor.u32 s23, v0;
	[tilespmem:$0x1FE10] =	vst v34;
	s29 =	sor.u32 $0x290, s15;
	v37 =	vor.u32 s28, v0;
	s28 =	rddreg [dreg:$0x15]  }
0x44: {  	[tilespmem:$0x1FF50] =	vst v54;
	[smem:$0x7F7] =	sst s29  }
0x45: {  	[tilespmem:$0x1FE20] =	vst v35;
	s7 =	sld [smem:$0x7F6]  }
0x46: {  	[tilespmem:$0x1FF60] =	vst v55;
	s29 =	sor.u32 $0x2A0, s15;
	v58 =	vor.u32 s28, v0;
	s28 =	rddreg [dreg:$0x18]  }
0x47: {  	[tilespmem:$0x1FE30] =	vst v36;
	[smem:$0x7F8] =	sst s29  }
0x48: {  	v59 =	vor.u32 s24, v0;
	[tilespmem:$0x1FF70] =	vst v56;
	s8 =	sld [smem:$0x7F7]  }
0x49: {  	[tilespmem:$0x1FFA0] =	vst v59;
	v57 =	vor.u32 s26, v0;
	s26 =	rddreg [dreg:$0x17]  }
0x4a: {  	[tilespmem:$0x1FE40] =	vst v37;
	s29 =	sor.u32 $0x2B0, s15;
	v62 =	vor.u32 s28, v0;
	s28 =	rddreg [dreg:$0x19]  }
0x4b: {  	v39 =	vor.u32 s3, v0;
	[tilespmem:$0x1FF90] =	vst v58;
	[smem:$0x7F9] =	sst s29  }
0x4c: {  	[tilespmem:$0x1FE60] =	vst v39;
	s9 =	sld [smem:$0x7F8]  }
0x4d: {  	v60 =	vor.u32 s25, v0;
	s29 =	sor.u32 $0x2C0, s15;
	[tilespmem:$0x1FF80] =	vst v57;
	v61 =	vor.u32 s26, v0;
	s26 =	sld [smem:$0x7FD]  }
0x4e: {  	[tilespmem:$0x1FFB0] =	vst v60;
	[smem:$0x7FA] =	sst s29  }
0x4f: {  	s30 =	simm.s32 $0x680;
	v40 =	vor.u32 s5, v0;
	[tilespmem:$0x1FFD0] =	vst v62;
	s29 =	sor.u32 $0x2D0, s15;
	s10 =	sld [smem:$0x7F9]  }
0x50: {  	s31 =	simm.s32 $0xA80;
	s18 =	simm.s32 $0x1;
	[tilespmem:$0x1FE70] =	vst v40;
	[dreg:$0x1b] =	wrdreg s29  }
0x51: {  	s6 =	simm.s32 $0xE80;
	v41 =	vor.u32 s7, v0;
	[tilespmem:$0x1FFC0] =	vst v61;
	s29 =	sor.u32 $0x2E0, s15;
	s11 =	sld [smem:$0x7FA]  }
0x52: {  	s16 =	simm.s32 $0x780;
	s17 =	simm.s32 $0xB80;
	[tilespmem:$0x1FE80] =	vst v41;
	v42 =	vor.u32 s8, v0;
	[dreg:$0x1c] =	wrdreg s29  }
0x53: {  	s0 =	simm.s32 $0x700;
	s29 =	sor.u32 $0x2F0, s15;
	[tilespmem:$0x1FE90] =	vst v42;
	v43 =	vor.u32 s9, v0;
	s12 =	rddreg [dreg:$0x1b]  }
0x54: {  	s21 =	simm.s32 $0xF80;
	s22 =	simm.s32 $0x1000;
	v63 =	vor.u32 s26, v0;
	[dreg:$0x1d] =	wrdreg s29;
	[tilespmem:$0x1FEA0] =	vst v43  }
0x55: {  	s23 =	simm.s32 $0x1100;
	s29 =	sor.u32 $0x300, s15;
	v44 =	vor.u32 s10, v0;
	s13 =	rddreg [dreg:$0x1c];
	[tilespmem:$0x1FFE0] =	vst v63  }
0x56: {  	s24 =	simm.s32 $0x1200;
	s3 =	simm.s32 $0xB00;
	v46 =	vor.u32 s12, v0;
	[dreg:$0x10] =	wrdreg s29;
	[tilespmem:$0x1FEB0] =	vst v44  }
0x57: {  	s29 =	sor.u32 $0x310, s15;
	s15 =	sadd.s32 $0x1800, s1;
	s1 =	sld [smem:$0x7F3];
	v45 =	vor.u32 s11, v0;
	[tilespmem:$0x1FED0] =	vst v46  }
0x58: {  	s5 =	simm.s32 $0xC00;
	s7 =	simm.s32 $0xC80;
	v47 =	vor.u32 s13, v0;
	s14 =	rddreg [dreg:$0x1d];
	[tilespmem:$0x1FEC0] =	vst v45  }
0x59: {  	s8 =	simm.s32 $0x100;
	s9 =	simm.s32 $0xD00;
	[tilespmem:$0x1FEE0] =	vst v47;
	v48 =	vor.u32 s14, v0;
	s19 =	rddreg [dreg:$0x10]  }
.Ltmp0:
0x5a: {  	s26 =	simm.s32 $0x0;
	[dreg:$0x11] =	wrdreg s29;
	[tilespmem:$0x1FEF0] =	vst v48;
	v49 =	vor.u32 s19, v0;
	(pc) =	sbr.rel .LBB2_1-.Ltmp0, $4  }
0x5b: {  	s10 =	simm.s32 $0x180;
	s12 =	simm.s32 $0x200;
	s20 =	rddreg [dreg:$0x11];
	v38 =	vor.u32 s1, v0;
	[tilespmem:$0x1FF00] =	vst v49  }
0x5c: {  	s11 =	simm.s32 $0xD80;
	s13 =	simm.s32 $0xE00;
	[dreg:$0xe] =	wrdreg s15;
	v50 =	vor.u32 s20, v0;
	[tilespmem:$0x1FE50] =	vst v38  }
0x5d: {  	s15 =	simm.s32 $0x80;
	s29 =	simm.s32 $0xA00;
	s14 =	simm.s32 $0x280;
	v0 =	vor.u32 s28, v0;
	[tilespmem:$0x1FF10] =	vst v50  }
0x5e: {  	s19 =	simm.s32 $0xF00;
	s1 =	simm.s32 $0x300;
	s20 =	simm.s32 $0x380;
	[tilespmem:$0x1FFF0] =	vst v0  }
.LBB2_5:
0x5f: {  	s25 =	rddreg [dreg:$0x1]  }
0x60: {  	s26 =	rddreg [dreg:$0x7];
	s28 =	simm.s32 $0x1400  }
0x61: {  	[tilespmem:s28], [sflag:$0x2] =	stream.indirect.gather [hbm4b:s25+s15], $0x80, s26, s15, $0xb8;
	[tilespmem:$0x18828] =	vst v63  }
0x62: {  	s0 =	rddreg [dreg:$0x8];
	s29 =	simm.s32 $0x5400;
	s30 =	simm.s32 $0x2  }
0x63: {  	[tilespmem:s29], [sflag:$0x3] =	stream.indirect.gather [hbm4b:s25+s15], $0x80, s0, s15, $0xb8;
	[tilespmem:$0x18828] =	vst v63  }
0x64: {  	_ =	swait.ge [sflag:s30], $0x4000  }
0x65: {  	[sflag:s30] =	ssyncset.done $0x0  }
0x66: {  	s31 =	simm.s32 $0x3;
	s0 =	rddreg [dreg:$0x6];
	[sflag:s30] =	ssyncadd.s32 $0xFFFFC000  }
0x67: {  	[hbm4b:s0+s4] =	stream.linear.scatter [tilespmem:s28], [sflag:$0x4], $0x4000, $0x38;
	[tilespmem:$0x18828] =	vst v63  }
0x68: {  	_ =	swait.ge [sflag:s31], $0x4000  }
0x69: {  	[sflag:s31] =	ssyncset.done $0x0  }
0x6a: {  	s0 =	rddreg [dreg:$0xc];
	[sflag:s31] =	ssyncadd.s32 $0xFFFFC000  }
0x6b: {  	[hbm4b:s0+s4] =	stream.linear.scatter [tilespmem:s29], [sflag:$0x5], $0x4000, $0x38;
	[tilespmem:$0x18828] =	vst v63  }
0x6c: {  	s0 =	simm.s32 $0x4  }
0x6d: {  	_ =	swait.ge [sflag:s0], $0x4000  }
0x6e: {  	[sflag:s0] =	ssyncset.done $0x0  }
0x6f: {  	s26 =	rddreg [dreg:$0x9];
	[sflag:s0] =	ssyncadd.s32 $0xFFFFC000  }
0x70: {  	[tilespmem:s28], [sflag:$0x2] =	stream.indirect.gather [hbm4b:s25+s15], $0x80, s26, s15, $0xb8;
	[tilespmem:$0x18828] =	vst v63  }
0x71: {  	_ =	swait.ge [sflag:s30], $0x4000  }
0x72: {  	[sflag:s30] =	ssyncset.done $0x0  }
0x73: {  	s26 =	rddreg [dreg:$0xd];
	[sflag:s30] =	ssyncadd.s32 $0xFFFFC000  }
0x74: {  	[hbm4b:s26+s4] =	stream.linear.scatter [tilespmem:s28], [sflag:$0x4], $0x4000, $0x38;
	[tilespmem:$0x18828] =	vst v63  }
0x75: {  	s28 =	simm.s32 $0x5  }
0x76: {  	_ =	swait.ge [sflag:s28], $0x4000  }
0x77: {  	[sflag:s28] =	ssyncset.done $0x0  }
0x78: {  	s26 =	rddreg [dreg:$0xa];
	[sflag:s28] =	ssyncadd.s32 $0xFFFFC000  }
0x79: {  	[tilespmem:s29], [sflag:$0x3] =	stream.indirect.gather [hbm4b:s25+s15], $0x80, s26, s15, $0xb8;
	[tilespmem:$0x18828] =	vst v63  }
0x7a: {  	_ =	swait.ge [sflag:s31], $0x4000  }
0x7b: {  	[sflag:s31] =	ssyncset.done $0x0  }
0x7c: {  	s26 =	rddreg [dreg:$0xe];
	[sflag:s31] =	ssyncadd.s32 $0xFFFFC000  }
0x7d: {  	[hbm4b:s26+s4] =	stream.linear.scatter [tilespmem:s29], [sflag:$0x5], $0x4000, $0x38;
	[tilespmem:$0x18828] =	vst v63  }
0x7e: {  	_ =	swait.ge [sflag:s0], $0x4000  }
0x7f: {  	[sflag:s0] =	ssyncset.done $0x0  }
0x80: {  	[sflag:s0] =	ssyncadd.s32 $0xFFFFC000  }
0x81: {  	_ =	swait.ge [sflag:s28], $0x4000  }
0x82: {  	s25 =	rddreg [dreg:$0xf]  }
0x83: {  	s26 =	sadd.s32 $0x1, s25;
	s25 =	rddreg [dreg:$0xb]  }
0x84: {  	p0 =	sne.s32 s26, s25  }
.Ltmp1:
0x85: {  	_ = 	snop;
	(pc) =	sbr.rel @!p0 .LBB2_6-.Ltmp1, $3  }
0x86: {  	_ =	sdelay $0x1  }
0x87: {  	s30 =	simm.s32 $0x680;
	s31 =	simm.s32 $0xA80;
	[sflag:s28] =	ssyncset.done $0x0  }
0x88: {  	s29 =	simm.s32 $0xA00;
	s0 =	simm.s32 $0x700;
	[sflag:s28] =	ssyncadd.s32 $0xFFFFC000  }
.LBB2_1:
0x89: {  	s25 =	rddreg [dreg:$0x5]  }
0x8a: {  	v1 =	vimm.s32 $0x0;
	[tilespmem:s4], [sflag:$0x1] =	stream.linear.gather [hbm4b:s25+s4], $0x400, $0x38;
	[tilespmem:$0x18828] =	vst v63  }
0x8b: {  	[tilespmem:$0x1100] =	vst v1  }
0x8c: {  	[tilespmem:$0x1180] =	vst v1  }
0x8d: {  	[tilespmem:$0x1200] =	vst v1  }
0x8e: {  	[tilespmem:$0x1110] =	vst v1  }
0x8f: {  	[tilespmem:$0x1190] =	vst v1  }
0x90: {  	[tilespmem:$0x1210] =	vst v1  }
0x91: {  	[tilespmem:$0x1120] =	vst v1  }
0x92: {  	[tilespmem:$0x11A0] =	vst v1  }
0x93: {  	[tilespmem:$0x1220] =	vst v1  }
0x94: {  	[tilespmem:$0x1130] =	vst v1  }
0x95: {  	[tilespmem:$0x11B0] =	vst v1  }
0x96: {  	[tilespmem:$0x1230] =	vst v1  }
0x97: {  	[tilespmem:$0x1140] =	vst v1  }
0x98: {  	[tilespmem:$0x11C0] =	vst v1  }
0x99: {  	[tilespmem:$0x1240] =	vst v1  }
0x9a: {  	[tilespmem:$0x1150] =	vst v1  }
0x9b: {  	[tilespmem:$0x11D0] =	vst v1  }
0x9c: {  	[tilespmem:$0x1250] =	vst v1  }
0x9d: {  	[tilespmem:$0x1160] =	vst v1  }
0x9e: {  	v0 =	vld [tilespmem:$0x1FCE0];
	[tilespmem:$0x11E0] =	vst v1  }
0x9f: {  	v54 =	vld [tilespmem:$0x1FC00];
	[tilespmem:$0x1260] =	vst v1  }
0xa0: {  	v55 =	vld [tilespmem:$0x1FC10];
	[tilespmem:$0x1170] =	vst v1  }
0xa1: {  	v56 =	vld [tilespmem:$0x1FC20];
	[tilespmem:$0x11F0] =	vst v1  }
0xa2: {  	v57 =	vld [tilespmem:$0x1FC30];
	[tilespmem:$0x1270] =	vst v1  }
0xa3: {  	v58 =	vld [tilespmem:$0x1FC40];
	[tilespmem:$0x800] =	vst v0  }
0xa4: {  	v59 =	vld [tilespmem:$0x1FC50];
	[tilespmem:$0x810] =	vst v54  }
0xa5: {  	v60 =	vld [tilespmem:$0x1FC60];
	[tilespmem:$0x820] =	vst v55  }
0xa6: {  	v61 =	vld [tilespmem:$0x1FC70];
	[tilespmem:$0x830] =	vst v56  }
0xa7: {  	v62 =	vld [tilespmem:$0x1FC80];
	[tilespmem:$0x840] =	vst v57  }
0xa8: {  	v63 =	vld [tilespmem:$0x1FC90];
	[tilespmem:$0x850] =	vst v58  }
0xa9: {  	v4 =	vld [tilespmem:$0x1FCA0];
	[tilespmem:$0x860] =	vst v59  }
0xaa: {  	v5 =	vld [tilespmem:$0x1FCB0];
	[tilespmem:$0x870] =	vst v60  }
0xab: {  	v6 =	vld [tilespmem:$0x1FCC0];
	[tilespmem:$0x880] =	vst v61  }
0xac: {  	v7 =	vld [tilespmem:$0x1FCD0];
	[tilespmem:$0x890] =	vst v62  }
0xad: {  	v8 =	vld [tilespmem:$0x1FCF0];
	[tilespmem:$0x8A0] =	vst v63  }
0xae: {  	v9 =	vld [tilespmem:$0x1FD00];
	[tilespmem:$0x8B0] =	vst v4  }
0xaf: {  	v10 =	vld [tilespmem:$0x1FD10];
	[tilespmem:$0x8C0] =	vst v5  }
0xb0: {  	v11 =	vld [tilespmem:$0x1FD20];
	[tilespmem:$0x8D0] =	vst v6  }
0xb1: {  	v12 =	vld [tilespmem:$0x1FD30];
	[tilespmem:$0x8E0] =	vst v7  }
0xb2: {  	v13 =	vld [tilespmem:$0x1FD40];
	[tilespmem:$0x8F0] =	vst v8  }
0xb3: {  	v14 =	vld [tilespmem:$0x1FD50];
	[tilespmem:$0x900] =	vst v9  }
0xb4: {  	v15 =	vld [tilespmem:$0x1FD60];
	[tilespmem:$0x910] =	vst v10  }
0xb5: {  	v16 =	vld [tilespmem:$0x1FD70];
	[tilespmem:$0x920] =	vst v11  }
0xb6: {  	v17 =	vld [tilespmem:$0x1FD80];
	[tilespmem:$0x930] =	vst v12  }
0xb7: {  	v18 =	vld [tilespmem:$0x1FD90];
	[tilespmem:$0x940] =	vst v13  }
0xb8: {  	v19 =	vld [tilespmem:$0x1FDA0];
	[tilespmem:$0x950] =	vst v14  }
0xb9: {  	v20 =	vld [tilespmem:$0x1FDB0];
	[tilespmem:$0x960] =	vst v15  }
0xba: {  	v21 =	vld [tilespmem:$0x1FDC0];
	[tilespmem:$0x970] =	vst v16  }
0xbb: {  	v22 =	vld [tilespmem:$0x1FDD0];
	[tilespmem:$0x980] =	vst v17  }
0xbc: {  	v23 =	vld [tilespmem:$0x1FDE0];
	[tilespmem:$0x990] =	vst v18  }
0xbd: {  	v24 =	vld [tilespmem:$0x1FDF0];
	[tilespmem:$0x9A0] =	vst v19  }
0xbe: {  	v25 =	vld [tilespmem:$0x1FE00];
	[tilespmem:$0x9B0] =	vst v20  }
0xbf: {  	v26 =	vld [tilespmem:$0x1FE10];
	[tilespmem:$0x9C0] =	vst v21  }
0xc0: {  	v27 =	vld [tilespmem:$0x1FE20];
	[tilespmem:$0x9D0] =	vst v22  }
0xc1: {  	v28 =	vld [tilespmem:$0x1FE30];
	[tilespmem:$0x9E0] =	vst v23  }
0xc2: {  	v29 =	vld [tilespmem:$0x1FE40];
	[tilespmem:$0x9F0] =	vst v24  }
0xc3: {  	v30 =	vld [tilespmem:$0x1FE50];
	[tilespmem:$0xA00] =	vst v25  }
0xc4: {  	v31 =	vld [tilespmem:$0x1FE60];
	[tilespmem:$0xA10] =	vst v26  }
0xc5: {  	v32 =	vld [tilespmem:$0x1FE70];
	[tilespmem:$0xA20] =	vst v27  }
0xc6: {  	v33 =	vld [tilespmem:$0x1FE80];
	[tilespmem:$0xA30] =	vst v28  }
0xc7: {  	v34 =	vld [tilespmem:$0x1FE90];
	[tilespmem:$0xA40] =	vst v29  }
0xc8: {  	v35 =	vld [tilespmem:$0x1FEA0];
	[tilespmem:$0xA50] =	vst v30  }
0xc9: {  	v36 =	vld [tilespmem:$0x1FEB0];
	[tilespmem:$0xA60] =	vst v31  }
0xca: {  	v37 =	vld [tilespmem:$0x1FEC0];
	[tilespmem:$0xA70] =	vst v32  }
0xcb: {  	v38 =	vld [tilespmem:$0x1FED0];
	[tilespmem:$0xA80] =	vst v33  }
0xcc: {  	v39 =	vld [tilespmem:$0x1FEE0];
	[tilespmem:$0xA90] =	vst v34  }
0xcd: {  	v40 =	vld [tilespmem:$0x1FEF0];
	[tilespmem:$0xAA0] =	vst v35  }
0xce: {  	v41 =	vld [tilespmem:$0x1FF00];
	[tilespmem:$0xAB0] =	vst v36  }
0xcf: {  	v42 =	vld [tilespmem:$0x1FF10];
	[tilespmem:$0xAC0] =	vst v37  }
0xd0: {  	v43 =	vld [tilespmem:$0x1FF20];
	[tilespmem:$0xAD0] =	vst v38  }
0xd1: {  	v44 =	vld [tilespmem:$0x1FF30];
	[tilespmem:$0xAE0] =	vst v39  }
0xd2: {  	v45 =	vld [tilespmem:$0x1FF40];
	[tilespmem:$0xAF0] =	vst v40  }
0xd3: {  	v46 =	vld [tilespmem:$0x1FF50];
	[tilespmem:$0xB00] =	vst v41  }
0xd4: {  	v47 =	vld [tilespmem:$0x1FF60];
	[tilespmem:$0xB10] =	vst v42  }
0xd5: {  	v48 =	vld [tilespmem:$0x1FF70];
	[tilespmem:$0xB20] =	vst v43  }
0xd6: {  	v49 =	vld [tilespmem:$0x1FF80];
	[tilespmem:$0xB30] =	vst v44  }
0xd7: {  	v50 =	vld [tilespmem:$0x1FF90];
	[tilespmem:$0xB40] =	vst v45  }
0xd8: {  	v51 =	vld [tilespmem:$0x1FFA0];
	[tilespmem:$0xB50] =	vst v46  }
0xd9: {  	v52 =	vld [tilespmem:$0x1FFB0];
	[tilespmem:$0xB60] =	vst v47  }
0xda: {  	v53 =	vld [tilespmem:$0x1FFC0];
	[tilespmem:$0xB70] =	vst v48  }
0xdb: {  	[tilespmem:$0xB80] =	vst v49  }
0xdc: {  	[tilespmem:$0xB90] =	vst v50  }
0xdd: {  	[tilespmem:$0xBA0] =	vst v51  }
0xde: {  	[tilespmem:$0xBB0] =	vst v52  }
0xdf: {  	[tilespmem:$0xBC0] =	vst v53;
	v57 =	vimm.s32 $0xF4240  }
0xe0: {  	[tilespmem:$0x1000] =	vst v57  }
0xe1: {  	[tilespmem:$0x1010] =	vst v57  }
0xe2: {  	[tilespmem:$0x1090] =	vst v57  }
0xe3: {  	[tilespmem:$0x1020] =	vst v57  }
0xe4: {  	[tilespmem:$0x10A0] =	vst v57  }
0xe5: {  	[tilespmem:$0x1030] =	vst v57  }
0xe6: {  	[tilespmem:$0x10B0] =	vst v57  }
0xe7: {  	[tilespmem:$0x1040] =	vst v57  }
0xe8: {  	[tilespmem:$0x10C0] =	vst v57  }
0xe9: {  	[tilespmem:$0x1050] =	vst v57  }
0xea: {  	[tilespmem:$0x10D0] =	vst v57  }
0xeb: {  	v54 =	vld [tilespmem:$0x1FFD0];
	[tilespmem:$0x1060] =	vst v57  }
0xec: {  	v55 =	vld [tilespmem:$0x1FFE0];
	[tilespmem:$0x10E0] =	vst v57  }
0xed: {  	v56 =	vld [tilespmem:$0x1FFF0];
	v58 =	vlaneseq.u32;
	[tilespmem:$0x1070] =	vst v57  }
0xee: {  	[tilespmem:$0x10F0] =	vst v57;
	v0 =	vadd.s32 $0xF4248, v58  }
0xef: {  	[tilespmem:$0x1080] =	vst v0  }
0xf0: {  	[tilespmem:$0xBD0] =	vst v54  }
0xf1: {  	[tilespmem:$0xBE0] =	vst v55  }
0xf2: {  	[dreg:$0xf] =	wrdreg s26;
	s26 =	simm.s32 $0x1080;
	s28 =	simm.s32 $0x1180;
	[tilespmem:$0xBF0] =	vst v56  }
0xf3: {  	[spmem:s2] =	stream.indirect.scatter [tilespmem:s28], [sflag:$0x1], $0x1, s26, s15, $0xb8;
	[tilespmem:$0x18828] =	vst v63  }
0xf4: {  	_ =	swait.ge [sflag:s18], $0x400  }
0xf5: {  	[sflag:s18] =	ssyncset.done $0x0  }
0xf6: {  	[sflag:s18] =	ssyncadd.s32 $0xFFFFFC00  }
0xf7: {  	_ =	swait.ge [sflag:s18], $0x80  }
0xf8: {  	[sflag:s18] =	ssyncset.done $0x0  }
0xf9: {  	[sflag:s18] =	ssyncadd.s32 $0xFFFFFF80  }
0xfa: {  	v59 =	vld [tilespmem:$0x0]  }
0xfb: {  	v60 =	vld [tilespmem:$0x10]  }
0xfc: {  	v2 =	vld [tilespmem:$0x20]  }
0xfd: {  	v3 =	vld [tilespmem:$0x30]  }
0xfe: {  	v4 =	vld [tilespmem:$0x40]  }
0xff: {  	v61 =	vld [tilespmem:$0x50];
	[tilespmem:$0x400] =	vst v59  }
0x100: {  	v62 =	vld [tilespmem:$0x60];
	[tilespmem:$0x410] =	vst v60  }
0x101: {  	v63 =	vld [tilespmem:$0x70];
	[tilespmem:$0x420] =	vst v2  }
0x102: {  	v8 =	vld [tilespmem:$0x80];
	[tilespmem:$0x430] =	vst v3  }
0x103: {  	v9 =	vld [tilespmem:$0x90];
	[tilespmem:$0x440] =	vst v4  }
0x104: {  	v10 =	vld [tilespmem:$0xA0];
	[tilespmem:$0x450] =	vst v61  }
0x105: {  	v11 =	vld [tilespmem:$0xB0];
	[tilespmem:$0x460] =	vst v62  }
0x106: {  	v12 =	vld [tilespmem:$0xC0];
	[tilespmem:$0x470] =	vst v63  }
0x107: {  	v13 =	vld [tilespmem:$0xD0];
	[tilespmem:$0x480] =	vst v8  }
0x108: {  	v14 =	vld [tilespmem:$0xE0];
	[tilespmem:$0x490] =	vst v9  }
0x109: {  	v15 =	vld [tilespmem:$0xF0];
	[tilespmem:$0x4A0] =	vst v10  }
0x10a: {  	v16 =	vld [tilespmem:$0x100];
	[tilespmem:$0x4B0] =	vst v11  }
0x10b: {  	v17 =	vld [tilespmem:$0x110];
	[tilespmem:$0x4C0] =	vst v12  }
0x10c: {  	v18 =	vld [tilespmem:$0x120];
	[tilespmem:$0x4D0] =	vst v13  }
0x10d: {  	v19 =	vld [tilespmem:$0x130];
	[tilespmem:$0x4E0] =	vst v14  }
0x10e: {  	v20 =	vld [tilespmem:$0x140];
	[tilespmem:$0x4F0] =	vst v15  }
0x10f: {  	v21 =	vld [tilespmem:$0x150];
	[tilespmem:$0x500] =	vst v16  }
0x110: {  	v22 =	vld [tilespmem:$0x160];
	[tilespmem:$0x510] =	vst v17  }
0x111: {  	v23 =	vld [tilespmem:$0x170];
	[tilespmem:$0x520] =	vst v18  }
0x112: {  	v24 =	vld [tilespmem:$0x180];
	[tilespmem:$0x530] =	vst v19  }
0x113: {  	v25 =	vld [tilespmem:$0x190];
	[tilespmem:$0x540] =	vst v20  }
0x114: {  	v26 =	vld [tilespmem:$0x1A0];
	[tilespmem:$0x550] =	vst v21  }
0x115: {  	v27 =	vld [tilespmem:$0x1B0];
	[tilespmem:$0x560] =	vst v22  }
0x116: {  	v28 =	vld [tilespmem:$0x1C0];
	[tilespmem:$0x570] =	vst v23  }
0x117: {  	v29 =	vld [tilespmem:$0x1D0];
	[tilespmem:$0x580] =	vst v24  }
0x118: {  	v30 =	vld [tilespmem:$0x1E0];
	[tilespmem:$0x590] =	vst v25  }
0x119: {  	v31 =	vld [tilespmem:$0x1F0];
	[tilespmem:$0x5A0] =	vst v26  }
0x11a: {  	v32 =	vld [tilespmem:$0x200];
	[tilespmem:$0x5B0] =	vst v27  }
0x11b: {  	v33 =	vld [tilespmem:$0x210];
	[tilespmem:$0x5C0] =	vst v28  }
0x11c: {  	v34 =	vld [tilespmem:$0x220];
	[tilespmem:$0x5D0] =	vst v29  }
0x11d: {  	v35 =	vld [tilespmem:$0x230];
	[tilespmem:$0x5E0] =	vst v30  }
0x11e: {  	v36 =	vld [tilespmem:$0x240];
	[tilespmem:$0x5F0] =	vst v31  }
0x11f: {  	v37 =	vld [tilespmem:$0x250];
	[tilespmem:$0x600] =	vst v32  }
0x120: {  	v38 =	vld [tilespmem:$0x260];
	[tilespmem:$0x610] =	vst v33  }
0x121: {  	v39 =	vld [tilespmem:$0x270];
	[tilespmem:$0x620] =	vst v34  }
0x122: {  	v40 =	vld [tilespmem:$0x280];
	[tilespmem:$0x630] =	vst v35  }
0x123: {  	v41 =	vld [tilespmem:$0x290];
	[tilespmem:$0x640] =	vst v36  }
0x124: {  	v42 =	vld [tilespmem:$0x2A0];
	[tilespmem:$0x650] =	vst v37  }
0x125: {  	v43 =	vld [tilespmem:$0x2B0];
	[tilespmem:$0x660] =	vst v38  }
0x126: {  	v44 =	vld [tilespmem:$0x2C0];
	[tilespmem:$0x670] =	vst v39  }
0x127: {  	v45 =	vld [tilespmem:$0x2D0];
	[tilespmem:$0x680] =	vst v40  }
0x128: {  	v46 =	vld [tilespmem:$0x2E0];
	[tilespmem:$0x690] =	vst v41  }
0x129: {  	v47 =	vld [tilespmem:$0x2F0];
	[tilespmem:$0x6A0] =	vst v42  }
0x12a: {  	v48 =	vld [tilespmem:$0x300];
	[tilespmem:$0x6B0] =	vst v43  }
0x12b: {  	v49 =	vld [tilespmem:$0x310];
	[tilespmem:$0x6C0] =	vst v44  }
0x12c: {  	v50 =	vld [tilespmem:$0x320];
	[tilespmem:$0x6D0] =	vst v45  }
0x12d: {  	v51 =	vld [tilespmem:$0x330];
	[tilespmem:$0x6E0] =	vst v46  }
0x12e: {  	v52 =	vld [tilespmem:$0x340];
	[tilespmem:$0x6F0] =	vst v47  }
0x12f: {  	v53 =	vld [tilespmem:$0x350];
	[tilespmem:$0x700] =	vst v48  }
0x130: {  	v54 =	vld [tilespmem:$0x360];
	[tilespmem:$0x710] =	vst v49  }
0x131: {  	v55 =	vld [tilespmem:$0x370];
	[tilespmem:$0x720] =	vst v50  }
0x132: {  	v56 =	vld [tilespmem:$0x380];
	[tilespmem:$0x730] =	vst v51  }
0x133: {  	v57 =	vld [tilespmem:$0x390];
	[tilespmem:$0x740] =	vst v52  }
0x134: {  	v58 =	vld [tilespmem:$0x3A0];
	[tilespmem:$0x750] =	vst v53  }
0x135: {  	[tilespmem:$0x760] =	vst v54;
	v59 =	vld [tilespmem:$0x3B0]  }
0x136: {  	[tilespmem:$0x770] =	vst v55;
	v60 =	vld [tilespmem:$0x3C0]  }
0x137: {  	[tilespmem:$0x780] =	vst v56;
	v61 =	vld [tilespmem:$0x3D0]  }
0x138: {  	[tilespmem:$0x790] =	vst v57;
	v62 =	vld [tilespmem:$0x3E0]  }
0x139: {  	[tilespmem:$0x7A0] =	vst v58;
	v63 =	vld [tilespmem:$0x3F0]  }
.Ltmp2:
0x13a: {  	[tilespmem:$0x7B0] =	vst v59;
	(pc) =	sbr.rel .LBB2_2-.Ltmp2, $4  }
0x13b: {  	[tilespmem:$0x7C0] =	vst v60  }
0x13c: {  	[tilespmem:$0x7D0] =	vst v61  }
0x13d: {  	[tilespmem:$0x7E0] =	vst v62  }
0x13e: {  	p0 =	por $0x1, $0x1;
	s25 =	simm.s32 $0xF4248;
	[tilespmem:$0x7F0] =	vst v63  }
.LBB2_4:
0x13f: {  	v0 =	vld [tilespmem:$0x1200];
	_ =	sdelay $0x4  }
0x140: {  	(v2sf) =	vpush v0, $0x0;
	_ =	sdelay $0xe  }
0x141: {  	s26 =	spop (v2sf)  }
0x142: {  	s25 =	sadd.s32 $0x1, s25;
	p1 =	sne.s32 s26, $0x0  }
0x143: {  	p0 =	por !p0, !p1;
	p1 =	sne.s32 s25, $0xF4254  }
.Ltmp3:
0x144: {  	_ = 	snop;
	(pc) =	sbr.rel @!p1 .LBB2_5-.Ltmp3, $2  }
0x145: {  	_ =	sdelay $0x2  }
0x146: {  	p0 =	por !p0, !p0  }
.LBB2_2:
.Ltmp4:
0x147: {  	(pc) =	sbr.rel @!p0 .LBB2_4-.Ltmp4, $1  }
0x148: {  	_ =	sdelay $0x3  }
0x149: {  	s26 =	simm.s32 $0x400;
	s28 =	simm.s32 $0x800  }
0x14a: {  	[spmem:s2] =	stream.indirect.scatter [tilespmem:s28], [sflag:$0x1], $0x1, s26, s15, $0xb8;
	[tilespmem:$0x18828] =	vst v63  }
0x14b: {  	s26 =	simm.s32 $0x480;
	s28 =	simm.s32 $0x880  }
0x14c: {  	[spmem:s2] =	stream.indirect.scatter [tilespmem:s28], [sflag:$0x1], $0x1, s26, s15, $0xb8;
	[tilespmem:$0x18828] =	vst v63  }
0x14d: {  	s26 =	simm.s32 $0x500;
	s28 =	simm.s32 $0x900  }
0x14e: {  	[spmem:s2] =	stream.indirect.scatter [tilespmem:s28], [sflag:$0x1], $0x1, s26, s15, $0xb8;
	[tilespmem:$0x18828] =	vst v63  }
0x14f: {  	s26 =	simm.s32 $0x580;
	s28 =	simm.s32 $0x980  }
0x150: {  	[spmem:s2] =	stream.indirect.scatter [tilespmem:s28], [sflag:$0x1], $0x1, s26, s15, $0xb8;
	[tilespmem:$0x18828] =	vst v63  }
0x151: {  	s28 =	simm.s32 $0x600  }
0x152: {  	[spmem:s2] =	stream.indirect.scatter [tilespmem:s29], [sflag:$0x1], $0x1, s28, s15, $0xb8;
	[tilespmem:$0x18828] =	vst v63  }
0x153: {  	_ = 	snop  }
0x154: {  	[spmem:s2] =	stream.indirect.scatter [tilespmem:s31], [sflag:$0x1], $0x1, s30, s15, $0xb8;
	[tilespmem:$0x18828] =	vst v63  }
0x155: {  	_ = 	snop  }
0x156: {  	[spmem:s2] =	stream.indirect.scatter [tilespmem:s3], [sflag:$0x1], $0x1, s0, s15, $0xb8;
	[tilespmem:$0x18828] =	vst v63  }
0x157: {  	_ = 	snop  }
0x158: {  	[spmem:s2] =	stream.indirect.scatter [tilespmem:s17], [sflag:$0x1], $0x1, s16, s15, $0xb8;
	[tilespmem:$0x18828] =	vst v63  }
0x159: {  	_ =	swait.ge [sflag:s18], $0x80  }
0x15a: {  	[sflag:s18] =	ssyncset.done $0x0  }
0x15b: {  	[sflag:s18] =	ssyncadd.s32 $0xFFFFFF80  }
0x15c: {  	_ =	swait.ge [sflag:s18], $0x80  }
0x15d: {  	[sflag:s18] =	ssyncset.done $0x0  }
0x15e: {  	[sflag:s18] =	ssyncadd.s32 $0xFFFFFF80  }
0x15f: {  	_ =	swait.ge [sflag:s18], $0x80  }
0x160: {  	[sflag:s18] =	ssyncset.done $0x0  }
0x161: {  	[sflag:s18] =	ssyncadd.s32 $0xFFFFFF80  }
0x162: {  	_ =	swait.ge [sflag:s18], $0x80  }
0x163: {  	[sflag:s18] =	ssyncset.done $0x0  }
0x164: {  	[sflag:s18] =	ssyncadd.s32 $0xFFFFFF80  }
0x165: {  	_ =	swait.ge [sflag:s18], $0x80  }
0x166: {  	[sflag:s18] =	ssyncset.done $0x0  }
0x167: {  	[sflag:s18] =	ssyncadd.s32 $0xFFFFFF80  }
0x168: {  	_ =	swait.ge [sflag:s18], $0x80  }
0x169: {  	[sflag:s18] =	ssyncset.done $0x0  }
0x16a: {  	[sflag:s18] =	ssyncadd.s32 $0xFFFFFF80  }
0x16b: {  	_ =	swait.ge [sflag:s18], $0x80  }
0x16c: {  	[sflag:s18] =	ssyncset.done $0x0  }
0x16d: {  	[sflag:s18] =	ssyncadd.s32 $0xFFFFFF80  }
0x16e: {  	_ =	swait.ge [sflag:s18], $0x80  }
0x16f: {  	[sflag:s18] =	ssyncset.done $0x0  }
0x170: {  	[sflag:s18] =	ssyncadd.s32 $0xFFFFFF80  }
0x171: {  	[bflag:$0x0] =	sbarrier.arrive $0xFFFF  }
0x172: {  	[tilespmem:s5], [sflag:$0x1] =	stream.indirect.gather [spmem:s2], $0x1, s4, s15, $0xb8;
	[tilespmem:$0x18828] =	vst v63  }
0x173: {  	_ = 	snop  }
0x174: {  	[tilespmem:s7], [sflag:$0x1] =	stream.indirect.gather [spmem:s2], $0x1, s15, s15, $0xb8;
	[tilespmem:$0x18828] =	vst v63  }
0x175: {  	_ = 	snop  }
0x176: {  	[tilespmem:s9], [sflag:$0x1] =	stream.indirect.gather [spmem:s2], $0x1, s8, s15, $0xb8;
	[tilespmem:$0x18828] =	vst v63  }
0x177: {  	_ = 	snop  }
0x178: {  	[tilespmem:s11], [sflag:$0x1] =	stream.indirect.gather [spmem:s2], $0x1, s10, s15, $0xb8;
	[tilespmem:$0x18828] =	vst v63  }
0x179: {  	_ = 	snop  }
0x17a: {  	[tilespmem:s13], [sflag:$0x1] =	stream.indirect.gather [spmem:s2], $0x1, s12, s15, $0xb8;
	[tilespmem:$0x18828] =	vst v63  }
0x17b: {  	_ = 	snop  }
0x17c: {  	[tilespmem:s6], [sflag:$0x1] =	stream.indirect.gather [spmem:s2], $0x1, s14, s15, $0xb8;
	[tilespmem:$0x18828] =	vst v63  }
0x17d: {  	_ = 	snop  }
0x17e: {  	[tilespmem:s19], [sflag:$0x1] =	stream.indirect.gather [spmem:s2], $0x1, s1, s15, $0xb8;
	[tilespmem:$0x18828] =	vst v63  }
0x17f: {  	_ = 	snop  }
0x180: {  	[tilespmem:s21], [sflag:$0x1] =	stream.indirect.gather [spmem:s2], $0x1, s20, s15, $0xb8;
	[tilespmem:$0x18828] =	vst v63  }
0x181: {  	_ =	swait.ge [sflag:s18], $0x80  }
0x182: {  	[sflag:s18] =	ssyncset.done $0x0  }
0x183: {  	[sflag:s18] =	ssyncadd.s32 $0xFFFFFF80  }
0x184: {  	_ =	swait.ge [sflag:s18], $0x80  }
0x185: {  	[sflag:s18] =	ssyncset.done $0x0  }
0x186: {  	[sflag:s18] =	ssyncadd.s32 $0xFFFFFF80  }
0x187: {  	_ =	swait.ge [sflag:s18], $0x80  }
0x188: {  	[sflag:s18] =	ssyncset.done $0x0  }
0x189: {  	[sflag:s18] =	ssyncadd.s32 $0xFFFFFF80  }
0x18a: {  	_ =	swait.ge [sflag:s18], $0x80  }
0x18b: {  	[sflag:s18] =	ssyncset.done $0x0  }
0x18c: {  	[sflag:s18] =	ssyncadd.s32 $0xFFFFFF80  }
0x18d: {  	_ =	swait.ge [sflag:s18], $0x80  }
0x18e: {  	[sflag:s18] =	ssyncset.done $0x0  }
0x18f: {  	[sflag:s18] =	ssyncadd.s32 $0xFFFFFF80  }
0x190: {  	_ =	swait.ge [sflag:s18], $0x80  }
0x191: {  	[sflag:s18] =	ssyncset.done $0x0  }
0x192: {  	[sflag:s18] =	ssyncadd.s32 $0xFFFFFF80  }
0x193: {  	_ =	swait.ge [sflag:s18], $0x80  }
0x194: {  	[sflag:s18] =	ssyncset.done $0x0  }
0x195: {  	[sflag:s18] =	ssyncadd.s32 $0xFFFFFF80  }
0x196: {  	_ =	swait.ge [sflag:s18], $0x80  }
0x197: {  	[sflag:s18] =	ssyncset.done $0x0  }
0x198: {  	[sflag:s18] =	ssyncadd.s32 $0xFFFFFF80  }
0x199: {  	v63 =	vld [tilespmem:$0x150];
	_ =	sdelay $0x4  }
0x19a: {  	[tilespmem:$0x1F770] =	vst v63;
	v63 =	vld [tilespmem:$0x960];
	_ =	sdelay $0x4  }
0x19b: {  	[tilespmem:$0x1F750] =	vst v63;
	v63 =	vld [tilespmem:$0xD60];
	_ =	sdelay $0x4  }
0x19c: {  	[tilespmem:$0x1F760] =	vst v63;
	v63 =	vld [tilespmem:$0x160];
	_ =	sdelay $0x4  }
0x19d: {  	[tilespmem:$0x1F7A0] =	vst v63;
	v63 =	vld [tilespmem:$0x970];
	_ =	sdelay $0x4  }
0x19e: {  	[tilespmem:$0x1F780] =	vst v63;
	v63 =	vld [tilespmem:$0xD70];
	_ =	sdelay $0x4  }
0x19f: {  	[tilespmem:$0x1F790] =	vst v63;
	v63 =	vld [tilespmem:$0x170];
	_ =	sdelay $0x4  }
0x1a0: {  	[tilespmem:$0x1F7D0] =	vst v63;
	v63 =	vld [tilespmem:$0x980];
	_ =	sdelay $0x4  }
0x1a1: {  	[tilespmem:$0x1F7B0] =	vst v63;
	v63 =	vld [tilespmem:$0xD80];
	_ =	sdelay $0x4  }
0x1a2: {  	[tilespmem:$0x1F7C0] =	vst v63;
	v63 =	vld [tilespmem:$0x180];
	_ =	sdelay $0x4  }
0x1a3: {  	[tilespmem:$0x1F800] =	vst v63;
	v63 =	vld [tilespmem:$0x990];
	_ =	sdelay $0x4  }
0x1a4: {  	[tilespmem:$0x1F7E0] =	vst v63;
	v63 =	vld [tilespmem:$0xD90];
	_ =	sdelay $0x4  }
0x1a5: {  	[tilespmem:$0x1F7F0] =	vst v63;
	v63 =	vld [tilespmem:$0x190];
	_ =	sdelay $0x4  }
0x1a6: {  	[tilespmem:$0x1F830] =	vst v63;
	v63 =	vld [tilespmem:$0x9A0];
	_ =	sdelay $0x4  }
0x1a7: {  	[tilespmem:$0x1F810] =	vst v63;
	v63 =	vld [tilespmem:$0xDA0];
	_ =	sdelay $0x4  }
0x1a8: {  	[tilespmem:$0x1F820] =	vst v63;
	v63 =	vld [tilespmem:$0x1A0];
	_ =	sdelay $0x4  }
0x1a9: {  	[tilespmem:$0x1F860] =	vst v63;
	v63 =	vld [tilespmem:$0x9B0];
	_ =	sdelay $0x4  }
0x1aa: {  	[tilespmem:$0x1F840] =	vst v63;
	v63 =	vld [tilespmem:$0xDB0];
	_ =	sdelay $0x4  }
0x1ab: {  	[tilespmem:$0x1F850] =	vst v63;
	v63 =	vld [tilespmem:$0x1B0];
	_ =	sdelay $0x4  }
0x1ac: {  	[tilespmem:$0x1F890] =	vst v63;
	v63 =	vld [tilespmem:$0x9C0];
	_ =	sdelay $0x4  }
0x1ad: {  	[tilespmem:$0x1F870] =	vst v63;
	v63 =	vld [tilespmem:$0xDC0];
	_ =	sdelay $0x4  }
0x1ae: {  	[tilespmem:$0x1F880] =	vst v63;
	v63 =	vld [tilespmem:$0x1C0];
	_ =	sdelay $0x3  }
0x1af: {  	v6 =	vld [tilespmem:$0x800]  }
0x1b0: {  	[tilespmem:$0x1F8C0] =	vst v63;
	v63 =	vld [tilespmem:$0x9D0]  }
0x1b1: {  	v4 =	vld [tilespmem:$0xC00]  }
0x1b2: {  	v8 =	vld [tilespmem:$0x0]  }
0x1b3: {  	v5 =	vld [tilespmem:$0x810]  }
0x1b4: {  	v0 =	vld [tilespmem:$0xC10]  }
0x1b5: {  	[tilespmem:$0x1F8A0] =	vst v63;
	v63 =	vld [tilespmem:$0xDD0]  }
0x1b6: {  	v10 =	vld [tilespmem:$0x10]  }
0x1b7: {  	v2 =	vld [tilespmem:$0x820]  }
0x1b8: {  	v1 =	vld [tilespmem:$0xC20]  }
0x1b9: {  	v14 =	vld [tilespmem:$0x20]  }
0x1ba: {  	[tilespmem:$0x1F8B0] =	vst v63;
	v63 =	vld [tilespmem:$0x1D0]  }
0x1bb: {  	v7 =	vld [tilespmem:$0x830]  }
0x1bc: {  	v3 =	vld [tilespmem:$0xC30]  }
0x1bd: {  	v16 =	vld [tilespmem:$0x30]  }
0x1be: {  	v11 =	vld [tilespmem:$0x840]  }
0x1bf: {  	[tilespmem:$0x1F8F0] =	vst v63;
	v63 =	vld [tilespmem:$0x9E0]  }
0x1c0: {  	v9 =	vld [tilespmem:$0xC40]  }
0x1c1: {  	v20 =	vld [tilespmem:$0x40]  }
0x1c2: {  	v13 =	vld [tilespmem:$0x850]  }
0x1c3: {  	v12 =	vld [tilespmem:$0xC50]  }
0x1c4: {  	[tilespmem:$0x1F8D0] =	vst v63;
	v63 =	vld [tilespmem:$0xDE0]  }
0x1c5: {  	v22 =	vld [tilespmem:$0x50]  }
0x1c6: {  	v17 =	vld [tilespmem:$0x860]  }
0x1c7: {  	v15 =	vld [tilespmem:$0xC60]  }
0x1c8: {  	v26 =	vld [tilespmem:$0x60]  }
0x1c9: {  	[tilespmem:$0x1F8E0] =	vst v63;
	v63 =	vld [tilespmem:$0x1E0]  }
0x1ca: {  	v19 =	vld [tilespmem:$0x870]  }
0x1cb: {  	v18 =	vld [tilespmem:$0xC70]  }
0x1cc: {  	v28 =	vld [tilespmem:$0x70]  }
0x1cd: {  	v23 =	vld [tilespmem:$0x880]  }
0x1ce: {  	[tilespmem:$0x1F920] =	vst v63;
	v63 =	vld [tilespmem:$0x9F0]  }
0x1cf: {  	v21 =	vld [tilespmem:$0xC80]  }
0x1d0: {  	v55 =	vld [tilespmem:$0x80]  }
0x1d1: {  	v25 =	vld [tilespmem:$0x890]  }
0x1d2: {  	v24 =	vld [tilespmem:$0xC90]  }
0x1d3: {  	[tilespmem:$0x1F900] =	vst v63;
	v63 =	vld [tilespmem:$0xDF0]  }
0x1d4: {  	v46 =	vld [tilespmem:$0x90]  }
0x1d5: {  	v29 =	vld [tilespmem:$0x8A0]  }
0x1d6: {  	v27 =	vld [tilespmem:$0xCA0]  }
0x1d7: {  	v61 =	vld [tilespmem:$0xA0]  }
0x1d8: {  	[tilespmem:$0x1F910] =	vst v63;
	v63 =	vld [tilespmem:$0x1F0]  }
0x1d9: {  	v31 =	vld [tilespmem:$0x8B0]  }
0x1da: {  	v30 =	vld [tilespmem:$0xCB0]  }
0x1db: {  	v37 =	vld [tilespmem:$0xB0]  }
0x1dc: {  	v33 =	vld [tilespmem:$0x8C0]  }
0x1dd: {  	[tilespmem:$0x1F950] =	vst v63;
	v63 =	vld [tilespmem:$0xA00]  }
0x1de: {  	v32 =	vld [tilespmem:$0xCC0]  }
0x1df: {  	v41 =	vld [tilespmem:$0xC0]  }
0x1e0: {  	v35 =	vld [tilespmem:$0x8D0]  }
0x1e1: {  	v34 =	vld [tilespmem:$0xCD0]  }
0x1e2: {  	[tilespmem:$0x1F930] =	vst v63;
	v63 =	vld [tilespmem:$0xE00]  }
0x1e3: {  	v43 =	vld [tilespmem:$0xD0]  }
0x1e4: {  	v38 =	vld [tilespmem:$0x8E0]  }
0x1e5: {  	v36 =	vld [tilespmem:$0xCE0]  }
0x1e6: {  	v47 =	vld [tilespmem:$0xE0]  }
0x1e7: {  	[tilespmem:$0x1F940] =	vst v63;
	v63 =	vld [tilespmem:$0x200]  }
0x1e8: {  	v40 =	vld [tilespmem:$0x8F0]  }
0x1e9: {  	v39 =	vld [tilespmem:$0xCF0]  }
0x1ea: {  	v51 =	vld [tilespmem:$0xF0]  }
0x1eb: {  	v44 =	vld [tilespmem:$0x900]  }
0x1ec: {  	[tilespmem:$0x1F980] =	vst v63;
	v63 =	vld [tilespmem:$0xA10]  }
0x1ed: {  	v42 =	vld [tilespmem:$0xD00]  }
0x1ee: {  	v53 =	vld [tilespmem:$0x100]  }
0x1ef: {  	v48 =	vld [tilespmem:$0x910]  }
0x1f0: {  	v45 =	vld [tilespmem:$0xD10]  }
0x1f1: {  	[tilespmem:$0x1F960] =	vst v63;
	v63 =	vld [tilespmem:$0xE10]  }
0x1f2: {  	v58 =	vld [tilespmem:$0x110]  }
0x1f3: {  	v50 =	vld [tilespmem:$0x920]  }
0x1f4: {  	v49 =	vld [tilespmem:$0xD20]  }
0x1f5: {  	v62 =	vld [tilespmem:$0x120]  }
0x1f6: {  	[tilespmem:$0x1F970] =	vst v63;
	v63 =	vld [tilespmem:$0x210]  }
0x1f7: {  	v54 =	vld [tilespmem:$0x930]  }
0x1f8: {  	v52 =	vld [tilespmem:$0xD30]  }
0x1f9: {  	v56 =	vld [tilespmem:$0x130]  }
0x1fa: {  	v59 =	vld [tilespmem:$0x140]  }
0x1fb: {  	[tilespmem:$0x1F9B0] =	vst v63;
	v63 =	vld [tilespmem:$0xA20]  }
0x1fc: {  	v57 =	vld [tilespmem:$0x940]  }
0x1fd: {  	v60 =	vld [tilespmem:$0x950]  }
0x1fe: {  	[tilespmem:$0x1F730] =	vst v56;
	v56 =	vld [tilespmem:$0xD40]  }
0x1ff: {  	[tilespmem:$0x1F740] =	vst v59;
	v59 =	vld [tilespmem:$0xD50]  }
0x200: {  	[tilespmem:$0x1F990] =	vst v63;
	v63 =	vld [tilespmem:$0xE20]  }
0x201: {  	vm0 =	vgt.s32 v6, v4;
	v6 =	vld [tilespmem:$0x2C0]  }
0x202: {  	vm10 =	vgt.s32 v11, v9;
	v11 =	vld [tilespmem:$0xED0]  }
0x203: {  	vm12 =	vgt.s32 v17, v15;
	v17 =	vld [tilespmem:$0xAE0]  }
0x204: {  	v9 =	vld [tilespmem:$0x300]  }
0x205: {  	[tilespmem:$0x1F9A0] =	vst v63;
	v63 =	vld [tilespmem:$0x220]  }
0x206: {  	vm2 =	vgt.s32 v2, v1;
	v1 =	vld [tilespmem:$0xF10]  }
0x207: {  	v2 =	vld [tilespmem:$0xB20]  }
0x208: {  	v4 =	vld [tilespmem:$0xF20]  }
0x209: {  	vm3 =	vgt.s32 v7, v3;
	v3 =	vld [tilespmem:$0x320]  }
0x20a: {  	[tilespmem:$0x1F9E0] =	vst v63;
	v63 =	vld [tilespmem:$0xA30]  }
0x20b: {  	vm1 =	vgt.s32 v5, v0;
	v0 =	vnsel vm0, $0xF4240, v8;
	v8 =	vld [tilespmem:$0xEC0]  }
0x20c: {  	vm11 =	vgt.s32 v13, v12;
	v7 =	vnsel vm2, $0xF4240, v14;
	v14 =	vld [tilespmem:$0x2D0]  }
0x20d: {  	v5 =	vnsel vm1, $0xF4240, v10;
	v10 =	vnsel vm3, $0xF4240, v16;
	v16 =	vnsel vm11, $0xF4240, v22;
	v22 =	vld [tilespmem:$0xEE0]  }
0x20e: {  	v13 =	vnsel vm10, $0xF4240, v20;
	v20 =	vnsel vm12, $0xF4240, v26;
	v26 =	vld [tilespmem:$0x2E0]  }
0x20f: {  	vm13 =	vgt.s32 v19, v18;
	vm14 =	vgt.s32 v23, v21;
	[tilespmem:$0x1F9C0] =	vst v63;
	v63 =	vld [tilespmem:$0xE30]  }
0x210: {  	vm15 =	vgt.s32 v25, v24;
	v23 =	vnsel vm13, $0xF4240, v28;
	v28 =	vnsel vm14, $0xF4240, v55;
	v55 =	vld [tilespmem:$0xAF0]  }
0x211: {  	vm6 =	vgt.s32 v29, v27;
	v29 =	vnsel vm15, $0xF4240, v46;
	v46 =	vld [tilespmem:$0xEF0]  }
0x212: {  	vm7 =	vgt.s32 v31, v30;
	v31 =	vnsel vm6, $0xF4240, v61;
	v61 =	vld [tilespmem:$0x2F0]  }
0x213: {  	[tilespmem:$0x410] =	vst v5;
	v5 =	vld [tilespmem:$0xB10]  }
0x214: {  	[tilespmem:$0x1F9D0] =	vst v63;
	v63 =	vld [tilespmem:$0x230]  }
0x215: {  	[tilespmem:$0x400] =	vst v0;
	v0 =	vld [tilespmem:$0x310]  }
0x216: {  	[tilespmem:$0x430] =	vst v10;
	v10 =	vld [tilespmem:$0xB40]  }
0x217: {  	[tilespmem:$0x440] =	vst v13;
	v13 =	vld [tilespmem:$0xF40]  }
0x218: {  	[tilespmem:$0x450] =	vst v16;
	v16 =	vld [tilespmem:$0xB50]  }
0x219: {  	vm0 =	vmor vm0, vm1;
	[tilespmem:$0x1FA10] =	vst v63;
	v63 =	vld [tilespmem:$0xA40]  }
0x21a: {  	vm0 =	vmor vm0, vm2;
	[tilespmem:$0x1FBA0] =	vst v11;
	v11 =	vld [tilespmem:$0xF00]  }
0x21b: {  	vm0 =	vmor vm0, vm3;
	[tilespmem:$0x1FBB0] =	vst v6;
	v6 =	vld [tilespmem:$0xB30]  }
0x21c: {  	vm0 =	vmor vm0, vm10;
	[tilespmem:$0x1FBC0] =	vst v17;
	v17 =	vld [tilespmem:$0xF50]  }
0x21d: {  	vm0 =	vmor vm0, vm11;
	[tilespmem:$0x1FB70] =	vst v8;
	v8 =	vld [tilespmem:$0xAD0]  }
0x21e: {  	vm0 =	vmor vm0, vm12;
	[tilespmem:$0x1F9F0] =	vst v63;
	v63 =	vld [tilespmem:$0xE40]  }
0x21f: {  	[tilespmem:$0x1FBE0] =	vst v14;
	v14 =	vld [tilespmem:$0xB00];
	vm0 =	vmor vm0, vm13  }
0x220: {  	vm13 =	vgt.s32 v48, v45;
	v45 =	vld [tilespmem:$0x1F730];
	vm0 =	vmor vm0, vm14  }
0x221: {  	vm0 =	vmor vm0, vm15;
	vm15 =	vgt.s32 v54, v52;
	v52 =	vld [tilespmem:$0x1F770]  }
0x222: {  	vm8 =	vgt.s32 v33, v32;
	v48 =	vld [tilespmem:$0x1F740]  }
0x223: {  	v33 =	vnsel vm7, $0xF4240, v37;
	v37 =	vnsel vm8, $0xF4240, v41;
	[tilespmem:$0x1FA00] =	vst v63;
	v63 =	vld [tilespmem:$0x240]  }
0x224: {  	vm11 =	vgt.s32 v40, v39;
	vm14 =	vgt.s32 v50, v49;
	v50 =	vld [tilespmem:$0x1F750];
	vm0 =	vmor vm0, vm6  }
0x225: {  	[tilespmem:$0x420] =	vst v7;
	v41 =	vnsel vm11, $0xF4240, v51;
	vm0 =	vmor vm0, vm7;
	vm7 =	vgt.s32 v60, v59;
	v51 =	vld [tilespmem:$0x1F760]  }
0x226: {  	[tilespmem:$0x1FB90] =	vst v8;
	v8 =	vld [tilespmem:$0xF30];
	v7 =	vnsel vm7, $0xF4240, v52  }
0x227: {  	[tilespmem:$0x550] =	vst v7;
	v7 =	vld [tilespmem:$0x330]  }
0x228: {  	[tilespmem:$0x1FA40] =	vst v63;
	v63 =	vld [tilespmem:$0xA50]  }
0x229: {  	vm12 =	vgt.s32 v44, v42;
	vm6 =	vgt.s32 v57, v56;
	v56 =	vld [tilespmem:$0x1F7A0]  }
0x22a: {  	v42 =	vnsel vm12, $0xF4240, v53;
	v53 =	vld [tilespmem:$0x1F780]  }
0x22b: {  	vm9 =	vgt.s32 v35, v34;
	v54 =	vld [tilespmem:$0x1F790]  }
0x22c: {  	vm10 =	vgt.s32 v38, v36;
	v38 =	vnsel vm9, $0xF4240, v43;
	v43 =	vnsel vm13, $0xF4240, v58;
	v58 =	vld [tilespmem:$0x1F7B0]  }
0x22d: {  	[tilespmem:$0x1FA20] =	vst v63;
	v63 =	vld [tilespmem:$0xE50]  }
0x22e: {  	v59 =	vld [tilespmem:$0x1F7C0]  }
0x22f: {  	[tilespmem:$0x460] =	vst v20;
	v20 =	vld [tilespmem:$0x1F800]  }
0x230: {  	v60 =	vld [tilespmem:$0x1F7D0]  }
0x231: {  	vm0 =	vmor vm0, vm8;
	v18 =	vld [tilespmem:$0x1F7E0]  }
0x232: {  	vm0 =	vmor vm0, vm9;
	[tilespmem:$0x1FA30] =	vst v63;
	v63 =	vld [tilespmem:$0x250]  }
0x233: {  	v40 =	vnsel vm10, $0xF4240, v47;
	vm0 =	vmor vm0, vm10;
	vm10 =	vgt.s32 v58, v59;
	v19 =	vld [tilespmem:$0x1F7F0]  }
0x234: {  	v12 =	vnsel vm10, $0xF4240, v20;
	v20 =	vld [tilespmem:$0xF60]  }
0x235: {  	[tilespmem:$0x580] =	vst v12;
	v12 =	vld [tilespmem:$0x340]  }
0x236: {  	[tilespmem:$0x470] =	vst v23;
	v23 =	vld [tilespmem:$0x1F830]  }
0x237: {  	[tilespmem:$0x1FA70] =	vst v63;
	v63 =	vld [tilespmem:$0xA60]  }
0x238: {  	vm0 =	vmor vm0, vm11;
	vm11 =	vgt.s32 v18, v19;
	v18 =	vld [tilespmem:$0x350]  }
0x239: {  	v19 =	vld [tilespmem:$0xB60]  }
0x23a: {  	v21 =	vld [tilespmem:$0x1F810]  }
0x23b: {  	[tilespmem:$0x1FBD0] =	vst v22;
	v22 =	vld [tilespmem:$0x1F820]  }
0x23c: {  	[tilespmem:$0x1FA50] =	vst v63;
	v63 =	vld [tilespmem:$0xE60]  }
0x23d: {  	v24 =	vnsel vm11, $0xF4240, v23;
	v23 =	vld [tilespmem:$0xF70]  }
0x23e: {  	[tilespmem:$0x590] =	vst v24;
	v24 =	vld [tilespmem:$0x370]  }
0x23f: {  	v27 =	vld [tilespmem:$0x1F860]  }
0x240: {  	vm0 =	vmor vm0, vm12;
	vm12 =	vgt.s32 v21, v22;
	v21 =	vld [tilespmem:$0x360]  }
0x241: {  	[tilespmem:$0x1FA60] =	vst v63;
	v63 =	vld [tilespmem:$0x260]  }
0x242: {  	v25 =	vld [tilespmem:$0x1F840]  }
0x243: {  	[tilespmem:$0x1FBF0] =	vst v26;
	v26 =	vld [tilespmem:$0x1F850]  }
0x244: {  	v22 =	vld [tilespmem:$0xB70]  }
0x245: {  	v15 =	vnsel vm12, $0xF4240, v27;
	v27 =	vld [tilespmem:$0x380]  }
0x246: {  	[tilespmem:$0x1FAA0] =	vst v63;
	v63 =	vld [tilespmem:$0xA70]  }
0x247: {  	v30 =	vld [tilespmem:$0x1F890]  }
0x248: {  	vm0 =	vmor vm0, vm13;
	vm13 =	vgt.s32 v25, v26;
	v25 =	vld [tilespmem:$0xB80]  }
0x249: {  	v26 =	vld [tilespmem:$0xF80]  }
0x24a: {  	[tilespmem:$0x480] =	vst v28;
	v28 =	vld [tilespmem:$0x1F870]  }
0x24b: {  	[tilespmem:$0x1FA80] =	vst v63;
	v63 =	vld [tilespmem:$0xE70]  }
0x24c: {  	[tilespmem:$0x5A0] =	vst v15;
	v15 =	vnsel vm13, $0xF4240, v30;
	v30 =	vld [tilespmem:$0x390]  }
0x24d: {  	[tilespmem:$0x490] =	vst v29;
	v29 =	vld [tilespmem:$0x1F880]  }
0x24e: {  	[tilespmem:$0x4B0] =	vst v33;
	v33 =	vld [tilespmem:$0x1F8C0]  }
0x24f: {  	[tilespmem:$0x4A0] =	vst v31;
	v31 =	vld [tilespmem:$0x1F8A0]  }
0x250: {  	[tilespmem:$0x1FA90] =	vst v63;
	v63 =	vld [tilespmem:$0x270]  }
0x251: {  	v32 =	vld [tilespmem:$0x1F8B0]  }
0x252: {  	v44 =	vnsel vm14, $0xF4240, v62;
	vm0 =	vmor vm0, vm14;
	vm14 =	vgt.s32 v28, v29;
	v28 =	vld [tilespmem:$0xB90]  }
0x253: {  	v29 =	vld [tilespmem:$0xF90]  }
0x254: {  	v36 =	vld [tilespmem:$0x1F8F0]  }
0x255: {  	[tilespmem:$0x1FAD0] =	vst v63;
	v63 =	vld [tilespmem:$0xA80]  }
0x256: {  	v47 =	vnsel vm15, $0xF4240, v45;
	vm0 =	vmor vm0, vm15;
	vm15 =	vgt.s32 v31, v32;
	v31 =	vld [tilespmem:$0xBA0]  }
0x257: {  	v34 =	vld [tilespmem:$0x1F8D0]  }
0x258: {  	v35 =	vld [tilespmem:$0x1F8E0]  }
0x259: {  	v39 =	vld [tilespmem:$0x1F920]  }
0x25a: {  	[tilespmem:$0x1FAB0] =	vst v63;
	v63 =	vld [tilespmem:$0xE80]  }
0x25b: {  	[tilespmem:$0x4C0] =	vst v37;
	v37 =	vld [tilespmem:$0x1F900]  }
0x25c: {  	[tilespmem:$0x4D0] =	vst v38;
	v38 =	vld [tilespmem:$0x1F910]  }
0x25d: {  	[tilespmem:$0x500] =	vst v42;
	v42 =	vld [tilespmem:$0x1F950]  }
0x25e: {  	[tilespmem:$0x4E0] =	vst v40;
	v40 =	vld [tilespmem:$0x1F930]  }
0x25f: {  	[tilespmem:$0x1FAC0] =	vst v63;
	v63 =	vld [tilespmem:$0x280]  }
0x260: {  	[tilespmem:$0x4F0] =	vst v41;
	v41 =	vld [tilespmem:$0x1F940]  }
0x261: {  	[tilespmem:$0x510] =	vst v43;
	v45 =	vld [tilespmem:$0x1F980]  }
0x262: {  	[tilespmem:$0x520] =	vst v44;
	v43 =	vld [tilespmem:$0x1F960]  }
0x263: {  	[tilespmem:$0x530] =	vst v47;
	v44 =	vld [tilespmem:$0x1F970]  }
0x264: {  	v49 =	vnsel vm6, $0xF4240, v48;
	[tilespmem:$0x1FB00] =	vst v63;
	v63 =	vld [tilespmem:$0xA90]  }
0x265: {  	[tilespmem:$0x540] =	vst v49;
	vm0 =	vmor vm0, vm6;
	v49 =	vld [tilespmem:$0x1F9B0]  }
0x266: {  	vm8 =	vgt.s32 v50, v51;
	vm0 =	vmor vm0, vm7;
	[tilespmem:$0x5B0] =	vst v15;
	v15 =	vnsel vm14, $0xF4240, v33;
	v47 =	vld [tilespmem:$0x1F990]  }
0x267: {  	vm0 =	vmor vm0, vm8;
	vm9 =	vgt.s32 v53, v54;
	[tilespmem:$0x5C0] =	vst v15;
	v15 =	vnsel vm15, $0xF4240, v36;
	v48 =	vld [tilespmem:$0x1F9A0]  }
0x268: {  	v57 =	vnsel vm8, $0xF4240, v56;
	vm0 =	vmor vm0, vm9;
	[tilespmem:$0x5D0] =	vst v15;
	vm6 =	vgt.s32 v34, v35;
	v52 =	vld [tilespmem:$0x1F9E0]  }
0x269: {  	v62 =	vnsel vm9, $0xF4240, v60;
	v15 =	vnsel vm6, $0xF4240, v39;
	vm7 =	vgt.s32 v37, v38;
	[tilespmem:$0x1FAE0] =	vst v63;
	v63 =	vld [tilespmem:$0xE90]  }
0x26a: {  	vm0 =	vmor vm0, vm10;
	[tilespmem:$0x5E0] =	vst v15;
	v15 =	vnsel vm7, $0xF4240, v42;
	vm8 =	vgt.s32 v40, v41;
	v50 =	vld [tilespmem:$0x1F9C0]  }
0x26b: {  	vm0 =	vmor vm0, vm11;
	[tilespmem:$0x5F0] =	vst v15;
	v15 =	vnsel vm8, $0xF4240, v45;
	vm9 =	vgt.s32 v43, v44;
	v51 =	vld [tilespmem:$0x1F9D0]  }
0x26c: {  	vm0 =	vmor vm0, vm12;
	[tilespmem:$0x600] =	vst v15;
	v15 =	vnsel vm9, $0xF4240, v49;
	v49 =	vld [tilespmem:$0x1FB70]  }
0x26d: {  	vm0 =	vmor vm0, vm13;
	v56 =	vld [tilespmem:$0x1FA10]  }
0x26e: {  	vm0 =	vmor vm0, vm14;
	vm10 =	vgt.s32 v47, v48;
	[tilespmem:$0x1FAF0] =	vst v63;
	v63 =	vld [tilespmem:$0x290]  }
0x26f: {  	vm0 =	vmor vm0, vm15;
	[tilespmem:$0x610] =	vst v15;
	v15 =	vnsel vm10, $0xF4240, v52;
	v52 =	vld [tilespmem:$0x1FBA0]  }
0x270: {  	vm0 =	vmor vm0, vm6;
	vm11 =	vgt.s32 v50, v51;
	v51 =	vld [tilespmem:$0x1FB90]  }
0x271: {  	vm0 =	vmor vm0, vm7;
	v53 =	vld [tilespmem:$0x1F9F0]  }
0x272: {  	vm0 =	vmor vm0, vm8;
	[tilespmem:$0x620] =	vst v15;
	v15 =	vnsel vm11, $0xF4240, v56;
	v56 =	vld [tilespmem:$0x1FBD0]  }
0x273: {  	vm0 =	vmor vm0, vm9;
	[tilespmem:$0x1FB30] =	vst v63;
	v63 =	vld [tilespmem:$0xAA0]  }
0x274: {  	vm0 =	vmor vm0, vm10;
	v54 =	vld [tilespmem:$0x1FA00]  }
0x275: {  	vm0 =	vmor vm0, vm11;
	vm11 =	vgt.s32 v55, v46;
	v46 =	vld [tilespmem:$0xBE0]  }
0x276: {  	vm9 =	vgt.s32 v51, v52;
	v52 =	vld [tilespmem:$0xBF0]  }
0x277: {  	v59 =	vld [tilespmem:$0x1FA40]  }
0x278: {  	[tilespmem:$0x1FB10] =	vst v63;
	v63 =	vld [tilespmem:$0xEA0]  }
0x279: {  	vm12 =	vgt.s32 v53, v54;
	v53 =	vld [tilespmem:$0x1FBB0]  }
0x27a: {  	v54 =	vld [tilespmem:$0x1FBC0]  }
0x27b: {  	[tilespmem:$0x560] =	vst v57;
	v57 =	vld [tilespmem:$0x1FA20]  }
0x27c: {  	v58 =	vld [tilespmem:$0x1FA30]  }
0x27d: {  	[tilespmem:$0x1FB20] =	vst v63;
	v63 =	vld [tilespmem:$0x2A0]  }
0x27e: {  	v32 =	vld [tilespmem:$0x1FA70]  }
0x27f: {  	v60 =	vld [tilespmem:$0x1FA50]  }
0x280: {  	[tilespmem:$0x570] =	vst v62;
	v62 =	vld [tilespmem:$0x1FA60]  }
0x281: {  	v35 =	vld [tilespmem:$0x1FAA0]  }
0x282: {  	[tilespmem:$0x1FB60] =	vst v63;
	v63 =	vld [tilespmem:$0xAB0]  }
0x283: {  	v33 =	vld [tilespmem:$0x1FA80]  }
0x284: {  	v34 =	vld [tilespmem:$0x1FA90]  }
0x285: {  	v38 =	vld [tilespmem:$0x1FAD0]  }
0x286: {  	v36 =	vld [tilespmem:$0x1FAB0]  }
0x287: {  	[tilespmem:$0x1FB40] =	vst v63;
	v63 =	vld [tilespmem:$0xEB0]  }
0x288: {  	v37 =	vld [tilespmem:$0x1FAC0]  }
0x289: {  	v41 =	vld [tilespmem:$0x1FB00]  }
0x28a: {  	v39 =	vld [tilespmem:$0x1FAE0]  }
0x28b: {  	v40 =	vld [tilespmem:$0x1FAF0]  }
0x28c: {  	[tilespmem:$0x1FB50] =	vst v63;
	v63 =	vld [tilespmem:$0x2B0]  }
0x28d: {  	[tilespmem:$0x630] =	vst v15;
	vm0 =	vmor vm0, vm12;
	v15 =	vnsel vm12, $0xF4240, v59;
	vm13 =	vgt.s32 v57, v58;
	v42 =	vld [tilespmem:$0x1FB10]  }
0x28e: {  	[tilespmem:$0x640] =	vst v15;
	vm0 =	vmor vm0, vm13;
	v15 =	vnsel vm13, $0xF4240, v32;
	v43 =	vld [tilespmem:$0x1FB20]  }
0x28f: {  	vm13 =	vgt.s32 v5, v1;
	[tilespmem:$0x650] =	vst v15;
	vm14 =	vgt.s32 v60, v62;
	v62 =	vnsel vm11, $0xF4240, v61;
	v45 =	vld [tilespmem:$0x1FB40]  }
0x290: {  	vm10 =	vgt.s32 v54, v56;
	v0 =	vnsel vm13, $0xF4240, v0;
	vm0 =	vmor vm0, vm14;
	[tilespmem:$0x6F0] =	vst v62;
	v47 =	vld [tilespmem:$0x1FB50]  }
0x291: {  	v62 =	vmov s25;
	v15 =	vnsel vm14, $0xF4240, v35;
	vm15 =	vgt.s32 v33, v34;
	[tilespmem:$0x1FB80] =	vst v63;
	v63 =	vld [tilespmem:$0xAC0]  }
0x292: {  	v59 =	vld [tilespmem:$0x1FBF0];
	[tilespmem:$0x710] =	vst v0;
	vm14 =	vgt.s32 v2, v4;
	vm0 =	vmor vm0, vm15;
	vm4 =	vgt.s32 v36, v37  }
0x293: {  	[tilespmem:$0x660] =	vst v15;
	v15 =	vnsel vm15, $0xF4240, v38;
	vm0 =	vmor vm0, vm4;
	vm5 =	vgt.s32 v39, v40;
	v44 =	vld [tilespmem:$0x1FB30]  }
0x294: {  	v54 =	vld [tilespmem:$0xFF0];
	[tilespmem:$0x1000] =	vst v62;
	vm15 =	vgt.s32 v6, v8;
	vm0 =	vmor vm0, vm5;
	vm6 =	vgt.s32 v42, v43  }
0x295: {  	[tilespmem:$0x670] =	vst v15;
	v15 =	vnsel vm4, $0xF4240, v41;
	v48 =	vld [tilespmem:$0x1FB60];
	vm0 =	vmor vm0, vm6;
	vm7 =	vgt.s32 v45, v47  }
0x296: {  	v57 =	vld [tilespmem:$0x1FBE0];
	v41 =	vnsel vm15, $0xF4240, v7;
	[tilespmem:$0x680] =	vst v15;
	vm0 =	vmor vm0, vm7;
	vm8 =	vgt.s32 v63, v49  }
0x297: {  	v58 =	vld [tilespmem:$0xFB0];
	[tilespmem:$0x730] =	vst v41;
	v39 =	vnsel vm14, $0xF4240, v3;
	vm0 =	vmor vm0, vm8  }
0x298: {  	vm4 =	vgt.s32 v10, v13;
	[tilespmem:$0x720] =	vst v39;
	v15 =	vnsel vm5, $0xF4240, v44;
	v50 =	vld [tilespmem:$0x1FB80];
	vm0 =	vmor vm0, vm9  }
0x299: {  	vm12 =	vgt.s32 v14, v11;
	v32 =	vld [tilespmem:$0xFA0];
	[tilespmem:$0x690] =	vst v15;
	v43 =	vnsel vm4, $0xF4240, v12;
	vm0 =	vmor vm0, vm10  }
0x29a: {  	v60 =	vld [tilespmem:$0x3B0];
	vm5 =	vgt.s32 v16, v17;
	[tilespmem:$0x740] =	vst v43;
	v15 =	vnsel vm6, $0xF4240, v48;
	vm0 =	vmor vm0, vm11  }
0x29b: {  	v33 =	vld [tilespmem:$0x3A0];
	vm6 =	vgt.s32 v19, v20;
	[tilespmem:$0x6A0] =	vst v15;
	v45 =	vnsel vm5, $0xF4240, v18;
	vm0 =	vmor vm0, vm12  }
0x29c: {  	v34 =	vld [tilespmem:$0xBB0];
	v47 =	vnsel vm6, $0xF4240, v21;
	[tilespmem:$0x750] =	vst v45;
	vm0 =	vmor vm0, vm13  }
0x29d: {  	v38 =	vld [tilespmem:$0x3C0];
	[tilespmem:$0x760] =	vst v47;
	v15 =	vnsel vm7, $0xF4240, v50;
	vm0 =	vmor vm0, vm14  }
0x29e: {  	v37 =	vld [tilespmem:$0xFC0];
	vm7 =	vgt.s32 v22, v23;
	[tilespmem:$0x6B0] =	vst v15;
	v15 =	vnsel vm8, $0xF4240, v53;
	vm0 =	vmor vm0, vm15  }
0x29f: {  	v40 =	vld [tilespmem:$0xBD0];
	v49 =	vnsel vm7, $0xF4240, v24;
	[tilespmem:$0x6C0] =	vst v15;
	vm0 =	vmor vm0, vm4  }
0x2a0: {  	v44 =	vld [tilespmem:$0x3D0];
	vm8 =	vgt.s32 v25, v26;
	v15 =	vnsel vm9, $0xF4240, v57;
	[tilespmem:$0x770] =	vst v49;
	vm0 =	vmor vm0, vm5  }
0x2a1: {  	v63 =	vld [tilespmem:$0xBC0];
	v51 =	vnsel vm8, $0xF4240, v27;
	[tilespmem:$0x6D0] =	vst v15;
	vm0 =	vmor vm0, vm6  }
0x2a2: {  	v42 =	vld [tilespmem:$0xFD0];
	vm9 =	vgt.s32 v28, v29;
	v15 =	vnsel vm10, $0xF4240, v59;
	[tilespmem:$0x780] =	vst v51;
	vm0 =	vmor vm0, vm7  }
0x2a3: {  	v48 =	vld [tilespmem:$0xFE0];
	v53 =	vnsel vm9, $0xF4240, v30;
	[tilespmem:$0x6E0] =	vst v15;
	vm0 =	vmor vm0, vm8  }
0x2a4: {  	v50 =	vld [tilespmem:$0x3E0];
	vm10 =	vgt.s32 v31, v32;
	v15 =	vnsel vm12, $0xF4240, v9;
	[tilespmem:$0x790] =	vst v53;
	vm0 =	vmor vm0, vm9  }
0x2a5: {  	v56 =	vld [tilespmem:$0x3F0];
	vm11 =	vgt.s32 v34, v58;
	v55 =	vnsel vm10, $0xF4240, v33;
	[tilespmem:$0x700] =	vst v15;
	vm0 =	vmor vm0, vm10  }
0x2a6: {  	vm12 =	vgt.s32 v63, v37;
	v57 =	vnsel vm11, $0xF4240, v60;
	[tilespmem:$0x7A0] =	vst v55;
	vm0 =	vmor vm0, vm11  }
0x2a7: {  	vm13 =	vgt.s32 v40, v42;
	[tilespmem:$0x7B0] =	vst v57;
	v58 =	vnsel vm12, $0xF4240, v38;
	vm0 =	vmor vm0, vm12  }
0x2a8: {  	vm14 =	vgt.s32 v46, v48;
	[tilespmem:$0x7C0] =	vst v58;
	v59 =	vnsel vm13, $0xF4240, v44;
	vm0 =	vmor vm0, vm13  }
0x2a9: {  	vm15 =	vgt.s32 v52, v54;
	[tilespmem:$0x7D0] =	vst v59;
	v60 =	vnsel vm14, $0xF4240, v50;
	vm0 =	vmor vm0, vm14  }
0x2aa: {  	v63 =	vimm.s32 $0x0;
	[tilespmem:$0x7E0] =	vst v60;
	v61 =	vnsel vm15, $0xF4240, v56;
	vm0 =	vmor vm0, vm15  }
0x2ab: {  	[tilespmem:$0x7F0] =	vst v61;
	v1 =	vsel vm0, $0x1, v63  }
0x2ac: {  	[tilespmem:$0x1100] =	vst v1  }
0x2ad: {  	[spmem:s2] =	stream.indirect.scatter.add.s32 [tilespmem:s23], [sflag:$0x1], $0x1, s22, s15, $0xb8;
	[tilespmem:$0x18828] =	vst v63  }
0x2ae: {  	_ =	swait.ge [sflag:s18], $0x80  }
0x2af: {  	[sflag:s18] =	ssyncset.done $0x0  }
0x2b0: {  	[sflag:s18] =	ssyncadd.s32 $0xFFFFFF80  }
.Ltmp5:
0x2b1: {  	[bflag:$0x0] =	sbarrier.arrive $0xFFFF;
	(pc) =	sbr.rel .LBB2_4-.Ltmp5, $4  }
0x2b2: {  	[tilespmem:s24], [sflag:$0x1] =	stream.indirect.gather [spmem:s2], $0x1, s22, s15, $0xb8;
	[tilespmem:$0x18828] =	vst v63  }
0x2b3: {  	_ =	swait.ge [sflag:s18], $0x80  }
0x2b4: {  	[sflag:s18] =	ssyncset.done $0x0  }
0x2b5: {  	[sflag:s18] =	ssyncadd.s32 $0xFFFFFF80  }
.LBB2_6:
0x2b6: {  	_ =	sfence.sel $0x180000  }
0x2b7: {  	[bflag:$0x0] =	sbarrier.arrive $0xFFFF  }
0x2b8: {  	_ =	strace $0x90000047  }
0x2b9: {  	s0 =	stileid.u32;
	[bflag:$0x2] =	sbarrier.arrive $0xFFFF  }
0x2ba: {  	p0 =	sne.s32 s0, $0x0;
	s0 =	rddreg [dreg:$0x4]  }
0x2bb: {  	s0 =	sadd.s32 @!p0 $0x100000, s0  }
0x2bc: {  	[sflag:s0] =	ssyncadd.tile.s32 @!p0 $0x1;
	_ =	shalt  }
.Lfunc_end2:
_tile_overlayer_lowered:
.L_overlay_start_2:
0x2bd: {  	(tag) =	ssettag $0x2  }
0x2be: {  	s0 =	rddreg [dreg:$0x0];
	s2 =	stileid.u32  }
0x2bf: {  	s1 =	rddreg [dreg:$0x1];
	p0 =	sne.s32 s2, $0x0  }
0x2c0: {  	s3 =	rddreg [dreg:$0x2];
	[bflag:$0x3] =	sbarrier.arrive $0xFFFF;
	s2 =	simm.s32 @!p0 $0x1C06  }
0x2c1: {  	[timem:s3], [sflag:s2] =	dma.local @!p0 [hbm:s0], s1  }
0x2c2: {  	s0 =	simm.s32 @!p0 $0x6  }
0x2c3: {  	_ =	swait.ge @!p0 [sflag:s0], s1  }
0x2c4: {  	s1 =	ssub.s32 @!p0 $0x0, s1;
	[sflag:s0] =	ssyncset.done @!p0 $0x0  }
0x2c5: {  	[sflag:s0] =	ssyncadd.s32 @!p0 s1  }
0x2c6: {  	[bflag:$0x3] =	sbarrier.arrive $0xFFFF  }
0x2c7: {  	_ =	shalt  }

</sc_bundles>
